<compile_context>
chip_gen: v7x
topology: tpu7x:2x2x1
jax: 0.10.2.dev20260603
libtpu: 0.0.44.dev20260713+nightly
codegen_flags: <defaults>
</compile_context>

<pallas_src>
import functools

import jax
import jax.numpy as jnp
from jax import lax
from jax.experimental import pallas as pl
from jax.experimental.pallas import tpu as pltpu
from jax.experimental.pallas import tpu_sc as plsc

_N = 16384
_HW = 384
_NPIX = _HW * _HW
_NW = 32
_PPW = _NPIX // _NW
_SENT = 1 << 20


def _prep_kernel(wh_ref, xs_ref, ys_ref, r_ref, g_ref, b_ref,
                 pix_ref, cr_ref, cg_ref, cb_ref):
    x = xs_ref[...]
    y = ys_ref[...]
    wf = wh_ref[0]
    hf = wh_ref[1]
    wi = wf.astype(jnp.int32)
    hi = hf.astype(jnp.int32)

    xmin = jnp.min(x)
    xmax = jnp.max(x)
    ymin = jnp.min(y)
    ymax = jnp.max(y)

    xn = (x - xmin) / (xmax - xmin + 1e-08)
    yn = (y - ymin) / (ymax - ymin + 1e-08)
    xi = (xn * wf).astype(jnp.int32)
    yi = (yn * hf).astype(jnp.int32)
    valid = (xi >= 0) & (xi < wi) & (yi >= 0) & (yi < hi)
    xc = jnp.clip(xi, 0, wi - 1)
    yc = jnp.clip(yi, 0, hi - 1)

    p = yc * _HW + xc
    pix_ref[...] = jnp.where(valid, p, _SENT)
    cr_ref[...] = jnp.clip(r_ref[...] + 0.5, 0.0, 1.0)
    cg_ref[...] = jnp.clip(g_ref[...] + 0.5, 0.0, 1.0)
    cb_ref[...] = jnp.clip(b_ref[...] + 0.5, 0.0, 1.0)


_SB = 4096
_SB_CHUNKS = _SB // 16
_CB = _SB + 16


def _sc_blend(pix_hbm, cr_hbm, cg_hbm, cb_hbm, a_hbm, d_hbm, bg_hbm,
              outc, outa, outd,
              pixv0, crv0, cgv0, cbv0, av0, dv0,
              pixv1, crv1, cgv1, cbv1, av1, dv1, bgv,
              cloc, cidx, tmp,
              fbr, fbg, fbb, fba, fbd,
              sem_pix0, sem_pay0, sem_pix1, sem_pay1, sem_out):
    wid = lax.axis_index("s") * 2 + lax.axis_index("c")
    lo = wid * _PPW

    bufs = [
        (pixv0, crv0, cgv0, cbv0, av0, dv0, sem_pix0, sem_pay0),
        (pixv1, crv1, cgv1, cbv1, av1, dv1, sem_pix1, sem_pay1),
    ]
    hbm_in = (cr_hbm, cg_hbm, cb_hbm, a_hbm, d_hbm)

    def fire(sb, parity):
        off = sb * _SB
        pv, cr, cg, cb, av_, dv_, s_pix, s_pay = bufs[parity]
        hp = pltpu.async_copy(pix_hbm.at[pl.ds(off, _SB)], pv, s_pix)
        hs = [pltpu.async_copy(src.at[pl.ds(off, _SB)], dst, s_pay)
              for src, dst in zip(hbm_in, (cr, cg, cb, av_, dv_))]
        return hp, hs

    handles = fire(0, 0)

    pltpu.sync_copy(bg_hbm, bgv)
    bgvec = bgv[...]
    bg_r = bgvec[0]
    bg_g = bgvec[1]
    bg_b = bgvec[2]

    def init_body(j, c):
        o = j * 16
        fbr[pl.ds(o, 16)] = jnp.full((16,), bg_r, jnp.float32)
        fbg[pl.ds(o, 16)] = jnp.full((16,), bg_g, jnp.float32)
        fbb[pl.ds(o, 16)] = jnp.full((16,), bg_b, jnp.float32)
        fba[pl.ds(o, 16)] = jnp.zeros((16,), jnp.float32)
        fbd[pl.ds(o, 16)] = jnp.zeros((16,), jnp.float32)
        return c

    lax.fori_loop(0, _PPW // 16, init_body, 0, unroll=4)

    lanes = lax.iota(jnp.int32, 16)

    for sb in range(_N // _SB):
        parity = sb % 2
        pixv, crv, cgv, cbv, av, dv = bufs[parity][:6]
        hp, hs = handles
        if sb + 1 < _N // _SB:
            handles = fire(sb + 1, 1 - parity)

        hp.wait()

        def scan_body(k, cnt):
            base = k * 16
            pv = pixv[pl.ds(base, 16)]
            d0 = pv - lo
            owned = plsc.bitcast(d0, jnp.uint32) < jnp.uint32(_PPW)
            plsc.store_compressed(cloc.at[pl.ds(cnt, 16)], d0, mask=owned)
            plsc.store_compressed(cidx.at[pl.ds(cnt, 16)], base + lanes,
                                  mask=owned)
            return cnt + plsc.all_reduce_population_count(owned)[0]

        cnt = lax.fori_loop(0, _SB_CHUNKS, scan_body, 0, unroll=8)

        for h in hs:
            h.wait()

        def blend_body(t, c):
            base = t * 16
            m = (base + lanes) < cnt
            local = jnp.clip(cloc[pl.ds(base, 16)], 0, _PPW - 1)
            gi = jnp.clip(cidx[pl.ds(base, 16)], 0, _SB - 1)
            r = plsc.load_gather(crv, [gi], mask=m)
            g = plsc.load_gather(cgv, [gi], mask=m)
            b = plsc.load_gather(cbv, [gi], mask=m)
            a = plsc.load_gather(av, [gi], mask=m)
            d = plsc.load_gather(dv, [gi], mask=m)
            one_m_a = 1.0 - a

            def blend_masked(mj):
                cur = plsc.load_gather(fbr, [local], mask=mj)
                plsc.store_scatter(fbr, [local], a * r + one_m_a * cur,
                                   mask=mj)
                cur = plsc.load_gather(fbg, [local], mask=mj)
                plsc.store_scatter(fbg, [local], a * g + one_m_a * cur,
                                   mask=mj)
                cur = plsc.load_gather(fbb, [local], mask=mj)
                plsc.store_scatter(fbb, [local], a * b + one_m_a * cur,
                                   mask=mj)
                cur = plsc.load_gather(fba, [local], mask=mj)
                plsc.store_scatter(fba, [local], a + one_m_a * cur,
                                   mask=mj)
                plsc.store_scatter(fbd, [local], d, mask=mj)

            plsc.store_scatter(tmp, [local], lanes, mask=m)
            back = plsc.load_gather(tmp, [local], mask=m)
            ndup = plsc.all_reduce_population_count((back != lanes) & m)[0]

            @pl.when(ndup == 0)
            def _():
                blend_masked(m)

            @pl.when(ndup > 0)
            def _():
                def lane_body(j, cc):
                    mj = m & (lanes == j)
                    n_j = plsc.all_reduce_population_count(mj)[0]

                    @pl.when(n_j > 0)
                    def _():
                        blend_masked(mj)

                    return cc

                lax.fori_loop(0, 16, lane_body, 0)

            return c

        lax.fori_loop(0, (cnt + 15) // 16, blend_body, 0)

    hw = [
        pltpu.async_copy(fbr, outc.at[pl.ds(lo, _PPW)], sem_out),
        pltpu.async_copy(fbg, outc.at[pl.ds(_NPIX + lo, _PPW)], sem_out),
        pltpu.async_copy(fbb, outc.at[pl.ds(2 * _NPIX + lo, _PPW)], sem_out),
        pltpu.async_copy(fba, outa.at[pl.ds(lo, _PPW)], sem_out),
        pltpu.async_copy(fbd, outd.at[pl.ds(lo, _PPW)], sem_out),
    ]
    for h in hw:
        h.wait()


def kernel(xyz, features, opacity, image_height, image_width, bg_color):
    wh = jnp.stack([image_width, image_height]).astype(jnp.float32)
    xs = xyz[:, 0].reshape(128, 128)
    ys = xyz[:, 1].reshape(128, 128)
    r0 = features[:, 0, 0].reshape(128, 128)
    g0 = features[:, 0, 1].reshape(128, 128)
    b0 = features[:, 0, 2].reshape(128, 128)

    pix, cr, cg, cb = pl.pallas_call(
        _prep_kernel,
        in_specs=[pl.BlockSpec(memory_space=pltpu.SMEM)]
        + [pl.BlockSpec((128, 128), lambda: (0, 0))] * 5,
        out_shape=[
            jax.ShapeDtypeStruct((128, 128), jnp.int32),
            jax.ShapeDtypeStruct((128, 128), jnp.float32),
            jax.ShapeDtypeStruct((128, 128), jnp.float32),
            jax.ShapeDtypeStruct((128, 128), jnp.float32),
        ],
    )(wh, xs, ys, r0, g0, b0)

    bg16 = jnp.concatenate([bg_color, jnp.zeros((13,), jnp.float32)])

    blend = functools.partial(
        pl.kernel,
        out_type=[
            jax.ShapeDtypeStruct((3 * _NPIX,), jnp.float32),
            jax.ShapeDtypeStruct((_NPIX,), jnp.float32),
            jax.ShapeDtypeStruct((_NPIX,), jnp.float32),
        ],
        mesh=plsc.VectorSubcoreMesh(core_axis_name="c", subcore_axis_name="s",
                                    num_cores=2, num_subcores=16),
        compiler_params=pltpu.CompilerParams(needs_layout_passes=False),
        scratch_types=(
            [pltpu.VMEM((_SB,), jnp.int32)]
            + [pltpu.VMEM((_SB,), jnp.float32)] * 5
            + [pltpu.VMEM((_SB,), jnp.int32)]
            + [pltpu.VMEM((_SB,), jnp.float32)] * 5
            + [pltpu.VMEM((16,), jnp.float32)]
            + [pltpu.VMEM((_CB,), jnp.int32)] * 2
            + [pltpu.VMEM((_PPW,), jnp.int32)]
            + [pltpu.VMEM((_PPW,), jnp.float32)] * 5
            + [pltpu.SemaphoreType.DMA] * 5
        ),
    )(_sc_blend)

    outc, outa, outd = blend(
        pix.reshape(_N), cr.reshape(_N), cg.reshape(_N), cb.reshape(_N),
        opacity[:, 0], xyz[:, 2], bg16)

    color_img = outc.reshape(3, _HW, _HW)
    depth_img = outd.reshape(1, _HW, _HW)
    alpha_img = outa.reshape(1, _HW, _HW)
    return color_img, depth_img, alpha_img

# --- scband reference (transcript-rebuilt; emitter-appended) ---
"""Pipeline reference for scband-gaussian-renderer-11218454577223 (READ-ONLY COPY).

The authoritative reference and input builder live on the scoring server;
editing this copy changes nothing except your own understanding.
"""

import jax, jax.numpy as jnp
import numpy as np


def setup_inputs(seed: int = 0):
    key = jax.random.key(seed)
    k1, k2, k3, k4 = jax.random.split(key, 4)
    N = 16384
    return {
        "xyz": jax.random.normal(k1, (N, 3), dtype=jnp.float32),
        "features": jax.random.normal(k2, (N, 1, 3), dtype=jnp.float32),
        "opacity": jax.random.uniform(k3, (N, 1), dtype=jnp.float32),
        "image_height": 384,
        "image_width": 384,
        "bg_color": jax.random.uniform(k4, (3,), dtype=jnp.float32),
    }


def _render(xyz, features, opacity, H, W, bg_color):
    H_static, W_static = 384, 384
    xy = xyz[:, :2]
    xy_min = jnp.min(xy, axis=0)
    xy_max = jnp.max(xy, axis=0)
    xy_norm = (xy - xy_min) / (xy_max - xy_min + 1e-08)
    pixel_coords = xy_norm * jnp.stack([W, H]).astype(xy.dtype)
    x_int = pixel_coords[:, 0].astype(jnp.int32)
    y_int = pixel_coords[:, 1].astype(jnp.int32)
    valid = (x_int >= 0) & (x_int < W) & (y_int >= 0) & (y_int < H)
    x_c = jnp.clip(x_int, 0, W - 1).astype(jnp.int32)
    y_c = jnp.clip(y_int, 0, H - 1).astype(jnp.int32)
    color = jnp.clip(features[:, 0, :] + 0.5, 0.0, 1.0)
    alpha = opacity[:, 0]
    depth = xyz[:, 2]
    color_img0 = jnp.zeros((3, H_static, W_static), dtype=jnp.float32) + bg_color.reshape(3, 1, 1)
    alpha_img0 = jnp.zeros((1, H_static, W_static), dtype=jnp.float32)
    depth_img0 = jnp.zeros((1, H_static, W_static), dtype=jnp.float32)

    def body(carry, inp):
        cimg, aimg, dimg = carry
        x, y, v, c, a, d = inp
        cur_c = cimg[:, y, x]
        new_c = a * c + (1.0 - a) * cur_c
        cur_a = aimg[0, y, x]
        new_a = a + (1.0 - a) * cur_a
        cur_d = dimg[0, y, x]
        cimg = cimg.at[:, y, x].set(jnp.where(v, new_c, cur_c))
        aimg = aimg.at[0, y, x].set(jnp.where(v, new_a, cur_a))
        dimg = dimg.at[0, y, x].set(jnp.where(v, d, cur_d))
        return (cimg, aimg, dimg), None

    (color_img, alpha_img, depth_img), _ = jax.lax.scan(
        body,
        (color_img0, alpha_img0, depth_img0),
        (x_c, y_c, valid, color, alpha, depth),
    )
    return color_img, depth_img, alpha_img


def reference(xyz, features, opacity, image_height, image_width, bg_color):
    return _render(xyz, features, opacity, image_height, image_width, bg_color)

if __name__ == "__main__":
    import jax
    _d = setup_inputs()
    print(jax.jit(kernel)(*tuple(_d.values())))

</pallas_src>

<mosaic_0001>
#map = affine_map<(d0, d1) -> (0)>
module attributes {stable_mosaic.version = 14 : i64} {
  func.func @_sc_blend(%arg0: i32, %arg1: i32, %arg2: memref<16384xi32, #tpu.memory_space<hbm>>, %arg3: memref<16384xf32, #tpu.memory_space<hbm>>, %arg4: memref<16384xf32, #tpu.memory_space<hbm>>, %arg5: memref<16384xf32, #tpu.memory_space<hbm>>, %arg6: memref<16384xf32, #tpu.memory_space<hbm>>, %arg7: memref<16384xf32, #tpu.memory_space<hbm>>, %arg8: memref<16xf32, #tpu.memory_space<hbm>>, %arg9: memref<442368xf32, #tpu.memory_space<hbm>>, %arg10: memref<147456xf32, #tpu.memory_space<hbm>>, %arg11: memref<147456xf32, #tpu.memory_space<hbm>>, %arg12: memref<4096xi32, #tpu.memory_space<vmem>>, %arg13: memref<4096xf32, #tpu.memory_space<vmem>>, %arg14: memref<4096xf32, #tpu.memory_space<vmem>>, %arg15: memref<4096xf32, #tpu.memory_space<vmem>>, %arg16: memref<4096xf32, #tpu.memory_space<vmem>>, %arg17: memref<4096xf32, #tpu.memory_space<vmem>>, %arg18: memref<4096xi32, #tpu.memory_space<vmem>>, %arg19: memref<4096xf32, #tpu.memory_space<vmem>>, %arg20: memref<4096xf32, #tpu.memory_space<vmem>>, %arg21: memref<4096xf32, #tpu.memory_space<vmem>>, %arg22: memref<4096xf32, #tpu.memory_space<vmem>>, %arg23: memref<4096xf32, #tpu.memory_space<vmem>>, %arg24: memref<16xf32, #tpu.memory_space<vmem>>, %arg25: memref<4112xi32, #tpu.memory_space<vmem>>, %arg26: memref<4112xi32, #tpu.memory_space<vmem>>, %arg27: memref<4608xi32, #tpu.memory_space<vmem>>, %arg28: memref<4608xf32, #tpu.memory_space<vmem>>, %arg29: memref<4608xf32, #tpu.memory_space<vmem>>, %arg30: memref<4608xf32, #tpu.memory_space<vmem>>, %arg31: memref<4608xf32, #tpu.memory_space<vmem>>, %arg32: memref<4608xf32, #tpu.memory_space<vmem>>, %arg33: memref<!tpu.dma_semaphore, #tpu.memory_space<semaphore_mem>>, %arg34: memref<!tpu.dma_semaphore, #tpu.memory_space<semaphore_mem>>, %arg35: memref<!tpu.dma_semaphore, #tpu.memory_space<semaphore_mem>>, %arg36: memref<!tpu.dma_semaphore, #tpu.memory_space<semaphore_mem>>, %arg37: memref<!tpu.dma_semaphore, #tpu.memory_space<semaphore_mem>>) attributes {dimension_semantics = [#tpu.dimension_semantics<core_parallel>, #tpu.dimension_semantics<subcore_parallel>], iteration_bounds = array<i64: 2, 16>, scalar_prefetch = 0 : i64, scratch_operands = 26 : i64, tpu.core_type = #tpu.core_type<sc_vector_subcore>, window_params = [{transform_indices = #map}, {transform_indices = #map}, {transform_indices = #map}, {transform_indices = #map}, {transform_indices = #map}, {transform_indices = #map}, {transform_indices = #map}, {transform_indices = #map}, {transform_indices = #map}, {transform_indices = #map}]} {
    %mul3A = arith.constant 2 : i32
    %mul3A_0 = arith.muli %arg1, %mul3A : i32
    %add3A = arith.addi %mul3A_0, %arg0 : i32
    %mul3A_1 = arith.constant 4608 : i32
    %mul3A_2 = arith.muli %add3A, %mul3A_1 : i32
    %dma_start3A = arith.constant 0 : i32
    %dma_start3A_3 = tpu.memref_slice %arg2[%dma_start3A] : memref<16384xi32, #tpu.memory_space<hbm>> -> memref<4096xi32, #tpu.memory_space<hbm>>
    %dma_start3A_4 = arith.constant 0 : i32
    %dma_start3A_5 = tpu.memref_slice %arg2[%dma_start3A_4] : memref<16384xi32, #tpu.memory_space<hbm>> -> memref<4096xi32, #tpu.memory_space<hbm>>
    tpu.enqueue_dma source(%dma_start3A_5 : memref<4096xi32, #tpu.memory_space<hbm>>) target(%arg12 : memref<4096xi32, #tpu.memory_space<vmem>>) target_semaphore(%arg33 : memref<!tpu.dma_semaphore, #tpu.memory_space<semaphore_mem>>)
    %dma_start3A_6 = arith.constant 0 : i32
    %dma_start3A_7 = tpu.memref_slice %arg3[%dma_start3A_6] : memref<16384xf32, #tpu.memory_space<hbm>> -> memref<4096xf32, #tpu.memory_space<hbm>>
    %dma_start3A_8 = arith.constant 0 : i32
    %dma_start3A_9 = tpu.memref_slice %arg3[%dma_start3A_8] : memref<16384xf32, #tpu.memory_space<hbm>> -> memref<4096xf32, #tpu.memory_space<hbm>>
    tpu.enqueue_dma source(%dma_start3A_9 : memref<4096xf32, #tpu.memory_space<hbm>>) target(%arg13 : memref<4096xf32, #tpu.memory_space<vmem>>) target_semaphore(%arg34 : memref<!tpu.dma_semaphore, #tpu.memory_space<semaphore_mem>>)
    %dma_start3A_10 = arith.constant 0 : i32
    %dma_start3A_11 = tpu.memref_slice %arg4[%dma_start3A_10] : memref<16384xf32, #tpu.memory_space<hbm>> -> memref<4096xf32, #tpu.memory_space<hbm>>
    %dma_start3A_12 = arith.constant 0 : i32
    %dma_start3A_13 = tpu.memref_slice %arg4[%dma_start3A_12] : memref<16384xf32, #tpu.memory_space<hbm>> -> memref<4096xf32, #tpu.memory_space<hbm>>
    tpu.enqueue_dma source(%dma_start3A_13 : memref<4096xf32, #tpu.memory_space<hbm>>) target(%arg14 : memref<4096xf32, #tpu.memory_space<vmem>>) target_semaphore(%arg34 : memref<!tpu.dma_semaphore, #tpu.memory_space<semaphore_mem>>)
    %dma_start3A_14 = arith.constant 0 : i32
    %dma_start3A_15 = tpu.memref_slice %arg5[%dma_start3A_14] : memref<16384xf32, #tpu.memory_space<hbm>> -> memref<4096xf32, #tpu.memory_space<hbm>>
    %dma_start3A_16 = arith.constant 0 : i32
    %dma_start3A_17 = tpu.memref_slice %arg5[%dma_start3A_16] : memref<16384xf32, #tpu.memory_space<hbm>> -> memref<4096xf32, #tpu.memory_space<hbm>>
    tpu.enqueue_dma source(%dma_start3A_17 : memref<4096xf32, #tpu.memory_space<hbm>>) target(%arg15 : memref<4096xf32, #tpu.memory_space<vmem>>) target_semaphore(%arg34 : memref<!tpu.dma_semaphore, #tpu.memory_space<semaphore_mem>>)
    %dma_start3A_18 = arith.constant 0 : i32
    %dma_start3A_19 = tpu.memref_slice %arg6[%dma_start3A_18] : memref<16384xf32, #tpu.memory_space<hbm>> -> memref<4096xf32, #tpu.memory_space<hbm>>
    %dma_start3A_20 = arith.constant 0 : i32
    %dma_start3A_21 = tpu.memref_slice %arg6[%dma_start3A_20] : memref<16384xf32, #tpu.memory_space<hbm>> -> memref<4096xf32, #tpu.memory_space<hbm>>
    tpu.enqueue_dma source(%dma_start3A_21 : memref<4096xf32, #tpu.memory_space<hbm>>) target(%arg16 : memref<4096xf32, #tpu.memory_space<vmem>>) target_semaphore(%arg34 : memref<!tpu.dma_semaphore, #tpu.memory_space<semaphore_mem>>)
    %dma_start3A_22 = arith.constant 0 : i32
    %dma_start3A_23 = tpu.memref_slice %arg7[%dma_start3A_22] : memref<16384xf32, #tpu.memory_space<hbm>> -> memref<4096xf32, #tpu.memory_space<hbm>>
    %dma_start3A_24 = arith.constant 0 : i32
    %dma_start3A_25 = tpu.memref_slice %arg7[%dma_start3A_24] : memref<16384xf32, #tpu.memory_space<hbm>> -> memref<4096xf32, #tpu.memory_space<hbm>>
    tpu.enqueue_dma source(%dma_start3A_25 : memref<4096xf32, #tpu.memory_space<hbm>>) target(%arg17 : memref<4096xf32, #tpu.memory_space<vmem>>) target_semaphore(%arg34 : memref<!tpu.dma_semaphore, #tpu.memory_space<semaphore_mem>>)
    "tpu.region"() ({
      %run_scoped3A = tpu.sem_alloc : memref<!tpu.dma_semaphore, #tpu.memory_space<semaphore_mem>>
      tpu.enqueue_dma source(%arg8 : memref<16xf32, #tpu.memory_space<hbm>>) target(%arg24 : memref<16xf32, #tpu.memory_space<vmem>>) target_semaphore(%run_scoped3A : memref<!tpu.dma_semaphore, #tpu.memory_space<semaphore_mem>>)
      tpu.wait_dma2 semaphore(%run_scoped3A : memref<!tpu.dma_semaphore, #tpu.memory_space<semaphore_mem>>) src(%arg8 : memref<16xf32, #tpu.memory_space<hbm>>) dst(%arg24 : memref<16xf32, #tpu.memory_space<vmem>>)
      tpu.yield
    }) : () -> ()
    %get3A = arith.constant 0 : index
    %get3A_26 = tpu.vector_load %arg24[%get3A] {strides = array<i32>} : memref<16xf32, #tpu.memory_space<vmem>>, vector<16xf32>,
    %slice3A = vector.extract_strided_slice %get3A_26 {offsets = [0], sizes = [1], strides = [1]} : vector<16xf32> to vector<1xf32>
    %squeeze3A = vector.extract %slice3A[0] : f32 from vector<1xf32>
    %slice3A_27 = vector.extract_strided_slice %get3A_26 {offsets = [1], sizes = [1], strides = [1]} : vector<16xf32> to vector<1xf32>
    %squeeze3A_28 = vector.extract %slice3A_27[0] : f32 from vector<1xf32>
    %slice3A_29 = vector.extract_strided_slice %get3A_26 {offsets = [2], sizes = [1], strides = [1]} : vector<16xf32> to vector<1xf32>
    %squeeze3A_30 = vector.extract %slice3A_29[0] : f32 from vector<1xf32>
    %scan3A = arith.constant 0 : i32
    %scan3A_31 = arith.constant 0 : i32
    %scan3A_32 = arith.constant 288 : i32
    %scan3A_33 = arith.addi %scan3A_31, %scan3A_32 : i32
    %scan3A_34 = arith.constant 4 : i32
    scf.for %scan3A_390 = %scan3A_31 to %scan3A_33 step %scan3A_34  : i32 {
      %mul3A_391 = arith.constant 16 : i32
      %mul3A_392 = arith.muli %scan3A_390, %mul3A_391 : i32
      %broadcast_in_dim3A = vector.broadcast %squeeze3A : f32 to vector<16xf32>
      %swap3A = arith.index_cast %mul3A_392 : i32 to index
      %swap3A_393 = tpu.vector_load %arg28[%swap3A] {strides = array<i32>} : memref<4608xf32, #tpu.memory_space<vmem>>, vector<16xf32>,
      tpu.vector_store %arg28[%swap3A], %broadcast_in_dim3A {strides = array<i32>} : memref<4608xf32, #tpu.memory_space<vmem>>, vector<16xf32>,
      %broadcast_in_dim3A_394 = vector.broadcast %squeeze3A_28 : f32 to vector<16xf32>
      %swap3A_395 = arith.index_cast %mul3A_392 : i32 to index
      %swap3A_396 = tpu.vector_load %arg29[%swap3A_395] {strides = array<i32>} : memref<4608xf32, #tpu.memory_space<vmem>>, vector<16xf32>,
      tpu.vector_store %arg29[%swap3A_395], %broadcast_in_dim3A_394 {strides = array<i32>} : memref<4608xf32, #tpu.memory_space<vmem>>, vector<16xf32>,
      %broadcast_in_dim3A_397 = vector.broadcast %squeeze3A_30 : f32 to vector<16xf32>
      %swap3A_398 = arith.index_cast %mul3A_392 : i32 to index
      %swap3A_399 = tpu.vector_load %arg30[%swap3A_398] {strides = array<i32>} : memref<4608xf32, #tpu.memory_space<vmem>>, vector<16xf32>,
      tpu.vector_store %arg30[%swap3A_398], %broadcast_in_dim3A_397 {strides = array<i32>} : memref<4608xf32, #tpu.memory_space<vmem>>, vector<16xf32>,
      %broadcast_in_dim3A_400 = arith.constant 0.000000e+00 : f32
      %broadcast_in_dim3A_401 = vector.broadcast %broadcast_in_dim3A_400 : f32 to vector<16xf32>
      %swap3A_402 = arith.index_cast %mul3A_392 : i32 to index
      %swap3A_403 = tpu.vector_load %arg31[%swap3A_402] {strides = array<i32>} : memref<4608xf32, #tpu.memory_space<vmem>>, vector<16xf32>,
      tpu.vector_store %arg31[%swap3A_402], %broadcast_in_dim3A_401 {strides = array<i32>} : memref<4608xf32, #tpu.memory_space<vmem>>, vector<16xf32>,
      %broadcast_in_dim3A_404 = arith.constant 0.000000e+00 : f32
      %broadcast_in_dim3A_405 = vector.broadcast %broadcast_in_dim3A_404 : f32 to vector<16xf32>
      %swap3A_406 = arith.index_cast %mul3A_392 : i32 to index
      %swap3A_407 = tpu.vector_load %arg32[%swap3A_406] {strides = array<i32>} : memref<4608xf32, #tpu.memory_space<vmem>>, vector<16xf32>,
      tpu.vector_store %arg32[%swap3A_406], %broadcast_in_dim3A_405 {strides = array<i32>} : memref<4608xf32, #tpu.memory_space<vmem>>, vector<16xf32>,
      %scan3A_408 = arith.constant 1 : i32
      %scan3A_409 = arith.addi %scan3A_390, %scan3A_408 : i32
      %mul3A_410 = arith.constant 16 : i32
      %mul3A_411 = arith.muli %scan3A_409, %mul3A_410 : i32
      %broadcast_in_dim3A_412 = vector.broadcast %squeeze3A : f32 to vector<16xf32>
      %swap3A_413 = arith.index_cast %mul3A_411 : i32 to index
      %swap3A_414 = tpu.vector_load %arg28[%swap3A_413] {strides = array<i32>} : memref<4608xf32, #tpu.memory_space<vmem>>, vector<16xf32>,
      tpu.vector_store %arg28[%swap3A_413], %broadcast_in_dim3A_412 {strides = array<i32>} : memref<4608xf32, #tpu.memory_space<vmem>>, vector<16xf32>,
      %broadcast_in_dim3A_415 = vector.broadcast %squeeze3A_28 : f32 to vector<16xf32>
      %swap3A_416 = arith.index_cast %mul3A_411 : i32 to index
      %swap3A_417 = tpu.vector_load %arg29[%swap3A_416] {strides = array<i32>} : memref<4608xf32, #tpu.memory_space<vmem>>, vector<16xf32>,
      tpu.vector_store %arg29[%swap3A_416], %broadcast_in_dim3A_415 {strides = array<i32>} : memref<4608xf32, #tpu.memory_space<vmem>>, vector<16xf32>,
      %broadcast_in_dim3A_418 = vector.broadcast %squeeze3A_30 : f32 to vector<16xf32>
      %swap3A_419 = arith.index_cast %mul3A_411 : i32 to index
      %swap3A_420 = tpu.vector_load %arg30[%swap3A_419] {strides = array<i32>} : memref<4608xf32, #tpu.memory_space<vmem>>, vector<16xf32>,
      tpu.vector_store %arg30[%swap3A_419], %broadcast_in_dim3A_418 {strides = array<i32>} : memref<4608xf32, #tpu.memory_space<vmem>>, vector<16xf32>,
      %broadcast_in_dim3A_421 = arith.constant 0.000000e+00 : f32
      %broadcast_in_dim3A_422 = vector.broadcast %broadcast_in_dim3A_421 : f32 to vector<16xf32>
      %swap3A_423 = arith.index_cast %mul3A_411 : i32 to index
      %swap3A_424 = tpu.vector_load %arg31[%swap3A_423] {strides = array<i32>} : memref<4608xf32, #tpu.memory_space<vmem>>, vector<16xf32>,
      tpu.vector_store %arg31[%swap3A_423], %broadcast_in_dim3A_422 {strides = array<i32>} : memref<4608xf32, #tpu.memory_space<vmem>>, vector<16xf32>,
      %broadcast_in_dim3A_425 = arith.constant 0.000000e+00 : f32
      %broadcast_in_dim3A_426 = vector.broadcast %broadcast_in_dim3A_425 : f32 to vector<16xf32>
      %swap3A_427 = arith.index_cast %mul3A_411 : i32 to index
      %swap3A_428 = tpu.vector_load %arg32[%swap3A_427] {strides = array<i32>} : memref<4608xf32, #tpu.memory_space<vmem>>, vector<16xf32>,
      tpu.vector_store %arg32[%swap3A_427], %broadcast_in_dim3A_426 {strides = array<i32>} : memref<4608xf32, #tpu.memory_space<vmem>>, vector<16xf32>,
      %scan3A_429 = arith.constant 2 : i32
      %scan3A_430 = arith.addi %scan3A_390, %scan3A_429 : i32
      %mul3A_431 = arith.constant 16 : i32
      %mul3A_432 = arith.muli %scan3A_430, %mul3A_431 : i32
      %broadcast_in_dim3A_433 = vector.broadcast %squeeze3A : f32 to vector<16xf32>
      %swap3A_434 = arith.index_cast %mul3A_432 : i32 to index
      %swap3A_435 = tpu.vector_load %arg28[%swap3A_434] {strides = array<i32>} : memref<4608xf32, #tpu.memory_space<vmem>>, vector<16xf32>,
      tpu.vector_store %arg28[%swap3A_434], %broadcast_in_dim3A_433 {strides = array<i32>} : memref<4608xf32, #tpu.memory_space<vmem>>, vector<16xf32>,
      %broadcast_in_dim3A_436 = vector.broadcast %squeeze3A_28 : f32 to vector<16xf32>
      %swap3A_437 = arith.index_cast %mul3A_432 : i32 to index
      %swap3A_438 = tpu.vector_load %arg29[%swap3A_437] {strides = array<i32>} : memref<4608xf32, #tpu.memory_space<vmem>>, vector<16xf32>,
      tpu.vector_store %arg29[%swap3A_437], %broadcast_in_dim3A_436 {strides = array<i32>} : memref<4608xf32, #tpu.memory_space<vmem>>, vector<16xf32>,
      %broadcast_in_dim3A_439 = vector.broadcast %squeeze3A_30 : f32 to vector<16xf32>
      %swap3A_440 = arith.index_cast %mul3A_432 : i32 to index
      %swap3A_441 = tpu.vector_load %arg30[%swap3A_440] {strides = array<i32>} : memref<4608xf32, #tpu.memory_space<vmem>>, vector<16xf32>,
      tpu.vector_store %arg30[%swap3A_440], %broadcast_in_dim3A_439 {strides = array<i32>} : memref<4608xf32, #tpu.memory_space<vmem>>, vector<16xf32>,
      %broadcast_in_dim3A_442 = arith.constant 0.000000e+00 : f32
      %broadcast_in_dim3A_443 = vector.broadcast %broadcast_in_dim3A_442 : f32 to vector<16xf32>
      %swap3A_444 = arith.index_cast %mul3A_432 : i32 to index
      %swap3A_445 = tpu.vector_load %arg31[%swap3A_444] {strides = array<i32>} : memref<4608xf32, #tpu.memory_space<vmem>>, vector<16xf32>,
      tpu.vector_store %arg31[%swap3A_444], %broadcast_in_dim3A_443 {strides = array<i32>} : memref<4608xf32, #tpu.memory_space<vmem>>, vector<16xf32>,
      %broadcast_in_dim3A_446 = arith.constant 0.000000e+00 : f32
      %broadcast_in_dim3A_447 = vector.broadcast %broadcast_in_dim3A_446 : f32 to vector<16xf32>
      %swap3A_448 = arith.index_cast %mul3A_432 : i32 to index
      %swap3A_449 = tpu.vector_load %arg32[%swap3A_448] {strides = array<i32>} : memref<4608xf32, #tpu.memory_space<vmem>>, vector<16xf32>,
      tpu.vector_store %arg32[%swap3A_448], %broadcast_in_dim3A_447 {strides = array<i32>} : memref<4608xf32, #tpu.memory_space<vmem>>, vector<16xf32>,
      %scan3A_450 = arith.constant 3 : i32
      %scan3A_451 = arith.addi %scan3A_390, %scan3A_450 : i32
      %mul3A_452 = arith.constant 16 : i32
      %mul3A_453 = arith.muli %scan3A_451, %mul3A_452 : i32
      %broadcast_in_dim3A_454 = vector.broadcast %squeeze3A : f32 to vector<16xf32>
      %swap3A_455 = arith.index_cast %mul3A_453 : i32 to index
      %swap3A_456 = tpu.vector_load %arg28[%swap3A_455] {strides = array<i32>} : memref<4608xf32, #tpu.memory_space<vmem>>, vector<16xf32>,
      tpu.vector_store %arg28[%swap3A_455], %broadcast_in_dim3A_454 {strides = array<i32>} : memref<4608xf32, #tpu.memory_space<vmem>>, vector<16xf32>,
      %broadcast_in_dim3A_457 = vector.broadcast %squeeze3A_28 : f32 to vector<16xf32>
      %swap3A_458 = arith.index_cast %mul3A_453 : i32 to index
      %swap3A_459 = tpu.vector_load %arg29[%swap3A_458] {strides = array<i32>} : memref<4608xf32, #tpu.memory_space<vmem>>, vector<16xf32>,
      tpu.vector_store %arg29[%swap3A_458], %broadcast_in_dim3A_457 {strides = array<i32>} : memref<4608xf32, #tpu.memory_space<vmem>>, vector<16xf32>,
      %broadcast_in_dim3A_460 = vector.broadcast %squeeze3A_30 : f32 to vector<16xf32>
      %swap3A_461 = arith.index_cast %mul3A_453 : i32 to index
      %swap3A_462 = tpu.vector_load %arg30[%swap3A_461] {strides = array<i32>} : memref<4608xf32, #tpu.memory_space<vmem>>, vector<16xf32>,
      tpu.vector_store %arg30[%swap3A_461], %broadcast_in_dim3A_460 {strides = array<i32>} : memref<4608xf32, #tpu.memory_space<vmem>>, vector<16xf32>,
      %broadcast_in_dim3A_463 = arith.constant 0.000000e+00 : f32
      %broadcast_in_dim3A_464 = vector.broadcast %broadcast_in_dim3A_463 : f32 to vector<16xf32>
      %swap3A_465 = arith.index_cast %mul3A_453 : i32 to index
      %swap3A_466 = tpu.vector_load %arg31[%swap3A_465] {strides = array<i32>} : memref<4608xf32, #tpu.memory_space<vmem>>, vector<16xf32>,
      tpu.vector_store %arg31[%swap3A_465], %broadcast_in_dim3A_464 {strides = array<i32>} : memref<4608xf32, #tpu.memory_space<vmem>>, vector<16xf32>,
      %broadcast_in_dim3A_467 = arith.constant 0.000000e+00 : f32
      %broadcast_in_dim3A_468 = vector.broadcast %broadcast_in_dim3A_467 : f32 to vector<16xf32>
      %swap3A_469 = arith.index_cast %mul3A_453 : i32 to index
      %swap3A_470 = tpu.vector_load %arg32[%swap3A_469] {strides = array<i32>} : memref<4608xf32, #tpu.memory_space<vmem>>, vector<16xf32>,
      tpu.vector_store %arg32[%swap3A_469], %broadcast_in_dim3A_468 {strides = array<i32>} : memref<4608xf32, #tpu.memory_space<vmem>>, vector<16xf32>,
    }
    %scan3A_35 = arith.constant 288 : i32
    %iota3A = tpu.iota {dimensions = array<i32: 0>} : vector<16xi32>
    %dma_start3A_36 = arith.constant 4096 : i32
    %dma_start3A_37 = tpu.memref_slice %arg2[%dma_start3A_36] : memref<16384xi32, #tpu.memory_space<hbm>> -> memref<4096xi32, #tpu.memory_space<hbm>>
    %dma_start3A_38 = arith.constant 4096 : i32
    %dma_start3A_39 = tpu.memref_slice %arg2[%dma_start3A_38] : memref<16384xi32, #tpu.memory_space<hbm>> -> memref<4096xi32, #tpu.memory_space<hbm>>
    tpu.enqueue_dma source(%dma_start3A_39 : memref<4096xi32, #tpu.memory_space<hbm>>) target(%arg18 : memref<4096xi32, #tpu.memory_space<vmem>>) target_semaphore(%arg35 : memref<!tpu.dma_semaphore, #tpu.memory_space<semaphore_mem>>)
    %dma_start3A_40 = arith.constant 4096 : i32
    %dma_start3A_41 = tpu.memref_slice %arg3[%dma_start3A_40] : memref<16384xf32, #tpu.memory_space<hbm>> -> memref<4096xf32, #tpu.memory_space<hbm>>
    %dma_start3A_42 = arith.constant 4096 : i32
    %dma_start3A_43 = tpu.memref_slice %arg3[%dma_start3A_42] : memref<16384xf32, #tpu.memory_space<hbm>> -> memref<4096xf32, #tpu.memory_space<hbm>>
    tpu.enqueue_dma source(%dma_start3A_43 : memref<4096xf32, #tpu.memory_space<hbm>>) target(%arg19 : memref<4096xf32, #tpu.memory_space<vmem>>) target_semaphore(%arg36 : memref<!tpu.dma_semaphore, #tpu.memory_space<semaphore_mem>>)
    %dma_start3A_44 = arith.constant 4096 : i32
    %dma_start3A_45 = tpu.memref_slice %arg4[%dma_start3A_44] : memref<16384xf32, #tpu.memory_space<hbm>> -> memref<4096xf32, #tpu.memory_space<hbm>>
    %dma_start3A_46 = arith.constant 4096 : i32
    %dma_start3A_47 = tpu.memref_slice %arg4[%dma_start3A_46] : memref<16384xf32, #tpu.memory_space<hbm>> -> memref<4096xf32, #tpu.memory_space<hbm>>
    tpu.enqueue_dma source(%dma_start3A_47 : memref<4096xf32, #tpu.memory_space<hbm>>) target(%arg20 : memref<4096xf32, #tpu.memory_space<vmem>>) target_semaphore(%arg36 : memref<!tpu.dma_semaphore, #tpu.memory_space<semaphore_mem>>)
    %dma_start3A_48 = arith.constant 4096 : i32
    %dma_start3A_49 = tpu.memref_slice %arg5[%dma_start3A_48] : memref<16384xf32, #tpu.memory_space<hbm>> -> memref<4096xf32, #tpu.memory_space<hbm>>
    %dma_start3A_50 = arith.constant 4096 : i32
    %dma_start3A_51 = tpu.memref_slice %arg5[%dma_start3A_50] : memref<16384xf32, #tpu.memory_space<hbm>> -> memref<4096xf32, #tpu.memory_space<hbm>>
    tpu.enqueue_dma source(%dma_start3A_51 : memref<4096xf32, #tpu.memory_space<hbm>>) target(%arg21 : memref<4096xf32, #tpu.memory_space<vmem>>) target_semaphore(%arg36 : memref<!tpu.dma_semaphore, #tpu.memory_space<semaphore_mem>>)
    %dma_start3A_52 = arith.constant 4096 : i32
    %dma_start3A_53 = tpu.memref_slice %arg6[%dma_start3A_52] : memref<16384xf32, #tpu.memory_space<hbm>> -> memref<4096xf32, #tpu.memory_space<hbm>>
    %dma_start3A_54 = arith.constant 4096 : i32
    %dma_start3A_55 = tpu.memref_slice %arg6[%dma_start3A_54] : memref<16384xf32, #tpu.memory_space<hbm>> -> memref<4096xf32, #tpu.memory_space<hbm>>
    tpu.enqueue_dma source(%dma_start3A_55 : memref<4096xf32, #tpu.memory_space<hbm>>) target(%arg22 : memref<4096xf32, #tpu.memory_space<vmem>>) target_semaphore(%arg36 : memref<!tpu.dma_semaphore, #tpu.memory_space<semaphore_mem>>)
    %dma_start3A_56 = arith.constant 4096 : i32
    %dma_start3A_57 = tpu.memref_slice %arg7[%dma_start3A_56] : memref<16384xf32, #tpu.memory_space<hbm>> -> memref<4096xf32, #tpu.memory_space<hbm>>
    %dma_start3A_58 = arith.constant 4096 : i32
    %dma_start3A_59 = tpu.memref_slice %arg7[%dma_start3A_58] : memref<16384xf32, #tpu.memory_space<hbm>> -> memref<4096xf32, #tpu.memory_space<hbm>>
    tpu.enqueue_dma source(%dma_start3A_59 : memref<4096xf32, #tpu.memory_space<hbm>>) target(%arg23 : memref<4096xf32, #tpu.memory_space<vmem>>) target_semaphore(%arg36 : memref<!tpu.dma_semaphore, #tpu.memory_space<semaphore_mem>>)
    %dma_wait3A = arith.constant 0 : i32
    %dma_wait3A_60 = tpu.memref_slice %arg2[%dma_wait3A] : memref<16384xi32, #tpu.memory_space<hbm>> -> memref<4096xi32, #tpu.memory_space<hbm>>
    %dma_wait3A_61 = arith.constant 0 : i32
    %dma_wait3A_62 = tpu.memref_slice %arg2[%dma_wait3A_61] : memref<16384xi32, #tpu.memory_space<hbm>> -> memref<4096xi32, #tpu.memory_space<hbm>>
    tpu.wait_dma2 semaphore(%arg33 : memref<!tpu.dma_semaphore, #tpu.memory_space<semaphore_mem>>) src(%dma_wait3A_62 : memref<4096xi32, #tpu.memory_space<hbm>>) dst(%arg12 : memref<4096xi32, #tpu.memory_space<vmem>>)
    %scan3A_63 = arith.constant 0 : i32
    %scan3A_64 = arith.constant 0 : i32
    %scan3A_65 = arith.constant 256 : i32
    %scan3A_66 = arith.addi %scan3A_64, %scan3A_65 : i32
    %scan3A_67 = arith.constant 8 : i32
    %scan3A_68 = scf.for %scan3A_390 = %scan3A_64 to %scan3A_66 step %scan3A_67 iter_args(%scan3A_391 = %scan3A_63) -> (i32)  : i32 {
      %mul3A_392 = arith.constant 16 : i32
      %mul3A_393 = arith.muli %scan3A_390, %mul3A_392 : i32
      %get3A_394 = arith.index_cast %mul3A_393 : i32 to index
      %get3A_395 = tpu.vector_load %arg12[%get3A_394] {strides = array<i32>} : memref<4096xi32, #tpu.memory_space<vmem>>, vector<16xi32>,
      %sub3A_396 = vector.broadcast %mul3A_2 : i32 to vector<16xi32>
      %sub3A_397 = arith.subi %get3A_395, %sub3A_396 : vector<16xi32>
      %bitcast3A = vector.bitcast %sub3A_397 : vector<16xi32> to vector<16xi32>
      %lt3A = arith.constant 4608 : i32
      %lt3A_398 = vector.broadcast %lt3A : i32 to vector<16xi32>
      %lt3A_399 = arith.cmpi ult, %bitcast3A, %lt3A_398 : vector<16xi32>
      %swap3A = arith.index_cast %scan3A_391 : i32 to index
      %swap3A_400 = tpu.vector_load %arg25[%swap3A] masked %lt3A_399 {strides = array<i32>} : memref<4112xi32, #tpu.memory_space<vmem>>, vector<16xi32>, vector<16xi1>
      tpu.vector_store %arg25[%swap3A], %sub3A_397 masked %lt3A_399 {strides = array<i32>} : memref<4112xi32, #tpu.memory_space<vmem>>, vector<16xi32>, vector<16xi1>
      %add3A_401 = vector.broadcast %mul3A_393 : i32 to vector<16xi32>
      %add3A_402 = arith.addi %add3A_401, %iota3A : vector<16xi32>
      %swap3A_403 = arith.index_cast %scan3A_391 : i32 to index
      %swap3A_404 = tpu.vector_load %arg26[%swap3A_403] masked %lt3A_399 {strides = array<i32>} : memref<4112xi32, #tpu.memory_space<vmem>>, vector<16xi32>, vector<16xi1>
      tpu.vector_store %arg26[%swap3A_403], %add3A_402 masked %lt3A_399 {strides = array<i32>} : memref<4112xi32, #tpu.memory_space<vmem>>, vector<16xi32>, vector<16xi1>
      %all_reduce_population_count3A = tpu.all_reduce %lt3A_399 {dim = 0 : i64, kind = #tpu.reduction_kind<sum>} : vector<16xi1> -> vector<16xi32>
      %slice3A_405 = vector.extract_strided_slice %all_reduce_population_count3A {offsets = [0], sizes = [1], strides = [1]} : vector<16xi32> to vector<1xi32>
      %squeeze3A_406 = vector.extract %slice3A_405[0] : i32 from vector<1xi32>
      %add3A_407 = arith.addi %scan3A_391, %squeeze3A_406 : i32
      %scan3A_408 = arith.constant 1 : i32
      %scan3A_409 = arith.addi %scan3A_390, %scan3A_408 : i32
      %mul3A_410 = arith.constant 16 : i32
      %mul3A_411 = arith.muli %scan3A_409, %mul3A_410 : i32
      %get3A_412 = arith.index_cast %mul3A_411 : i32 to index
      %get3A_413 = tpu.vector_load %arg12[%get3A_412] {strides = array<i32>} : memref<4096xi32, #tpu.memory_space<vmem>>, vector<16xi32>,
      %sub3A_414 = vector.broadcast %mul3A_2 : i32 to vector<16xi32>
      %sub3A_415 = arith.subi %get3A_413, %sub3A_414 : vector<16xi32>
      %bitcast3A_416 = vector.bitcast %sub3A_415 : vector<16xi32> to vector<16xi32>
      %lt3A_417 = arith.constant 4608 : i32
      %lt3A_418 = vector.broadcast %lt3A_417 : i32 to vector<16xi32>
      %lt3A_419 = arith.cmpi ult, %bitcast3A_416, %lt3A_418 : vector<16xi32>
      %swap3A_420 = arith.index_cast %add3A_407 : i32 to index
      %swap3A_421 = tpu.vector_load %arg25[%swap3A_420] masked %lt3A_419 {strides = array<i32>} : memref<4112xi32, #tpu.memory_space<vmem>>, vector<16xi32>, vector<16xi1>
      tpu.vector_store %arg25[%swap3A_420], %sub3A_415 masked %lt3A_419 {strides = array<i32>} : memref<4112xi32, #tpu.memory_space<vmem>>, vector<16xi32>, vector<16xi1>
      %add3A_422 = vector.broadcast %mul3A_411 : i32 to vector<16xi32>
      %add3A_423 = arith.addi %add3A_422, %iota3A : vector<16xi32>
      %swap3A_424 = arith.index_cast %add3A_407 : i32 to index
      %swap3A_425 = tpu.vector_load %arg26[%swap3A_424] masked %lt3A_419 {strides = array<i32>} : memref<4112xi32, #tpu.memory_space<vmem>>, vector<16xi32>, vector<16xi1>
      tpu.vector_store %arg26[%swap3A_424], %add3A_423 masked %lt3A_419 {strides = array<i32>} : memref<4112xi32, #tpu.memory_space<vmem>>, vector<16xi32>, vector<16xi1>
      %all_reduce_population_count3A_426 = tpu.all_reduce %lt3A_419 {dim = 0 : i64, kind = #tpu.reduction_kind<sum>} : vector<16xi1> -> vector<16xi32>
      %slice3A_427 = vector.extract_strided_slice %all_reduce_population_count3A_426 {offsets = [0], sizes = [1], strides = [1]} : vector<16xi32> to vector<1xi32>
      %squeeze3A_428 = vector.extract %slice3A_427[0] : i32 from vector<1xi32>
      %add3A_429 = arith.addi %add3A_407, %squeeze3A_428 : i32
      %scan3A_430 = arith.constant 2 : i32
      %scan3A_431 = arith.addi %scan3A_390, %scan3A_430 : i32
      %mul3A_432 = arith.constant 16 : i32
      %mul3A_433 = arith.muli %scan3A_431, %mul3A_432 : i32
      %get3A_434 = arith.index_cast %mul3A_433 : i32 to index
      %get3A_435 = tpu.vector_load %arg12[%get3A_434] {strides = array<i32>} : memref<4096xi32, #tpu.memory_space<vmem>>, vector<16xi32>,
      %sub3A_436 = vector.broadcast %mul3A_2 : i32 to vector<16xi32>
      %sub3A_437 = arith.subi %get3A_435, %sub3A_436 : vector<16xi32>
      %bitcast3A_438 = vector.bitcast %sub3A_437 : vector<16xi32> to vector<16xi32>
      %lt3A_439 = arith.constant 4608 : i32
      %lt3A_440 = vector.broadcast %lt3A_439 : i32 to vector<16xi32>
      %lt3A_441 = arith.cmpi ult, %bitcast3A_438, %lt3A_440 : vector<16xi32>
      %swap3A_442 = arith.index_cast %add3A_429 : i32 to index
      %swap3A_443 = tpu.vector_load %arg25[%swap3A_442] masked %lt3A_441 {strides = array<i32>} : memref<4112xi32, #tpu.memory_space<vmem>>, vector<16xi32>, vector<16xi1>
      tpu.vector_store %arg25[%swap3A_442], %sub3A_437 masked %lt3A_441 {strides = array<i32>} : memref<4112xi32, #tpu.memory_space<vmem>>, vector<16xi32>, vector<16xi1>
      %add3A_444 = vector.broadcast %mul3A_433 : i32 to vector<16xi32>
      %add3A_445 = arith.addi %add3A_444, %iota3A : vector<16xi32>
      %swap3A_446 = arith.index_cast %add3A_429 : i32 to index
      %swap3A_447 = tpu.vector_load %arg26[%swap3A_446] masked %lt3A_441 {strides = array<i32>} : memref<4112xi32, #tpu.memory_space<vmem>>, vector<16xi32>, vector<16xi1>
      tpu.vector_store %arg26[%swap3A_446], %add3A_445 masked %lt3A_441 {strides = array<i32>} : memref<4112xi32, #tpu.memory_space<vmem>>, vector<16xi32>, vector<16xi1>
      %all_reduce_population_count3A_448 = tpu.all_reduce %lt3A_441 {dim = 0 : i64, kind = #tpu.reduction_kind<sum>} : vector<16xi1> -> vector<16xi32>
      %slice3A_449 = vector.extract_strided_slice %all_reduce_population_count3A_448 {offsets = [0], sizes = [1], strides = [1]} : vector<16xi32> to vector<1xi32>
      %squeeze3A_450 = vector.extract %slice3A_449[0] : i32 from vector<1xi32>
      %add3A_451 = arith.addi %add3A_429, %squeeze3A_450 : i32
      %scan3A_452 = arith.constant 3 : i32
      %scan3A_453 = arith.addi %scan3A_390, %scan3A_452 : i32
      %mul3A_454 = arith.constant 16 : i32
      %mul3A_455 = arith.muli %scan3A_453, %mul3A_454 : i32
      %get3A_456 = arith.index_cast %mul3A_455 : i32 to index
      %get3A_457 = tpu.vector_load %arg12[%get3A_456] {strides = array<i32>} : memref<4096xi32, #tpu.memory_space<vmem>>, vector<16xi32>,
      %sub3A_458 = vector.broadcast %mul3A_2 : i32 to vector<16xi32>
      %sub3A_459 = arith.subi %get3A_457, %sub3A_458 : vector<16xi32>
      %bitcast3A_460 = vector.bitcast %sub3A_459 : vector<16xi32> to vector<16xi32>
      %lt3A_461 = arith.constant 4608 : i32
      %lt3A_462 = vector.broadcast %lt3A_461 : i32 to vector<16xi32>
      %lt3A_463 = arith.cmpi ult, %bitcast3A_460, %lt3A_462 : vector<16xi32>
      %swap3A_464 = arith.index_cast %add3A_451 : i32 to index
      %swap3A_465 = tpu.vector_load %arg25[%swap3A_464] masked %lt3A_463 {strides = array<i32>} : memref<4112xi32, #tpu.memory_space<vmem>>, vector<16xi32>, vector<16xi1>
      tpu.vector_store %arg25[%swap3A_464], %sub3A_459 masked %lt3A_463 {strides = array<i32>} : memref<4112xi32, #tpu.memory_space<vmem>>, vector<16xi32>, vector<16xi1>
      %add3A_466 = vector.broadcast %mul3A_455 : i32 to vector<16xi32>
      %add3A_467 = arith.addi %add3A_466, %iota3A : vector<16xi32>
      %swap3A_468 = arith.index_cast %add3A_451 : i32 to index
      %swap3A_469 = tpu.vector_load %arg26[%swap3A_468] masked %lt3A_463 {strides = array<i32>} : memref<4112xi32, #tpu.memory_space<vmem>>, vector<16xi32>, vector<16xi1>
      tpu.vector_store %arg26[%swap3A_468], %add3A_467 masked %lt3A_463 {strides = array<i32>} : memref<4112xi32, #tpu.memory_space<vmem>>, vector<16xi32>, vector<16xi1>
      %all_reduce_population_count3A_470 = tpu.all_reduce %lt3A_463 {dim = 0 : i64, kind = #tpu.reduction_kind<sum>} : vector<16xi1> -> vector<16xi32>
      %slice3A_471 = vector.extract_strided_slice %all_reduce_population_count3A_470 {offsets = [0], sizes = [1], strides = [1]} : vector<16xi32> to vector<1xi32>
      %squeeze3A_472 = vector.extract %slice3A_471[0] : i32 from vector<1xi32>
      %add3A_473 = arith.addi %add3A_451, %squeeze3A_472 : i32
      %scan3A_474 = arith.constant 4 : i32
      %scan3A_475 = arith.addi %scan3A_390, %scan3A_474 : i32
      %mul3A_476 = arith.constant 16 : i32
      %mul3A_477 = arith.muli %scan3A_475, %mul3A_476 : i32
      %get3A_478 = arith.index_cast %mul3A_477 : i32 to index
      %get3A_479 = tpu.vector_load %arg12[%get3A_478] {strides = array<i32>} : memref<4096xi32, #tpu.memory_space<vmem>>, vector<16xi32>,
      %sub3A_480 = vector.broadcast %mul3A_2 : i32 to vector<16xi32>
      %sub3A_481 = arith.subi %get3A_479, %sub3A_480 : vector<16xi32>
      %bitcast3A_482 = vector.bitcast %sub3A_481 : vector<16xi32> to vector<16xi32>
      %lt3A_483 = arith.constant 4608 : i32
      %lt3A_484 = vector.broadcast %lt3A_483 : i32 to vector<16xi32>
      %lt3A_485 = arith.cmpi ult, %bitcast3A_482, %lt3A_484 : vector<16xi32>
      %swap3A_486 = arith.index_cast %add3A_473 : i32 to index
      %swap3A_487 = tpu.vector_load %arg25[%swap3A_486] masked %lt3A_485 {strides = array<i32>} : memref<4112xi32, #tpu.memory_space<vmem>>, vector<16xi32>, vector<16xi1>
      tpu.vector_store %arg25[%swap3A_486], %sub3A_481 masked %lt3A_485 {strides = array<i32>} : memref<4112xi32, #tpu.memory_space<vmem>>, vector<16xi32>, vector<16xi1>
      %add3A_488 = vector.broadcast %mul3A_477 : i32 to vector<16xi32>
      %add3A_489 = arith.addi %add3A_488, %iota3A : vector<16xi32>
      %swap3A_490 = arith.index_cast %add3A_473 : i32 to index
      %swap3A_491 = tpu.vector_load %arg26[%swap3A_490] masked %lt3A_485 {strides = array<i32>} : memref<4112xi32, #tpu.memory_space<vmem>>, vector<16xi32>, vector<16xi1>
      tpu.vector_store %arg26[%swap3A_490], %add3A_489 masked %lt3A_485 {strides = array<i32>} : memref<4112xi32, #tpu.memory_space<vmem>>, vector<16xi32>, vector<16xi1>
      %all_reduce_population_count3A_492 = tpu.all_reduce %lt3A_485 {dim = 0 : i64, kind = #tpu.reduction_kind<sum>} : vector<16xi1> -> vector<16xi32>
      %slice3A_493 = vector.extract_strided_slice %all_reduce_population_count3A_492 {offsets = [0], sizes = [1], strides = [1]} : vector<16xi32> to vector<1xi32>
      %squeeze3A_494 = vector.extract %slice3A_493[0] : i32 from vector<1xi32>
      %add3A_495 = arith.addi %add3A_473, %squeeze3A_494 : i32
      %scan3A_496 = arith.constant 5 : i32
      %scan3A_497 = arith.addi %scan3A_390, %scan3A_496 : i32
      %mul3A_498 = arith.constant 16 : i32
      %mul3A_499 = arith.muli %scan3A_497, %mul3A_498 : i32
      %get3A_500 = arith.index_cast %mul3A_499 : i32 to index
      %get3A_501 = tpu.vector_load %arg12[%get3A_500] {strides = array<i32>} : memref<4096xi32, #tpu.memory_space<vmem>>, vector<16xi32>,
      %sub3A_502 = vector.broadcast %mul3A_2 : i32 to vector<16xi32>
      %sub3A_503 = arith.subi %get3A_501, %sub3A_502 : vector<16xi32>
      %bitcast3A_504 = vector.bitcast %sub3A_503 : vector<16xi32> to vector<16xi32>
      %lt3A_505 = arith.constant 4608 : i32
      %lt3A_506 = vector.broadcast %lt3A_505 : i32 to vector<16xi32>
      %lt3A_507 = arith.cmpi ult, %bitcast3A_504, %lt3A_506 : vector<16xi32>
      %swap3A_508 = arith.index_cast %add3A_495 : i32 to index
      %swap3A_509 = tpu.vector_load %arg25[%swap3A_508] masked %lt3A_507 {strides = array<i32>} : memref<4112xi32, #tpu.memory_space<vmem>>, vector<16xi32>, vector<16xi1>
      tpu.vector_store %arg25[%swap3A_508], %sub3A_503 masked %lt3A_507 {strides = array<i32>} : memref<4112xi32, #tpu.memory_space<vmem>>, vector<16xi32>, vector<16xi1>
      %add3A_510 = vector.broadcast %mul3A_499 : i32 to vector<16xi32>
      %add3A_511 = arith.addi %add3A_510, %iota3A : vector<16xi32>
      %swap3A_512 = arith.index_cast %add3A_495 : i32 to index
      %swap3A_513 = tpu.vector_load %arg26[%swap3A_512] masked %lt3A_507 {strides = array<i32>} : memref<4112xi32, #tpu.memory_space<vmem>>, vector<16xi32>, vector<16xi1>
      tpu.vector_store %arg26[%swap3A_512], %add3A_511 masked %lt3A_507 {strides = array<i32>} : memref<4112xi32, #tpu.memory_space<vmem>>, vector<16xi32>, vector<16xi1>
      %all_reduce_population_count3A_514 = tpu.all_reduce %lt3A_507 {dim = 0 : i64, kind = #tpu.reduction_kind<sum>} : vector<16xi1> -> vector<16xi32>
      %slice3A_515 = vector.extract_strided_slice %all_reduce_population_count3A_514 {offsets = [0], sizes = [1], strides = [1]} : vector<16xi32> to vector<1xi32>
      %squeeze3A_516 = vector.extract %slice3A_515[0] : i32 from vector<1xi32>
      %add3A_517 = arith.addi %add3A_495, %squeeze3A_516 : i32
      %scan3A_518 = arith.constant 6 : i32
      %scan3A_519 = arith.addi %scan3A_390, %scan3A_518 : i32
      %mul3A_520 = arith.constant 16 : i32
      %mul3A_521 = arith.muli %scan3A_519, %mul3A_520 : i32
      %get3A_522 = arith.index_cast %mul3A_521 : i32 to index
      %get3A_523 = tpu.vector_load %arg12[%get3A_522] {strides = array<i32>} : memref<4096xi32, #tpu.memory_space<vmem>>, vector<16xi32>,
      %sub3A_524 = vector.broadcast %mul3A_2 : i32 to vector<16xi32>
      %sub3A_525 = arith.subi %get3A_523, %sub3A_524 : vector<16xi32>
      %bitcast3A_526 = vector.bitcast %sub3A_525 : vector<16xi32> to vector<16xi32>
      %lt3A_527 = arith.constant 4608 : i32
      %lt3A_528 = vector.broadcast %lt3A_527 : i32 to vector<16xi32>
      %lt3A_529 = arith.cmpi ult, %bitcast3A_526, %lt3A_528 : vector<16xi32>
      %swap3A_530 = arith.index_cast %add3A_517 : i32 to index
      %swap3A_531 = tpu.vector_load %arg25[%swap3A_530] masked %lt3A_529 {strides = array<i32>} : memref<4112xi32, #tpu.memory_space<vmem>>, vector<16xi32>, vector<16xi1>
      tpu.vector_store %arg25[%swap3A_530], %sub3A_525 masked %lt3A_529 {strides = array<i32>} : memref<4112xi32, #tpu.memory_space<vmem>>, vector<16xi32>, vector<16xi1>
      %add3A_532 = vector.broadcast %mul3A_521 : i32 to vector<16xi32>
      %add3A_533 = arith.addi %add3A_532, %iota3A : vector<16xi32>
      %swap3A_534 = arith.index_cast %add3A_517 : i32 to index
      %swap3A_535 = tpu.vector_load %arg26[%swap3A_534] masked %lt3A_529 {strides = array<i32>} : memref<4112xi32, #tpu.memory_space<vmem>>, vector<16xi32>, vector<16xi1>
      tpu.vector_store %arg26[%swap3A_534], %add3A_533 masked %lt3A_529 {strides = array<i32>} : memref<4112xi32, #tpu.memory_space<vmem>>, vector<16xi32>, vector<16xi1>
      %all_reduce_population_count3A_536 = tpu.all_reduce %lt3A_529 {dim = 0 : i64, kind = #tpu.reduction_kind<sum>} : vector<16xi1> -> vector<16xi32>
      %slice3A_537 = vector.extract_strided_slice %all_reduce_population_count3A_536 {offsets = [0], sizes = [1], strides = [1]} : vector<16xi32> to vector<1xi32>
      %squeeze3A_538 = vector.extract %slice3A_537[0] : i32 from vector<1xi32>
      %add3A_539 = arith.addi %add3A_517, %squeeze3A_538 : i32
      %scan3A_540 = arith.constant 7 : i32
      %scan3A_541 = arith.addi %scan3A_390, %scan3A_540 : i32
      %mul3A_542 = arith.constant 16 : i32
      %mul3A_543 = arith.muli %scan3A_541, %mul3A_542 : i32
      %get3A_544 = arith.index_cast %mul3A_543 : i32 to index
      %get3A_545 = tpu.vector_load %arg12[%get3A_544] {strides = array<i32>} : memref<4096xi32, #tpu.memory_space<vmem>>, vector<16xi32>,
      %sub3A_546 = vector.broadcast %mul3A_2 : i32 to vector<16xi32>
      %sub3A_547 = arith.subi %get3A_545, %sub3A_546 : vector<16xi32>
      %bitcast3A_548 = vector.bitcast %sub3A_547 : vector<16xi32> to vector<16xi32>
      %lt3A_549 = arith.constant 4608 : i32
      %lt3A_550 = vector.broadcast %lt3A_549 : i32 to vector<16xi32>
      %lt3A_551 = arith.cmpi ult, %bitcast3A_548, %lt3A_550 : vector<16xi32>
      %swap3A_552 = arith.index_cast %add3A_539 : i32 to index
      %swap3A_553 = tpu.vector_load %arg25[%swap3A_552] masked %lt3A_551 {strides = array<i32>} : memref<4112xi32, #tpu.memory_space<vmem>>, vector<16xi32>, vector<16xi1>
      tpu.vector_store %arg25[%swap3A_552], %sub3A_547 masked %lt3A_551 {strides = array<i32>} : memref<4112xi32, #tpu.memory_space<vmem>>, vector<16xi32>, vector<16xi1>
      %add3A_554 = vector.broadcast %mul3A_543 : i32 to vector<16xi32>
      %add3A_555 = arith.addi %add3A_554, %iota3A : vector<16xi32>
      %swap3A_556 = arith.index_cast %add3A_539 : i32 to index
      %swap3A_557 = tpu.vector_load %arg26[%swap3A_556] masked %lt3A_551 {strides = array<i32>} : memref<4112xi32, #tpu.memory_space<vmem>>, vector<16xi32>, vector<16xi1>
      tpu.vector_store %arg26[%swap3A_556], %add3A_555 masked %lt3A_551 {strides = array<i32>} : memref<4112xi32, #tpu.memory_space<vmem>>, vector<16xi32>, vector<16xi1>
      %all_reduce_population_count3A_558 = tpu.all_reduce %lt3A_551 {dim = 0 : i64, kind = #tpu.reduction_kind<sum>} : vector<16xi1> -> vector<16xi32>
      %slice3A_559 = vector.extract_strided_slice %all_reduce_population_count3A_558 {offsets = [0], sizes = [1], strides = [1]} : vector<16xi32> to vector<1xi32>
      %squeeze3A_560 = vector.extract %slice3A_559[0] : i32 from vector<1xi32>
      %add3A_561 = arith.addi %add3A_539, %squeeze3A_560 : i32
      scf.yield %add3A_561 : i32
    }
    %scan3A_69 = arith.constant 256 : i32
    %dma_wait3A_70 = arith.constant 0 : i32
    %dma_wait3A_71 = tpu.memref_slice %arg3[%dma_wait3A_70] : memref<16384xf32, #tpu.memory_space<hbm>> -> memref<4096xf32, #tpu.memory_space<hbm>>
    %dma_wait3A_72 = arith.constant 0 : i32
    %dma_wait3A_73 = tpu.memref_slice %arg3[%dma_wait3A_72] : memref<16384xf32, #tpu.memory_space<hbm>> -> memref<4096xf32, #tpu.memory_space<hbm>>
    tpu.wait_dma2 semaphore(%arg34 : memref<!tpu.dma_semaphore, #tpu.memory_space<semaphore_mem>>) src(%dma_wait3A_73 : memref<4096xf32, #tpu.memory_space<hbm>>) dst(%arg13 : memref<4096xf32, #tpu.memory_space<vmem>>)
    %dma_wait3A_74 = arith.constant 0 : i32
    %dma_wait3A_75 = tpu.memref_slice %arg4[%dma_wait3A_74] : memref<16384xf32, #tpu.memory_space<hbm>> -> memref<4096xf32, #tpu.memory_space<hbm>>
    %dma_wait3A_76 = arith.constant 0 : i32
    %dma_wait3A_77 = tpu.memref_slice %arg4[%dma_wait3A_76] : memref<16384xf32, #tpu.memory_space<hbm>> -> memref<4096xf32, #tpu.memory_space<hbm>>
    tpu.wait_dma2 semaphore(%arg34 : memref<!tpu.dma_semaphore, #tpu.memory_space<semaphore_mem>>) src(%dma_wait3A_77 : memref<4096xf32, #tpu.memory_space<hbm>>) dst(%arg14 : memref<4096xf32, #tpu.memory_space<vmem>>)
    %dma_wait3A_78 = arith.constant 0 : i32
    %dma_wait3A_79 = tpu.memref_slice %arg5[%dma_wait3A_78] : memref<16384xf32, #tpu.memory_space<hbm>> -> memref<4096xf32, #tpu.memory_space<hbm>>
    %dma_wait3A_80 = arith.constant 0 : i32
    %dma_wait3A_81 = tpu.memref_slice %arg5[%dma_wait3A_80] : memref<16384xf32, #tpu.memory_space<hbm>> -> memref<4096xf32, #tpu.memory_space<hbm>>
    tpu.wait_dma2 semaphore(%arg34 : memref<!tpu.dma_semaphore, #tpu.memory_space<semaphore_mem>>) src(%dma_wait3A_81 : memref<4096xf32, #tpu.memory_space<hbm>>) dst(%arg15 : memref<4096xf32, #tpu.memory_space<vmem>>)
    %dma_wait3A_82 = arith.constant 0 : i32
    %dma_wait3A_83 = tpu.memref_slice %arg6[%dma_wait3A_82] : memref<16384xf32, #tpu.memory_space<hbm>> -> memref<4096xf32, #tpu.memory_space<hbm>>
    %dma_wait3A_84 = arith.constant 0 : i32
    %dma_wait3A_85 = tpu.memref_slice %arg6[%dma_wait3A_84] : memref<16384xf32, #tpu.memory_space<hbm>> -> memref<4096xf32, #tpu.memory_space<hbm>>
    tpu.wait_dma2 semaphore(%arg34 : memref<!tpu.dma_semaphore, #tpu.memory_space<semaphore_mem>>) src(%dma_wait3A_85 : memref<4096xf32, #tpu.memory_space<hbm>>) dst(%arg16 : memref<4096xf32, #tpu.memory_space<vmem>>)
    %dma_wait3A_86 = arith.constant 0 : i32
    %dma_wait3A_87 = tpu.memref_slice %arg7[%dma_wait3A_86] : memref<16384xf32, #tpu.memory_space<hbm>> -> memref<4096xf32, #tpu.memory_space<hbm>>
    %dma_wait3A_88 = arith.constant 0 : i32
    %dma_wait3A_89 = tpu.memref_slice %arg7[%dma_wait3A_88] : memref<16384xf32, #tpu.memory_space<hbm>> -> memref<4096xf32, #tpu.memory_space<hbm>>
    tpu.wait_dma2 semaphore(%arg34 : memref<!tpu.dma_semaphore, #tpu.memory_space<semaphore_mem>>) src(%dma_wait3A_89 : memref<4096xf32, #tpu.memory_space<hbm>>) dst(%arg17 : memref<4096xf32, #tpu.memory_space<vmem>>)
    %add3A_90 = arith.constant 15 : i32
    %add3A_91 = arith.addi %scan3A_68, %add3A_90 : i32
    %jit3A = arith.constant 16 : i32
    %div3A = arith.divsi %add3A_91, %jit3A : i32
    %sign3A = arith.constant 0 : i32
    %sign3A_92 = arith.cmpi sgt, %add3A_91, %sign3A : i32
    %sign3A_93 = arith.extui %sign3A_92 : i1 to i32
    %sign3A_94 = arith.constant 0 : i32
    %sign3A_95 = arith.cmpi slt, %add3A_91, %sign3A_94 : i32
    %sign3A_96 = arith.extui %sign3A_95 : i1 to i32
    %sign3A_97 = arith.subi %sign3A_93, %sign3A_96 : i32
    %sign3A_98 = arith.constant 0 : i32
    %sign3A_99 = arith.cmpi sgt, %jit3A, %sign3A_98 : i32
    %sign3A_100 = arith.extui %sign3A_99 : i1 to i32
    %sign3A_101 = arith.constant 0 : i32
    %sign3A_102 = arith.cmpi slt, %jit3A, %sign3A_101 : i32
    %sign3A_103 = arith.extui %sign3A_102 : i1 to i32
    %sign3A_104 = arith.subi %sign3A_100, %sign3A_103 : i32
    %ne3A = arith.cmpi ne, %sign3A_97, %sign3A_104 : i32
    %rem3A = arith.remsi %add3A_91, %jit3A : i32
    %ne3A_105 = arith.constant 0 : i32
    %ne3A_106 = arith.cmpi ne, %rem3A, %ne3A_105 : i32
    %and3A = arith.andi %ne3A, %ne3A_106 : i1
    %sub3A = arith.constant 1 : i32
    %sub3A_107 = arith.subi %div3A, %sub3A : i32
    %select_n3A = arith.select %and3A, %sub3A_107, %div3A : i32
    %while3A = arith.constant 0 : i32
    %while3A_108 = arith.constant 0 : i32
    %while3A_109 = arith.subi %select_n3A, %while3A_108 : i32
    %while3A_110 = arith.addi %while3A_108, %while3A_109 : i32
    %while3A_111 = arith.constant 1 : i32
    %while3A_112 = arith.divsi %while3A_109, %while3A_111 : i32
    %while3A_113 = arith.muli %while3A_112, %while3A_111 : i32
    %while3A_114 = arith.addi %while3A_108, %while3A_113 : i32
    %while3A_115 = arith.constant 1 : i32
    scf.for %while3A_390 = %while3A_108 to %while3A_114 step %while3A_115  : i32 {
      %mul3A_391 = arith.constant 16 : i32
      %mul3A_392 = arith.muli %while3A_390, %mul3A_391 : i32
      %add3A_393 = vector.broadcast %mul3A_392 : i32 to vector<16xi32>
      %add3A_394 = arith.addi %add3A_393, %iota3A : vector<16xi32>
      %lt3A = vector.broadcast %scan3A_68 : i32 to vector<16xi32>
      %lt3A_395 = arith.cmpi slt, %add3A_394, %lt3A : vector<16xi32>
      %get3A_396 = arith.index_cast %mul3A_392 : i32 to index
      %get3A_397 = tpu.vector_load %arg25[%get3A_396] {strides = array<i32>} : memref<4112xi32, #tpu.memory_space<vmem>>, vector<16xi32>,
      %jit3A_398 = arith.constant 0 : i32
      %jit3A_399 = arith.constant 4607 : i32
      %max3A = vector.broadcast %jit3A_398 : i32 to vector<16xi32>
      %max3A_400 = arith.maxsi %max3A, %get3A_397 : vector<16xi32>
      %min3A = vector.broadcast %jit3A_399 : i32 to vector<16xi32>
      %min3A_401 = arith.minsi %min3A, %max3A_400 : vector<16xi32>
      %get3A_402 = arith.index_cast %mul3A_392 : i32 to index
      %get3A_403 = tpu.vector_load %arg26[%get3A_402] {strides = array<i32>} : memref<4112xi32, #tpu.memory_space<vmem>>, vector<16xi32>,
      %jit3A_404 = arith.constant 0 : i32
      %jit3A_405 = arith.constant 4095 : i32
      %max3A_406 = vector.broadcast %jit3A_404 : i32 to vector<16xi32>
      %max3A_407 = arith.maxsi %max3A_406, %get3A_403 : vector<16xi32>
      %min3A_408 = vector.broadcast %jit3A_405 : i32 to vector<16xi32>
      %min3A_409 = arith.minsi %min3A_408, %max3A_407 : vector<16xi32>
      %gather3A = tpu.vector_load_idx %arg13[%min3A_409] masked %lt3A_395 : memref<4096xf32, #tpu.memory_space<vmem>>[vector<16xi32>], vector<16xf32>, vector<16xi1>
      %gather3A_410 = tpu.vector_load_idx %arg14[%min3A_409] masked %lt3A_395 : memref<4096xf32, #tpu.memory_space<vmem>>[vector<16xi32>], vector<16xf32>, vector<16xi1>
      %gather3A_411 = tpu.vector_load_idx %arg15[%min3A_409] masked %lt3A_395 : memref<4096xf32, #tpu.memory_space<vmem>>[vector<16xi32>], vector<16xf32>, vector<16xi1>
      %gather3A_412 = tpu.vector_load_idx %arg16[%min3A_409] masked %lt3A_395 : memref<4096xf32, #tpu.memory_space<vmem>>[vector<16xi32>], vector<16xf32>, vector<16xi1>
      %gather3A_413 = tpu.vector_load_idx %arg17[%min3A_409] masked %lt3A_395 : memref<4096xf32, #tpu.memory_space<vmem>>[vector<16xi32>], vector<16xf32>, vector<16xi1>
      %sub3A_414 = arith.constant 1.000000e+00 : f32
      %sub3A_415 = vector.broadcast %sub3A_414 : f32 to vector<16xf32>
      %sub3A_416 = arith.subf %sub3A_415, %gather3A_412 : vector<16xf32>
      tpu.vector_store_idx %arg27[%min3A_401], %iota3A masked %lt3A_395 : memref<4608xi32, #tpu.memory_space<vmem>>[vector<16xi32>], vector<16xi32>, vector<16xi1>
      %gather3A_417 = tpu.vector_load_idx %arg27[%min3A_401] masked %lt3A_395 : memref<4608xi32, #tpu.memory_space<vmem>>[vector<16xi32>], vector<16xi32>, vector<16xi1>
      %ne3A_418 = arith.cmpi ne, %gather3A_417, %iota3A : vector<16xi32>
      %and3A_419 = arith.andi %ne3A_418, %lt3A_395 : vector<16xi1>
      %all_reduce_population_count3A = tpu.all_reduce %and3A_419 {dim = 0 : i64, kind = #tpu.reduction_kind<sum>} : vector<16xi1> -> vector<16xi32>
      %slice3A_420 = vector.extract_strided_slice %all_reduce_population_count3A {offsets = [0], sizes = [1], strides = [1]} : vector<16xi32> to vector<1xi32>
      %squeeze3A_421 = vector.extract %slice3A_420[0] : i32 from vector<1xi32>
      %eq3A = arith.constant 0 : i32
      %eq3A_422 = arith.cmpi eq, %squeeze3A_421, %eq3A : i32
      %convert_element_type3A = arith.extui %eq3A_422 : i1 to i32
      %cond3A = arith.constant 0 : i32
      %cond3A_423 = arith.cmpi ne, %convert_element_type3A, %cond3A : i32
      scf.if %cond3A_423 {
        %gather3A_428 = tpu.vector_load_idx %arg28[%min3A_401] masked %lt3A_395 : memref<4608xf32, #tpu.memory_space<vmem>>[vector<16xi32>], vector<16xf32>, vector<16xi1>
        %mul3A_429 = arith.mulf %gather3A_412, %gather3A : vector<16xf32>
        %mul3A_430 = arith.mulf %sub3A_416, %gather3A_428 : vector<16xf32>
        %add3A_431 = arith.addf %mul3A_429, %mul3A_430 : vector<16xf32>
        tpu.vector_store_idx %arg28[%min3A_401], %add3A_431 masked %lt3A_395 : memref<4608xf32, #tpu.memory_space<vmem>>[vector<16xi32>], vector<16xf32>, vector<16xi1>
        %gather3A_432 = tpu.vector_load_idx %arg29[%min3A_401] masked %lt3A_395 : memref<4608xf32, #tpu.memory_space<vmem>>[vector<16xi32>], vector<16xf32>, vector<16xi1>
        %mul3A_433 = arith.mulf %gather3A_412, %gather3A_410 : vector<16xf32>
        %mul3A_434 = arith.mulf %sub3A_416, %gather3A_432 : vector<16xf32>
        %add3A_435 = arith.addf %mul3A_433, %mul3A_434 : vector<16xf32>
        tpu.vector_store_idx %arg29[%min3A_401], %add3A_435 masked %lt3A_395 : memref<4608xf32, #tpu.memory_space<vmem>>[vector<16xi32>], vector<16xf32>, vector<16xi1>
        %gather3A_436 = tpu.vector_load_idx %arg30[%min3A_401] masked %lt3A_395 : memref<4608xf32, #tpu.memory_space<vmem>>[vector<16xi32>], vector<16xf32>, vector<16xi1>
        %mul3A_437 = arith.mulf %gather3A_412, %gather3A_411 : vector<16xf32>
        %mul3A_438 = arith.mulf %sub3A_416, %gather3A_436 : vector<16xf32>
        %add3A_439 = arith.addf %mul3A_437, %mul3A_438 : vector<16xf32>
        tpu.vector_store_idx %arg30[%min3A_401], %add3A_439 masked %lt3A_395 : memref<4608xf32, #tpu.memory_space<vmem>>[vector<16xi32>], vector<16xf32>, vector<16xi1>
        %gather3A_440 = tpu.vector_load_idx %arg31[%min3A_401] masked %lt3A_395 : memref<4608xf32, #tpu.memory_space<vmem>>[vector<16xi32>], vector<16xf32>, vector<16xi1>
        %mul3A_441 = arith.mulf %sub3A_416, %gather3A_440 : vector<16xf32>
        %add3A_442 = arith.addf %gather3A_412, %mul3A_441 : vector<16xf32>
        tpu.vector_store_idx %arg31[%min3A_401], %add3A_442 masked %lt3A_395 : memref<4608xf32, #tpu.memory_space<vmem>>[vector<16xi32>], vector<16xf32>, vector<16xi1>
        tpu.vector_store_idx %arg32[%min3A_401], %gather3A_413 masked %lt3A_395 : memref<4608xf32, #tpu.memory_space<vmem>>[vector<16xi32>], vector<16xf32>, vector<16xi1>
      } else {
      }
      %gt3A = arith.constant 0 : i32
      %gt3A_424 = arith.cmpi sgt, %squeeze3A_421, %gt3A : i32
      %convert_element_type3A_425 = arith.extui %gt3A_424 : i1 to i32
      %cond3A_426 = arith.constant 0 : i32
      %cond3A_427 = arith.cmpi ne, %convert_element_type3A_425, %cond3A_426 : i32
      scf.if %cond3A_427 {
        %scan3A_428 = arith.constant 0 : i32
        %scan3A_429 = arith.constant 0 : i32
        %scan3A_430 = arith.constant 16 : i32
        %scan3A_431 = arith.addi %scan3A_429, %scan3A_430 : i32
        %scan3A_432 = arith.constant 1 : i32
        scf.for %scan3A_434 = %scan3A_429 to %scan3A_431 step %scan3A_432  : i32 {
          %eq3A_435 = vector.broadcast %scan3A_434 : i32 to vector<16xi32>
          %eq3A_436 = arith.cmpi eq, %iota3A, %eq3A_435 : vector<16xi32>
          %and3A_437 = arith.andi %lt3A_395, %eq3A_436 : vector<16xi1>
          %all_reduce_population_count3A_438 = tpu.all_reduce %and3A_437 {dim = 0 : i64, kind = #tpu.reduction_kind<sum>} : vector<16xi1> -> vector<16xi32>
          %slice3A_439 = vector.extract_strided_slice %all_reduce_population_count3A_438 {offsets = [0], sizes = [1], strides = [1]} : vector<16xi32> to vector<1xi32>
          %squeeze3A_440 = vector.extract %slice3A_439[0] : i32 from vector<1xi32>
          %gt3A_441 = arith.constant 0 : i32
          %gt3A_442 = arith.cmpi sgt, %squeeze3A_440, %gt3A_441 : i32
          %convert_element_type3A_443 = arith.extui %gt3A_442 : i1 to i32
          %cond3A_444 = arith.constant 0 : i32
          %cond3A_445 = arith.cmpi ne, %convert_element_type3A_443, %cond3A_444 : i32
          scf.if %cond3A_445 {
            %gather3A_446 = tpu.vector_load_idx %arg28[%min3A_401] masked %and3A_437 : memref<4608xf32, #tpu.memory_space<vmem>>[vector<16xi32>], vector<16xf32>, vector<16xi1>
            %mul3A_447 = arith.mulf %gather3A_412, %gather3A : vector<16xf32>
            %mul3A_448 = arith.mulf %sub3A_416, %gather3A_446 : vector<16xf32>
            %add3A_449 = arith.addf %mul3A_447, %mul3A_448 : vector<16xf32>
            tpu.vector_store_idx %arg28[%min3A_401], %add3A_449 masked %and3A_437 : memref<4608xf32, #tpu.memory_space<vmem>>[vector<16xi32>], vector<16xf32>, vector<16xi1>
            %gather3A_450 = tpu.vector_load_idx %arg29[%min3A_401] masked %and3A_437 : memref<4608xf32, #tpu.memory_space<vmem>>[vector<16xi32>], vector<16xf32>, vector<16xi1>
            %mul3A_451 = arith.mulf %gather3A_412, %gather3A_410 : vector<16xf32>
            %mul3A_452 = arith.mulf %sub3A_416, %gather3A_450 : vector<16xf32>
            %add3A_453 = arith.addf %mul3A_451, %mul3A_452 : vector<16xf32>
            tpu.vector_store_idx %arg29[%min3A_401], %add3A_453 masked %and3A_437 : memref<4608xf32, #tpu.memory_space<vmem>>[vector<16xi32>], vector<16xf32>, vector<16xi1>
            %gather3A_454 = tpu.vector_load_idx %arg30[%min3A_401] masked %and3A_437 : memref<4608xf32, #tpu.memory_space<vmem>>[vector<16xi32>], vector<16xf32>, vector<16xi1>
            %mul3A_455 = arith.mulf %gather3A_412, %gather3A_411 : vector<16xf32>
            %mul3A_456 = arith.mulf %sub3A_416, %gather3A_454 : vector<16xf32>
            %add3A_457 = arith.addf %mul3A_455, %mul3A_456 : vector<16xf32>
            tpu.vector_store_idx %arg30[%min3A_401], %add3A_457 masked %and3A_437 : memref<4608xf32, #tpu.memory_space<vmem>>[vector<16xi32>], vector<16xf32>, vector<16xi1>
            %gather3A_458 = tpu.vector_load_idx %arg31[%min3A_401] masked %and3A_437 : memref<4608xf32, #tpu.memory_space<vmem>>[vector<16xi32>], vector<16xf32>, vector<16xi1>
            %mul3A_459 = arith.mulf %sub3A_416, %gather3A_458 : vector<16xf32>
            %add3A_460 = arith.addf %gather3A_412, %mul3A_459 : vector<16xf32>
            tpu.vector_store_idx %arg31[%min3A_401], %add3A_460 masked %and3A_437 : memref<4608xf32, #tpu.memory_space<vmem>>[vector<16xi32>], vector<16xf32>, vector<16xi1>
            tpu.vector_store_idx %arg32[%min3A_401], %gather3A_413 masked %and3A_437 : memref<4608xf32, #tpu.memory_space<vmem>>[vector<16xi32>], vector<16xf32>, vector<16xi1>
          } else {
          }
        }
        %scan3A_433 = arith.constant 16 : i32
      } else {
      }
    }
    %while3A_116 = arith.constant 1 : i32
    scf.for %while3A_390 = %while3A_114 to %while3A_110 step %while3A_116  : i32 {
      %mul3A_391 = arith.constant 16 : i32
      %mul3A_392 = arith.muli %while3A_390, %mul3A_391 : i32
      %add3A_393 = vector.broadcast %mul3A_392 : i32 to vector<16xi32>
      %add3A_394 = arith.addi %add3A_393, %iota3A : vector<16xi32>
      %lt3A = vector.broadcast %scan3A_68 : i32 to vector<16xi32>
      %lt3A_395 = arith.cmpi slt, %add3A_394, %lt3A : vector<16xi32>
      %get3A_396 = arith.index_cast %mul3A_392 : i32 to index
      %get3A_397 = tpu.vector_load %arg25[%get3A_396] {strides = array<i32>} : memref<4112xi32, #tpu.memory_space<vmem>>, vector<16xi32>,
      %jit3A_398 = arith.constant 0 : i32
      %jit3A_399 = arith.constant 4607 : i32
      %max3A = vector.broadcast %jit3A_398 : i32 to vector<16xi32>
      %max3A_400 = arith.maxsi %max3A, %get3A_397 : vector<16xi32>
      %min3A = vector.broadcast %jit3A_399 : i32 to vector<16xi32>
      %min3A_401 = arith.minsi %min3A, %max3A_400 : vector<16xi32>
      %get3A_402 = arith.index_cast %mul3A_392 : i32 to index
      %get3A_403 = tpu.vector_load %arg26[%get3A_402] {strides = array<i32>} : memref<4112xi32, #tpu.memory_space<vmem>>, vector<16xi32>,
      %jit3A_404 = arith.constant 0 : i32
      %jit3A_405 = arith.constant 4095 : i32
      %max3A_406 = vector.broadcast %jit3A_404 : i32 to vector<16xi32>
      %max3A_407 = arith.maxsi %max3A_406, %get3A_403 : vector<16xi32>
      %min3A_408 = vector.broadcast %jit3A_405 : i32 to vector<16xi32>
      %min3A_409 = arith.minsi %min3A_408, %max3A_407 : vector<16xi32>
      %gather3A = tpu.vector_load_idx %arg13[%min3A_409] masked %lt3A_395 : memref<4096xf32, #tpu.memory_space<vmem>>[vector<16xi32>], vector<16xf32>, vector<16xi1>
      %gather3A_410 = tpu.vector_load_idx %arg14[%min3A_409] masked %lt3A_395 : memref<4096xf32, #tpu.memory_space<vmem>>[vector<16xi32>], vector<16xf32>, vector<16xi1>
      %gather3A_411 = tpu.vector_load_idx %arg15[%min3A_409] masked %lt3A_395 : memref<4096xf32, #tpu.memory_space<vmem>>[vector<16xi32>], vector<16xf32>, vector<16xi1>
      %gather3A_412 = tpu.vector_load_idx %arg16[%min3A_409] masked %lt3A_395 : memref<4096xf32, #tpu.memory_space<vmem>>[vector<16xi32>], vector<16xf32>, vector<16xi1>
      %gather3A_413 = tpu.vector_load_idx %arg17[%min3A_409] masked %lt3A_395 : memref<4096xf32, #tpu.memory_space<vmem>>[vector<16xi32>], vector<16xf32>, vector<16xi1>
      %sub3A_414 = arith.constant 1.000000e+00 : f32
      %sub3A_415 = vector.broadcast %sub3A_414 : f32 to vector<16xf32>
      %sub3A_416 = arith.subf %sub3A_415, %gather3A_412 : vector<16xf32>
      tpu.vector_store_idx %arg27[%min3A_401], %iota3A masked %lt3A_395 : memref<4608xi32, #tpu.memory_space<vmem>>[vector<16xi32>], vector<16xi32>, vector<16xi1>
      %gather3A_417 = tpu.vector_load_idx %arg27[%min3A_401] masked %lt3A_395 : memref<4608xi32, #tpu.memory_space<vmem>>[vector<16xi32>], vector<16xi32>, vector<16xi1>
      %ne3A_418 = arith.cmpi ne, %gather3A_417, %iota3A : vector<16xi32>
      %and3A_419 = arith.andi %ne3A_418, %lt3A_395 : vector<16xi1>
      %all_reduce_population_count3A = tpu.all_reduce %and3A_419 {dim = 0 : i64, kind = #tpu.reduction_kind<sum>} : vector<16xi1> -> vector<16xi32>
      %slice3A_420 = vector.extract_strided_slice %all_reduce_population_count3A {offsets = [0], sizes = [1], strides = [1]} : vector<16xi32> to vector<1xi32>
      %squeeze3A_421 = vector.extract %slice3A_420[0] : i32 from vector<1xi32>
      %eq3A = arith.constant 0 : i32
      %eq3A_422 = arith.cmpi eq, %squeeze3A_421, %eq3A : i32
      %convert_element_type3A = arith.extui %eq3A_422 : i1 to i32
      %cond3A = arith.constant 0 : i32
      %cond3A_423 = arith.cmpi ne, %convert_element_type3A, %cond3A : i32
      scf.if %cond3A_423 {
        %gather3A_428 = tpu.vector_load_idx %arg28[%min3A_401] masked %lt3A_395 : memref<4608xf32, #tpu.memory_space<vmem>>[vector<16xi32>], vector<16xf32>, vector<16xi1>
        %mul3A_429 = arith.mulf %gather3A_412, %gather3A : vector<16xf32>
        %mul3A_430 = arith.mulf %sub3A_416, %gather3A_428 : vector<16xf32>
        %add3A_431 = arith.addf %mul3A_429, %mul3A_430 : vector<16xf32>
        tpu.vector_store_idx %arg28[%min3A_401], %add3A_431 masked %lt3A_395 : memref<4608xf32, #tpu.memory_space<vmem>>[vector<16xi32>], vector<16xf32>, vector<16xi1>
        %gather3A_432 = tpu.vector_load_idx %arg29[%min3A_401] masked %lt3A_395 : memref<4608xf32, #tpu.memory_space<vmem>>[vector<16xi32>], vector<16xf32>, vector<16xi1>
        %mul3A_433 = arith.mulf %gather3A_412, %gather3A_410 : vector<16xf32>
        %mul3A_434 = arith.mulf %sub3A_416, %gather3A_432 : vector<16xf32>
        %add3A_435 = arith.addf %mul3A_433, %mul3A_434 : vector<16xf32>
        tpu.vector_store_idx %arg29[%min3A_401], %add3A_435 masked %lt3A_395 : memref<4608xf32, #tpu.memory_space<vmem>>[vector<16xi32>], vector<16xf32>, vector<16xi1>
        %gather3A_436 = tpu.vector_load_idx %arg30[%min3A_401] masked %lt3A_395 : memref<4608xf32, #tpu.memory_space<vmem>>[vector<16xi32>], vector<16xf32>, vector<16xi1>
        %mul3A_437 = arith.mulf %gather3A_412, %gather3A_411 : vector<16xf32>
        %mul3A_438 = arith.mulf %sub3A_416, %gather3A_436 : vector<16xf32>
        %add3A_439 = arith.addf %mul3A_437, %mul3A_438 : vector<16xf32>
        tpu.vector_store_idx %arg30[%min3A_401], %add3A_439 masked %lt3A_395 : memref<4608xf32, #tpu.memory_space<vmem>>[vector<16xi32>], vector<16xf32>, vector<16xi1>
        %gather3A_440 = tpu.vector_load_idx %arg31[%min3A_401] masked %lt3A_395 : memref<4608xf32, #tpu.memory_space<vmem>>[vector<16xi32>], vector<16xf32>, vector<16xi1>
        %mul3A_441 = arith.mulf %sub3A_416, %gather3A_440 : vector<16xf32>
        %add3A_442 = arith.addf %gather3A_412, %mul3A_441 : vector<16xf32>
        tpu.vector_store_idx %arg31[%min3A_401], %add3A_442 masked %lt3A_395 : memref<4608xf32, #tpu.memory_space<vmem>>[vector<16xi32>], vector<16xf32>, vector<16xi1>
        tpu.vector_store_idx %arg32[%min3A_401], %gather3A_413 masked %lt3A_395 : memref<4608xf32, #tpu.memory_space<vmem>>[vector<16xi32>], vector<16xf32>, vector<16xi1>
      } else {
      }
      %gt3A = arith.constant 0 : i32
      %gt3A_424 = arith.cmpi sgt, %squeeze3A_421, %gt3A : i32
      %convert_element_type3A_425 = arith.extui %gt3A_424 : i1 to i32
      %cond3A_426 = arith.constant 0 : i32
      %cond3A_427 = arith.cmpi ne, %convert_element_type3A_425, %cond3A_426 : i32
      scf.if %cond3A_427 {
        %scan3A_428 = arith.constant 0 : i32
        %scan3A_429 = arith.constant 0 : i32
        %scan3A_430 = arith.constant 16 : i32
        %scan3A_431 = arith.addi %scan3A_429, %scan3A_430 : i32
        %scan3A_432 = arith.constant 1 : i32
        scf.for %scan3A_434 = %scan3A_429 to %scan3A_431 step %scan3A_432  : i32 {
          %eq3A_435 = vector.broadcast %scan3A_434 : i32 to vector<16xi32>
          %eq3A_436 = arith.cmpi eq, %iota3A, %eq3A_435 : vector<16xi32>
          %and3A_437 = arith.andi %lt3A_395, %eq3A_436 : vector<16xi1>
          %all_reduce_population_count3A_438 = tpu.all_reduce %and3A_437 {dim = 0 : i64, kind = #tpu.reduction_kind<sum>} : vector<16xi1> -> vector<16xi32>
          %slice3A_439 = vector.extract_strided_slice %all_reduce_population_count3A_438 {offsets = [0], sizes = [1], strides = [1]} : vector<16xi32> to vector<1xi32>
          %squeeze3A_440 = vector.extract %slice3A_439[0] : i32 from vector<1xi32>
          %gt3A_441 = arith.constant 0 : i32
          %gt3A_442 = arith.cmpi sgt, %squeeze3A_440, %gt3A_441 : i32
          %convert_element_type3A_443 = arith.extui %gt3A_442 : i1 to i32
          %cond3A_444 = arith.constant 0 : i32
          %cond3A_445 = arith.cmpi ne, %convert_element_type3A_443, %cond3A_444 : i32
          scf.if %cond3A_445 {
            %gather3A_446 = tpu.vector_load_idx %arg28[%min3A_401] masked %and3A_437 : memref<4608xf32, #tpu.memory_space<vmem>>[vector<16xi32>], vector<16xf32>, vector<16xi1>
            %mul3A_447 = arith.mulf %gather3A_412, %gather3A : vector<16xf32>
            %mul3A_448 = arith.mulf %sub3A_416, %gather3A_446 : vector<16xf32>
            %add3A_449 = arith.addf %mul3A_447, %mul3A_448 : vector<16xf32>
            tpu.vector_store_idx %arg28[%min3A_401], %add3A_449 masked %and3A_437 : memref<4608xf32, #tpu.memory_space<vmem>>[vector<16xi32>], vector<16xf32>, vector<16xi1>
            %gather3A_450 = tpu.vector_load_idx %arg29[%min3A_401] masked %and3A_437 : memref<4608xf32, #tpu.memory_space<vmem>>[vector<16xi32>], vector<16xf32>, vector<16xi1>
            %mul3A_451 = arith.mulf %gather3A_412, %gather3A_410 : vector<16xf32>
            %mul3A_452 = arith.mulf %sub3A_416, %gather3A_450 : vector<16xf32>
            %add3A_453 = arith.addf %mul3A_451, %mul3A_452 : vector<16xf32>
            tpu.vector_store_idx %arg29[%min3A_401], %add3A_453 masked %and3A_437 : memref<4608xf32, #tpu.memory_space<vmem>>[vector<16xi32>], vector<16xf32>, vector<16xi1>
            %gather3A_454 = tpu.vector_load_idx %arg30[%min3A_401] masked %and3A_437 : memref<4608xf32, #tpu.memory_space<vmem>>[vector<16xi32>], vector<16xf32>, vector<16xi1>
            %mul3A_455 = arith.mulf %gather3A_412, %gather3A_411 : vector<16xf32>
            %mul3A_456 = arith.mulf %sub3A_416, %gather3A_454 : vector<16xf32>
            %add3A_457 = arith.addf %mul3A_455, %mul3A_456 : vector<16xf32>
            tpu.vector_store_idx %arg30[%min3A_401], %add3A_457 masked %and3A_437 : memref<4608xf32, #tpu.memory_space<vmem>>[vector<16xi32>], vector<16xf32>, vector<16xi1>
            %gather3A_458 = tpu.vector_load_idx %arg31[%min3A_401] masked %and3A_437 : memref<4608xf32, #tpu.memory_space<vmem>>[vector<16xi32>], vector<16xf32>, vector<16xi1>
            %mul3A_459 = arith.mulf %sub3A_416, %gather3A_458 : vector<16xf32>
            %add3A_460 = arith.addf %gather3A_412, %mul3A_459 : vector<16xf32>
            tpu.vector_store_idx %arg31[%min3A_401], %add3A_460 masked %and3A_437 : memref<4608xf32, #tpu.memory_space<vmem>>[vector<16xi32>], vector<16xf32>, vector<16xi1>
            tpu.vector_store_idx %arg32[%min3A_401], %gather3A_413 masked %and3A_437 : memref<4608xf32, #tpu.memory_space<vmem>>[vector<16xi32>], vector<16xf32>, vector<16xi1>
          } else {
          }
        }
        %scan3A_433 = arith.constant 16 : i32
      } else {
      }
    }
    %dma_start3A_117 = arith.constant 8192 : i32
    %dma_start3A_118 = tpu.memref_slice %arg2[%dma_start3A_117] : memref<16384xi32, #tpu.memory_space<hbm>> -> memref<4096xi32, #tpu.memory_space<hbm>>
    %dma_start3A_119 = arith.constant 8192 : i32
    %dma_start3A_120 = tpu.memref_slice %arg2[%dma_start3A_119] : memref<16384xi32, #tpu.memory_space<hbm>> -> memref<4096xi32, #tpu.memory_space<hbm>>
    tpu.enqueue_dma source(%dma_start3A_120 : memref<4096xi32, #tpu.memory_space<hbm>>) target(%arg12 : memref<4096xi32, #tpu.memory_space<vmem>>) target_semaphore(%arg33 : memref<!tpu.dma_semaphore, #tpu.memory_space<semaphore_mem>>)
    %dma_start3A_121 = arith.constant 8192 : i32
    %dma_start3A_122 = tpu.memref_slice %arg3[%dma_start3A_121] : memref<16384xf32, #tpu.memory_space<hbm>> -> memref<4096xf32, #tpu.memory_space<hbm>>
    %dma_start3A_123 = arith.constant 8192 : i32
    %dma_start3A_124 = tpu.memref_slice %arg3[%dma_start3A_123] : memref<16384xf32, #tpu.memory_space<hbm>> -> memref<4096xf32, #tpu.memory_space<hbm>>
    tpu.enqueue_dma source(%dma_start3A_124 : memref<4096xf32, #tpu.memory_space<hbm>>) target(%arg13 : memref<4096xf32, #tpu.memory_space<vmem>>) target_semaphore(%arg34 : memref<!tpu.dma_semaphore, #tpu.memory_space<semaphore_mem>>)
    %dma_start3A_125 = arith.constant 8192 : i32
    %dma_start3A_126 = tpu.memref_slice %arg4[%dma_start3A_125] : memref<16384xf32, #tpu.memory_space<hbm>> -> memref<4096xf32, #tpu.memory_space<hbm>>
    %dma_start3A_127 = arith.constant 8192 : i32
    %dma_start3A_128 = tpu.memref_slice %arg4[%dma_start3A_127] : memref<16384xf32, #tpu.memory_space<hbm>> -> memref<4096xf32, #tpu.memory_space<hbm>>
    tpu.enqueue_dma source(%dma_start3A_128 : memref<4096xf32, #tpu.memory_space<hbm>>) target(%arg14 : memref<4096xf32, #tpu.memory_space<vmem>>) target_semaphore(%arg34 : memref<!tpu.dma_semaphore, #tpu.memory_space<semaphore_mem>>)
    %dma_start3A_129 = arith.constant 8192 : i32
    %dma_start3A_130 = tpu.memref_slice %arg5[%dma_start3A_129] : memref<16384xf32, #tpu.memory_space<hbm>> -> memref<4096xf32, #tpu.memory_space<hbm>>
    %dma_start3A_131 = arith.constant 8192 : i32
    %dma_start3A_132 = tpu.memref_slice %arg5[%dma_start3A_131] : memref<16384xf32, #tpu.memory_space<hbm>> -> memref<4096xf32, #tpu.memory_space<hbm>>
    tpu.enqueue_dma source(%dma_start3A_132 : memref<4096xf32, #tpu.memory_space<hbm>>) target(%arg15 : memref<4096xf32, #tpu.memory_space<vmem>>) target_semaphore(%arg34 : memref<!tpu.dma_semaphore, #tpu.memory_space<semaphore_mem>>)
    %dma_start3A_133 = arith.constant 8192 : i32
    %dma_start3A_134 = tpu.memref_slice %arg6[%dma_start3A_133] : memref<16384xf32, #tpu.memory_space<hbm>> -> memref<4096xf32, #tpu.memory_space<hbm>>
    %dma_start3A_135 = arith.constant 8192 : i32
    %dma_start3A_136 = tpu.memref_slice %arg6[%dma_start3A_135] : memref<16384xf32, #tpu.memory_space<hbm>> -> memref<4096xf32, #tpu.memory_space<hbm>>
    tpu.enqueue_dma source(%dma_start3A_136 : memref<4096xf32, #tpu.memory_space<hbm>>) target(%arg16 : memref<4096xf32, #tpu.memory_space<vmem>>) target_semaphore(%arg34 : memref<!tpu.dma_semaphore, #tpu.memory_space<semaphore_mem>>)
    %dma_start3A_137 = arith.constant 8192 : i32
    %dma_start3A_138 = tpu.memref_slice %arg7[%dma_start3A_137] : memref<16384xf32, #tpu.memory_space<hbm>> -> memref<4096xf32, #tpu.memory_space<hbm>>
    %dma_start3A_139 = arith.constant 8192 : i32
    %dma_start3A_140 = tpu.memref_slice %arg7[%dma_start3A_139] : memref<16384xf32, #tpu.memory_space<hbm>> -> memref<4096xf32, #tpu.memory_space<hbm>>
    tpu.enqueue_dma source(%dma_start3A_140 : memref<4096xf32, #tpu.memory_space<hbm>>) target(%arg17 : memref<4096xf32, #tpu.memory_space<vmem>>) target_semaphore(%arg34 : memref<!tpu.dma_semaphore, #tpu.memory_space<semaphore_mem>>)
    %dma_wait3A_141 = arith.constant 4096 : i32
    %dma_wait3A_142 = tpu.memref_slice %arg2[%dma_wait3A_141] : memref<16384xi32, #tpu.memory_space<hbm>> -> memref<4096xi32, #tpu.memory_space<hbm>>
    %dma_wait3A_143 = arith.constant 4096 : i32
    %dma_wait3A_144 = tpu.memref_slice %arg2[%dma_wait3A_143] : memref<16384xi32, #tpu.memory_space<hbm>> -> memref<4096xi32, #tpu.memory_space<hbm>>
    tpu.wait_dma2 semaphore(%arg35 : memref<!tpu.dma_semaphore, #tpu.memory_space<semaphore_mem>>) src(%dma_wait3A_144 : memref<4096xi32, #tpu.memory_space<hbm>>) dst(%arg18 : memref<4096xi32, #tpu.memory_space<vmem>>)
    %scan3A_145 = arith.constant 0 : i32
    %scan3A_146 = arith.constant 0 : i32
    %scan3A_147 = arith.constant 256 : i32
    %scan3A_148 = arith.addi %scan3A_146, %scan3A_147 : i32
    %scan3A_149 = arith.constant 8 : i32
    %scan3A_150 = scf.for %scan3A_390 = %scan3A_146 to %scan3A_148 step %scan3A_149 iter_args(%scan3A_391 = %scan3A_145) -> (i32)  : i32 {
      %mul3A_392 = arith.constant 16 : i32
      %mul3A_393 = arith.muli %scan3A_390, %mul3A_392 : i32
      %get3A_394 = arith.index_cast %mul3A_393 : i32 to index
      %get3A_395 = tpu.vector_load %arg18[%get3A_394] {strides = array<i32>} : memref<4096xi32, #tpu.memory_space<vmem>>, vector<16xi32>,
      %sub3A_396 = vector.broadcast %mul3A_2 : i32 to vector<16xi32>
      %sub3A_397 = arith.subi %get3A_395, %sub3A_396 : vector<16xi32>
      %bitcast3A = vector.bitcast %sub3A_397 : vector<16xi32> to vector<16xi32>
      %lt3A = arith.constant 4608 : i32
      %lt3A_398 = vector.broadcast %lt3A : i32 to vector<16xi32>
      %lt3A_399 = arith.cmpi ult, %bitcast3A, %lt3A_398 : vector<16xi32>
      %swap3A = arith.index_cast %scan3A_391 : i32 to index
      %swap3A_400 = tpu.vector_load %arg25[%swap3A] masked %lt3A_399 {strides = array<i32>} : memref<4112xi32, #tpu.memory_space<vmem>>, vector<16xi32>, vector<16xi1>
      tpu.vector_store %arg25[%swap3A], %sub3A_397 masked %lt3A_399 {strides = array<i32>} : memref<4112xi32, #tpu.memory_space<vmem>>, vector<16xi32>, vector<16xi1>
      %add3A_401 = vector.broadcast %mul3A_393 : i32 to vector<16xi32>
      %add3A_402 = arith.addi %add3A_401, %iota3A : vector<16xi32>
      %swap3A_403 = arith.index_cast %scan3A_391 : i32 to index
      %swap3A_404 = tpu.vector_load %arg26[%swap3A_403] masked %lt3A_399 {strides = array<i32>} : memref<4112xi32, #tpu.memory_space<vmem>>, vector<16xi32>, vector<16xi1>
      tpu.vector_store %arg26[%swap3A_403], %add3A_402 masked %lt3A_399 {strides = array<i32>} : memref<4112xi32, #tpu.memory_space<vmem>>, vector<16xi32>, vector<16xi1>
      %all_reduce_population_count3A = tpu.all_reduce %lt3A_399 {dim = 0 : i64, kind = #tpu.reduction_kind<sum>} : vector<16xi1> -> vector<16xi32>
      %slice3A_405 = vector.extract_strided_slice %all_reduce_population_count3A {offsets = [0], sizes = [1], strides = [1]} : vector<16xi32> to vector<1xi32>
      %squeeze3A_406 = vector.extract %slice3A_405[0] : i32 from vector<1xi32>
      %add3A_407 = arith.addi %scan3A_391, %squeeze3A_406 : i32
      %scan3A_408 = arith.constant 1 : i32
      %scan3A_409 = arith.addi %scan3A_390, %scan3A_408 : i32
      %mul3A_410 = arith.constant 16 : i32
      %mul3A_411 = arith.muli %scan3A_409, %mul3A_410 : i32
      %get3A_412 = arith.index_cast %mul3A_411 : i32 to index
      %get3A_413 = tpu.vector_load %arg18[%get3A_412] {strides = array<i32>} : memref<4096xi32, #tpu.memory_space<vmem>>, vector<16xi32>,
      %sub3A_414 = vector.broadcast %mul3A_2 : i32 to vector<16xi32>
      %sub3A_415 = arith.subi %get3A_413, %sub3A_414 : vector<16xi32>
      %bitcast3A_416 = vector.bitcast %sub3A_415 : vector<16xi32> to vector<16xi32>
      %lt3A_417 = arith.constant 4608 : i32
      %lt3A_418 = vector.broadcast %lt3A_417 : i32 to vector<16xi32>
      %lt3A_419 = arith.cmpi ult, %bitcast3A_416, %lt3A_418 : vector<16xi32>
      %swap3A_420 = arith.index_cast %add3A_407 : i32 to index
      %swap3A_421 = tpu.vector_load %arg25[%swap3A_420] masked %lt3A_419 {strides = array<i32>} : memref<4112xi32, #tpu.memory_space<vmem>>, vector<16xi32>, vector<16xi1>
      tpu.vector_store %arg25[%swap3A_420], %sub3A_415 masked %lt3A_419 {strides = array<i32>} : memref<4112xi32, #tpu.memory_space<vmem>>, vector<16xi32>, vector<16xi1>
      %add3A_422 = vector.broadcast %mul3A_411 : i32 to vector<16xi32>
      %add3A_423 = arith.addi %add3A_422, %iota3A : vector<16xi32>
      %swap3A_424 = arith.index_cast %add3A_407 : i32 to index
      %swap3A_425 = tpu.vector_load %arg26[%swap3A_424] masked %lt3A_419 {strides = array<i32>} : memref<4112xi32, #tpu.memory_space<vmem>>, vector<16xi32>, vector<16xi1>
      tpu.vector_store %arg26[%swap3A_424], %add3A_423 masked %lt3A_419 {strides = array<i32>} : memref<4112xi32, #tpu.memory_space<vmem>>, vector<16xi32>, vector<16xi1>
      %all_reduce_population_count3A_426 = tpu.all_reduce %lt3A_419 {dim = 0 : i64, kind = #tpu.reduction_kind<sum>} : vector<16xi1> -> vector<16xi32>
      %slice3A_427 = vector.extract_strided_slice %all_reduce_population_count3A_426 {offsets = [0], sizes = [1], strides = [1]} : vector<16xi32> to vector<1xi32>
      %squeeze3A_428 = vector.extract %slice3A_427[0] : i32 from vector<1xi32>
      %add3A_429 = arith.addi %add3A_407, %squeeze3A_428 : i32
      %scan3A_430 = arith.constant 2 : i32
      %scan3A_431 = arith.addi %scan3A_390, %scan3A_430 : i32
      %mul3A_432 = arith.constant 16 : i32
      %mul3A_433 = arith.muli %scan3A_431, %mul3A_432 : i32
      %get3A_434 = arith.index_cast %mul3A_433 : i32 to index
      %get3A_435 = tpu.vector_load %arg18[%get3A_434] {strides = array<i32>} : memref<4096xi32, #tpu.memory_space<vmem>>, vector<16xi32>,
      %sub3A_436 = vector.broadcast %mul3A_2 : i32 to vector<16xi32>
      %sub3A_437 = arith.subi %get3A_435, %sub3A_436 : vector<16xi32>
      %bitcast3A_438 = vector.bitcast %sub3A_437 : vector<16xi32> to vector<16xi32>
      %lt3A_439 = arith.constant 4608 : i32
      %lt3A_440 = vector.broadcast %lt3A_439 : i32 to vector<16xi32>
      %lt3A_441 = arith.cmpi ult, %bitcast3A_438, %lt3A_440 : vector<16xi32>
      %swap3A_442 = arith.index_cast %add3A_429 : i32 to index
      %swap3A_443 = tpu.vector_load %arg25[%swap3A_442] masked %lt3A_441 {strides = array<i32>} : memref<4112xi32, #tpu.memory_space<vmem>>, vector<16xi32>, vector<16xi1>
      tpu.vector_store %arg25[%swap3A_442], %sub3A_437 masked %lt3A_441 {strides = array<i32>} : memref<4112xi32, #tpu.memory_space<vmem>>, vector<16xi32>, vector<16xi1>
      %add3A_444 = vector.broadcast %mul3A_433 : i32 to vector<16xi32>
      %add3A_445 = arith.addi %add3A_444, %iota3A : vector<16xi32>
      %swap3A_446 = arith.index_cast %add3A_429 : i32 to index
      %swap3A_447 = tpu.vector_load %arg26[%swap3A_446] masked %lt3A_441 {strides = array<i32>} : memref<4112xi32, #tpu.memory_space<vmem>>, vector<16xi32>, vector<16xi1>
      tpu.vector_store %arg26[%swap3A_446], %add3A_445 masked %lt3A_441 {strides = array<i32>} : memref<4112xi32, #tpu.memory_space<vmem>>, vector<16xi32>, vector<16xi1>
      %all_reduce_population_count3A_448 = tpu.all_reduce %lt3A_441 {dim = 0 : i64, kind = #tpu.reduction_kind<sum>} : vector<16xi1> -> vector<16xi32>
      %slice3A_449 = vector.extract_strided_slice %all_reduce_population_count3A_448 {offsets = [0], sizes = [1], strides = [1]} : vector<16xi32> to vector<1xi32>
      %squeeze3A_450 = vector.extract %slice3A_449[0] : i32 from vector<1xi32>
      %add3A_451 = arith.addi %add3A_429, %squeeze3A_450 : i32
      %scan3A_452 = arith.constant 3 : i32
      %scan3A_453 = arith.addi %scan3A_390, %scan3A_452 : i32
      %mul3A_454 = arith.constant 16 : i32
      %mul3A_455 = arith.muli %scan3A_453, %mul3A_454 : i32
      %get3A_456 = arith.index_cast %mul3A_455 : i32 to index
      %get3A_457 = tpu.vector_load %arg18[%get3A_456] {strides = array<i32>} : memref<4096xi32, #tpu.memory_space<vmem>>, vector<16xi32>,
      %sub3A_458 = vector.broadcast %mul3A_2 : i32 to vector<16xi32>
      %sub3A_459 = arith.subi %get3A_457, %sub3A_458 : vector<16xi32>
      %bitcast3A_460 = vector.bitcast %sub3A_459 : vector<16xi32> to vector<16xi32>
      %lt3A_461 = arith.constant 4608 : i32
      %lt3A_462 = vector.broadcast %lt3A_461 : i32 to vector<16xi32>
      %lt3A_463 = arith.cmpi ult, %bitcast3A_460, %lt3A_462 : vector<16xi32>
      %swap3A_464 = arith.index_cast %add3A_451 : i32 to index
      %swap3A_465 = tpu.vector_load %arg25[%swap3A_464] masked %lt3A_463 {strides = array<i32>} : memref<4112xi32, #tpu.memory_space<vmem>>, vector<16xi32>, vector<16xi1>
      tpu.vector_store %arg25[%swap3A_464], %sub3A_459 masked %lt3A_463 {strides = array<i32>} : memref<4112xi32, #tpu.memory_space<vmem>>, vector<16xi32>, vector<16xi1>
      %add3A_466 = vector.broadcast %mul3A_455 : i32 to vector<16xi32>
      %add3A_467 = arith.addi %add3A_466, %iota3A : vector<16xi32>
      %swap3A_468 = arith.index_cast %add3A_451 : i32 to index
      %swap3A_469 = tpu.vector_load %arg26[%swap3A_468] masked %lt3A_463 {strides = array<i32>} : memref<4112xi32, #tpu.memory_space<vmem>>, vector<16xi32>, vector<16xi1>
      tpu.vector_store %arg26[%swap3A_468], %add3A_467 masked %lt3A_463 {strides = array<i32>} : memref<4112xi32, #tpu.memory_space<vmem>>, vector<16xi32>, vector<16xi1>
      %all_reduce_population_count3A_470 = tpu.all_reduce %lt3A_463 {dim = 0 : i64, kind = #tpu.reduction_kind<sum>} : vector<16xi1> -> vector<16xi32>
      %slice3A_471 = vector.extract_strided_slice %all_reduce_population_count3A_470 {offsets = [0], sizes = [1], strides = [1]} : vector<16xi32> to vector<1xi32>
      %squeeze3A_472 = vector.extract %slice3A_471[0] : i32 from vector<1xi32>
      %add3A_473 = arith.addi %add3A_451, %squeeze3A_472 : i32
      %scan3A_474 = arith.constant 4 : i32
      %scan3A_475 = arith.addi %scan3A_390, %scan3A_474 : i32
      %mul3A_476 = arith.constant 16 : i32
      %mul3A_477 = arith.muli %scan3A_475, %mul3A_476 : i32
      %get3A_478 = arith.index_cast %mul3A_477 : i32 to index
      %get3A_479 = tpu.vector_load %arg18[%get3A_478] {strides = array<i32>} : memref<4096xi32, #tpu.memory_space<vmem>>, vector<16xi32>,
      %sub3A_480 = vector.broadcast %mul3A_2 : i32 to vector<16xi32>
      %sub3A_481 = arith.subi %get3A_479, %sub3A_480 : vector<16xi32>
      %bitcast3A_482 = vector.bitcast %sub3A_481 : vector<16xi32> to vector<16xi32>
      %lt3A_483 = arith.constant 4608 : i32
      %lt3A_484 = vector.broadcast %lt3A_483 : i32 to vector<16xi32>
      %lt3A_485 = arith.cmpi ult, %bitcast3A_482, %lt3A_484 : vector<16xi32>
      %swap3A_486 = arith.index_cast %add3A_473 : i32 to index
      %swap3A_487 = tpu.vector_load %arg25[%swap3A_486] masked %lt3A_485 {strides = array<i32>} : memref<4112xi32, #tpu.memory_space<vmem>>, vector<16xi32>, vector<16xi1>
      tpu.vector_store %arg25[%swap3A_486], %sub3A_481 masked %lt3A_485 {strides = array<i32>} : memref<4112xi32, #tpu.memory_space<vmem>>, vector<16xi32>, vector<16xi1>
      %add3A_488 = vector.broadcast %mul3A_477 : i32 to vector<16xi32>
      %add3A_489 = arith.addi %add3A_488, %iota3A : vector<16xi32>
      %swap3A_490 = arith.index_cast %add3A_473 : i32 to index
      %swap3A_491 = tpu.vector_load %arg26[%swap3A_490] masked %lt3A_485 {strides = array<i32>} : memref<4112xi32, #tpu.memory_space<vmem>>, vector<16xi32>, vector<16xi1>
      tpu.vector_store %arg26[%swap3A_490], %add3A_489 masked %lt3A_485 {strides = array<i32>} : memref<4112xi32, #tpu.memory_space<vmem>>, vector<16xi32>, vector<16xi1>
      %all_reduce_population_count3A_492 = tpu.all_reduce %lt3A_485 {dim = 0 : i64, kind = #tpu.reduction_kind<sum>} : vector<16xi1> -> vector<16xi32>
      %slice3A_493 = vector.extract_strided_slice %all_reduce_population_count3A_492 {offsets = [0], sizes = [1], strides = [1]} : vector<16xi32> to vector<1xi32>
      %squeeze3A_494 = vector.extract %slice3A_493[0] : i32 from vector<1xi32>
      %add3A_495 = arith.addi %add3A_473, %squeeze3A_494 : i32
      %scan3A_496 = arith.constant 5 : i32
      %scan3A_497 = arith.addi %scan3A_390, %scan3A_496 : i32
      %mul3A_498 = arith.constant 16 : i32
      %mul3A_499 = arith.muli %scan3A_497, %mul3A_498 : i32
      %get3A_500 = arith.index_cast %mul3A_499 : i32 to index
      %get3A_501 = tpu.vector_load %arg18[%get3A_500] {strides = array<i32>} : memref<4096xi32, #tpu.memory_space<vmem>>, vector<16xi32>,
      %sub3A_502 = vector.broadcast %mul3A_2 : i32 to vector<16xi32>
      %sub3A_503 = arith.subi %get3A_501, %sub3A_502 : vector<16xi32>
      %bitcast3A_504 = vector.bitcast %sub3A_503 : vector<16xi32> to vector<16xi32>
      %lt3A_505 = arith.constant 4608 : i32
      %lt3A_506 = vector.broadcast %lt3A_505 : i32 to vector<16xi32>
      %lt3A_507 = arith.cmpi ult, %bitcast3A_504, %lt3A_506 : vector<16xi32>
      %swap3A_508 = arith.index_cast %add3A_495 : i32 to index
      %swap3A_509 = tpu.vector_load %arg25[%swap3A_508] masked %lt3A_507 {strides = array<i32>} : memref<4112xi32, #tpu.memory_space<vmem>>, vector<16xi32>, vector<16xi1>
      tpu.vector_store %arg25[%swap3A_508], %sub3A_503 masked %lt3A_507 {strides = array<i32>} : memref<4112xi32, #tpu.memory_space<vmem>>, vector<16xi32>, vector<16xi1>
      %add3A_510 = vector.broadcast %mul3A_499 : i32 to vector<16xi32>
      %add3A_511 = arith.addi %add3A_510, %iota3A : vector<16xi32>
      %swap3A_512 = arith.index_cast %add3A_495 : i32 to index
      %swap3A_513 = tpu.vector_load %arg26[%swap3A_512] masked %lt3A_507 {strides = array<i32>} : memref<4112xi32, #tpu.memory_space<vmem>>, vector<16xi32>, vector<16xi1>
      tpu.vector_store %arg26[%swap3A_512], %add3A_511 masked %lt3A_507 {strides = array<i32>} : memref<4112xi32, #tpu.memory_space<vmem>>, vector<16xi32>, vector<16xi1>
      %all_reduce_population_count3A_514 = tpu.all_reduce %lt3A_507 {dim = 0 : i64, kind = #tpu.reduction_kind<sum>} : vector<16xi1> -> vector<16xi32>
      %slice3A_515 = vector.extract_strided_slice %all_reduce_population_count3A_514 {offsets = [0], sizes = [1], strides = [1]} : vector<16xi32> to vector<1xi32>
      %squeeze3A_516 = vector.extract %slice3A_515[0] : i32 from vector<1xi32>
      %add3A_517 = arith.addi %add3A_495, %squeeze3A_516 : i32
      %scan3A_518 = arith.constant 6 : i32
      %scan3A_519 = arith.addi %scan3A_390, %scan3A_518 : i32
      %mul3A_520 = arith.constant 16 : i32
      %mul3A_521 = arith.muli %scan3A_519, %mul3A_520 : i32
      %get3A_522 = arith.index_cast %mul3A_521 : i32 to index
      %get3A_523 = tpu.vector_load %arg18[%get3A_522] {strides = array<i32>} : memref<4096xi32, #tpu.memory_space<vmem>>, vector<16xi32>,
      %sub3A_524 = vector.broadcast %mul3A_2 : i32 to vector<16xi32>
      %sub3A_525 = arith.subi %get3A_523, %sub3A_524 : vector<16xi32>
      %bitcast3A_526 = vector.bitcast %sub3A_525 : vector<16xi32> to vector<16xi32>
      %lt3A_527 = arith.constant 4608 : i32
      %lt3A_528 = vector.broadcast %lt3A_527 : i32 to vector<16xi32>
      %lt3A_529 = arith.cmpi ult, %bitcast3A_526, %lt3A_528 : vector<16xi32>
      %swap3A_530 = arith.index_cast %add3A_517 : i32 to index
      %swap3A_531 = tpu.vector_load %arg25[%swap3A_530] masked %lt3A_529 {strides = array<i32>} : memref<4112xi32, #tpu.memory_space<vmem>>, vector<16xi32>, vector<16xi1>
      tpu.vector_store %arg25[%swap3A_530], %sub3A_525 masked %lt3A_529 {strides = array<i32>} : memref<4112xi32, #tpu.memory_space<vmem>>, vector<16xi32>, vector<16xi1>
      %add3A_532 = vector.broadcast %mul3A_521 : i32 to vector<16xi32>
      %add3A_533 = arith.addi %add3A_532, %iota3A : vector<16xi32>
      %swap3A_534 = arith.index_cast %add3A_517 : i32 to index
      %swap3A_535 = tpu.vector_load %arg26[%swap3A_534] masked %lt3A_529 {strides = array<i32>} : memref<4112xi32, #tpu.memory_space<vmem>>, vector<16xi32>, vector<16xi1>
      tpu.vector_store %arg26[%swap3A_534], %add3A_533 masked %lt3A_529 {strides = array<i32>} : memref<4112xi32, #tpu.memory_space<vmem>>, vector<16xi32>, vector<16xi1>
      %all_reduce_population_count3A_536 = tpu.all_reduce %lt3A_529 {dim = 0 : i64, kind = #tpu.reduction_kind<sum>} : vector<16xi1> -> vector<16xi32>
      %slice3A_537 = vector.extract_strided_slice %all_reduce_population_count3A_536 {offsets = [0], sizes = [1], strides = [1]} : vector<16xi32> to vector<1xi32>
      %squeeze3A_538 = vector.extract %slice3A_537[0] : i32 from vector<1xi32>
      %add3A_539 = arith.addi %add3A_517, %squeeze3A_538 : i32
      %scan3A_540 = arith.constant 7 : i32
      %scan3A_541 = arith.addi %scan3A_390, %scan3A_540 : i32
      %mul3A_542 = arith.constant 16 : i32
      %mul3A_543 = arith.muli %scan3A_541, %mul3A_542 : i32
      %get3A_544 = arith.index_cast %mul3A_543 : i32 to index
      %get3A_545 = tpu.vector_load %arg18[%get3A_544] {strides = array<i32>} : memref<4096xi32, #tpu.memory_space<vmem>>, vector<16xi32>,
      %sub3A_546 = vector.broadcast %mul3A_2 : i32 to vector<16xi32>
      %sub3A_547 = arith.subi %get3A_545, %sub3A_546 : vector<16xi32>
      %bitcast3A_548 = vector.bitcast %sub3A_547 : vector<16xi32> to vector<16xi32>
      %lt3A_549 = arith.constant 4608 : i32
      %lt3A_550 = vector.broadcast %lt3A_549 : i32 to vector<16xi32>
      %lt3A_551 = arith.cmpi ult, %bitcast3A_548, %lt3A_550 : vector<16xi32>
      %swap3A_552 = arith.index_cast %add3A_539 : i32 to index
      %swap3A_553 = tpu.vector_load %arg25[%swap3A_552] masked %lt3A_551 {strides = array<i32>} : memref<4112xi32, #tpu.memory_space<vmem>>, vector<16xi32>, vector<16xi1>
      tpu.vector_store %arg25[%swap3A_552], %sub3A_547 masked %lt3A_551 {strides = array<i32>} : memref<4112xi32, #tpu.memory_space<vmem>>, vector<16xi32>, vector<16xi1>
      %add3A_554 = vector.broadcast %mul3A_543 : i32 to vector<16xi32>
      %add3A_555 = arith.addi %add3A_554, %iota3A : vector<16xi32>
      %swap3A_556 = arith.index_cast %add3A_539 : i32 to index
      %swap3A_557 = tpu.vector_load %arg26[%swap3A_556] masked %lt3A_551 {strides = array<i32>} : memref<4112xi32, #tpu.memory_space<vmem>>, vector<16xi32>, vector<16xi1>
      tpu.vector_store %arg26[%swap3A_556], %add3A_555 masked %lt3A_551 {strides = array<i32>} : memref<4112xi32, #tpu.memory_space<vmem>>, vector<16xi32>, vector<16xi1>
      %all_reduce_population_count3A_558 = tpu.all_reduce %lt3A_551 {dim = 0 : i64, kind = #tpu.reduction_kind<sum>} : vector<16xi1> -> vector<16xi32>
      %slice3A_559 = vector.extract_strided_slice %all_reduce_population_count3A_558 {offsets = [0], sizes = [1], strides = [1]} : vector<16xi32> to vector<1xi32>
      %squeeze3A_560 = vector.extract %slice3A_559[0] : i32 from vector<1xi32>
      %add3A_561 = arith.addi %add3A_539, %squeeze3A_560 : i32
      scf.yield %add3A_561 : i32
    }
    %scan3A_151 = arith.constant 256 : i32
    %dma_wait3A_152 = arith.constant 4096 : i32
    %dma_wait3A_153 = tpu.memref_slice %arg3[%dma_wait3A_152] : memref<16384xf32, #tpu.memory_space<hbm>> -> memref<4096xf32, #tpu.memory_space<hbm>>
    %dma_wait3A_154 = arith.constant 4096 : i32
    %dma_wait3A_155 = tpu.memref_slice %arg3[%dma_wait3A_154] : memref<16384xf32, #tpu.memory_space<hbm>> -> memref<4096xf32, #tpu.memory_space<hbm>>
    tpu.wait_dma2 semaphore(%arg36 : memref<!tpu.dma_semaphore, #tpu.memory_space<semaphore_mem>>) src(%dma_wait3A_155 : memref<4096xf32, #tpu.memory_space<hbm>>) dst(%arg19 : memref<4096xf32, #tpu.memory_space<vmem>>)
    %dma_wait3A_156 = arith.constant 4096 : i32
    %dma_wait3A_157 = tpu.memref_slice %arg4[%dma_wait3A_156] : memref<16384xf32, #tpu.memory_space<hbm>> -> memref<4096xf32, #tpu.memory_space<hbm>>
    %dma_wait3A_158 = arith.constant 4096 : i32
    %dma_wait3A_159 = tpu.memref_slice %arg4[%dma_wait3A_158] : memref<16384xf32, #tpu.memory_space<hbm>> -> memref<4096xf32, #tpu.memory_space<hbm>>
    tpu.wait_dma2 semaphore(%arg36 : memref<!tpu.dma_semaphore, #tpu.memory_space<semaphore_mem>>) src(%dma_wait3A_159 : memref<4096xf32, #tpu.memory_space<hbm>>) dst(%arg20 : memref<4096xf32, #tpu.memory_space<vmem>>)
    %dma_wait3A_160 = arith.constant 4096 : i32
    %dma_wait3A_161 = tpu.memref_slice %arg5[%dma_wait3A_160] : memref<16384xf32, #tpu.memory_space<hbm>> -> memref<4096xf32, #tpu.memory_space<hbm>>
    %dma_wait3A_162 = arith.constant 4096 : i32
    %dma_wait3A_163 = tpu.memref_slice %arg5[%dma_wait3A_162] : memref<16384xf32, #tpu.memory_space<hbm>> -> memref<4096xf32, #tpu.memory_space<hbm>>
    tpu.wait_dma2 semaphore(%arg36 : memref<!tpu.dma_semaphore, #tpu.memory_space<semaphore_mem>>) src(%dma_wait3A_163 : memref<4096xf32, #tpu.memory_space<hbm>>) dst(%arg21 : memref<4096xf32, #tpu.memory_space<vmem>>)
    %dma_wait3A_164 = arith.constant 4096 : i32
    %dma_wait3A_165 = tpu.memref_slice %arg6[%dma_wait3A_164] : memref<16384xf32, #tpu.memory_space<hbm>> -> memref<4096xf32, #tpu.memory_space<hbm>>
    %dma_wait3A_166 = arith.constant 4096 : i32
    %dma_wait3A_167 = tpu.memref_slice %arg6[%dma_wait3A_166] : memref<16384xf32, #tpu.memory_space<hbm>> -> memref<4096xf32, #tpu.memory_space<hbm>>
    tpu.wait_dma2 semaphore(%arg36 : memref<!tpu.dma_semaphore, #tpu.memory_space<semaphore_mem>>) src(%dma_wait3A_167 : memref<4096xf32, #tpu.memory_space<hbm>>) dst(%arg22 : memref<4096xf32, #tpu.memory_space<vmem>>)
    %dma_wait3A_168 = arith.constant 4096 : i32
    %dma_wait3A_169 = tpu.memref_slice %arg7[%dma_wait3A_168] : memref<16384xf32, #tpu.memory_space<hbm>> -> memref<4096xf32, #tpu.memory_space<hbm>>
    %dma_wait3A_170 = arith.constant 4096 : i32
    %dma_wait3A_171 = tpu.memref_slice %arg7[%dma_wait3A_170] : memref<16384xf32, #tpu.memory_space<hbm>> -> memref<4096xf32, #tpu.memory_space<hbm>>
    tpu.wait_dma2 semaphore(%arg36 : memref<!tpu.dma_semaphore, #tpu.memory_space<semaphore_mem>>) src(%dma_wait3A_171 : memref<4096xf32, #tpu.memory_space<hbm>>) dst(%arg23 : memref<4096xf32, #tpu.memory_space<vmem>>)
    %add3A_172 = arith.constant 15 : i32
    %add3A_173 = arith.addi %scan3A_150, %add3A_172 : i32
    %jit3A_174 = arith.constant 16 : i32
    %div3A_175 = arith.divsi %add3A_173, %jit3A_174 : i32
    %sign3A_176 = arith.constant 0 : i32
    %sign3A_177 = arith.cmpi sgt, %add3A_173, %sign3A_176 : i32
    %sign3A_178 = arith.extui %sign3A_177 : i1 to i32
    %sign3A_179 = arith.constant 0 : i32
    %sign3A_180 = arith.cmpi slt, %add3A_173, %sign3A_179 : i32
    %sign3A_181 = arith.extui %sign3A_180 : i1 to i32
    %sign3A_182 = arith.subi %sign3A_178, %sign3A_181 : i32
    %sign3A_183 = arith.constant 0 : i32
    %sign3A_184 = arith.cmpi sgt, %jit3A_174, %sign3A_183 : i32
    %sign3A_185 = arith.extui %sign3A_184 : i1 to i32
    %sign3A_186 = arith.constant 0 : i32
    %sign3A_187 = arith.cmpi slt, %jit3A_174, %sign3A_186 : i32
    %sign3A_188 = arith.extui %sign3A_187 : i1 to i32
    %sign3A_189 = arith.subi %sign3A_185, %sign3A_188 : i32
    %ne3A_190 = arith.cmpi ne, %sign3A_182, %sign3A_189 : i32
    %rem3A_191 = arith.remsi %add3A_173, %jit3A_174 : i32
    %ne3A_192 = arith.constant 0 : i32
    %ne3A_193 = arith.cmpi ne, %rem3A_191, %ne3A_192 : i32
    %and3A_194 = arith.andi %ne3A_190, %ne3A_193 : i1
    %sub3A_195 = arith.constant 1 : i32
    %sub3A_196 = arith.subi %div3A_175, %sub3A_195 : i32
    %select_n3A_197 = arith.select %and3A_194, %sub3A_196, %div3A_175 : i32
    %while3A_198 = arith.constant 0 : i32
    %while3A_199 = arith.constant 0 : i32
    %while3A_200 = arith.subi %select_n3A_197, %while3A_199 : i32
    %while3A_201 = arith.addi %while3A_199, %while3A_200 : i32
    %while3A_202 = arith.constant 1 : i32
    %while3A_203 = arith.divsi %while3A_200, %while3A_202 : i32
    %while3A_204 = arith.muli %while3A_203, %while3A_202 : i32
    %while3A_205 = arith.addi %while3A_199, %while3A_204 : i32
    %while3A_206 = arith.constant 1 : i32
    scf.for %while3A_390 = %while3A_199 to %while3A_205 step %while3A_206  : i32 {
      %mul3A_391 = arith.constant 16 : i32
      %mul3A_392 = arith.muli %while3A_390, %mul3A_391 : i32
      %add3A_393 = vector.broadcast %mul3A_392 : i32 to vector<16xi32>
      %add3A_394 = arith.addi %add3A_393, %iota3A : vector<16xi32>
      %lt3A = vector.broadcast %scan3A_150 : i32 to vector<16xi32>
      %lt3A_395 = arith.cmpi slt, %add3A_394, %lt3A : vector<16xi32>
      %get3A_396 = arith.index_cast %mul3A_392 : i32 to index
      %get3A_397 = tpu.vector_load %arg25[%get3A_396] {strides = array<i32>} : memref<4112xi32, #tpu.memory_space<vmem>>, vector<16xi32>,
      %jit3A_398 = arith.constant 0 : i32
      %jit3A_399 = arith.constant 4607 : i32
      %max3A = vector.broadcast %jit3A_398 : i32 to vector<16xi32>
      %max3A_400 = arith.maxsi %max3A, %get3A_397 : vector<16xi32>
      %min3A = vector.broadcast %jit3A_399 : i32 to vector<16xi32>
      %min3A_401 = arith.minsi %min3A, %max3A_400 : vector<16xi32>
      %get3A_402 = arith.index_cast %mul3A_392 : i32 to index
      %get3A_403 = tpu.vector_load %arg26[%get3A_402] {strides = array<i32>} : memref<4112xi32, #tpu.memory_space<vmem>>, vector<16xi32>,
      %jit3A_404 = arith.constant 0 : i32
      %jit3A_405 = arith.constant 4095 : i32
      %max3A_406 = vector.broadcast %jit3A_404 : i32 to vector<16xi32>
      %max3A_407 = arith.maxsi %max3A_406, %get3A_403 : vector<16xi32>
      %min3A_408 = vector.broadcast %jit3A_405 : i32 to vector<16xi32>
      %min3A_409 = arith.minsi %min3A_408, %max3A_407 : vector<16xi32>
      %gather3A = tpu.vector_load_idx %arg19[%min3A_409] masked %lt3A_395 : memref<4096xf32, #tpu.memory_space<vmem>>[vector<16xi32>], vector<16xf32>, vector<16xi1>
      %gather3A_410 = tpu.vector_load_idx %arg20[%min3A_409] masked %lt3A_395 : memref<4096xf32, #tpu.memory_space<vmem>>[vector<16xi32>], vector<16xf32>, vector<16xi1>
      %gather3A_411 = tpu.vector_load_idx %arg21[%min3A_409] masked %lt3A_395 : memref<4096xf32, #tpu.memory_space<vmem>>[vector<16xi32>], vector<16xf32>, vector<16xi1>
      %gather3A_412 = tpu.vector_load_idx %arg22[%min3A_409] masked %lt3A_395 : memref<4096xf32, #tpu.memory_space<vmem>>[vector<16xi32>], vector<16xf32>, vector<16xi1>
      %gather3A_413 = tpu.vector_load_idx %arg23[%min3A_409] masked %lt3A_395 : memref<4096xf32, #tpu.memory_space<vmem>>[vector<16xi32>], vector<16xf32>, vector<16xi1>
      %sub3A_414 = arith.constant 1.000000e+00 : f32
      %sub3A_415 = vector.broadcast %sub3A_414 : f32 to vector<16xf32>
      %sub3A_416 = arith.subf %sub3A_415, %gather3A_412 : vector<16xf32>
      tpu.vector_store_idx %arg27[%min3A_401], %iota3A masked %lt3A_395 : memref<4608xi32, #tpu.memory_space<vmem>>[vector<16xi32>], vector<16xi32>, vector<16xi1>
      %gather3A_417 = tpu.vector_load_idx %arg27[%min3A_401] masked %lt3A_395 : memref<4608xi32, #tpu.memory_space<vmem>>[vector<16xi32>], vector<16xi32>, vector<16xi1>
      %ne3A_418 = arith.cmpi ne, %gather3A_417, %iota3A : vector<16xi32>
      %and3A_419 = arith.andi %ne3A_418, %lt3A_395 : vector<16xi1>
      %all_reduce_population_count3A = tpu.all_reduce %and3A_419 {dim = 0 : i64, kind = #tpu.reduction_kind<sum>} : vector<16xi1> -> vector<16xi32>
      %slice3A_420 = vector.extract_strided_slice %all_reduce_population_count3A {offsets = [0], sizes = [1], strides = [1]} : vector<16xi32> to vector<1xi32>
      %squeeze3A_421 = vector.extract %slice3A_420[0] : i32 from vector<1xi32>
      %eq3A = arith.constant 0 : i32
      %eq3A_422 = arith.cmpi eq, %squeeze3A_421, %eq3A : i32
      %convert_element_type3A = arith.extui %eq3A_422 : i1 to i32
      %cond3A = arith.constant 0 : i32
      %cond3A_423 = arith.cmpi ne, %convert_element_type3A, %cond3A : i32
      scf.if %cond3A_423 {
        %gather3A_428 = tpu.vector_load_idx %arg28[%min3A_401] masked %lt3A_395 : memref<4608xf32, #tpu.memory_space<vmem>>[vector<16xi32>], vector<16xf32>, vector<16xi1>
        %mul3A_429 = arith.mulf %gather3A_412, %gather3A : vector<16xf32>
        %mul3A_430 = arith.mulf %sub3A_416, %gather3A_428 : vector<16xf32>
        %add3A_431 = arith.addf %mul3A_429, %mul3A_430 : vector<16xf32>
        tpu.vector_store_idx %arg28[%min3A_401], %add3A_431 masked %lt3A_395 : memref<4608xf32, #tpu.memory_space<vmem>>[vector<16xi32>], vector<16xf32>, vector<16xi1>
        %gather3A_432 = tpu.vector_load_idx %arg29[%min3A_401] masked %lt3A_395 : memref<4608xf32, #tpu.memory_space<vmem>>[vector<16xi32>], vector<16xf32>, vector<16xi1>
        %mul3A_433 = arith.mulf %gather3A_412, %gather3A_410 : vector<16xf32>
        %mul3A_434 = arith.mulf %sub3A_416, %gather3A_432 : vector<16xf32>
        %add3A_435 = arith.addf %mul3A_433, %mul3A_434 : vector<16xf32>
        tpu.vector_store_idx %arg29[%min3A_401], %add3A_435 masked %lt3A_395 : memref<4608xf32, #tpu.memory_space<vmem>>[vector<16xi32>], vector<16xf32>, vector<16xi1>
        %gather3A_436 = tpu.vector_load_idx %arg30[%min3A_401] masked %lt3A_395 : memref<4608xf32, #tpu.memory_space<vmem>>[vector<16xi32>], vector<16xf32>, vector<16xi1>
        %mul3A_437 = arith.mulf %gather3A_412, %gather3A_411 : vector<16xf32>
        %mul3A_438 = arith.mulf %sub3A_416, %gather3A_436 : vector<16xf32>
        %add3A_439 = arith.addf %mul3A_437, %mul3A_438 : vector<16xf32>
        tpu.vector_store_idx %arg30[%min3A_401], %add3A_439 masked %lt3A_395 : memref<4608xf32, #tpu.memory_space<vmem>>[vector<16xi32>], vector<16xf32>, vector<16xi1>
        %gather3A_440 = tpu.vector_load_idx %arg31[%min3A_401] masked %lt3A_395 : memref<4608xf32, #tpu.memory_space<vmem>>[vector<16xi32>], vector<16xf32>, vector<16xi1>
        %mul3A_441 = arith.mulf %sub3A_416, %gather3A_440 : vector<16xf32>
        %add3A_442 = arith.addf %gather3A_412, %mul3A_441 : vector<16xf32>
        tpu.vector_store_idx %arg31[%min3A_401], %add3A_442 masked %lt3A_395 : memref<4608xf32, #tpu.memory_space<vmem>>[vector<16xi32>], vector<16xf32>, vector<16xi1>
        tpu.vector_store_idx %arg32[%min3A_401], %gather3A_413 masked %lt3A_395 : memref<4608xf32, #tpu.memory_space<vmem>>[vector<16xi32>], vector<16xf32>, vector<16xi1>
      } else {
      }
      %gt3A = arith.constant 0 : i32
      %gt3A_424 = arith.cmpi sgt, %squeeze3A_421, %gt3A : i32
      %convert_element_type3A_425 = arith.extui %gt3A_424 : i1 to i32
      %cond3A_426 = arith.constant 0 : i32
      %cond3A_427 = arith.cmpi ne, %convert_element_type3A_425, %cond3A_426 : i32
      scf.if %cond3A_427 {
        %scan3A_428 = arith.constant 0 : i32
        %scan3A_429 = arith.constant 0 : i32
        %scan3A_430 = arith.constant 16 : i32
        %scan3A_431 = arith.addi %scan3A_429, %scan3A_430 : i32
        %scan3A_432 = arith.constant 1 : i32
        scf.for %scan3A_434 = %scan3A_429 to %scan3A_431 step %scan3A_432  : i32 {
          %eq3A_435 = vector.broadcast %scan3A_434 : i32 to vector<16xi32>
          %eq3A_436 = arith.cmpi eq, %iota3A, %eq3A_435 : vector<16xi32>
          %and3A_437 = arith.andi %lt3A_395, %eq3A_436 : vector<16xi1>
          %all_reduce_population_count3A_438 = tpu.all_reduce %and3A_437 {dim = 0 : i64, kind = #tpu.reduction_kind<sum>} : vector<16xi1> -> vector<16xi32>
          %slice3A_439 = vector.extract_strided_slice %all_reduce_population_count3A_438 {offsets = [0], sizes = [1], strides = [1]} : vector<16xi32> to vector<1xi32>
          %squeeze3A_440 = vector.extract %slice3A_439[0] : i32 from vector<1xi32>
          %gt3A_441 = arith.constant 0 : i32
          %gt3A_442 = arith.cmpi sgt, %squeeze3A_440, %gt3A_441 : i32
          %convert_element_type3A_443 = arith.extui %gt3A_442 : i1 to i32
          %cond3A_444 = arith.constant 0 : i32
          %cond3A_445 = arith.cmpi ne, %convert_element_type3A_443, %cond3A_444 : i32
          scf.if %cond3A_445 {
            %gather3A_446 = tpu.vector_load_idx %arg28[%min3A_401] masked %and3A_437 : memref<4608xf32, #tpu.memory_space<vmem>>[vector<16xi32>], vector<16xf32>, vector<16xi1>
            %mul3A_447 = arith.mulf %gather3A_412, %gather3A : vector<16xf32>
            %mul3A_448 = arith.mulf %sub3A_416, %gather3A_446 : vector<16xf32>
            %add3A_449 = arith.addf %mul3A_447, %mul3A_448 : vector<16xf32>
            tpu.vector_store_idx %arg28[%min3A_401], %add3A_449 masked %and3A_437 : memref<4608xf32, #tpu.memory_space<vmem>>[vector<16xi32>], vector<16xf32>, vector<16xi1>
            %gather3A_450 = tpu.vector_load_idx %arg29[%min3A_401] masked %and3A_437 : memref<4608xf32, #tpu.memory_space<vmem>>[vector<16xi32>], vector<16xf32>, vector<16xi1>
            %mul3A_451 = arith.mulf %gather3A_412, %gather3A_410 : vector<16xf32>
            %mul3A_452 = arith.mulf %sub3A_416, %gather3A_450 : vector<16xf32>
            %add3A_453 = arith.addf %mul3A_451, %mul3A_452 : vector<16xf32>
            tpu.vector_store_idx %arg29[%min3A_401], %add3A_453 masked %and3A_437 : memref<4608xf32, #tpu.memory_space<vmem>>[vector<16xi32>], vector<16xf32>, vector<16xi1>
            %gather3A_454 = tpu.vector_load_idx %arg30[%min3A_401] masked %and3A_437 : memref<4608xf32, #tpu.memory_space<vmem>>[vector<16xi32>], vector<16xf32>, vector<16xi1>
            %mul3A_455 = arith.mulf %gather3A_412, %gather3A_411 : vector<16xf32>
            %mul3A_456 = arith.mulf %sub3A_416, %gather3A_454 : vector<16xf32>
            %add3A_457 = arith.addf %mul3A_455, %mul3A_456 : vector<16xf32>
            tpu.vector_store_idx %arg30[%min3A_401], %add3A_457 masked %and3A_437 : memref<4608xf32, #tpu.memory_space<vmem>>[vector<16xi32>], vector<16xf32>, vector<16xi1>
            %gather3A_458 = tpu.vector_load_idx %arg31[%min3A_401] masked %and3A_437 : memref<4608xf32, #tpu.memory_space<vmem>>[vector<16xi32>], vector<16xf32>, vector<16xi1>
            %mul3A_459 = arith.mulf %sub3A_416, %gather3A_458 : vector<16xf32>
            %add3A_460 = arith.addf %gather3A_412, %mul3A_459 : vector<16xf32>
            tpu.vector_store_idx %arg31[%min3A_401], %add3A_460 masked %and3A_437 : memref<4608xf32, #tpu.memory_space<vmem>>[vector<16xi32>], vector<16xf32>, vector<16xi1>
            tpu.vector_store_idx %arg32[%min3A_401], %gather3A_413 masked %and3A_437 : memref<4608xf32, #tpu.memory_space<vmem>>[vector<16xi32>], vector<16xf32>, vector<16xi1>
          } else {
          }
        }
        %scan3A_433 = arith.constant 16 : i32
      } else {
      }
    }
    %while3A_207 = arith.constant 1 : i32
    scf.for %while3A_390 = %while3A_205 to %while3A_201 step %while3A_207  : i32 {
      %mul3A_391 = arith.constant 16 : i32
      %mul3A_392 = arith.muli %while3A_390, %mul3A_391 : i32
      %add3A_393 = vector.broadcast %mul3A_392 : i32 to vector<16xi32>
      %add3A_394 = arith.addi %add3A_393, %iota3A : vector<16xi32>
      %lt3A = vector.broadcast %scan3A_150 : i32 to vector<16xi32>
      %lt3A_395 = arith.cmpi slt, %add3A_394, %lt3A : vector<16xi32>
      %get3A_396 = arith.index_cast %mul3A_392 : i32 to index
      %get3A_397 = tpu.vector_load %arg25[%get3A_396] {strides = array<i32>} : memref<4112xi32, #tpu.memory_space<vmem>>, vector<16xi32>,
      %jit3A_398 = arith.constant 0 : i32
      %jit3A_399 = arith.constant 4607 : i32
      %max3A = vector.broadcast %jit3A_398 : i32 to vector<16xi32>
      %max3A_400 = arith.maxsi %max3A, %get3A_397 : vector<16xi32>
      %min3A = vector.broadcast %jit3A_399 : i32 to vector<16xi32>
      %min3A_401 = arith.minsi %min3A, %max3A_400 : vector<16xi32>
      %get3A_402 = arith.index_cast %mul3A_392 : i32 to index
      %get3A_403 = tpu.vector_load %arg26[%get3A_402] {strides = array<i32>} : memref<4112xi32, #tpu.memory_space<vmem>>, vector<16xi32>,
      %jit3A_404 = arith.constant 0 : i32
      %jit3A_405 = arith.constant 4095 : i32
      %max3A_406 = vector.broadcast %jit3A_404 : i32 to vector<16xi32>
      %max3A_407 = arith.maxsi %max3A_406, %get3A_403 : vector<16xi32>
      %min3A_408 = vector.broadcast %jit3A_405 : i32 to vector<16xi32>
      %min3A_409 = arith.minsi %min3A_408, %max3A_407 : vector<16xi32>
      %gather3A = tpu.vector_load_idx %arg19[%min3A_409] masked %lt3A_395 : memref<4096xf32, #tpu.memory_space<vmem>>[vector<16xi32>], vector<16xf32>, vector<16xi1>
      %gather3A_410 = tpu.vector_load_idx %arg20[%min3A_409] masked %lt3A_395 : memref<4096xf32, #tpu.memory_space<vmem>>[vector<16xi32>], vector<16xf32>, vector<16xi1>
      %gather3A_411 = tpu.vector_load_idx %arg21[%min3A_409] masked %lt3A_395 : memref<4096xf32, #tpu.memory_space<vmem>>[vector<16xi32>], vector<16xf32>, vector<16xi1>
      %gather3A_412 = tpu.vector_load_idx %arg22[%min3A_409] masked %lt3A_395 : memref<4096xf32, #tpu.memory_space<vmem>>[vector<16xi32>], vector<16xf32>, vector<16xi1>
      %gather3A_413 = tpu.vector_load_idx %arg23[%min3A_409] masked %lt3A_395 : memref<4096xf32, #tpu.memory_space<vmem>>[vector<16xi32>], vector<16xf32>, vector<16xi1>
      %sub3A_414 = arith.constant 1.000000e+00 : f32
      %sub3A_415 = vector.broadcast %sub3A_414 : f32 to vector<16xf32>
      %sub3A_416 = arith.subf %sub3A_415, %gather3A_412 : vector<16xf32>
      tpu.vector_store_idx %arg27[%min3A_401], %iota3A masked %lt3A_395 : memref<4608xi32, #tpu.memory_space<vmem>>[vector<16xi32>], vector<16xi32>, vector<16xi1>
      %gather3A_417 = tpu.vector_load_idx %arg27[%min3A_401] masked %lt3A_395 : memref<4608xi32, #tpu.memory_space<vmem>>[vector<16xi32>], vector<16xi32>, vector<16xi1>
      %ne3A_418 = arith.cmpi ne, %gather3A_417, %iota3A : vector<16xi32>
      %and3A_419 = arith.andi %ne3A_418, %lt3A_395 : vector<16xi1>
      %all_reduce_population_count3A = tpu.all_reduce %and3A_419 {dim = 0 : i64, kind = #tpu.reduction_kind<sum>} : vector<16xi1> -> vector<16xi32>
      %slice3A_420 = vector.extract_strided_slice %all_reduce_population_count3A {offsets = [0], sizes = [1], strides = [1]} : vector<16xi32> to vector<1xi32>
      %squeeze3A_421 = vector.extract %slice3A_420[0] : i32 from vector<1xi32>
      %eq3A = arith.constant 0 : i32
      %eq3A_422 = arith.cmpi eq, %squeeze3A_421, %eq3A : i32
      %convert_element_type3A = arith.extui %eq3A_422 : i1 to i32
      %cond3A = arith.constant 0 : i32
      %cond3A_423 = arith.cmpi ne, %convert_element_type3A, %cond3A : i32
      scf.if %cond3A_423 {
        %gather3A_428 = tpu.vector_load_idx %arg28[%min3A_401] masked %lt3A_395 : memref<4608xf32, #tpu.memory_space<vmem>>[vector<16xi32>], vector<16xf32>, vector<16xi1>
        %mul3A_429 = arith.mulf %gather3A_412, %gather3A : vector<16xf32>
        %mul3A_430 = arith.mulf %sub3A_416, %gather3A_428 : vector<16xf32>
        %add3A_431 = arith.addf %mul3A_429, %mul3A_430 : vector<16xf32>
        tpu.vector_store_idx %arg28[%min3A_401], %add3A_431 masked %lt3A_395 : memref<4608xf32, #tpu.memory_space<vmem>>[vector<16xi32>], vector<16xf32>, vector<16xi1>
        %gather3A_432 = tpu.vector_load_idx %arg29[%min3A_401] masked %lt3A_395 : memref<4608xf32, #tpu.memory_space<vmem>>[vector<16xi32>], vector<16xf32>, vector<16xi1>
        %mul3A_433 = arith.mulf %gather3A_412, %gather3A_410 : vector<16xf32>
        %mul3A_434 = arith.mulf %sub3A_416, %gather3A_432 : vector<16xf32>
        %add3A_435 = arith.addf %mul3A_433, %mul3A_434 : vector<16xf32>
        tpu.vector_store_idx %arg29[%min3A_401], %add3A_435 masked %lt3A_395 : memref<4608xf32, #tpu.memory_space<vmem>>[vector<16xi32>], vector<16xf32>, vector<16xi1>
        %gather3A_436 = tpu.vector_load_idx %arg30[%min3A_401] masked %lt3A_395 : memref<4608xf32, #tpu.memory_space<vmem>>[vector<16xi32>], vector<16xf32>, vector<16xi1>
        %mul3A_437 = arith.mulf %gather3A_412, %gather3A_411 : vector<16xf32>
        %mul3A_438 = arith.mulf %sub3A_416, %gather3A_436 : vector<16xf32>
        %add3A_439 = arith.addf %mul3A_437, %mul3A_438 : vector<16xf32>
        tpu.vector_store_idx %arg30[%min3A_401], %add3A_439 masked %lt3A_395 : memref<4608xf32, #tpu.memory_space<vmem>>[vector<16xi32>], vector<16xf32>, vector<16xi1>
        %gather3A_440 = tpu.vector_load_idx %arg31[%min3A_401] masked %lt3A_395 : memref<4608xf32, #tpu.memory_space<vmem>>[vector<16xi32>], vector<16xf32>, vector<16xi1>
        %mul3A_441 = arith.mulf %sub3A_416, %gather3A_440 : vector<16xf32>
        %add3A_442 = arith.addf %gather3A_412, %mul3A_441 : vector<16xf32>
        tpu.vector_store_idx %arg31[%min3A_401], %add3A_442 masked %lt3A_395 : memref<4608xf32, #tpu.memory_space<vmem>>[vector<16xi32>], vector<16xf32>, vector<16xi1>
        tpu.vector_store_idx %arg32[%min3A_401], %gather3A_413 masked %lt3A_395 : memref<4608xf32, #tpu.memory_space<vmem>>[vector<16xi32>], vector<16xf32>, vector<16xi1>
      } else {
      }
      %gt3A = arith.constant 0 : i32
      %gt3A_424 = arith.cmpi sgt, %squeeze3A_421, %gt3A : i32
      %convert_element_type3A_425 = arith.extui %gt3A_424 : i1 to i32
      %cond3A_426 = arith.constant 0 : i32
      %cond3A_427 = arith.cmpi ne, %convert_element_type3A_425, %cond3A_426 : i32
      scf.if %cond3A_427 {
        %scan3A_428 = arith.constant 0 : i32
        %scan3A_429 = arith.constant 0 : i32
        %scan3A_430 = arith.constant 16 : i32
        %scan3A_431 = arith.addi %scan3A_429, %scan3A_430 : i32
        %scan3A_432 = arith.constant 1 : i32
        scf.for %scan3A_434 = %scan3A_429 to %scan3A_431 step %scan3A_432  : i32 {
          %eq3A_435 = vector.broadcast %scan3A_434 : i32 to vector<16xi32>
          %eq3A_436 = arith.cmpi eq, %iota3A, %eq3A_435 : vector<16xi32>
          %and3A_437 = arith.andi %lt3A_395, %eq3A_436 : vector<16xi1>
          %all_reduce_population_count3A_438 = tpu.all_reduce %and3A_437 {dim = 0 : i64, kind = #tpu.reduction_kind<sum>} : vector<16xi1> -> vector<16xi32>
          %slice3A_439 = vector.extract_strided_slice %all_reduce_population_count3A_438 {offsets = [0], sizes = [1], strides = [1]} : vector<16xi32> to vector<1xi32>
          %squeeze3A_440 = vector.extract %slice3A_439[0] : i32 from vector<1xi32>
          %gt3A_441 = arith.constant 0 : i32
          %gt3A_442 = arith.cmpi sgt, %squeeze3A_440, %gt3A_441 : i32
          %convert_element_type3A_443 = arith.extui %gt3A_442 : i1 to i32
          %cond3A_444 = arith.constant 0 : i32
          %cond3A_445 = arith.cmpi ne, %convert_element_type3A_443, %cond3A_444 : i32
          scf.if %cond3A_445 {
            %gather3A_446 = tpu.vector_load_idx %arg28[%min3A_401] masked %and3A_437 : memref<4608xf32, #tpu.memory_space<vmem>>[vector<16xi32>], vector<16xf32>, vector<16xi1>
            %mul3A_447 = arith.mulf %gather3A_412, %gather3A : vector<16xf32>
            %mul3A_448 = arith.mulf %sub3A_416, %gather3A_446 : vector<16xf32>
            %add3A_449 = arith.addf %mul3A_447, %mul3A_448 : vector<16xf32>
            tpu.vector_store_idx %arg28[%min3A_401], %add3A_449 masked %and3A_437 : memref<4608xf32, #tpu.memory_space<vmem>>[vector<16xi32>], vector<16xf32>, vector<16xi1>
            %gather3A_450 = tpu.vector_load_idx %arg29[%min3A_401] masked %and3A_437 : memref<4608xf32, #tpu.memory_space<vmem>>[vector<16xi32>], vector<16xf32>, vector<16xi1>
            %mul3A_451 = arith.mulf %gather3A_412, %gather3A_410 : vector<16xf32>
            %mul3A_452 = arith.mulf %sub3A_416, %gather3A_450 : vector<16xf32>
            %add3A_453 = arith.addf %mul3A_451, %mul3A_452 : vector<16xf32>
            tpu.vector_store_idx %arg29[%min3A_401], %add3A_453 masked %and3A_437 : memref<4608xf32, #tpu.memory_space<vmem>>[vector<16xi32>], vector<16xf32>, vector<16xi1>
            %gather3A_454 = tpu.vector_load_idx %arg30[%min3A_401] masked %and3A_437 : memref<4608xf32, #tpu.memory_space<vmem>>[vector<16xi32>], vector<16xf32>, vector<16xi1>
            %mul3A_455 = arith.mulf %gather3A_412, %gather3A_411 : vector<16xf32>
            %mul3A_456 = arith.mulf %sub3A_416, %gather3A_454 : vector<16xf32>
            %add3A_457 = arith.addf %mul3A_455, %mul3A_456 : vector<16xf32>
            tpu.vector_store_idx %arg30[%min3A_401], %add3A_457 masked %and3A_437 : memref<4608xf32, #tpu.memory_space<vmem>>[vector<16xi32>], vector<16xf32>, vector<16xi1>
            %gather3A_458 = tpu.vector_load_idx %arg31[%min3A_401] masked %and3A_437 : memref<4608xf32, #tpu.memory_space<vmem>>[vector<16xi32>], vector<16xf32>, vector<16xi1>
            %mul3A_459 = arith.mulf %sub3A_416, %gather3A_458 : vector<16xf32>
            %add3A_460 = arith.addf %gather3A_412, %mul3A_459 : vector<16xf32>
            tpu.vector_store_idx %arg31[%min3A_401], %add3A_460 masked %and3A_437 : memref<4608xf32, #tpu.memory_space<vmem>>[vector<16xi32>], vector<16xf32>, vector<16xi1>
            tpu.vector_store_idx %arg32[%min3A_401], %gather3A_413 masked %and3A_437 : memref<4608xf32, #tpu.memory_space<vmem>>[vector<16xi32>], vector<16xf32>, vector<16xi1>
          } else {
          }
        }
        %scan3A_433 = arith.constant 16 : i32
      } else {
      }
    }
    %dma_start3A_208 = arith.constant 12288 : i32
    %dma_start3A_209 = tpu.memref_slice %arg2[%dma_start3A_208] : memref<16384xi32, #tpu.memory_space<hbm>> -> memref<4096xi32, #tpu.memory_space<hbm>>
    %dma_start3A_210 = arith.constant 12288 : i32
    %dma_start3A_211 = tpu.memref_slice %arg2[%dma_start3A_210] : memref<16384xi32, #tpu.memory_space<hbm>> -> memref<4096xi32, #tpu.memory_space<hbm>>
    tpu.enqueue_dma source(%dma_start3A_211 : memref<4096xi32, #tpu.memory_space<hbm>>) target(%arg18 : memref<4096xi32, #tpu.memory_space<vmem>>) target_semaphore(%arg35 : memref<!tpu.dma_semaphore, #tpu.memory_space<semaphore_mem>>)
    %dma_start3A_212 = arith.constant 12288 : i32
    %dma_start3A_213 = tpu.memref_slice %arg3[%dma_start3A_212] : memref<16384xf32, #tpu.memory_space<hbm>> -> memref<4096xf32, #tpu.memory_space<hbm>>
    %dma_start3A_214 = arith.constant 12288 : i32
    %dma_start3A_215 = tpu.memref_slice %arg3[%dma_start3A_214] : memref<16384xf32, #tpu.memory_space<hbm>> -> memref<4096xf32, #tpu.memory_space<hbm>>
    tpu.enqueue_dma source(%dma_start3A_215 : memref<4096xf32, #tpu.memory_space<hbm>>) target(%arg19 : memref<4096xf32, #tpu.memory_space<vmem>>) target_semaphore(%arg36 : memref<!tpu.dma_semaphore, #tpu.memory_space<semaphore_mem>>)
    %dma_start3A_216 = arith.constant 12288 : i32
    %dma_start3A_217 = tpu.memref_slice %arg4[%dma_start3A_216] : memref<16384xf32, #tpu.memory_space<hbm>> -> memref<4096xf32, #tpu.memory_space<hbm>>
    %dma_start3A_218 = arith.constant 12288 : i32
    %dma_start3A_219 = tpu.memref_slice %arg4[%dma_start3A_218] : memref<16384xf32, #tpu.memory_space<hbm>> -> memref<4096xf32, #tpu.memory_space<hbm>>
    tpu.enqueue_dma source(%dma_start3A_219 : memref<4096xf32, #tpu.memory_space<hbm>>) target(%arg20 : memref<4096xf32, #tpu.memory_space<vmem>>) target_semaphore(%arg36 : memref<!tpu.dma_semaphore, #tpu.memory_space<semaphore_mem>>)
    %dma_start3A_220 = arith.constant 12288 : i32
    %dma_start3A_221 = tpu.memref_slice %arg5[%dma_start3A_220] : memref<16384xf32, #tpu.memory_space<hbm>> -> memref<4096xf32, #tpu.memory_space<hbm>>
    %dma_start3A_222 = arith.constant 12288 : i32
    %dma_start3A_223 = tpu.memref_slice %arg5[%dma_start3A_222] : memref<16384xf32, #tpu.memory_space<hbm>> -> memref<4096xf32, #tpu.memory_space<hbm>>
    tpu.enqueue_dma source(%dma_start3A_223 : memref<4096xf32, #tpu.memory_space<hbm>>) target(%arg21 : memref<4096xf32, #tpu.memory_space<vmem>>) target_semaphore(%arg36 : memref<!tpu.dma_semaphore, #tpu.memory_space<semaphore_mem>>)
    %dma_start3A_224 = arith.constant 12288 : i32
    %dma_start3A_225 = tpu.memref_slice %arg6[%dma_start3A_224] : memref<16384xf32, #tpu.memory_space<hbm>> -> memref<4096xf32, #tpu.memory_space<hbm>>
    %dma_start3A_226 = arith.constant 12288 : i32
    %dma_start3A_227 = tpu.memref_slice %arg6[%dma_start3A_226] : memref<16384xf32, #tpu.memory_space<hbm>> -> memref<4096xf32, #tpu.memory_space<hbm>>
    tpu.enqueue_dma source(%dma_start3A_227 : memref<4096xf32, #tpu.memory_space<hbm>>) target(%arg22 : memref<4096xf32, #tpu.memory_space<vmem>>) target_semaphore(%arg36 : memref<!tpu.dma_semaphore, #tpu.memory_space<semaphore_mem>>)
    %dma_start3A_228 = arith.constant 12288 : i32
    %dma_start3A_229 = tpu.memref_slice %arg7[%dma_start3A_228] : memref<16384xf32, #tpu.memory_space<hbm>> -> memref<4096xf32, #tpu.memory_space<hbm>>
    %dma_start3A_230 = arith.constant 12288 : i32
    %dma_start3A_231 = tpu.memref_slice %arg7[%dma_start3A_230] : memref<16384xf32, #tpu.memory_space<hbm>> -> memref<4096xf32, #tpu.memory_space<hbm>>
    tpu.enqueue_dma source(%dma_start3A_231 : memref<4096xf32, #tpu.memory_space<hbm>>) target(%arg23 : memref<4096xf32, #tpu.memory_space<vmem>>) target_semaphore(%arg36 : memref<!tpu.dma_semaphore, #tpu.memory_space<semaphore_mem>>)
    %dma_wait3A_232 = arith.constant 8192 : i32
    %dma_wait3A_233 = tpu.memref_slice %arg2[%dma_wait3A_232] : memref<16384xi32, #tpu.memory_space<hbm>> -> memref<4096xi32, #tpu.memory_space<hbm>>
    %dma_wait3A_234 = arith.constant 8192 : i32
    %dma_wait3A_235 = tpu.memref_slice %arg2[%dma_wait3A_234] : memref<16384xi32, #tpu.memory_space<hbm>> -> memref<4096xi32, #tpu.memory_space<hbm>>
    tpu.wait_dma2 semaphore(%arg33 : memref<!tpu.dma_semaphore, #tpu.memory_space<semaphore_mem>>) src(%dma_wait3A_235 : memref<4096xi32, #tpu.memory_space<hbm>>) dst(%arg12 : memref<4096xi32, #tpu.memory_space<vmem>>)
    %scan3A_236 = arith.constant 0 : i32
    %scan3A_237 = arith.constant 0 : i32
    %scan3A_238 = arith.constant 256 : i32
    %scan3A_239 = arith.addi %scan3A_237, %scan3A_238 : i32
    %scan3A_240 = arith.constant 8 : i32
    %scan3A_241 = scf.for %scan3A_390 = %scan3A_237 to %scan3A_239 step %scan3A_240 iter_args(%scan3A_391 = %scan3A_236) -> (i32)  : i32 {
      %mul3A_392 = arith.constant 16 : i32
      %mul3A_393 = arith.muli %scan3A_390, %mul3A_392 : i32
      %get3A_394 = arith.index_cast %mul3A_393 : i32 to index
      %get3A_395 = tpu.vector_load %arg12[%get3A_394] {strides = array<i32>} : memref<4096xi32, #tpu.memory_space<vmem>>, vector<16xi32>,
      %sub3A_396 = vector.broadcast %mul3A_2 : i32 to vector<16xi32>
      %sub3A_397 = arith.subi %get3A_395, %sub3A_396 : vector<16xi32>
      %bitcast3A = vector.bitcast %sub3A_397 : vector<16xi32> to vector<16xi32>
      %lt3A = arith.constant 4608 : i32
      %lt3A_398 = vector.broadcast %lt3A : i32 to vector<16xi32>
      %lt3A_399 = arith.cmpi ult, %bitcast3A, %lt3A_398 : vector<16xi32>
      %swap3A = arith.index_cast %scan3A_391 : i32 to index
      %swap3A_400 = tpu.vector_load %arg25[%swap3A] masked %lt3A_399 {strides = array<i32>} : memref<4112xi32, #tpu.memory_space<vmem>>, vector<16xi32>, vector<16xi1>
      tpu.vector_store %arg25[%swap3A], %sub3A_397 masked %lt3A_399 {strides = array<i32>} : memref<4112xi32, #tpu.memory_space<vmem>>, vector<16xi32>, vector<16xi1>
      %add3A_401 = vector.broadcast %mul3A_393 : i32 to vector<16xi32>
      %add3A_402 = arith.addi %add3A_401, %iota3A : vector<16xi32>
      %swap3A_403 = arith.index_cast %scan3A_391 : i32 to index
      %swap3A_404 = tpu.vector_load %arg26[%swap3A_403] masked %lt3A_399 {strides = array<i32>} : memref<4112xi32, #tpu.memory_space<vmem>>, vector<16xi32>, vector<16xi1>
      tpu.vector_store %arg26[%swap3A_403], %add3A_402 masked %lt3A_399 {strides = array<i32>} : memref<4112xi32, #tpu.memory_space<vmem>>, vector<16xi32>, vector<16xi1>
      %all_reduce_population_count3A = tpu.all_reduce %lt3A_399 {dim = 0 : i64, kind = #tpu.reduction_kind<sum>} : vector<16xi1> -> vector<16xi32>
      %slice3A_405 = vector.extract_strided_slice %all_reduce_population_count3A {offsets = [0], sizes = [1], strides = [1]} : vector<16xi32> to vector<1xi32>
      %squeeze3A_406 = vector.extract %slice3A_405[0] : i32 from vector<1xi32>
      %add3A_407 = arith.addi %scan3A_391, %squeeze3A_406 : i32
      %scan3A_408 = arith.constant 1 : i32
      %scan3A_409 = arith.addi %scan3A_390, %scan3A_408 : i32
      %mul3A_410 = arith.constant 16 : i32
      %mul3A_411 = arith.muli %scan3A_409, %mul3A_410 : i32
      %get3A_412 = arith.index_cast %mul3A_411 : i32 to index
      %get3A_413 = tpu.vector_load %arg12[%get3A_412] {strides = array<i32>} : memref<4096xi32, #tpu.memory_space<vmem>>, vector<16xi32>,
      %sub3A_414 = vector.broadcast %mul3A_2 : i32 to vector<16xi32>
      %sub3A_415 = arith.subi %get3A_413, %sub3A_414 : vector<16xi32>
      %bitcast3A_416 = vector.bitcast %sub3A_415 : vector<16xi32> to vector<16xi32>
      %lt3A_417 = arith.constant 4608 : i32
      %lt3A_418 = vector.broadcast %lt3A_417 : i32 to vector<16xi32>
      %lt3A_419 = arith.cmpi ult, %bitcast3A_416, %lt3A_418 : vector<16xi32>
      %swap3A_420 = arith.index_cast %add3A_407 : i32 to index
      %swap3A_421 = tpu.vector_load %arg25[%swap3A_420] masked %lt3A_419 {strides = array<i32>} : memref<4112xi32, #tpu.memory_space<vmem>>, vector<16xi32>, vector<16xi1>
      tpu.vector_store %arg25[%swap3A_420], %sub3A_415 masked %lt3A_419 {strides = array<i32>} : memref<4112xi32, #tpu.memory_space<vmem>>, vector<16xi32>, vector<16xi1>
      %add3A_422 = vector.broadcast %mul3A_411 : i32 to vector<16xi32>
      %add3A_423 = arith.addi %add3A_422, %iota3A : vector<16xi32>
      %swap3A_424 = arith.index_cast %add3A_407 : i32 to index
      %swap3A_425 = tpu.vector_load %arg26[%swap3A_424] masked %lt3A_419 {strides = array<i32>} : memref<4112xi32, #tpu.memory_space<vmem>>, vector<16xi32>, vector<16xi1>
      tpu.vector_store %arg26[%swap3A_424], %add3A_423 masked %lt3A_419 {strides = array<i32>} : memref<4112xi32, #tpu.memory_space<vmem>>, vector<16xi32>, vector<16xi1>
      %all_reduce_population_count3A_426 = tpu.all_reduce %lt3A_419 {dim = 0 : i64, kind = #tpu.reduction_kind<sum>} : vector<16xi1> -> vector<16xi32>
      %slice3A_427 = vector.extract_strided_slice %all_reduce_population_count3A_426 {offsets = [0], sizes = [1], strides = [1]} : vector<16xi32> to vector<1xi32>
      %squeeze3A_428 = vector.extract %slice3A_427[0] : i32 from vector<1xi32>
      %add3A_429 = arith.addi %add3A_407, %squeeze3A_428 : i32
      %scan3A_430 = arith.constant 2 : i32
      %scan3A_431 = arith.addi %scan3A_390, %scan3A_430 : i32
      %mul3A_432 = arith.constant 16 : i32
      %mul3A_433 = arith.muli %scan3A_431, %mul3A_432 : i32
      %get3A_434 = arith.index_cast %mul3A_433 : i32 to index
      %get3A_435 = tpu.vector_load %arg12[%get3A_434] {strides = array<i32>} : memref<4096xi32, #tpu.memory_space<vmem>>, vector<16xi32>,
      %sub3A_436 = vector.broadcast %mul3A_2 : i32 to vector<16xi32>
      %sub3A_437 = arith.subi %get3A_435, %sub3A_436 : vector<16xi32>
      %bitcast3A_438 = vector.bitcast %sub3A_437 : vector<16xi32> to vector<16xi32>
      %lt3A_439 = arith.constant 4608 : i32
      %lt3A_440 = vector.broadcast %lt3A_439 : i32 to vector<16xi32>
      %lt3A_441 = arith.cmpi ult, %bitcast3A_438, %lt3A_440 : vector<16xi32>
      %swap3A_442 = arith.index_cast %add3A_429 : i32 to index
      %swap3A_443 = tpu.vector_load %arg25[%swap3A_442] masked %lt3A_441 {strides = array<i32>} : memref<4112xi32, #tpu.memory_space<vmem>>, vector<16xi32>, vector<16xi1>
      tpu.vector_store %arg25[%swap3A_442], %sub3A_437 masked %lt3A_441 {strides = array<i32>} : memref<4112xi32, #tpu.memory_space<vmem>>, vector<16xi32>, vector<16xi1>
      %add3A_444 = vector.broadcast %mul3A_433 : i32 to vector<16xi32>
      %add3A_445 = arith.addi %add3A_444, %iota3A : vector<16xi32>
      %swap3A_446 = arith.index_cast %add3A_429 : i32 to index
      %swap3A_447 = tpu.vector_load %arg26[%swap3A_446] masked %lt3A_441 {strides = array<i32>} : memref<4112xi32, #tpu.memory_space<vmem>>, vector<16xi32>, vector<16xi1>
      tpu.vector_store %arg26[%swap3A_446], %add3A_445 masked %lt3A_441 {strides = array<i32>} : memref<4112xi32, #tpu.memory_space<vmem>>, vector<16xi32>, vector<16xi1>
      %all_reduce_population_count3A_448 = tpu.all_reduce %lt3A_441 {dim = 0 : i64, kind = #tpu.reduction_kind<sum>} : vector<16xi1> -> vector<16xi32>
      %slice3A_449 = vector.extract_strided_slice %all_reduce_population_count3A_448 {offsets = [0], sizes = [1], strides = [1]} : vector<16xi32> to vector<1xi32>
      %squeeze3A_450 = vector.extract %slice3A_449[0] : i32 from vector<1xi32>
      %add3A_451 = arith.addi %add3A_429, %squeeze3A_450 : i32
      %scan3A_452 = arith.constant 3 : i32
      %scan3A_453 = arith.addi %scan3A_390, %scan3A_452 : i32
      %mul3A_454 = arith.constant 16 : i32
      %mul3A_455 = arith.muli %scan3A_453, %mul3A_454 : i32
      %get3A_456 = arith.index_cast %mul3A_455 : i32 to index
      %get3A_457 = tpu.vector_load %arg12[%get3A_456] {strides = array<i32>} : memref<4096xi32, #tpu.memory_space<vmem>>, vector<16xi32>,
      %sub3A_458 = vector.broadcast %mul3A_2 : i32 to vector<16xi32>
      %sub3A_459 = arith.subi %get3A_457, %sub3A_458 : vector<16xi32>
      %bitcast3A_460 = vector.bitcast %sub3A_459 : vector<16xi32> to vector<16xi32>
      %lt3A_461 = arith.constant 4608 : i32
      %lt3A_462 = vector.broadcast %lt3A_461 : i32 to vector<16xi32>
      %lt3A_463 = arith.cmpi ult, %bitcast3A_460, %lt3A_462 : vector<16xi32>
      %swap3A_464 = arith.index_cast %add3A_451 : i32 to index
      %swap3A_465 = tpu.vector_load %arg25[%swap3A_464] masked %lt3A_463 {strides = array<i32>} : memref<4112xi32, #tpu.memory_space<vmem>>, vector<16xi32>, vector<16xi1>
      tpu.vector_store %arg25[%swap3A_464], %sub3A_459 masked %lt3A_463 {strides = array<i32>} : memref<4112xi32, #tpu.memory_space<vmem>>, vector<16xi32>, vector<16xi1>
      %add3A_466 = vector.broadcast %mul3A_455 : i32 to vector<16xi32>
      %add3A_467 = arith.addi %add3A_466, %iota3A : vector<16xi32>
      %swap3A_468 = arith.index_cast %add3A_451 : i32 to index
      %swap3A_469 = tpu.vector_load %arg26[%swap3A_468] masked %lt3A_463 {strides = array<i32>} : memref<4112xi32, #tpu.memory_space<vmem>>, vector<16xi32>, vector<16xi1>
      tpu.vector_store %arg26[%swap3A_468], %add3A_467 masked %lt3A_463 {strides = array<i32>} : memref<4112xi32, #tpu.memory_space<vmem>>, vector<16xi32>, vector<16xi1>
      %all_reduce_population_count3A_470 = tpu.all_reduce %lt3A_463 {dim = 0 : i64, kind = #tpu.reduction_kind<sum>} : vector<16xi1> -> vector<16xi32>
      %slice3A_471 = vector.extract_strided_slice %all_reduce_population_count3A_470 {offsets = [0], sizes = [1], strides = [1]} : vector<16xi32> to vector<1xi32>
      %squeeze3A_472 = vector.extract %slice3A_471[0] : i32 from vector<1xi32>
      %add3A_473 = arith.addi %add3A_451, %squeeze3A_472 : i32
      %scan3A_474 = arith.constant 4 : i32
      %scan3A_475 = arith.addi %scan3A_390, %scan3A_474 : i32
      %mul3A_476 = arith.constant 16 : i32
      %mul3A_477 = arith.muli %scan3A_475, %mul3A_476 : i32
      %get3A_478 = arith.index_cast %mul3A_477 : i32 to index
      %get3A_479 = tpu.vector_load %arg12[%get3A_478] {strides = array<i32>} : memref<4096xi32, #tpu.memory_space<vmem>>, vector<16xi32>,
      %sub3A_480 = vector.broadcast %mul3A_2 : i32 to vector<16xi32>
      %sub3A_481 = arith.subi %get3A_479, %sub3A_480 : vector<16xi32>
      %bitcast3A_482 = vector.bitcast %sub3A_481 : vector<16xi32> to vector<16xi32>
      %lt3A_483 = arith.constant 4608 : i32
      %lt3A_484 = vector.broadcast %lt3A_483 : i32 to vector<16xi32>
      %lt3A_485 = arith.cmpi ult, %bitcast3A_482, %lt3A_484 : vector<16xi32>
      %swap3A_486 = arith.index_cast %add3A_473 : i32 to index
      %swap3A_487 = tpu.vector_load %arg25[%swap3A_486] masked %lt3A_485 {strides = array<i32>} : memref<4112xi32, #tpu.memory_space<vmem>>, vector<16xi32>, vector<16xi1>
      tpu.vector_store %arg25[%swap3A_486], %sub3A_481 masked %lt3A_485 {strides = array<i32>} : memref<4112xi32, #tpu.memory_space<vmem>>, vector<16xi32>, vector<16xi1>
      %add3A_488 = vector.broadcast %mul3A_477 : i32 to vector<16xi32>
      %add3A_489 = arith.addi %add3A_488, %iota3A : vector<16xi32>
      %swap3A_490 = arith.index_cast %add3A_473 : i32 to index
      %swap3A_491 = tpu.vector_load %arg26[%swap3A_490] masked %lt3A_485 {strides = array<i32>} : memref<4112xi32, #tpu.memory_space<vmem>>, vector<16xi32>, vector<16xi1>
      tpu.vector_store %arg26[%swap3A_490], %add3A_489 masked %lt3A_485 {strides = array<i32>} : memref<4112xi32, #tpu.memory_space<vmem>>, vector<16xi32>, vector<16xi1>
      %all_reduce_population_count3A_492 = tpu.all_reduce %lt3A_485 {dim = 0 : i64, kind = #tpu.reduction_kind<sum>} : vector<16xi1> -> vector<16xi32>
      %slice3A_493 = vector.extract_strided_slice %all_reduce_population_count3A_492 {offsets = [0], sizes = [1], strides = [1]} : vector<16xi32> to vector<1xi32>
      %squeeze3A_494 = vector.extract %slice3A_493[0] : i32 from vector<1xi32>
      %add3A_495 = arith.addi %add3A_473, %squeeze3A_494 : i32
      %scan3A_496 = arith.constant 5 : i32
      %scan3A_497 = arith.addi %scan3A_390, %scan3A_496 : i32
      %mul3A_498 = arith.constant 16 : i32
      %mul3A_499 = arith.muli %scan3A_497, %mul3A_498 : i32
      %get3A_500 = arith.index_cast %mul3A_499 : i32 to index
      %get3A_501 = tpu.vector_load %arg12[%get3A_500] {strides = array<i32>} : memref<4096xi32, #tpu.memory_space<vmem>>, vector<16xi32>,
      %sub3A_502 = vector.broadcast %mul3A_2 : i32 to vector<16xi32>
      %sub3A_503 = arith.subi %get3A_501, %sub3A_502 : vector<16xi32>
      %bitcast3A_504 = vector.bitcast %sub3A_503 : vector<16xi32> to vector<16xi32>
      %lt3A_505 = arith.constant 4608 : i32
      %lt3A_506 = vector.broadcast %lt3A_505 : i32 to vector<16xi32>
      %lt3A_507 = arith.cmpi ult, %bitcast3A_504, %lt3A_506 : vector<16xi32>
      %swap3A_508 = arith.index_cast %add3A_495 : i32 to index
      %swap3A_509 = tpu.vector_load %arg25[%swap3A_508] masked %lt3A_507 {strides = array<i32>} : memref<4112xi32, #tpu.memory_space<vmem>>, vector<16xi32>, vector<16xi1>
      tpu.vector_store %arg25[%swap3A_508], %sub3A_503 masked %lt3A_507 {strides = array<i32>} : memref<4112xi32, #tpu.memory_space<vmem>>, vector<16xi32>, vector<16xi1>
      %add3A_510 = vector.broadcast %mul3A_499 : i32 to vector<16xi32>
      %add3A_511 = arith.addi %add3A_510, %iota3A : vector<16xi32>
      %swap3A_512 = arith.index_cast %add3A_495 : i32 to index
      %swap3A_513 = tpu.vector_load %arg26[%swap3A_512] masked %lt3A_507 {strides = array<i32>} : memref<4112xi32, #tpu.memory_space<vmem>>, vector<16xi32>, vector<16xi1>
      tpu.vector_store %arg26[%swap3A_512], %add3A_511 masked %lt3A_507 {strides = array<i32>} : memref<4112xi32, #tpu.memory_space<vmem>>, vector<16xi32>, vector<16xi1>
      %all_reduce_population_count3A_514 = tpu.all_reduce %lt3A_507 {dim = 0 : i64, kind = #tpu.reduction_kind<sum>} : vector<16xi1> -> vector<16xi32>
      %slice3A_515 = vector.extract_strided_slice %all_reduce_population_count3A_514 {offsets = [0], sizes = [1], strides = [1]} : vector<16xi32> to vector<1xi32>
      %squeeze3A_516 = vector.extract %slice3A_515[0] : i32 from vector<1xi32>
      %add3A_517 = arith.addi %add3A_495, %squeeze3A_516 : i32
      %scan3A_518 = arith.constant 6 : i32
      %scan3A_519 = arith.addi %scan3A_390, %scan3A_518 : i32
      %mul3A_520 = arith.constant 16 : i32
      %mul3A_521 = arith.muli %scan3A_519, %mul3A_520 : i32
      %get3A_522 = arith.index_cast %mul3A_521 : i32 to index
      %get3A_523 = tpu.vector_load %arg12[%get3A_522] {strides = array<i32>} : memref<4096xi32, #tpu.memory_space<vmem>>, vector<16xi32>,
      %sub3A_524 = vector.broadcast %mul3A_2 : i32 to vector<16xi32>
      %sub3A_525 = arith.subi %get3A_523, %sub3A_524 : vector<16xi32>
      %bitcast3A_526 = vector.bitcast %sub3A_525 : vector<16xi32> to vector<16xi32>
      %lt3A_527 = arith.constant 4608 : i32
      %lt3A_528 = vector.broadcast %lt3A_527 : i32 to vector<16xi32>
      %lt3A_529 = arith.cmpi ult, %bitcast3A_526, %lt3A_528 : vector<16xi32>
      %swap3A_530 = arith.index_cast %add3A_517 : i32 to index
      %swap3A_531 = tpu.vector_load %arg25[%swap3A_530] masked %lt3A_529 {strides = array<i32>} : memref<4112xi32, #tpu.memory_space<vmem>>, vector<16xi32>, vector<16xi1>
      tpu.vector_store %arg25[%swap3A_530], %sub3A_525 masked %lt3A_529 {strides = array<i32>} : memref<4112xi32, #tpu.memory_space<vmem>>, vector<16xi32>, vector<16xi1>
      %add3A_532 = vector.broadcast %mul3A_521 : i32 to vector<16xi32>
      %add3A_533 = arith.addi %add3A_532, %iota3A : vector<16xi32>
      %swap3A_534 = arith.index_cast %add3A_517 : i32 to index
      %swap3A_535 = tpu.vector_load %arg26[%swap3A_534] masked %lt3A_529 {strides = array<i32>} : memref<4112xi32, #tpu.memory_space<vmem>>, vector<16xi32>, vector<16xi1>
      tpu.vector_store %arg26[%swap3A_534], %add3A_533 masked %lt3A_529 {strides = array<i32>} : memref<4112xi32, #tpu.memory_space<vmem>>, vector<16xi32>, vector<16xi1>
      %all_reduce_population_count3A_536 = tpu.all_reduce %lt3A_529 {dim = 0 : i64, kind = #tpu.reduction_kind<sum>} : vector<16xi1> -> vector<16xi32>
      %slice3A_537 = vector.extract_strided_slice %all_reduce_population_count3A_536 {offsets = [0], sizes = [1], strides = [1]} : vector<16xi32> to vector<1xi32>
      %squeeze3A_538 = vector.extract %slice3A_537[0] : i32 from vector<1xi32>
      %add3A_539 = arith.addi %add3A_517, %squeeze3A_538 : i32
      %scan3A_540 = arith.constant 7 : i32
      %scan3A_541 = arith.addi %scan3A_390, %scan3A_540 : i32
      %mul3A_542 = arith.constant 16 : i32
      %mul3A_543 = arith.muli %scan3A_541, %mul3A_542 : i32
      %get3A_544 = arith.index_cast %mul3A_543 : i32 to index
      %get3A_545 = tpu.vector_load %arg12[%get3A_544] {strides = array<i32>} : memref<4096xi32, #tpu.memory_space<vmem>>, vector<16xi32>,
      %sub3A_546 = vector.broadcast %mul3A_2 : i32 to vector<16xi32>
      %sub3A_547 = arith.subi %get3A_545, %sub3A_546 : vector<16xi32>
      %bitcast3A_548 = vector.bitcast %sub3A_547 : vector<16xi32> to vector<16xi32>
      %lt3A_549 = arith.constant 4608 : i32
      %lt3A_550 = vector.broadcast %lt3A_549 : i32 to vector<16xi32>
      %lt3A_551 = arith.cmpi ult, %bitcast3A_548, %lt3A_550 : vector<16xi32>
      %swap3A_552 = arith.index_cast %add3A_539 : i32 to index
      %swap3A_553 = tpu.vector_load %arg25[%swap3A_552] masked %lt3A_551 {strides = array<i32>} : memref<4112xi32, #tpu.memory_space<vmem>>, vector<16xi32>, vector<16xi1>
      tpu.vector_store %arg25[%swap3A_552], %sub3A_547 masked %lt3A_551 {strides = array<i32>} : memref<4112xi32, #tpu.memory_space<vmem>>, vector<16xi32>, vector<16xi1>
      %add3A_554 = vector.broadcast %mul3A_543 : i32 to vector<16xi32>
      %add3A_555 = arith.addi %add3A_554, %iota3A : vector<16xi32>
      %swap3A_556 = arith.index_cast %add3A_539 : i32 to index
      %swap3A_557 = tpu.vector_load %arg26[%swap3A_556] masked %lt3A_551 {strides = array<i32>} : memref<4112xi32, #tpu.memory_space<vmem>>, vector<16xi32>, vector<16xi1>
      tpu.vector_store %arg26[%swap3A_556], %add3A_555 masked %lt3A_551 {strides = array<i32>} : memref<4112xi32, #tpu.memory_space<vmem>>, vector<16xi32>, vector<16xi1>
      %all_reduce_population_count3A_558 = tpu.all_reduce %lt3A_551 {dim = 0 : i64, kind = #tpu.reduction_kind<sum>} : vector<16xi1> -> vector<16xi32>
      %slice3A_559 = vector.extract_strided_slice %all_reduce_population_count3A_558 {offsets = [0], sizes = [1], strides = [1]} : vector<16xi32> to vector<1xi32>
      %squeeze3A_560 = vector.extract %slice3A_559[0] : i32 from vector<1xi32>
      %add3A_561 = arith.addi %add3A_539, %squeeze3A_560 : i32
      scf.yield %add3A_561 : i32
    }
    %scan3A_242 = arith.constant 256 : i32
    %dma_wait3A_243 = arith.constant 8192 : i32
    %dma_wait3A_244 = tpu.memref_slice %arg3[%dma_wait3A_243] : memref<16384xf32, #tpu.memory_space<hbm>> -> memref<4096xf32, #tpu.memory_space<hbm>>
    %dma_wait3A_245 = arith.constant 8192 : i32
    %dma_wait3A_246 = tpu.memref_slice %arg3[%dma_wait3A_245] : memref<16384xf32, #tpu.memory_space<hbm>> -> memref<4096xf32, #tpu.memory_space<hbm>>
    tpu.wait_dma2 semaphore(%arg34 : memref<!tpu.dma_semaphore, #tpu.memory_space<semaphore_mem>>) src(%dma_wait3A_246 : memref<4096xf32, #tpu.memory_space<hbm>>) dst(%arg13 : memref<4096xf32, #tpu.memory_space<vmem>>)
    %dma_wait3A_247 = arith.constant 8192 : i32
    %dma_wait3A_248 = tpu.memref_slice %arg4[%dma_wait3A_247] : memref<16384xf32, #tpu.memory_space<hbm>> -> memref<4096xf32, #tpu.memory_space<hbm>>
    %dma_wait3A_249 = arith.constant 8192 : i32
    %dma_wait3A_250 = tpu.memref_slice %arg4[%dma_wait3A_249] : memref<16384xf32, #tpu.memory_space<hbm>> -> memref<4096xf32, #tpu.memory_space<hbm>>
    tpu.wait_dma2 semaphore(%arg34 : memref<!tpu.dma_semaphore, #tpu.memory_space<semaphore_mem>>) src(%dma_wait3A_250 : memref<4096xf32, #tpu.memory_space<hbm>>) dst(%arg14 : memref<4096xf32, #tpu.memory_space<vmem>>)
    %dma_wait3A_251 = arith.constant 8192 : i32
    %dma_wait3A_252 = tpu.memref_slice %arg5[%dma_wait3A_251] : memref<16384xf32, #tpu.memory_space<hbm>> -> memref<4096xf32, #tpu.memory_space<hbm>>
    %dma_wait3A_253 = arith.constant 8192 : i32
    %dma_wait3A_254 = tpu.memref_slice %arg5[%dma_wait3A_253] : memref<16384xf32, #tpu.memory_space<hbm>> -> memref<4096xf32, #tpu.memory_space<hbm>>
    tpu.wait_dma2 semaphore(%arg34 : memref<!tpu.dma_semaphore, #tpu.memory_space<semaphore_mem>>) src(%dma_wait3A_254 : memref<4096xf32, #tpu.memory_space<hbm>>) dst(%arg15 : memref<4096xf32, #tpu.memory_space<vmem>>)
    %dma_wait3A_255 = arith.constant 8192 : i32
    %dma_wait3A_256 = tpu.memref_slice %arg6[%dma_wait3A_255] : memref<16384xf32, #tpu.memory_space<hbm>> -> memref<4096xf32, #tpu.memory_space<hbm>>
    %dma_wait3A_257 = arith.constant 8192 : i32
    %dma_wait3A_258 = tpu.memref_slice %arg6[%dma_wait3A_257] : memref<16384xf32, #tpu.memory_space<hbm>> -> memref<4096xf32, #tpu.memory_space<hbm>>
    tpu.wait_dma2 semaphore(%arg34 : memref<!tpu.dma_semaphore, #tpu.memory_space<semaphore_mem>>) src(%dma_wait3A_258 : memref<4096xf32, #tpu.memory_space<hbm>>) dst(%arg16 : memref<4096xf32, #tpu.memory_space<vmem>>)
    %dma_wait3A_259 = arith.constant 8192 : i32
    %dma_wait3A_260 = tpu.memref_slice %arg7[%dma_wait3A_259] : memref<16384xf32, #tpu.memory_space<hbm>> -> memref<4096xf32, #tpu.memory_space<hbm>>
    %dma_wait3A_261 = arith.constant 8192 : i32
    %dma_wait3A_262 = tpu.memref_slice %arg7[%dma_wait3A_261] : memref<16384xf32, #tpu.memory_space<hbm>> -> memref<4096xf32, #tpu.memory_space<hbm>>
    tpu.wait_dma2 semaphore(%arg34 : memref<!tpu.dma_semaphore, #tpu.memory_space<semaphore_mem>>) src(%dma_wait3A_262 : memref<4096xf32, #tpu.memory_space<hbm>>) dst(%arg17 : memref<4096xf32, #tpu.memory_space<vmem>>)
    %add3A_263 = arith.constant 15 : i32
    %add3A_264 = arith.addi %scan3A_241, %add3A_263 : i32
    %jit3A_265 = arith.constant 16 : i32
    %div3A_266 = arith.divsi %add3A_264, %jit3A_265 : i32
    %sign3A_267 = arith.constant 0 : i32
    %sign3A_268 = arith.cmpi sgt, %add3A_264, %sign3A_267 : i32
    %sign3A_269 = arith.extui %sign3A_268 : i1 to i32
    %sign3A_270 = arith.constant 0 : i32
    %sign3A_271 = arith.cmpi slt, %add3A_264, %sign3A_270 : i32
    %sign3A_272 = arith.extui %sign3A_271 : i1 to i32
    %sign3A_273 = arith.subi %sign3A_269, %sign3A_272 : i32
    %sign3A_274 = arith.constant 0 : i32
    %sign3A_275 = arith.cmpi sgt, %jit3A_265, %sign3A_274 : i32
    %sign3A_276 = arith.extui %sign3A_275 : i1 to i32
    %sign3A_277 = arith.constant 0 : i32
    %sign3A_278 = arith.cmpi slt, %jit3A_265, %sign3A_277 : i32
    %sign3A_279 = arith.extui %sign3A_278 : i1 to i32
    %sign3A_280 = arith.subi %sign3A_276, %sign3A_279 : i32
    %ne3A_281 = arith.cmpi ne, %sign3A_273, %sign3A_280 : i32
    %rem3A_282 = arith.remsi %add3A_264, %jit3A_265 : i32
    %ne3A_283 = arith.constant 0 : i32
    %ne3A_284 = arith.cmpi ne, %rem3A_282, %ne3A_283 : i32
    %and3A_285 = arith.andi %ne3A_281, %ne3A_284 : i1
    %sub3A_286 = arith.constant 1 : i32
    %sub3A_287 = arith.subi %div3A_266, %sub3A_286 : i32
    %select_n3A_288 = arith.select %and3A_285, %sub3A_287, %div3A_266 : i32
    %while3A_289 = arith.constant 0 : i32
    %while3A_290 = arith.constant 0 : i32
    %while3A_291 = arith.subi %select_n3A_288, %while3A_290 : i32
    %while3A_292 = arith.addi %while3A_290, %while3A_291 : i32
    %while3A_293 = arith.constant 1 : i32
    %while3A_294 = arith.divsi %while3A_291, %while3A_293 : i32
    %while3A_295 = arith.muli %while3A_294, %while3A_293 : i32
    %while3A_296 = arith.addi %while3A_290, %while3A_295 : i32
    %while3A_297 = arith.constant 1 : i32
    scf.for %while3A_390 = %while3A_290 to %while3A_296 step %while3A_297  : i32 {
      %mul3A_391 = arith.constant 16 : i32
      %mul3A_392 = arith.muli %while3A_390, %mul3A_391 : i32
      %add3A_393 = vector.broadcast %mul3A_392 : i32 to vector<16xi32>
      %add3A_394 = arith.addi %add3A_393, %iota3A : vector<16xi32>
      %lt3A = vector.broadcast %scan3A_241 : i32 to vector<16xi32>
      %lt3A_395 = arith.cmpi slt, %add3A_394, %lt3A : vector<16xi32>
      %get3A_396 = arith.index_cast %mul3A_392 : i32 to index
      %get3A_397 = tpu.vector_load %arg25[%get3A_396] {strides = array<i32>} : memref<4112xi32, #tpu.memory_space<vmem>>, vector<16xi32>,
      %jit3A_398 = arith.constant 0 : i32
      %jit3A_399 = arith.constant 4607 : i32
      %max3A = vector.broadcast %jit3A_398 : i32 to vector<16xi32>
      %max3A_400 = arith.maxsi %max3A, %get3A_397 : vector<16xi32>
      %min3A = vector.broadcast %jit3A_399 : i32 to vector<16xi32>
      %min3A_401 = arith.minsi %min3A, %max3A_400 : vector<16xi32>
      %get3A_402 = arith.index_cast %mul3A_392 : i32 to index
      %get3A_403 = tpu.vector_load %arg26[%get3A_402] {strides = array<i32>} : memref<4112xi32, #tpu.memory_space<vmem>>, vector<16xi32>,
      %jit3A_404 = arith.constant 0 : i32
      %jit3A_405 = arith.constant 4095 : i32
      %max3A_406 = vector.broadcast %jit3A_404 : i32 to vector<16xi32>
      %max3A_407 = arith.maxsi %max3A_406, %get3A_403 : vector<16xi32>
      %min3A_408 = vector.broadcast %jit3A_405 : i32 to vector<16xi32>
      %min3A_409 = arith.minsi %min3A_408, %max3A_407 : vector<16xi32>
      %gather3A = tpu.vector_load_idx %arg13[%min3A_409] masked %lt3A_395 : memref<4096xf32, #tpu.memory_space<vmem>>[vector<16xi32>], vector<16xf32>, vector<16xi1>
      %gather3A_410 = tpu.vector_load_idx %arg14[%min3A_409] masked %lt3A_395 : memref<4096xf32, #tpu.memory_space<vmem>>[vector<16xi32>], vector<16xf32>, vector<16xi1>
      %gather3A_411 = tpu.vector_load_idx %arg15[%min3A_409] masked %lt3A_395 : memref<4096xf32, #tpu.memory_space<vmem>>[vector<16xi32>], vector<16xf32>, vector<16xi1>
      %gather3A_412 = tpu.vector_load_idx %arg16[%min3A_409] masked %lt3A_395 : memref<4096xf32, #tpu.memory_space<vmem>>[vector<16xi32>], vector<16xf32>, vector<16xi1>
      %gather3A_413 = tpu.vector_load_idx %arg17[%min3A_409] masked %lt3A_395 : memref<4096xf32, #tpu.memory_space<vmem>>[vector<16xi32>], vector<16xf32>, vector<16xi1>
      %sub3A_414 = arith.constant 1.000000e+00 : f32
      %sub3A_415 = vector.broadcast %sub3A_414 : f32 to vector<16xf32>
      %sub3A_416 = arith.subf %sub3A_415, %gather3A_412 : vector<16xf32>
      tpu.vector_store_idx %arg27[%min3A_401], %iota3A masked %lt3A_395 : memref<4608xi32, #tpu.memory_space<vmem>>[vector<16xi32>], vector<16xi32>, vector<16xi1>
      %gather3A_417 = tpu.vector_load_idx %arg27[%min3A_401] masked %lt3A_395 : memref<4608xi32, #tpu.memory_space<vmem>>[vector<16xi32>], vector<16xi32>, vector<16xi1>
      %ne3A_418 = arith.cmpi ne, %gather3A_417, %iota3A : vector<16xi32>
      %and3A_419 = arith.andi %ne3A_418, %lt3A_395 : vector<16xi1>
      %all_reduce_population_count3A = tpu.all_reduce %and3A_419 {dim = 0 : i64, kind = #tpu.reduction_kind<sum>} : vector<16xi1> -> vector<16xi32>
      %slice3A_420 = vector.extract_strided_slice %all_reduce_population_count3A {offsets = [0], sizes = [1], strides = [1]} : vector<16xi32> to vector<1xi32>
      %squeeze3A_421 = vector.extract %slice3A_420[0] : i32 from vector<1xi32>
      %eq3A = arith.constant 0 : i32
      %eq3A_422 = arith.cmpi eq, %squeeze3A_421, %eq3A : i32
      %convert_element_type3A = arith.extui %eq3A_422 : i1 to i32
      %cond3A = arith.constant 0 : i32
      %cond3A_423 = arith.cmpi ne, %convert_element_type3A, %cond3A : i32
      scf.if %cond3A_423 {
        %gather3A_428 = tpu.vector_load_idx %arg28[%min3A_401] masked %lt3A_395 : memref<4608xf32, #tpu.memory_space<vmem>>[vector<16xi32>], vector<16xf32>, vector<16xi1>
        %mul3A_429 = arith.mulf %gather3A_412, %gather3A : vector<16xf32>
        %mul3A_430 = arith.mulf %sub3A_416, %gather3A_428 : vector<16xf32>
        %add3A_431 = arith.addf %mul3A_429, %mul3A_430 : vector<16xf32>
        tpu.vector_store_idx %arg28[%min3A_401], %add3A_431 masked %lt3A_395 : memref<4608xf32, #tpu.memory_space<vmem>>[vector<16xi32>], vector<16xf32>, vector<16xi1>
        %gather3A_432 = tpu.vector_load_idx %arg29[%min3A_401] masked %lt3A_395 : memref<4608xf32, #tpu.memory_space<vmem>>[vector<16xi32>], vector<16xf32>, vector<16xi1>
        %mul3A_433 = arith.mulf %gather3A_412, %gather3A_410 : vector<16xf32>
        %mul3A_434 = arith.mulf %sub3A_416, %gather3A_432 : vector<16xf32>
        %add3A_435 = arith.addf %mul3A_433, %mul3A_434 : vector<16xf32>
        tpu.vector_store_idx %arg29[%min3A_401], %add3A_435 masked %lt3A_395 : memref<4608xf32, #tpu.memory_space<vmem>>[vector<16xi32>], vector<16xf32>, vector<16xi1>
        %gather3A_436 = tpu.vector_load_idx %arg30[%min3A_401] masked %lt3A_395 : memref<4608xf32, #tpu.memory_space<vmem>>[vector<16xi32>], vector<16xf32>, vector<16xi1>
        %mul3A_437 = arith.mulf %gather3A_412, %gather3A_411 : vector<16xf32>
        %mul3A_438 = arith.mulf %sub3A_416, %gather3A_436 : vector<16xf32>
        %add3A_439 = arith.addf %mul3A_437, %mul3A_438 : vector<16xf32>
        tpu.vector_store_idx %arg30[%min3A_401], %add3A_439 masked %lt3A_395 : memref<4608xf32, #tpu.memory_space<vmem>>[vector<16xi32>], vector<16xf32>, vector<16xi1>
        %gather3A_440 = tpu.vector_load_idx %arg31[%min3A_401] masked %lt3A_395 : memref<4608xf32, #tpu.memory_space<vmem>>[vector<16xi32>], vector<16xf32>, vector<16xi1>
        %mul3A_441 = arith.mulf %sub3A_416, %gather3A_440 : vector<16xf32>
        %add3A_442 = arith.addf %gather3A_412, %mul3A_441 : vector<16xf32>
        tpu.vector_store_idx %arg31[%min3A_401], %add3A_442 masked %lt3A_395 : memref<4608xf32, #tpu.memory_space<vmem>>[vector<16xi32>], vector<16xf32>, vector<16xi1>
        tpu.vector_store_idx %arg32[%min3A_401], %gather3A_413 masked %lt3A_395 : memref<4608xf32, #tpu.memory_space<vmem>>[vector<16xi32>], vector<16xf32>, vector<16xi1>
      } else {
      }
      %gt3A = arith.constant 0 : i32
      %gt3A_424 = arith.cmpi sgt, %squeeze3A_421, %gt3A : i32
      %convert_element_type3A_425 = arith.extui %gt3A_424 : i1 to i32
      %cond3A_426 = arith.constant 0 : i32
      %cond3A_427 = arith.cmpi ne, %convert_element_type3A_425, %cond3A_426 : i32
      scf.if %cond3A_427 {
        %scan3A_428 = arith.constant 0 : i32
        %scan3A_429 = arith.constant 0 : i32
        %scan3A_430 = arith.constant 16 : i32
        %scan3A_431 = arith.addi %scan3A_429, %scan3A_430 : i32
        %scan3A_432 = arith.constant 1 : i32
        scf.for %scan3A_434 = %scan3A_429 to %scan3A_431 step %scan3A_432  : i32 {
          %eq3A_435 = vector.broadcast %scan3A_434 : i32 to vector<16xi32>
          %eq3A_436 = arith.cmpi eq, %iota3A, %eq3A_435 : vector<16xi32>
          %and3A_437 = arith.andi %lt3A_395, %eq3A_436 : vector<16xi1>
          %all_reduce_population_count3A_438 = tpu.all_reduce %and3A_437 {dim = 0 : i64, kind = #tpu.reduction_kind<sum>} : vector<16xi1> -> vector<16xi32>
          %slice3A_439 = vector.extract_strided_slice %all_reduce_population_count3A_438 {offsets = [0], sizes = [1], strides = [1]} : vector<16xi32> to vector<1xi32>
          %squeeze3A_440 = vector.extract %slice3A_439[0] : i32 from vector<1xi32>
          %gt3A_441 = arith.constant 0 : i32
          %gt3A_442 = arith.cmpi sgt, %squeeze3A_440, %gt3A_441 : i32
          %convert_element_type3A_443 = arith.extui %gt3A_442 : i1 to i32
          %cond3A_444 = arith.constant 0 : i32
          %cond3A_445 = arith.cmpi ne, %convert_element_type3A_443, %cond3A_444 : i32
          scf.if %cond3A_445 {
            %gather3A_446 = tpu.vector_load_idx %arg28[%min3A_401] masked %and3A_437 : memref<4608xf32, #tpu.memory_space<vmem>>[vector<16xi32>], vector<16xf32>, vector<16xi1>
            %mul3A_447 = arith.mulf %gather3A_412, %gather3A : vector<16xf32>
            %mul3A_448 = arith.mulf %sub3A_416, %gather3A_446 : vector<16xf32>
            %add3A_449 = arith.addf %mul3A_447, %mul3A_448 : vector<16xf32>
            tpu.vector_store_idx %arg28[%min3A_401], %add3A_449 masked %and3A_437 : memref<4608xf32, #tpu.memory_space<vmem>>[vector<16xi32>], vector<16xf32>, vector<16xi1>
            %gather3A_450 = tpu.vector_load_idx %arg29[%min3A_401] masked %and3A_437 : memref<4608xf32, #tpu.memory_space<vmem>>[vector<16xi32>], vector<16xf32>, vector<16xi1>
            %mul3A_451 = arith.mulf %gather3A_412, %gather3A_410 : vector<16xf32>
            %mul3A_452 = arith.mulf %sub3A_416, %gather3A_450 : vector<16xf32>
            %add3A_453 = arith.addf %mul3A_451, %mul3A_452 : vector<16xf32>
            tpu.vector_store_idx %arg29[%min3A_401], %add3A_453 masked %and3A_437 : memref<4608xf32, #tpu.memory_space<vmem>>[vector<16xi32>], vector<16xf32>, vector<16xi1>
            %gather3A_454 = tpu.vector_load_idx %arg30[%min3A_401] masked %and3A_437 : memref<4608xf32, #tpu.memory_space<vmem>>[vector<16xi32>], vector<16xf32>, vector<16xi1>
            %mul3A_455 = arith.mulf %gather3A_412, %gather3A_411 : vector<16xf32>
            %mul3A_456 = arith.mulf %sub3A_416, %gather3A_454 : vector<16xf32>
            %add3A_457 = arith.addf %mul3A_455, %mul3A_456 : vector<16xf32>
            tpu.vector_store_idx %arg30[%min3A_401], %add3A_457 masked %and3A_437 : memref<4608xf32, #tpu.memory_space<vmem>>[vector<16xi32>], vector<16xf32>, vector<16xi1>
            %gather3A_458 = tpu.vector_load_idx %arg31[%min3A_401] masked %and3A_437 : memref<4608xf32, #tpu.memory_space<vmem>>[vector<16xi32>], vector<16xf32>, vector<16xi1>
            %mul3A_459 = arith.mulf %sub3A_416, %gather3A_458 : vector<16xf32>
            %add3A_460 = arith.addf %gather3A_412, %mul3A_459 : vector<16xf32>
            tpu.vector_store_idx %arg31[%min3A_401], %add3A_460 masked %and3A_437 : memref<4608xf32, #tpu.memory_space<vmem>>[vector<16xi32>], vector<16xf32>, vector<16xi1>
            tpu.vector_store_idx %arg32[%min3A_401], %gather3A_413 masked %and3A_437 : memref<4608xf32, #tpu.memory_space<vmem>>[vector<16xi32>], vector<16xf32>, vector<16xi1>
          } else {
          }
        }
        %scan3A_433 = arith.constant 16 : i32
      } else {
      }
    }
    %while3A_298 = arith.constant 1 : i32
    scf.for %while3A_390 = %while3A_296 to %while3A_292 step %while3A_298  : i32 {
      %mul3A_391 = arith.constant 16 : i32
      %mul3A_392 = arith.muli %while3A_390, %mul3A_391 : i32
      %add3A_393 = vector.broadcast %mul3A_392 : i32 to vector<16xi32>
      %add3A_394 = arith.addi %add3A_393, %iota3A : vector<16xi32>
      %lt3A = vector.broadcast %scan3A_241 : i32 to vector<16xi32>
      %lt3A_395 = arith.cmpi slt, %add3A_394, %lt3A : vector<16xi32>
      %get3A_396 = arith.index_cast %mul3A_392 : i32 to index
      %get3A_397 = tpu.vector_load %arg25[%get3A_396] {strides = array<i32>} : memref<4112xi32, #tpu.memory_space<vmem>>, vector<16xi32>,
      %jit3A_398 = arith.constant 0 : i32
      %jit3A_399 = arith.constant 4607 : i32
      %max3A = vector.broadcast %jit3A_398 : i32 to vector<16xi32>
      %max3A_400 = arith.maxsi %max3A, %get3A_397 : vector<16xi32>
      %min3A = vector.broadcast %jit3A_399 : i32 to vector<16xi32>
      %min3A_401 = arith.minsi %min3A, %max3A_400 : vector<16xi32>
      %get3A_402 = arith.index_cast %mul3A_392 : i32 to index
      %get3A_403 = tpu.vector_load %arg26[%get3A_402] {strides = array<i32>} : memref<4112xi32, #tpu.memory_space<vmem>>, vector<16xi32>,
      %jit3A_404 = arith.constant 0 : i32
      %jit3A_405 = arith.constant 4095 : i32
      %max3A_406 = vector.broadcast %jit3A_404 : i32 to vector<16xi32>
      %max3A_407 = arith.maxsi %max3A_406, %get3A_403 : vector<16xi32>
      %min3A_408 = vector.broadcast %jit3A_405 : i32 to vector<16xi32>
      %min3A_409 = arith.minsi %min3A_408, %max3A_407 : vector<16xi32>
      %gather3A = tpu.vector_load_idx %arg13[%min3A_409] masked %lt3A_395 : memref<4096xf32, #tpu.memory_space<vmem>>[vector<16xi32>], vector<16xf32>, vector<16xi1>
      %gather3A_410 = tpu.vector_load_idx %arg14[%min3A_409] masked %lt3A_395 : memref<4096xf32, #tpu.memory_space<vmem>>[vector<16xi32>], vector<16xf32>, vector<16xi1>
      %gather3A_411 = tpu.vector_load_idx %arg15[%min3A_409] masked %lt3A_395 : memref<4096xf32, #tpu.memory_space<vmem>>[vector<16xi32>], vector<16xf32>, vector<16xi1>
      %gather3A_412 = tpu.vector_load_idx %arg16[%min3A_409] masked %lt3A_395 : memref<4096xf32, #tpu.memory_space<vmem>>[vector<16xi32>], vector<16xf32>, vector<16xi1>
      %gather3A_413 = tpu.vector_load_idx %arg17[%min3A_409] masked %lt3A_395 : memref<4096xf32, #tpu.memory_space<vmem>>[vector<16xi32>], vector<16xf32>, vector<16xi1>
      %sub3A_414 = arith.constant 1.000000e+00 : f32
      %sub3A_415 = vector.broadcast %sub3A_414 : f32 to vector<16xf32>
      %sub3A_416 = arith.subf %sub3A_415, %gather3A_412 : vector<16xf32>
      tpu.vector_store_idx %arg27[%min3A_401], %iota3A masked %lt3A_395 : memref<4608xi32, #tpu.memory_space<vmem>>[vector<16xi32>], vector<16xi32>, vector<16xi1>
      %gather3A_417 = tpu.vector_load_idx %arg27[%min3A_401] masked %lt3A_395 : memref<4608xi32, #tpu.memory_space<vmem>>[vector<16xi32>], vector<16xi32>, vector<16xi1>
      %ne3A_418 = arith.cmpi ne, %gather3A_417, %iota3A : vector<16xi32>
      %and3A_419 = arith.andi %ne3A_418, %lt3A_395 : vector<16xi1>
      %all_reduce_population_count3A = tpu.all_reduce %and3A_419 {dim = 0 : i64, kind = #tpu.reduction_kind<sum>} : vector<16xi1> -> vector<16xi32>
      %slice3A_420 = vector.extract_strided_slice %all_reduce_population_count3A {offsets = [0], sizes = [1], strides = [1]} : vector<16xi32> to vector<1xi32>
      %squeeze3A_421 = vector.extract %slice3A_420[0] : i32 from vector<1xi32>
      %eq3A = arith.constant 0 : i32
      %eq3A_422 = arith.cmpi eq, %squeeze3A_421, %eq3A : i32
      %convert_element_type3A = arith.extui %eq3A_422 : i1 to i32
      %cond3A = arith.constant 0 : i32
      %cond3A_423 = arith.cmpi ne, %convert_element_type3A, %cond3A : i32
      scf.if %cond3A_423 {
        %gather3A_428 = tpu.vector_load_idx %arg28[%min3A_401] masked %lt3A_395 : memref<4608xf32, #tpu.memory_space<vmem>>[vector<16xi32>], vector<16xf32>, vector<16xi1>
        %mul3A_429 = arith.mulf %gather3A_412, %gather3A : vector<16xf32>
        %mul3A_430 = arith.mulf %sub3A_416, %gather3A_428 : vector<16xf32>
        %add3A_431 = arith.addf %mul3A_429, %mul3A_430 : vector<16xf32>
        tpu.vector_store_idx %arg28[%min3A_401], %add3A_431 masked %lt3A_395 : memref<4608xf32, #tpu.memory_space<vmem>>[vector<16xi32>], vector<16xf32>, vector<16xi1>
        %gather3A_432 = tpu.vector_load_idx %arg29[%min3A_401] masked %lt3A_395 : memref<4608xf32, #tpu.memory_space<vmem>>[vector<16xi32>], vector<16xf32>, vector<16xi1>
        %mul3A_433 = arith.mulf %gather3A_412, %gather3A_410 : vector<16xf32>
        %mul3A_434 = arith.mulf %sub3A_416, %gather3A_432 : vector<16xf32>
        %add3A_435 = arith.addf %mul3A_433, %mul3A_434 : vector<16xf32>
        tpu.vector_store_idx %arg29[%min3A_401], %add3A_435 masked %lt3A_395 : memref<4608xf32, #tpu.memory_space<vmem>>[vector<16xi32>], vector<16xf32>, vector<16xi1>
        %gather3A_436 = tpu.vector_load_idx %arg30[%min3A_401] masked %lt3A_395 : memref<4608xf32, #tpu.memory_space<vmem>>[vector<16xi32>], vector<16xf32>, vector<16xi1>
        %mul3A_437 = arith.mulf %gather3A_412, %gather3A_411 : vector<16xf32>
        %mul3A_438 = arith.mulf %sub3A_416, %gather3A_436 : vector<16xf32>
        %add3A_439 = arith.addf %mul3A_437, %mul3A_438 : vector<16xf32>
        tpu.vector_store_idx %arg30[%min3A_401], %add3A_439 masked %lt3A_395 : memref<4608xf32, #tpu.memory_space<vmem>>[vector<16xi32>], vector<16xf32>, vector<16xi1>
        %gather3A_440 = tpu.vector_load_idx %arg31[%min3A_401] masked %lt3A_395 : memref<4608xf32, #tpu.memory_space<vmem>>[vector<16xi32>], vector<16xf32>, vector<16xi1>
        %mul3A_441 = arith.mulf %sub3A_416, %gather3A_440 : vector<16xf32>
        %add3A_442 = arith.addf %gather3A_412, %mul3A_441 : vector<16xf32>
        tpu.vector_store_idx %arg31[%min3A_401], %add3A_442 masked %lt3A_395 : memref<4608xf32, #tpu.memory_space<vmem>>[vector<16xi32>], vector<16xf32>, vector<16xi1>
        tpu.vector_store_idx %arg32[%min3A_401], %gather3A_413 masked %lt3A_395 : memref<4608xf32, #tpu.memory_space<vmem>>[vector<16xi32>], vector<16xf32>, vector<16xi1>
      } else {
      }
      %gt3A = arith.constant 0 : i32
      %gt3A_424 = arith.cmpi sgt, %squeeze3A_421, %gt3A : i32
      %convert_element_type3A_425 = arith.extui %gt3A_424 : i1 to i32
      %cond3A_426 = arith.constant 0 : i32
      %cond3A_427 = arith.cmpi ne, %convert_element_type3A_425, %cond3A_426 : i32
      scf.if %cond3A_427 {
        %scan3A_428 = arith.constant 0 : i32
        %scan3A_429 = arith.constant 0 : i32
        %scan3A_430 = arith.constant 16 : i32
        %scan3A_431 = arith.addi %scan3A_429, %scan3A_430 : i32
        %scan3A_432 = arith.constant 1 : i32
        scf.for %scan3A_434 = %scan3A_429 to %scan3A_431 step %scan3A_432  : i32 {
          %eq3A_435 = vector.broadcast %scan3A_434 : i32 to vector<16xi32>
          %eq3A_436 = arith.cmpi eq, %iota3A, %eq3A_435 : vector<16xi32>
          %and3A_437 = arith.andi %lt3A_395, %eq3A_436 : vector<16xi1>
          %all_reduce_population_count3A_438 = tpu.all_reduce %and3A_437 {dim = 0 : i64, kind = #tpu.reduction_kind<sum>} : vector<16xi1> -> vector<16xi32>
          %slice3A_439 = vector.extract_strided_slice %all_reduce_population_count3A_438 {offsets = [0], sizes = [1], strides = [1]} : vector<16xi32> to vector<1xi32>
          %squeeze3A_440 = vector.extract %slice3A_439[0] : i32 from vector<1xi32>
          %gt3A_441 = arith.constant 0 : i32
          %gt3A_442 = arith.cmpi sgt, %squeeze3A_440, %gt3A_441 : i32
          %convert_element_type3A_443 = arith.extui %gt3A_442 : i1 to i32
          %cond3A_444 = arith.constant 0 : i32
          %cond3A_445 = arith.cmpi ne, %convert_element_type3A_443, %cond3A_444 : i32
          scf.if %cond3A_445 {
            %gather3A_446 = tpu.vector_load_idx %arg28[%min3A_401] masked %and3A_437 : memref<4608xf32, #tpu.memory_space<vmem>>[vector<16xi32>], vector<16xf32>, vector<16xi1>
            %mul3A_447 = arith.mulf %gather3A_412, %gather3A : vector<16xf32>
            %mul3A_448 = arith.mulf %sub3A_416, %gather3A_446 : vector<16xf32>
            %add3A_449 = arith.addf %mul3A_447, %mul3A_448 : vector<16xf32>
            tpu.vector_store_idx %arg28[%min3A_401], %add3A_449 masked %and3A_437 : memref<4608xf32, #tpu.memory_space<vmem>>[vector<16xi32>], vector<16xf32>, vector<16xi1>
            %gather3A_450 = tpu.vector_load_idx %arg29[%min3A_401] masked %and3A_437 : memref<4608xf32, #tpu.memory_space<vmem>>[vector<16xi32>], vector<16xf32>, vector<16xi1>
            %mul3A_451 = arith.mulf %gather3A_412, %gather3A_410 : vector<16xf32>
            %mul3A_452 = arith.mulf %sub3A_416, %gather3A_450 : vector<16xf32>
            %add3A_453 = arith.addf %mul3A_451, %mul3A_452 : vector<16xf32>
            tpu.vector_store_idx %arg29[%min3A_401], %add3A_453 masked %and3A_437 : memref<4608xf32, #tpu.memory_space<vmem>>[vector<16xi32>], vector<16xf32>, vector<16xi1>
            %gather3A_454 = tpu.vector_load_idx %arg30[%min3A_401] masked %and3A_437 : memref<4608xf32, #tpu.memory_space<vmem>>[vector<16xi32>], vector<16xf32>, vector<16xi1>
            %mul3A_455 = arith.mulf %gather3A_412, %gather3A_411 : vector<16xf32>
            %mul3A_456 = arith.mulf %sub3A_416, %gather3A_454 : vector<16xf32>
            %add3A_457 = arith.addf %mul3A_455, %mul3A_456 : vector<16xf32>
            tpu.vector_store_idx %arg30[%min3A_401], %add3A_457 masked %and3A_437 : memref<4608xf32, #tpu.memory_space<vmem>>[vector<16xi32>], vector<16xf32>, vector<16xi1>
            %gather3A_458 = tpu.vector_load_idx %arg31[%min3A_401] masked %and3A_437 : memref<4608xf32, #tpu.memory_space<vmem>>[vector<16xi32>], vector<16xf32>, vector<16xi1>
            %mul3A_459 = arith.mulf %sub3A_416, %gather3A_458 : vector<16xf32>
            %add3A_460 = arith.addf %gather3A_412, %mul3A_459 : vector<16xf32>
            tpu.vector_store_idx %arg31[%min3A_401], %add3A_460 masked %and3A_437 : memref<4608xf32, #tpu.memory_space<vmem>>[vector<16xi32>], vector<16xf32>, vector<16xi1>
            tpu.vector_store_idx %arg32[%min3A_401], %gather3A_413 masked %and3A_437 : memref<4608xf32, #tpu.memory_space<vmem>>[vector<16xi32>], vector<16xf32>, vector<16xi1>
          } else {
          }
        }
        %scan3A_433 = arith.constant 16 : i32
      } else {
      }
    }
    %dma_wait3A_299 = arith.constant 12288 : i32
    %dma_wait3A_300 = tpu.memref_slice %arg2[%dma_wait3A_299] : memref<16384xi32, #tpu.memory_space<hbm>> -> memref<4096xi32, #tpu.memory_space<hbm>>
    %dma_wait3A_301 = arith.constant 12288 : i32
    %dma_wait3A_302 = tpu.memref_slice %arg2[%dma_wait3A_301] : memref<16384xi32, #tpu.memory_space<hbm>> -> memref<4096xi32, #tpu.memory_space<hbm>>
    tpu.wait_dma2 semaphore(%arg35 : memref<!tpu.dma_semaphore, #tpu.memory_space<semaphore_mem>>) src(%dma_wait3A_302 : memref<4096xi32, #tpu.memory_space<hbm>>) dst(%arg18 : memref<4096xi32, #tpu.memory_space<vmem>>)
    %scan3A_303 = arith.constant 0 : i32
    %scan3A_304 = arith.constant 0 : i32
    %scan3A_305 = arith.constant 256 : i32
    %scan3A_306 = arith.addi %scan3A_304, %scan3A_305 : i32
    %scan3A_307 = arith.constant 8 : i32
    %scan3A_308 = scf.for %scan3A_390 = %scan3A_304 to %scan3A_306 step %scan3A_307 iter_args(%scan3A_391 = %scan3A_303) -> (i32)  : i32 {
      %mul3A_392 = arith.constant 16 : i32
      %mul3A_393 = arith.muli %scan3A_390, %mul3A_392 : i32
      %get3A_394 = arith.index_cast %mul3A_393 : i32 to index
      %get3A_395 = tpu.vector_load %arg18[%get3A_394] {strides = array<i32>} : memref<4096xi32, #tpu.memory_space<vmem>>, vector<16xi32>,
      %sub3A_396 = vector.broadcast %mul3A_2 : i32 to vector<16xi32>
      %sub3A_397 = arith.subi %get3A_395, %sub3A_396 : vector<16xi32>
      %bitcast3A = vector.bitcast %sub3A_397 : vector<16xi32> to vector<16xi32>
      %lt3A = arith.constant 4608 : i32
      %lt3A_398 = vector.broadcast %lt3A : i32 to vector<16xi32>
      %lt3A_399 = arith.cmpi ult, %bitcast3A, %lt3A_398 : vector<16xi32>
      %swap3A = arith.index_cast %scan3A_391 : i32 to index
      %swap3A_400 = tpu.vector_load %arg25[%swap3A] masked %lt3A_399 {strides = array<i32>} : memref<4112xi32, #tpu.memory_space<vmem>>, vector<16xi32>, vector<16xi1>
      tpu.vector_store %arg25[%swap3A], %sub3A_397 masked %lt3A_399 {strides = array<i32>} : memref<4112xi32, #tpu.memory_space<vmem>>, vector<16xi32>, vector<16xi1>
      %add3A_401 = vector.broadcast %mul3A_393 : i32 to vector<16xi32>
      %add3A_402 = arith.addi %add3A_401, %iota3A : vector<16xi32>
      %swap3A_403 = arith.index_cast %scan3A_391 : i32 to index
      %swap3A_404 = tpu.vector_load %arg26[%swap3A_403] masked %lt3A_399 {strides = array<i32>} : memref<4112xi32, #tpu.memory_space<vmem>>, vector<16xi32>, vector<16xi1>
      tpu.vector_store %arg26[%swap3A_403], %add3A_402 masked %lt3A_399 {strides = array<i32>} : memref<4112xi32, #tpu.memory_space<vmem>>, vector<16xi32>, vector<16xi1>
      %all_reduce_population_count3A = tpu.all_reduce %lt3A_399 {dim = 0 : i64, kind = #tpu.reduction_kind<sum>} : vector<16xi1> -> vector<16xi32>
      %slice3A_405 = vector.extract_strided_slice %all_reduce_population_count3A {offsets = [0], sizes = [1], strides = [1]} : vector<16xi32> to vector<1xi32>
      %squeeze3A_406 = vector.extract %slice3A_405[0] : i32 from vector<1xi32>
      %add3A_407 = arith.addi %scan3A_391, %squeeze3A_406 : i32
      %scan3A_408 = arith.constant 1 : i32
      %scan3A_409 = arith.addi %scan3A_390, %scan3A_408 : i32
      %mul3A_410 = arith.constant 16 : i32
      %mul3A_411 = arith.muli %scan3A_409, %mul3A_410 : i32
      %get3A_412 = arith.index_cast %mul3A_411 : i32 to index
      %get3A_413 = tpu.vector_load %arg18[%get3A_412] {strides = array<i32>} : memref<4096xi32, #tpu.memory_space<vmem>>, vector<16xi32>,
      %sub3A_414 = vector.broadcast %mul3A_2 : i32 to vector<16xi32>
      %sub3A_415 = arith.subi %get3A_413, %sub3A_414 : vector<16xi32>
      %bitcast3A_416 = vector.bitcast %sub3A_415 : vector<16xi32> to vector<16xi32>
      %lt3A_417 = arith.constant 4608 : i32
      %lt3A_418 = vector.broadcast %lt3A_417 : i32 to vector<16xi32>
      %lt3A_419 = arith.cmpi ult, %bitcast3A_416, %lt3A_418 : vector<16xi32>
      %swap3A_420 = arith.index_cast %add3A_407 : i32 to index
      %swap3A_421 = tpu.vector_load %arg25[%swap3A_420] masked %lt3A_419 {strides = array<i32>} : memref<4112xi32, #tpu.memory_space<vmem>>, vector<16xi32>, vector<16xi1>
      tpu.vector_store %arg25[%swap3A_420], %sub3A_415 masked %lt3A_419 {strides = array<i32>} : memref<4112xi32, #tpu.memory_space<vmem>>, vector<16xi32>, vector<16xi1>
      %add3A_422 = vector.broadcast %mul3A_411 : i32 to vector<16xi32>
      %add3A_423 = arith.addi %add3A_422, %iota3A : vector<16xi32>
      %swap3A_424 = arith.index_cast %add3A_407 : i32 to index
      %swap3A_425 = tpu.vector_load %arg26[%swap3A_424] masked %lt3A_419 {strides = array<i32>} : memref<4112xi32, #tpu.memory_space<vmem>>, vector<16xi32>, vector<16xi1>
      tpu.vector_store %arg26[%swap3A_424], %add3A_423 masked %lt3A_419 {strides = array<i32>} : memref<4112xi32, #tpu.memory_space<vmem>>, vector<16xi32>, vector<16xi1>
      %all_reduce_population_count3A_426 = tpu.all_reduce %lt3A_419 {dim = 0 : i64, kind = #tpu.reduction_kind<sum>} : vector<16xi1> -> vector<16xi32>
      %slice3A_427 = vector.extract_strided_slice %all_reduce_population_count3A_426 {offsets = [0], sizes = [1], strides = [1]} : vector<16xi32> to vector<1xi32>
      %squeeze3A_428 = vector.extract %slice3A_427[0] : i32 from vector<1xi32>
      %add3A_429 = arith.addi %add3A_407, %squeeze3A_428 : i32
      %scan3A_430 = arith.constant 2 : i32
      %scan3A_431 = arith.addi %scan3A_390, %scan3A_430 : i32
      %mul3A_432 = arith.constant 16 : i32
      %mul3A_433 = arith.muli %scan3A_431, %mul3A_432 : i32
      %get3A_434 = arith.index_cast %mul3A_433 : i32 to index
      %get3A_435 = tpu.vector_load %arg18[%get3A_434] {strides = array<i32>} : memref<4096xi32, #tpu.memory_space<vmem>>, vector<16xi32>,
      %sub3A_436 = vector.broadcast %mul3A_2 : i32 to vector<16xi32>
      %sub3A_437 = arith.subi %get3A_435, %sub3A_436 : vector<16xi32>
      %bitcast3A_438 = vector.bitcast %sub3A_437 : vector<16xi32> to vector<16xi32>
      %lt3A_439 = arith.constant 4608 : i32
      %lt3A_440 = vector.broadcast %lt3A_439 : i32 to vector<16xi32>
      %lt3A_441 = arith.cmpi ult, %bitcast3A_438, %lt3A_440 : vector<16xi32>
      %swap3A_442 = arith.index_cast %add3A_429 : i32 to index
      %swap3A_443 = tpu.vector_load %arg25[%swap3A_442] masked %lt3A_441 {strides = array<i32>} : memref<4112xi32, #tpu.memory_space<vmem>>, vector<16xi32>, vector<16xi1>
      tpu.vector_store %arg25[%swap3A_442], %sub3A_437 masked %lt3A_441 {strides = array<i32>} : memref<4112xi32, #tpu.memory_space<vmem>>, vector<16xi32>, vector<16xi1>
      %add3A_444 = vector.broadcast %mul3A_433 : i32 to vector<16xi32>
      %add3A_445 = arith.addi %add3A_444, %iota3A : vector<16xi32>
      %swap3A_446 = arith.index_cast %add3A_429 : i32 to index
      %swap3A_447 = tpu.vector_load %arg26[%swap3A_446] masked %lt3A_441 {strides = array<i32>} : memref<4112xi32, #tpu.memory_space<vmem>>, vector<16xi32>, vector<16xi1>
      tpu.vector_store %arg26[%swap3A_446], %add3A_445 masked %lt3A_441 {strides = array<i32>} : memref<4112xi32, #tpu.memory_space<vmem>>, vector<16xi32>, vector<16xi1>
      %all_reduce_population_count3A_448 = tpu.all_reduce %lt3A_441 {dim = 0 : i64, kind = #tpu.reduction_kind<sum>} : vector<16xi1> -> vector<16xi32>
      %slice3A_449 = vector.extract_strided_slice %all_reduce_population_count3A_448 {offsets = [0], sizes = [1], strides = [1]} : vector<16xi32> to vector<1xi32>
      %squeeze3A_450 = vector.extract %slice3A_449[0] : i32 from vector<1xi32>
      %add3A_451 = arith.addi %add3A_429, %squeeze3A_450 : i32
      %scan3A_452 = arith.constant 3 : i32
      %scan3A_453 = arith.addi %scan3A_390, %scan3A_452 : i32
      %mul3A_454 = arith.constant 16 : i32
      %mul3A_455 = arith.muli %scan3A_453, %mul3A_454 : i32
      %get3A_456 = arith.index_cast %mul3A_455 : i32 to index
      %get3A_457 = tpu.vector_load %arg18[%get3A_456] {strides = array<i32>} : memref<4096xi32, #tpu.memory_space<vmem>>, vector<16xi32>,
      %sub3A_458 = vector.broadcast %mul3A_2 : i32 to vector<16xi32>
      %sub3A_459 = arith.subi %get3A_457, %sub3A_458 : vector<16xi32>
      %bitcast3A_460 = vector.bitcast %sub3A_459 : vector<16xi32> to vector<16xi32>
      %lt3A_461 = arith.constant 4608 : i32
      %lt3A_462 = vector.broadcast %lt3A_461 : i32 to vector<16xi32>
      %lt3A_463 = arith.cmpi ult, %bitcast3A_460, %lt3A_462 : vector<16xi32>
      %swap3A_464 = arith.index_cast %add3A_451 : i32 to index
      %swap3A_465 = tpu.vector_load %arg25[%swap3A_464] masked %lt3A_463 {strides = array<i32>} : memref<4112xi32, #tpu.memory_space<vmem>>, vector<16xi32>, vector<16xi1>
      tpu.vector_store %arg25[%swap3A_464], %sub3A_459 masked %lt3A_463 {strides = array<i32>} : memref<4112xi32, #tpu.memory_space<vmem>>, vector<16xi32>, vector<16xi1>
      %add3A_466 = vector.broadcast %mul3A_455 : i32 to vector<16xi32>
      %add3A_467 = arith.addi %add3A_466, %iota3A : vector<16xi32>
      %swap3A_468 = arith.index_cast %add3A_451 : i32 to index
      %swap3A_469 = tpu.vector_load %arg26[%swap3A_468] masked %lt3A_463 {strides = array<i32>} : memref<4112xi32, #tpu.memory_space<vmem>>, vector<16xi32>, vector<16xi1>
      tpu.vector_store %arg26[%swap3A_468], %add3A_467 masked %lt3A_463 {strides = array<i32>} : memref<4112xi32, #tpu.memory_space<vmem>>, vector<16xi32>, vector<16xi1>
      %all_reduce_population_count3A_470 = tpu.all_reduce %lt3A_463 {dim = 0 : i64, kind = #tpu.reduction_kind<sum>} : vector<16xi1> -> vector<16xi32>
      %slice3A_471 = vector.extract_strided_slice %all_reduce_population_count3A_470 {offsets = [0], sizes = [1], strides = [1]} : vector<16xi32> to vector<1xi32>
      %squeeze3A_472 = vector.extract %slice3A_471[0] : i32 from vector<1xi32>
      %add3A_473 = arith.addi %add3A_451, %squeeze3A_472 : i32
      %scan3A_474 = arith.constant 4 : i32
      %scan3A_475 = arith.addi %scan3A_390, %scan3A_474 : i32
      %mul3A_476 = arith.constant 16 : i32
      %mul3A_477 = arith.muli %scan3A_475, %mul3A_476 : i32
      %get3A_478 = arith.index_cast %mul3A_477 : i32 to index
      %get3A_479 = tpu.vector_load %arg18[%get3A_478] {strides = array<i32>} : memref<4096xi32, #tpu.memory_space<vmem>>, vector<16xi32>,
      %sub3A_480 = vector.broadcast %mul3A_2 : i32 to vector<16xi32>
      %sub3A_481 = arith.subi %get3A_479, %sub3A_480 : vector<16xi32>
      %bitcast3A_482 = vector.bitcast %sub3A_481 : vector<16xi32> to vector<16xi32>
      %lt3A_483 = arith.constant 4608 : i32
      %lt3A_484 = vector.broadcast %lt3A_483 : i32 to vector<16xi32>
      %lt3A_485 = arith.cmpi ult, %bitcast3A_482, %lt3A_484 : vector<16xi32>
      %swap3A_486 = arith.index_cast %add3A_473 : i32 to index
      %swap3A_487 = tpu.vector_load %arg25[%swap3A_486] masked %lt3A_485 {strides = array<i32>} : memref<4112xi32, #tpu.memory_space<vmem>>, vector<16xi32>, vector<16xi1>
      tpu.vector_store %arg25[%swap3A_486], %sub3A_481 masked %lt3A_485 {strides = array<i32>} : memref<4112xi32, #tpu.memory_space<vmem>>, vector<16xi32>, vector<16xi1>
      %add3A_488 = vector.broadcast %mul3A_477 : i32 to vector<16xi32>
      %add3A_489 = arith.addi %add3A_488, %iota3A : vector<16xi32>
      %swap3A_490 = arith.index_cast %add3A_473 : i32 to index
      %swap3A_491 = tpu.vector_load %arg26[%swap3A_490] masked %lt3A_485 {strides = array<i32>} : memref<4112xi32, #tpu.memory_space<vmem>>, vector<16xi32>, vector<16xi1>
      tpu.vector_store %arg26[%swap3A_490], %add3A_489 masked %lt3A_485 {strides = array<i32>} : memref<4112xi32, #tpu.memory_space<vmem>>, vector<16xi32>, vector<16xi1>
      %all_reduce_population_count3A_492 = tpu.all_reduce %lt3A_485 {dim = 0 : i64, kind = #tpu.reduction_kind<sum>} : vector<16xi1> -> vector<16xi32>
      %slice3A_493 = vector.extract_strided_slice %all_reduce_population_count3A_492 {offsets = [0], sizes = [1], strides = [1]} : vector<16xi32> to vector<1xi32>
      %squeeze3A_494 = vector.extract %slice3A_493[0] : i32 from vector<1xi32>
      %add3A_495 = arith.addi %add3A_473, %squeeze3A_494 : i32
      %scan3A_496 = arith.constant 5 : i32
      %scan3A_497 = arith.addi %scan3A_390, %scan3A_496 : i32
      %mul3A_498 = arith.constant 16 : i32
      %mul3A_499 = arith.muli %scan3A_497, %mul3A_498 : i32
      %get3A_500 = arith.index_cast %mul3A_499 : i32 to index
      %get3A_501 = tpu.vector_load %arg18[%get3A_500] {strides = array<i32>} : memref<4096xi32, #tpu.memory_space<vmem>>, vector<16xi32>,
      %sub3A_502 = vector.broadcast %mul3A_2 : i32 to vector<16xi32>
      %sub3A_503 = arith.subi %get3A_501, %sub3A_502 : vector<16xi32>
      %bitcast3A_504 = vector.bitcast %sub3A_503 : vector<16xi32> to vector<16xi32>
      %lt3A_505 = arith.constant 4608 : i32
      %lt3A_506 = vector.broadcast %lt3A_505 : i32 to vector<16xi32>
      %lt3A_507 = arith.cmpi ult, %bitcast3A_504, %lt3A_506 : vector<16xi32>
      %swap3A_508 = arith.index_cast %add3A_495 : i32 to index
      %swap3A_509 = tpu.vector_load %arg25[%swap3A_508] masked %lt3A_507 {strides = array<i32>} : memref<4112xi32, #tpu.memory_space<vmem>>, vector<16xi32>, vector<16xi1>
      tpu.vector_store %arg25[%swap3A_508], %sub3A_503 masked %lt3A_507 {strides = array<i32>} : memref<4112xi32, #tpu.memory_space<vmem>>, vector<16xi32>, vector<16xi1>
      %add3A_510 = vector.broadcast %mul3A_499 : i32 to vector<16xi32>
      %add3A_511 = arith.addi %add3A_510, %iota3A : vector<16xi32>
      %swap3A_512 = arith.index_cast %add3A_495 : i32 to index
      %swap3A_513 = tpu.vector_load %arg26[%swap3A_512] masked %lt3A_507 {strides = array<i32>} : memref<4112xi32, #tpu.memory_space<vmem>>, vector<16xi32>, vector<16xi1>
      tpu.vector_store %arg26[%swap3A_512], %add3A_511 masked %lt3A_507 {strides = array<i32>} : memref<4112xi32, #tpu.memory_space<vmem>>, vector<16xi32>, vector<16xi1>
      %all_reduce_population_count3A_514 = tpu.all_reduce %lt3A_507 {dim = 0 : i64, kind = #tpu.reduction_kind<sum>} : vector<16xi1> -> vector<16xi32>
      %slice3A_515 = vector.extract_strided_slice %all_reduce_population_count3A_514 {offsets = [0], sizes = [1], strides = [1]} : vector<16xi32> to vector<1xi32>
      %squeeze3A_516 = vector.extract %slice3A_515[0] : i32 from vector<1xi32>
      %add3A_517 = arith.addi %add3A_495, %squeeze3A_516 : i32
      %scan3A_518 = arith.constant 6 : i32
      %scan3A_519 = arith.addi %scan3A_390, %scan3A_518 : i32
      %mul3A_520 = arith.constant 16 : i32
      %mul3A_521 = arith.muli %scan3A_519, %mul3A_520 : i32
      %get3A_522 = arith.index_cast %mul3A_521 : i32 to index
      %get3A_523 = tpu.vector_load %arg18[%get3A_522] {strides = array<i32>} : memref<4096xi32, #tpu.memory_space<vmem>>, vector<16xi32>,
      %sub3A_524 = vector.broadcast %mul3A_2 : i32 to vector<16xi32>
      %sub3A_525 = arith.subi %get3A_523, %sub3A_524 : vector<16xi32>
      %bitcast3A_526 = vector.bitcast %sub3A_525 : vector<16xi32> to vector<16xi32>
      %lt3A_527 = arith.constant 4608 : i32
      %lt3A_528 = vector.broadcast %lt3A_527 : i32 to vector<16xi32>
      %lt3A_529 = arith.cmpi ult, %bitcast3A_526, %lt3A_528 : vector<16xi32>
      %swap3A_530 = arith.index_cast %add3A_517 : i32 to index
      %swap3A_531 = tpu.vector_load %arg25[%swap3A_530] masked %lt3A_529 {strides = array<i32>} : memref<4112xi32, #tpu.memory_space<vmem>>, vector<16xi32>, vector<16xi1>
      tpu.vector_store %arg25[%swap3A_530], %sub3A_525 masked %lt3A_529 {strides = array<i32>} : memref<4112xi32, #tpu.memory_space<vmem>>, vector<16xi32>, vector<16xi1>
      %add3A_532 = vector.broadcast %mul3A_521 : i32 to vector<16xi32>
      %add3A_533 = arith.addi %add3A_532, %iota3A : vector<16xi32>
      %swap3A_534 = arith.index_cast %add3A_517 : i32 to index
      %swap3A_535 = tpu.vector_load %arg26[%swap3A_534] masked %lt3A_529 {strides = array<i32>} : memref<4112xi32, #tpu.memory_space<vmem>>, vector<16xi32>, vector<16xi1>
      tpu.vector_store %arg26[%swap3A_534], %add3A_533 masked %lt3A_529 {strides = array<i32>} : memref<4112xi32, #tpu.memory_space<vmem>>, vector<16xi32>, vector<16xi1>
      %all_reduce_population_count3A_536 = tpu.all_reduce %lt3A_529 {dim = 0 : i64, kind = #tpu.reduction_kind<sum>} : vector<16xi1> -> vector<16xi32>
      %slice3A_537 = vector.extract_strided_slice %all_reduce_population_count3A_536 {offsets = [0], sizes = [1], strides = [1]} : vector<16xi32> to vector<1xi32>
      %squeeze3A_538 = vector.extract %slice3A_537[0] : i32 from vector<1xi32>
      %add3A_539 = arith.addi %add3A_517, %squeeze3A_538 : i32
      %scan3A_540 = arith.constant 7 : i32
      %scan3A_541 = arith.addi %scan3A_390, %scan3A_540 : i32
      %mul3A_542 = arith.constant 16 : i32
      %mul3A_543 = arith.muli %scan3A_541, %mul3A_542 : i32
      %get3A_544 = arith.index_cast %mul3A_543 : i32 to index
      %get3A_545 = tpu.vector_load %arg18[%get3A_544] {strides = array<i32>} : memref<4096xi32, #tpu.memory_space<vmem>>, vector<16xi32>,
      %sub3A_546 = vector.broadcast %mul3A_2 : i32 to vector<16xi32>
      %sub3A_547 = arith.subi %get3A_545, %sub3A_546 : vector<16xi32>
      %bitcast3A_548 = vector.bitcast %sub3A_547 : vector<16xi32> to vector<16xi32>
      %lt3A_549 = arith.constant 4608 : i32
      %lt3A_550 = vector.broadcast %lt3A_549 : i32 to vector<16xi32>
      %lt3A_551 = arith.cmpi ult, %bitcast3A_548, %lt3A_550 : vector<16xi32>
      %swap3A_552 = arith.index_cast %add3A_539 : i32 to index
      %swap3A_553 = tpu.vector_load %arg25[%swap3A_552] masked %lt3A_551 {strides = array<i32>} : memref<4112xi32, #tpu.memory_space<vmem>>, vector<16xi32>, vector<16xi1>
      tpu.vector_store %arg25[%swap3A_552], %sub3A_547 masked %lt3A_551 {strides = array<i32>} : memref<4112xi32, #tpu.memory_space<vmem>>, vector<16xi32>, vector<16xi1>
      %add3A_554 = vector.broadcast %mul3A_543 : i32 to vector<16xi32>
      %add3A_555 = arith.addi %add3A_554, %iota3A : vector<16xi32>
      %swap3A_556 = arith.index_cast %add3A_539 : i32 to index
      %swap3A_557 = tpu.vector_load %arg26[%swap3A_556] masked %lt3A_551 {strides = array<i32>} : memref<4112xi32, #tpu.memory_space<vmem>>, vector<16xi32>, vector<16xi1>
      tpu.vector_store %arg26[%swap3A_556], %add3A_555 masked %lt3A_551 {strides = array<i32>} : memref<4112xi32, #tpu.memory_space<vmem>>, vector<16xi32>, vector<16xi1>
      %all_reduce_population_count3A_558 = tpu.all_reduce %lt3A_551 {dim = 0 : i64, kind = #tpu.reduction_kind<sum>} : vector<16xi1> -> vector<16xi32>
      %slice3A_559 = vector.extract_strided_slice %all_reduce_population_count3A_558 {offsets = [0], sizes = [1], strides = [1]} : vector<16xi32> to vector<1xi32>
      %squeeze3A_560 = vector.extract %slice3A_559[0] : i32 from vector<1xi32>
      %add3A_561 = arith.addi %add3A_539, %squeeze3A_560 : i32
      scf.yield %add3A_561 : i32
    }
    %scan3A_309 = arith.constant 256 : i32
    %dma_wait3A_310 = arith.constant 12288 : i32
    %dma_wait3A_311 = tpu.memref_slice %arg3[%dma_wait3A_310] : memref<16384xf32, #tpu.memory_space<hbm>> -> memref<4096xf32, #tpu.memory_space<hbm>>
    %dma_wait3A_312 = arith.constant 12288 : i32
    %dma_wait3A_313 = tpu.memref_slice %arg3[%dma_wait3A_312] : memref<16384xf32, #tpu.memory_space<hbm>> -> memref<4096xf32, #tpu.memory_space<hbm>>
    tpu.wait_dma2 semaphore(%arg36 : memref<!tpu.dma_semaphore, #tpu.memory_space<semaphore_mem>>) src(%dma_wait3A_313 : memref<4096xf32, #tpu.memory_space<hbm>>) dst(%arg19 : memref<4096xf32, #tpu.memory_space<vmem>>)
    %dma_wait3A_314 = arith.constant 12288 : i32
    %dma_wait3A_315 = tpu.memref_slice %arg4[%dma_wait3A_314] : memref<16384xf32, #tpu.memory_space<hbm>> -> memref<4096xf32, #tpu.memory_space<hbm>>
    %dma_wait3A_316 = arith.constant 12288 : i32
    %dma_wait3A_317 = tpu.memref_slice %arg4[%dma_wait3A_316] : memref<16384xf32, #tpu.memory_space<hbm>> -> memref<4096xf32, #tpu.memory_space<hbm>>
    tpu.wait_dma2 semaphore(%arg36 : memref<!tpu.dma_semaphore, #tpu.memory_space<semaphore_mem>>) src(%dma_wait3A_317 : memref<4096xf32, #tpu.memory_space<hbm>>) dst(%arg20 : memref<4096xf32, #tpu.memory_space<vmem>>)
    %dma_wait3A_318 = arith.constant 12288 : i32
    %dma_wait3A_319 = tpu.memref_slice %arg5[%dma_wait3A_318] : memref<16384xf32, #tpu.memory_space<hbm>> -> memref<4096xf32, #tpu.memory_space<hbm>>
    %dma_wait3A_320 = arith.constant 12288 : i32
    %dma_wait3A_321 = tpu.memref_slice %arg5[%dma_wait3A_320] : memref<16384xf32, #tpu.memory_space<hbm>> -> memref<4096xf32, #tpu.memory_space<hbm>>
    tpu.wait_dma2 semaphore(%arg36 : memref<!tpu.dma_semaphore, #tpu.memory_space<semaphore_mem>>) src(%dma_wait3A_321 : memref<4096xf32, #tpu.memory_space<hbm>>) dst(%arg21 : memref<4096xf32, #tpu.memory_space<vmem>>)
    %dma_wait3A_322 = arith.constant 12288 : i32
    %dma_wait3A_323 = tpu.memref_slice %arg6[%dma_wait3A_322] : memref<16384xf32, #tpu.memory_space<hbm>> -> memref<4096xf32, #tpu.memory_space<hbm>>
    %dma_wait3A_324 = arith.constant 12288 : i32
    %dma_wait3A_325 = tpu.memref_slice %arg6[%dma_wait3A_324] : memref<16384xf32, #tpu.memory_space<hbm>> -> memref<4096xf32, #tpu.memory_space<hbm>>
    tpu.wait_dma2 semaphore(%arg36 : memref<!tpu.dma_semaphore, #tpu.memory_space<semaphore_mem>>) src(%dma_wait3A_325 : memref<4096xf32, #tpu.memory_space<hbm>>) dst(%arg22 : memref<4096xf32, #tpu.memory_space<vmem>>)
    %dma_wait3A_326 = arith.constant 12288 : i32
    %dma_wait3A_327 = tpu.memref_slice %arg7[%dma_wait3A_326] : memref<16384xf32, #tpu.memory_space<hbm>> -> memref<4096xf32, #tpu.memory_space<hbm>>
    %dma_wait3A_328 = arith.constant 12288 : i32
    %dma_wait3A_329 = tpu.memref_slice %arg7[%dma_wait3A_328] : memref<16384xf32, #tpu.memory_space<hbm>> -> memref<4096xf32, #tpu.memory_space<hbm>>
    tpu.wait_dma2 semaphore(%arg36 : memref<!tpu.dma_semaphore, #tpu.memory_space<semaphore_mem>>) src(%dma_wait3A_329 : memref<4096xf32, #tpu.memory_space<hbm>>) dst(%arg23 : memref<4096xf32, #tpu.memory_space<vmem>>)
    %add3A_330 = arith.constant 15 : i32
    %add3A_331 = arith.addi %scan3A_308, %add3A_330 : i32
    %jit3A_332 = arith.constant 16 : i32
    %div3A_333 = arith.divsi %add3A_331, %jit3A_332 : i32
    %sign3A_334 = arith.constant 0 : i32
    %sign3A_335 = arith.cmpi sgt, %add3A_331, %sign3A_334 : i32
    %sign3A_336 = arith.extui %sign3A_335 : i1 to i32
    %sign3A_337 = arith.constant 0 : i32
    %sign3A_338 = arith.cmpi slt, %add3A_331, %sign3A_337 : i32
    %sign3A_339 = arith.extui %sign3A_338 : i1 to i32
    %sign3A_340 = arith.subi %sign3A_336, %sign3A_339 : i32
    %sign3A_341 = arith.constant 0 : i32
    %sign3A_342 = arith.cmpi sgt, %jit3A_332, %sign3A_341 : i32
    %sign3A_343 = arith.extui %sign3A_342 : i1 to i32
    %sign3A_344 = arith.constant 0 : i32
    %sign3A_345 = arith.cmpi slt, %jit3A_332, %sign3A_344 : i32
    %sign3A_346 = arith.extui %sign3A_345 : i1 to i32
    %sign3A_347 = arith.subi %sign3A_343, %sign3A_346 : i32
    %ne3A_348 = arith.cmpi ne, %sign3A_340, %sign3A_347 : i32
    %rem3A_349 = arith.remsi %add3A_331, %jit3A_332 : i32
    %ne3A_350 = arith.constant 0 : i32
    %ne3A_351 = arith.cmpi ne, %rem3A_349, %ne3A_350 : i32
    %and3A_352 = arith.andi %ne3A_348, %ne3A_351 : i1
    %sub3A_353 = arith.constant 1 : i32
    %sub3A_354 = arith.subi %div3A_333, %sub3A_353 : i32
    %select_n3A_355 = arith.select %and3A_352, %sub3A_354, %div3A_333 : i32
    %while3A_356 = arith.constant 0 : i32
    %while3A_357 = arith.constant 0 : i32
    %while3A_358 = arith.subi %select_n3A_355, %while3A_357 : i32
    %while3A_359 = arith.addi %while3A_357, %while3A_358 : i32
    %while3A_360 = arith.constant 1 : i32
    %while3A_361 = arith.divsi %while3A_358, %while3A_360 : i32
    %while3A_362 = arith.muli %while3A_361, %while3A_360 : i32
    %while3A_363 = arith.addi %while3A_357, %while3A_362 : i32
    %while3A_364 = arith.constant 1 : i32
    scf.for %while3A_390 = %while3A_357 to %while3A_363 step %while3A_364  : i32 {
      %mul3A_391 = arith.constant 16 : i32
      %mul3A_392 = arith.muli %while3A_390, %mul3A_391 : i32
      %add3A_393 = vector.broadcast %mul3A_392 : i32 to vector<16xi32>
      %add3A_394 = arith.addi %add3A_393, %iota3A : vector<16xi32>
      %lt3A = vector.broadcast %scan3A_308 : i32 to vector<16xi32>
      %lt3A_395 = arith.cmpi slt, %add3A_394, %lt3A : vector<16xi32>
      %get3A_396 = arith.index_cast %mul3A_392 : i32 to index
      %get3A_397 = tpu.vector_load %arg25[%get3A_396] {strides = array<i32>} : memref<4112xi32, #tpu.memory_space<vmem>>, vector<16xi32>,
      %jit3A_398 = arith.constant 0 : i32
      %jit3A_399 = arith.constant 4607 : i32
      %max3A = vector.broadcast %jit3A_398 : i32 to vector<16xi32>
      %max3A_400 = arith.maxsi %max3A, %get3A_397 : vector<16xi32>
      %min3A = vector.broadcast %jit3A_399 : i32 to vector<16xi32>
      %min3A_401 = arith.minsi %min3A, %max3A_400 : vector<16xi32>
      %get3A_402 = arith.index_cast %mul3A_392 : i32 to index
      %get3A_403 = tpu.vector_load %arg26[%get3A_402] {strides = array<i32>} : memref<4112xi32, #tpu.memory_space<vmem>>, vector<16xi32>,
      %jit3A_404 = arith.constant 0 : i32
      %jit3A_405 = arith.constant 4095 : i32
      %max3A_406 = vector.broadcast %jit3A_404 : i32 to vector<16xi32>
      %max3A_407 = arith.maxsi %max3A_406, %get3A_403 : vector<16xi32>
      %min3A_408 = vector.broadcast %jit3A_405 : i32 to vector<16xi32>
      %min3A_409 = arith.minsi %min3A_408, %max3A_407 : vector<16xi32>
      %gather3A = tpu.vector_load_idx %arg19[%min3A_409] masked %lt3A_395 : memref<4096xf32, #tpu.memory_space<vmem>>[vector<16xi32>], vector<16xf32>, vector<16xi1>
      %gather3A_410 = tpu.vector_load_idx %arg20[%min3A_409] masked %lt3A_395 : memref<4096xf32, #tpu.memory_space<vmem>>[vector<16xi32>], vector<16xf32>, vector<16xi1>
      %gather3A_411 = tpu.vector_load_idx %arg21[%min3A_409] masked %lt3A_395 : memref<4096xf32, #tpu.memory_space<vmem>>[vector<16xi32>], vector<16xf32>, vector<16xi1>
      %gather3A_412 = tpu.vector_load_idx %arg22[%min3A_409] masked %lt3A_395 : memref<4096xf32, #tpu.memory_space<vmem>>[vector<16xi32>], vector<16xf32>, vector<16xi1>
      %gather3A_413 = tpu.vector_load_idx %arg23[%min3A_409] masked %lt3A_395 : memref<4096xf32, #tpu.memory_space<vmem>>[vector<16xi32>], vector<16xf32>, vector<16xi1>
      %sub3A_414 = arith.constant 1.000000e+00 : f32
      %sub3A_415 = vector.broadcast %sub3A_414 : f32 to vector<16xf32>
      %sub3A_416 = arith.subf %sub3A_415, %gather3A_412 : vector<16xf32>
      tpu.vector_store_idx %arg27[%min3A_401], %iota3A masked %lt3A_395 : memref<4608xi32, #tpu.memory_space<vmem>>[vector<16xi32>], vector<16xi32>, vector<16xi1>
      %gather3A_417 = tpu.vector_load_idx %arg27[%min3A_401] masked %lt3A_395 : memref<4608xi32, #tpu.memory_space<vmem>>[vector<16xi32>], vector<16xi32>, vector<16xi1>
      %ne3A_418 = arith.cmpi ne, %gather3A_417, %iota3A : vector<16xi32>
      %and3A_419 = arith.andi %ne3A_418, %lt3A_395 : vector<16xi1>
      %all_reduce_population_count3A = tpu.all_reduce %and3A_419 {dim = 0 : i64, kind = #tpu.reduction_kind<sum>} : vector<16xi1> -> vector<16xi32>
      %slice3A_420 = vector.extract_strided_slice %all_reduce_population_count3A {offsets = [0], sizes = [1], strides = [1]} : vector<16xi32> to vector<1xi32>
      %squeeze3A_421 = vector.extract %slice3A_420[0] : i32 from vector<1xi32>
      %eq3A = arith.constant 0 : i32
      %eq3A_422 = arith.cmpi eq, %squeeze3A_421, %eq3A : i32
      %convert_element_type3A = arith.extui %eq3A_422 : i1 to i32
      %cond3A = arith.constant 0 : i32
      %cond3A_423 = arith.cmpi ne, %convert_element_type3A, %cond3A : i32
      scf.if %cond3A_423 {
        %gather3A_428 = tpu.vector_load_idx %arg28[%min3A_401] masked %lt3A_395 : memref<4608xf32, #tpu.memory_space<vmem>>[vector<16xi32>], vector<16xf32>, vector<16xi1>
        %mul3A_429 = arith.mulf %gather3A_412, %gather3A : vector<16xf32>
        %mul3A_430 = arith.mulf %sub3A_416, %gather3A_428 : vector<16xf32>
        %add3A_431 = arith.addf %mul3A_429, %mul3A_430 : vector<16xf32>
        tpu.vector_store_idx %arg28[%min3A_401], %add3A_431 masked %lt3A_395 : memref<4608xf32, #tpu.memory_space<vmem>>[vector<16xi32>], vector<16xf32>, vector<16xi1>
        %gather3A_432 = tpu.vector_load_idx %arg29[%min3A_401] masked %lt3A_395 : memref<4608xf32, #tpu.memory_space<vmem>>[vector<16xi32>], vector<16xf32>, vector<16xi1>
        %mul3A_433 = arith.mulf %gather3A_412, %gather3A_410 : vector<16xf32>
        %mul3A_434 = arith.mulf %sub3A_416, %gather3A_432 : vector<16xf32>
        %add3A_435 = arith.addf %mul3A_433, %mul3A_434 : vector<16xf32>
        tpu.vector_store_idx %arg29[%min3A_401], %add3A_435 masked %lt3A_395 : memref<4608xf32, #tpu.memory_space<vmem>>[vector<16xi32>], vector<16xf32>, vector<16xi1>
        %gather3A_436 = tpu.vector_load_idx %arg30[%min3A_401] masked %lt3A_395 : memref<4608xf32, #tpu.memory_space<vmem>>[vector<16xi32>], vector<16xf32>, vector<16xi1>
        %mul3A_437 = arith.mulf %gather3A_412, %gather3A_411 : vector<16xf32>
        %mul3A_438 = arith.mulf %sub3A_416, %gather3A_436 : vector<16xf32>
        %add3A_439 = arith.addf %mul3A_437, %mul3A_438 : vector<16xf32>
        tpu.vector_store_idx %arg30[%min3A_401], %add3A_439 masked %lt3A_395 : memref<4608xf32, #tpu.memory_space<vmem>>[vector<16xi32>], vector<16xf32>, vector<16xi1>
        %gather3A_440 = tpu.vector_load_idx %arg31[%min3A_401] masked %lt3A_395 : memref<4608xf32, #tpu.memory_space<vmem>>[vector<16xi32>], vector<16xf32>, vector<16xi1>
        %mul3A_441 = arith.mulf %sub3A_416, %gather3A_440 : vector<16xf32>
        %add3A_442 = arith.addf %gather3A_412, %mul3A_441 : vector<16xf32>
        tpu.vector_store_idx %arg31[%min3A_401], %add3A_442 masked %lt3A_395 : memref<4608xf32, #tpu.memory_space<vmem>>[vector<16xi32>], vector<16xf32>, vector<16xi1>
        tpu.vector_store_idx %arg32[%min3A_401], %gather3A_413 masked %lt3A_395 : memref<4608xf32, #tpu.memory_space<vmem>>[vector<16xi32>], vector<16xf32>, vector<16xi1>
      } else {
      }
      %gt3A = arith.constant 0 : i32
      %gt3A_424 = arith.cmpi sgt, %squeeze3A_421, %gt3A : i32
      %convert_element_type3A_425 = arith.extui %gt3A_424 : i1 to i32
      %cond3A_426 = arith.constant 0 : i32
      %cond3A_427 = arith.cmpi ne, %convert_element_type3A_425, %cond3A_426 : i32
      scf.if %cond3A_427 {
        %scan3A_428 = arith.constant 0 : i32
        %scan3A_429 = arith.constant 0 : i32
        %scan3A_430 = arith.constant 16 : i32
        %scan3A_431 = arith.addi %scan3A_429, %scan3A_430 : i32
        %scan3A_432 = arith.constant 1 : i32
        scf.for %scan3A_434 = %scan3A_429 to %scan3A_431 step %scan3A_432  : i32 {
          %eq3A_435 = vector.broadcast %scan3A_434 : i32 to vector<16xi32>
          %eq3A_436 = arith.cmpi eq, %iota3A, %eq3A_435 : vector<16xi32>
          %and3A_437 = arith.andi %lt3A_395, %eq3A_436 : vector<16xi1>
          %all_reduce_population_count3A_438 = tpu.all_reduce %and3A_437 {dim = 0 : i64, kind = #tpu.reduction_kind<sum>} : vector<16xi1> -> vector<16xi32>
          %slice3A_439 = vector.extract_strided_slice %all_reduce_population_count3A_438 {offsets = [0], sizes = [1], strides = [1]} : vector<16xi32> to vector<1xi32>
          %squeeze3A_440 = vector.extract %slice3A_439[0] : i32 from vector<1xi32>
          %gt3A_441 = arith.constant 0 : i32
          %gt3A_442 = arith.cmpi sgt, %squeeze3A_440, %gt3A_441 : i32
          %convert_element_type3A_443 = arith.extui %gt3A_442 : i1 to i32
          %cond3A_444 = arith.constant 0 : i32
          %cond3A_445 = arith.cmpi ne, %convert_element_type3A_443, %cond3A_444 : i32
          scf.if %cond3A_445 {
            %gather3A_446 = tpu.vector_load_idx %arg28[%min3A_401] masked %and3A_437 : memref<4608xf32, #tpu.memory_space<vmem>>[vector<16xi32>], vector<16xf32>, vector<16xi1>
            %mul3A_447 = arith.mulf %gather3A_412, %gather3A : vector<16xf32>
            %mul3A_448 = arith.mulf %sub3A_416, %gather3A_446 : vector<16xf32>
            %add3A_449 = arith.addf %mul3A_447, %mul3A_448 : vector<16xf32>
            tpu.vector_store_idx %arg28[%min3A_401], %add3A_449 masked %and3A_437 : memref<4608xf32, #tpu.memory_space<vmem>>[vector<16xi32>], vector<16xf32>, vector<16xi1>
            %gather3A_450 = tpu.vector_load_idx %arg29[%min3A_401] masked %and3A_437 : memref<4608xf32, #tpu.memory_space<vmem>>[vector<16xi32>], vector<16xf32>, vector<16xi1>
            %mul3A_451 = arith.mulf %gather3A_412, %gather3A_410 : vector<16xf32>
            %mul3A_452 = arith.mulf %sub3A_416, %gather3A_450 : vector<16xf32>
            %add3A_453 = arith.addf %mul3A_451, %mul3A_452 : vector<16xf32>
            tpu.vector_store_idx %arg29[%min3A_401], %add3A_453 masked %and3A_437 : memref<4608xf32, #tpu.memory_space<vmem>>[vector<16xi32>], vector<16xf32>, vector<16xi1>
            %gather3A_454 = tpu.vector_load_idx %arg30[%min3A_401] masked %and3A_437 : memref<4608xf32, #tpu.memory_space<vmem>>[vector<16xi32>], vector<16xf32>, vector<16xi1>
            %mul3A_455 = arith.mulf %gather3A_412, %gather3A_411 : vector<16xf32>
            %mul3A_456 = arith.mulf %sub3A_416, %gather3A_454 : vector<16xf32>
            %add3A_457 = arith.addf %mul3A_455, %mul3A_456 : vector<16xf32>
            tpu.vector_store_idx %arg30[%min3A_401], %add3A_457 masked %and3A_437 : memref<4608xf32, #tpu.memory_space<vmem>>[vector<16xi32>], vector<16xf32>, vector<16xi1>
            %gather3A_458 = tpu.vector_load_idx %arg31[%min3A_401] masked %and3A_437 : memref<4608xf32, #tpu.memory_space<vmem>>[vector<16xi32>], vector<16xf32>, vector<16xi1>
            %mul3A_459 = arith.mulf %sub3A_416, %gather3A_458 : vector<16xf32>
            %add3A_460 = arith.addf %gather3A_412, %mul3A_459 : vector<16xf32>
            tpu.vector_store_idx %arg31[%min3A_401], %add3A_460 masked %and3A_437 : memref<4608xf32, #tpu.memory_space<vmem>>[vector<16xi32>], vector<16xf32>, vector<16xi1>
            tpu.vector_store_idx %arg32[%min3A_401], %gather3A_413 masked %and3A_437 : memref<4608xf32, #tpu.memory_space<vmem>>[vector<16xi32>], vector<16xf32>, vector<16xi1>
          } else {
          }
        }
        %scan3A_433 = arith.constant 16 : i32
      } else {
      }
    }
    %while3A_365 = arith.constant 1 : i32
    scf.for %while3A_390 = %while3A_363 to %while3A_359 step %while3A_365  : i32 {
      %mul3A_391 = arith.constant 16 : i32
      %mul3A_392 = arith.muli %while3A_390, %mul3A_391 : i32
      %add3A_393 = vector.broadcast %mul3A_392 : i32 to vector<16xi32>
      %add3A_394 = arith.addi %add3A_393, %iota3A : vector<16xi32>
      %lt3A = vector.broadcast %scan3A_308 : i32 to vector<16xi32>
      %lt3A_395 = arith.cmpi slt, %add3A_394, %lt3A : vector<16xi32>
      %get3A_396 = arith.index_cast %mul3A_392 : i32 to index
      %get3A_397 = tpu.vector_load %arg25[%get3A_396] {strides = array<i32>} : memref<4112xi32, #tpu.memory_space<vmem>>, vector<16xi32>,
      %jit3A_398 = arith.constant 0 : i32
      %jit3A_399 = arith.constant 4607 : i32
      %max3A = vector.broadcast %jit3A_398 : i32 to vector<16xi32>
      %max3A_400 = arith.maxsi %max3A, %get3A_397 : vector<16xi32>
      %min3A = vector.broadcast %jit3A_399 : i32 to vector<16xi32>
      %min3A_401 = arith.minsi %min3A, %max3A_400 : vector<16xi32>
      %get3A_402 = arith.index_cast %mul3A_392 : i32 to index
      %get3A_403 = tpu.vector_load %arg26[%get3A_402] {strides = array<i32>} : memref<4112xi32, #tpu.memory_space<vmem>>, vector<16xi32>,
      %jit3A_404 = arith.constant 0 : i32
      %jit3A_405 = arith.constant 4095 : i32
      %max3A_406 = vector.broadcast %jit3A_404 : i32 to vector<16xi32>
      %max3A_407 = arith.maxsi %max3A_406, %get3A_403 : vector<16xi32>
      %min3A_408 = vector.broadcast %jit3A_405 : i32 to vector<16xi32>
      %min3A_409 = arith.minsi %min3A_408, %max3A_407 : vector<16xi32>
      %gather3A = tpu.vector_load_idx %arg19[%min3A_409] masked %lt3A_395 : memref<4096xf32, #tpu.memory_space<vmem>>[vector<16xi32>], vector<16xf32>, vector<16xi1>
      %gather3A_410 = tpu.vector_load_idx %arg20[%min3A_409] masked %lt3A_395 : memref<4096xf32, #tpu.memory_space<vmem>>[vector<16xi32>], vector<16xf32>, vector<16xi1>
      %gather3A_411 = tpu.vector_load_idx %arg21[%min3A_409] masked %lt3A_395 : memref<4096xf32, #tpu.memory_space<vmem>>[vector<16xi32>], vector<16xf32>, vector<16xi1>
      %gather3A_412 = tpu.vector_load_idx %arg22[%min3A_409] masked %lt3A_395 : memref<4096xf32, #tpu.memory_space<vmem>>[vector<16xi32>], vector<16xf32>, vector<16xi1>
      %gather3A_413 = tpu.vector_load_idx %arg23[%min3A_409] masked %lt3A_395 : memref<4096xf32, #tpu.memory_space<vmem>>[vector<16xi32>], vector<16xf32>, vector<16xi1>
      %sub3A_414 = arith.constant 1.000000e+00 : f32
      %sub3A_415 = vector.broadcast %sub3A_414 : f32 to vector<16xf32>
      %sub3A_416 = arith.subf %sub3A_415, %gather3A_412 : vector<16xf32>
      tpu.vector_store_idx %arg27[%min3A_401], %iota3A masked %lt3A_395 : memref<4608xi32, #tpu.memory_space<vmem>>[vector<16xi32>], vector<16xi32>, vector<16xi1>
      %gather3A_417 = tpu.vector_load_idx %arg27[%min3A_401] masked %lt3A_395 : memref<4608xi32, #tpu.memory_space<vmem>>[vector<16xi32>], vector<16xi32>, vector<16xi1>
      %ne3A_418 = arith.cmpi ne, %gather3A_417, %iota3A : vector<16xi32>
      %and3A_419 = arith.andi %ne3A_418, %lt3A_395 : vector<16xi1>
      %all_reduce_population_count3A = tpu.all_reduce %and3A_419 {dim = 0 : i64, kind = #tpu.reduction_kind<sum>} : vector<16xi1> -> vector<16xi32>
      %slice3A_420 = vector.extract_strided_slice %all_reduce_population_count3A {offsets = [0], sizes = [1], strides = [1]} : vector<16xi32> to vector<1xi32>
      %squeeze3A_421 = vector.extract %slice3A_420[0] : i32 from vector<1xi32>
      %eq3A = arith.constant 0 : i32
      %eq3A_422 = arith.cmpi eq, %squeeze3A_421, %eq3A : i32
      %convert_element_type3A = arith.extui %eq3A_422 : i1 to i32
      %cond3A = arith.constant 0 : i32
      %cond3A_423 = arith.cmpi ne, %convert_element_type3A, %cond3A : i32
      scf.if %cond3A_423 {
        %gather3A_428 = tpu.vector_load_idx %arg28[%min3A_401] masked %lt3A_395 : memref<4608xf32, #tpu.memory_space<vmem>>[vector<16xi32>], vector<16xf32>, vector<16xi1>
        %mul3A_429 = arith.mulf %gather3A_412, %gather3A : vector<16xf32>
        %mul3A_430 = arith.mulf %sub3A_416, %gather3A_428 : vector<16xf32>
        %add3A_431 = arith.addf %mul3A_429, %mul3A_430 : vector<16xf32>
        tpu.vector_store_idx %arg28[%min3A_401], %add3A_431 masked %lt3A_395 : memref<4608xf32, #tpu.memory_space<vmem>>[vector<16xi32>], vector<16xf32>, vector<16xi1>
        %gather3A_432 = tpu.vector_load_idx %arg29[%min3A_401] masked %lt3A_395 : memref<4608xf32, #tpu.memory_space<vmem>>[vector<16xi32>], vector<16xf32>, vector<16xi1>
        %mul3A_433 = arith.mulf %gather3A_412, %gather3A_410 : vector<16xf32>
        %mul3A_434 = arith.mulf %sub3A_416, %gather3A_432 : vector<16xf32>
        %add3A_435 = arith.addf %mul3A_433, %mul3A_434 : vector<16xf32>
        tpu.vector_store_idx %arg29[%min3A_401], %add3A_435 masked %lt3A_395 : memref<4608xf32, #tpu.memory_space<vmem>>[vector<16xi32>], vector<16xf32>, vector<16xi1>
        %gather3A_436 = tpu.vector_load_idx %arg30[%min3A_401] masked %lt3A_395 : memref<4608xf32, #tpu.memory_space<vmem>>[vector<16xi32>], vector<16xf32>, vector<16xi1>
        %mul3A_437 = arith.mulf %gather3A_412, %gather3A_411 : vector<16xf32>
        %mul3A_438 = arith.mulf %sub3A_416, %gather3A_436 : vector<16xf32>
        %add3A_439 = arith.addf %mul3A_437, %mul3A_438 : vector<16xf32>
        tpu.vector_store_idx %arg30[%min3A_401], %add3A_439 masked %lt3A_395 : memref<4608xf32, #tpu.memory_space<vmem>>[vector<16xi32>], vector<16xf32>, vector<16xi1>
        %gather3A_440 = tpu.vector_load_idx %arg31[%min3A_401] masked %lt3A_395 : memref<4608xf32, #tpu.memory_space<vmem>>[vector<16xi32>], vector<16xf32>, vector<16xi1>
        %mul3A_441 = arith.mulf %sub3A_416, %gather3A_440 : vector<16xf32>
        %add3A_442 = arith.addf %gather3A_412, %mul3A_441 : vector<16xf32>
        tpu.vector_store_idx %arg31[%min3A_401], %add3A_442 masked %lt3A_395 : memref<4608xf32, #tpu.memory_space<vmem>>[vector<16xi32>], vector<16xf32>, vector<16xi1>
        tpu.vector_store_idx %arg32[%min3A_401], %gather3A_413 masked %lt3A_395 : memref<4608xf32, #tpu.memory_space<vmem>>[vector<16xi32>], vector<16xf32>, vector<16xi1>
      } else {
      }
      %gt3A = arith.constant 0 : i32
      %gt3A_424 = arith.cmpi sgt, %squeeze3A_421, %gt3A : i32
      %convert_element_type3A_425 = arith.extui %gt3A_424 : i1 to i32
      %cond3A_426 = arith.constant 0 : i32
      %cond3A_427 = arith.cmpi ne, %convert_element_type3A_425, %cond3A_426 : i32
      scf.if %cond3A_427 {
        %scan3A_428 = arith.constant 0 : i32
        %scan3A_429 = arith.constant 0 : i32
        %scan3A_430 = arith.constant 16 : i32
        %scan3A_431 = arith.addi %scan3A_429, %scan3A_430 : i32
        %scan3A_432 = arith.constant 1 : i32
        scf.for %scan3A_434 = %scan3A_429 to %scan3A_431 step %scan3A_432  : i32 {
          %eq3A_435 = vector.broadcast %scan3A_434 : i32 to vector<16xi32>
          %eq3A_436 = arith.cmpi eq, %iota3A, %eq3A_435 : vector<16xi32>
          %and3A_437 = arith.andi %lt3A_395, %eq3A_436 : vector<16xi1>
          %all_reduce_population_count3A_438 = tpu.all_reduce %and3A_437 {dim = 0 : i64, kind = #tpu.reduction_kind<sum>} : vector<16xi1> -> vector<16xi32>
          %slice3A_439 = vector.extract_strided_slice %all_reduce_population_count3A_438 {offsets = [0], sizes = [1], strides = [1]} : vector<16xi32> to vector<1xi32>
          %squeeze3A_440 = vector.extract %slice3A_439[0] : i32 from vector<1xi32>
          %gt3A_441 = arith.constant 0 : i32
          %gt3A_442 = arith.cmpi sgt, %squeeze3A_440, %gt3A_441 : i32
          %convert_element_type3A_443 = arith.extui %gt3A_442 : i1 to i32
          %cond3A_444 = arith.constant 0 : i32
          %cond3A_445 = arith.cmpi ne, %convert_element_type3A_443, %cond3A_444 : i32
          scf.if %cond3A_445 {
            %gather3A_446 = tpu.vector_load_idx %arg28[%min3A_401] masked %and3A_437 : memref<4608xf32, #tpu.memory_space<vmem>>[vector<16xi32>], vector<16xf32>, vector<16xi1>
            %mul3A_447 = arith.mulf %gather3A_412, %gather3A : vector<16xf32>
            %mul3A_448 = arith.mulf %sub3A_416, %gather3A_446 : vector<16xf32>
            %add3A_449 = arith.addf %mul3A_447, %mul3A_448 : vector<16xf32>
            tpu.vector_store_idx %arg28[%min3A_401], %add3A_449 masked %and3A_437 : memref<4608xf32, #tpu.memory_space<vmem>>[vector<16xi32>], vector<16xf32>, vector<16xi1>
            %gather3A_450 = tpu.vector_load_idx %arg29[%min3A_401] masked %and3A_437 : memref<4608xf32, #tpu.memory_space<vmem>>[vector<16xi32>], vector<16xf32>, vector<16xi1>
            %mul3A_451 = arith.mulf %gather3A_412, %gather3A_410 : vector<16xf32>
            %mul3A_452 = arith.mulf %sub3A_416, %gather3A_450 : vector<16xf32>
            %add3A_453 = arith.addf %mul3A_451, %mul3A_452 : vector<16xf32>
            tpu.vector_store_idx %arg29[%min3A_401], %add3A_453 masked %and3A_437 : memref<4608xf32, #tpu.memory_space<vmem>>[vector<16xi32>], vector<16xf32>, vector<16xi1>
            %gather3A_454 = tpu.vector_load_idx %arg30[%min3A_401] masked %and3A_437 : memref<4608xf32, #tpu.memory_space<vmem>>[vector<16xi32>], vector<16xf32>, vector<16xi1>
            %mul3A_455 = arith.mulf %gather3A_412, %gather3A_411 : vector<16xf32>
            %mul3A_456 = arith.mulf %sub3A_416, %gather3A_454 : vector<16xf32>
            %add3A_457 = arith.addf %mul3A_455, %mul3A_456 : vector<16xf32>
            tpu.vector_store_idx %arg30[%min3A_401], %add3A_457 masked %and3A_437 : memref<4608xf32, #tpu.memory_space<vmem>>[vector<16xi32>], vector<16xf32>, vector<16xi1>
            %gather3A_458 = tpu.vector_load_idx %arg31[%min3A_401] masked %and3A_437 : memref<4608xf32, #tpu.memory_space<vmem>>[vector<16xi32>], vector<16xf32>, vector<16xi1>
            %mul3A_459 = arith.mulf %sub3A_416, %gather3A_458 : vector<16xf32>
            %add3A_460 = arith.addf %gather3A_412, %mul3A_459 : vector<16xf32>
            tpu.vector_store_idx %arg31[%min3A_401], %add3A_460 masked %and3A_437 : memref<4608xf32, #tpu.memory_space<vmem>>[vector<16xi32>], vector<16xf32>, vector<16xi1>
            tpu.vector_store_idx %arg32[%min3A_401], %gather3A_413 masked %and3A_437 : memref<4608xf32, #tpu.memory_space<vmem>>[vector<16xi32>], vector<16xf32>, vector<16xi1>
          } else {
          }
        }
        %scan3A_433 = arith.constant 16 : i32
      } else {
      }
    }
    %dma_start3A_366 = tpu.memref_slice %arg9[%mul3A_2] : memref<442368xf32, #tpu.memory_space<hbm>> -> memref<4608xf32, #tpu.memory_space<hbm>>
    %dma_start3A_367 = tpu.memref_slice %arg9[%mul3A_2] : memref<442368xf32, #tpu.memory_space<hbm>> -> memref<4608xf32, #tpu.memory_space<hbm>>
    tpu.enqueue_dma source(%arg28 : memref<4608xf32, #tpu.memory_space<vmem>>) target(%dma_start3A_367 : memref<4608xf32, #tpu.memory_space<hbm>>) target_semaphore(%arg37 : memref<!tpu.dma_semaphore, #tpu.memory_space<semaphore_mem>>)
    %add3A_368 = arith.constant 147456 : i32
    %add3A_369 = arith.addi %add3A_368, %mul3A_2 : i32
    %dma_start3A_370 = tpu.memref_slice %arg9[%add3A_369] : memref<442368xf32, #tpu.memory_space<hbm>> -> memref<4608xf32, #tpu.memory_space<hbm>>
    %dma_start3A_371 = tpu.memref_slice %arg9[%add3A_369] : memref<442368xf32, #tpu.memory_space<hbm>> -> memref<4608xf32, #tpu.memory_space<hbm>>
    tpu.enqueue_dma source(%arg29 : memref<4608xf32, #tpu.memory_space<vmem>>) target(%dma_start3A_371 : memref<4608xf32, #tpu.memory_space<hbm>>) target_semaphore(%arg37 : memref<!tpu.dma_semaphore, #tpu.memory_space<semaphore_mem>>)
    %add3A_372 = arith.constant 294912 : i32
    %add3A_373 = arith.addi %add3A_372, %mul3A_2 : i32
    %dma_start3A_374 = tpu.memref_slice %arg9[%add3A_373] : memref<442368xf32, #tpu.memory_space<hbm>> -> memref<4608xf32, #tpu.memory_space<hbm>>
    %dma_start3A_375 = tpu.memref_slice %arg9[%add3A_373] : memref<442368xf32, #tpu.memory_space<hbm>> -> memref<4608xf32, #tpu.memory_space<hbm>>
    tpu.enqueue_dma source(%arg30 : memref<4608xf32, #tpu.memory_space<vmem>>) target(%dma_start3A_375 : memref<4608xf32, #tpu.memory_space<hbm>>) target_semaphore(%arg37 : memref<!tpu.dma_semaphore, #tpu.memory_space<semaphore_mem>>)
    %dma_start3A_376 = tpu.memref_slice %arg10[%mul3A_2] : memref<147456xf32, #tpu.memory_space<hbm>> -> memref<4608xf32, #tpu.memory_space<hbm>>
    %dma_start3A_377 = tpu.memref_slice %arg10[%mul3A_2] : memref<147456xf32, #tpu.memory_space<hbm>> -> memref<4608xf32, #tpu.memory_space<hbm>>
    tpu.enqueue_dma source(%arg31 : memref<4608xf32, #tpu.memory_space<vmem>>) target(%dma_start3A_377 : memref<4608xf32, #tpu.memory_space<hbm>>) target_semaphore(%arg37 : memref<!tpu.dma_semaphore, #tpu.memory_space<semaphore_mem>>)
    %dma_start3A_378 = tpu.memref_slice %arg11[%mul3A_2] : memref<147456xf32, #tpu.memory_space<hbm>> -> memref<4608xf32, #tpu.memory_space<hbm>>
    %dma_start3A_379 = tpu.memref_slice %arg11[%mul3A_2] : memref<147456xf32, #tpu.memory_space<hbm>> -> memref<4608xf32, #tpu.memory_space<hbm>>
    tpu.enqueue_dma source(%arg32 : memref<4608xf32, #tpu.memory_space<vmem>>) target(%dma_start3A_379 : memref<4608xf32, #tpu.memory_space<hbm>>) target_semaphore(%arg37 : memref<!tpu.dma_semaphore, #tpu.memory_space<semaphore_mem>>)
    %dma_wait3A_380 = tpu.memref_slice %arg9[%mul3A_2] : memref<442368xf32, #tpu.memory_space<hbm>> -> memref<4608xf32, #tpu.memory_space<hbm>>
    %dma_wait3A_381 = tpu.memref_slice %arg9[%mul3A_2] : memref<442368xf32, #tpu.memory_space<hbm>> -> memref<4608xf32, #tpu.memory_space<hbm>>
    tpu.wait_dma2 semaphore(%arg37 : memref<!tpu.dma_semaphore, #tpu.memory_space<semaphore_mem>>) src(%arg28 : memref<4608xf32, #tpu.memory_space<vmem>>) dst(%dma_wait3A_381 : memref<4608xf32, #tpu.memory_space<hbm>>)
    %dma_wait3A_382 = tpu.memref_slice %arg9[%add3A_369] : memref<442368xf32, #tpu.memory_space<hbm>> -> memref<4608xf32, #tpu.memory_space<hbm>>
    %dma_wait3A_383 = tpu.memref_slice %arg9[%add3A_369] : memref<442368xf32, #tpu.memory_space<hbm>> -> memref<4608xf32, #tpu.memory_space<hbm>>
    tpu.wait_dma2 semaphore(%arg37 : memref<!tpu.dma_semaphore, #tpu.memory_space<semaphore_mem>>) src(%arg29 : memref<4608xf32, #tpu.memory_space<vmem>>) dst(%dma_wait3A_383 : memref<4608xf32, #tpu.memory_space<hbm>>)
    %dma_wait3A_384 = tpu.memref_slice %arg9[%add3A_373] : memref<442368xf32, #tpu.memory_space<hbm>> -> memref<4608xf32, #tpu.memory_space<hbm>>
    %dma_wait3A_385 = tpu.memref_slice %arg9[%add3A_373] : memref<442368xf32, #tpu.memory_space<hbm>> -> memref<4608xf32, #tpu.memory_space<hbm>>
    tpu.wait_dma2 semaphore(%arg37 : memref<!tpu.dma_semaphore, #tpu.memory_space<semaphore_mem>>) src(%arg30 : memref<4608xf32, #tpu.memory_space<vmem>>) dst(%dma_wait3A_385 : memref<4608xf32, #tpu.memory_space<hbm>>)
    %dma_wait3A_386 = tpu.memref_slice %arg10[%mul3A_2] : memref<147456xf32, #tpu.memory_space<hbm>> -> memref<4608xf32, #tpu.memory_space<hbm>>
    %dma_wait3A_387 = tpu.memref_slice %arg10[%mul3A_2] : memref<147456xf32, #tpu.memory_space<hbm>> -> memref<4608xf32, #tpu.memory_space<hbm>>
    tpu.wait_dma2 semaphore(%arg37 : memref<!tpu.dma_semaphore, #tpu.memory_space<semaphore_mem>>) src(%arg31 : memref<4608xf32, #tpu.memory_space<vmem>>) dst(%dma_wait3A_387 : memref<4608xf32, #tpu.memory_space<hbm>>)
    %dma_wait3A_388 = tpu.memref_slice %arg11[%mul3A_2] : memref<147456xf32, #tpu.memory_space<hbm>> -> memref<4608xf32, #tpu.memory_space<hbm>>
    %dma_wait3A_389 = tpu.memref_slice %arg11[%mul3A_2] : memref<147456xf32, #tpu.memory_space<hbm>> -> memref<4608xf32, #tpu.memory_space<hbm>>
    tpu.wait_dma2 semaphore(%arg37 : memref<!tpu.dma_semaphore, #tpu.memory_space<semaphore_mem>>) src(%arg32 : memref<4608xf32, #tpu.memory_space<vmem>>) dst(%dma_wait3A_389 : memref<4608xf32, #tpu.memory_space<hbm>>)
    return
  }
}

module attributes {stable_mosaic.version = 14 : i64} {
  func.func @_prep_kernel(%arg0: memref<2xf32, #tpu.memory_space<smem>>, %arg1: memref<128x128xf32, #tpu.memory_space<vmem>>, %arg2: memref<128x128xf32, #tpu.memory_space<vmem>>, %arg3: memref<128x128xf32, #tpu.memory_space<vmem>>, %arg4: memref<128x128xf32, #tpu.memory_space<vmem>>, %arg5: memref<128x128xf32, #tpu.memory_space<vmem>>, %arg6: memref<128x128xi32, #tpu.memory_space<vmem>>, %arg7: memref<128x128xf32, #tpu.memory_space<vmem>>, %arg8: memref<128x128xf32, #tpu.memory_space<vmem>>, %arg9: memref<128x128xf32, #tpu.memory_space<vmem>>) attributes {dimension_semantics = [], scalar_prefetch = 0 : i64, scratch_operands = 0 : i64, tpu.core_type = #tpu.core_type<tc>} {
    %get3A = arith.constant 0 : index
    %get3A_0 = arith.constant 0 : index
    %get3A_1 = vector.load %arg1[%get3A, %get3A_0] : memref<128x128xf32, #tpu.memory_space<vmem>>, vector<128x128xf32>
    %get3A_2 = arith.constant 0 : index
    %get3A_3 = arith.constant 0 : index
    %get3A_4 = vector.load %arg2[%get3A_2, %get3A_3] : memref<128x128xf32, #tpu.memory_space<vmem>>, vector<128x128xf32>
    %get3A_5 = arith.constant 0 : index
    %get3A_6 = memref.load %arg0[%get3A_5] : memref<2xf32, #tpu.memory_space<smem>>
    %get3A_7 = arith.constant 1 : index
    %get3A_8 = memref.load %arg0[%get3A_7] : memref<2xf32, #tpu.memory_space<smem>>
    %convert_element_type3A = arith.fptosi %get3A_6 : f32 to i32
    %convert_element_type3A_9 = arith.fptosi %get3A_8 : f32 to i32
    %reduce_min3A = vector.shape_cast %get3A_1 : vector<128x128xf32> to vector<1x128x128xf32>
    %reduce_min3A_10 = arith.constant dense<0x7F800000> : vector<1xf32>
    %reduce_min3A_11 = vector.multi_reduction <minimumf>, %reduce_min3A, %reduce_min3A_10 [1, 2] : vector<1x128x128xf32> to vector<1xf32>
    %reduce_min3A_12 = vector.shape_cast %reduce_min3A_11 : vector<1xf32> to vector<1x1x1xf32>
    %reduce_min3A_13 = vector.extract %reduce_min3A_12[0, 0, 0] : f32 from vector<1x1x1xf32>
    %reduce_max3A = vector.shape_cast %get3A_1 : vector<128x128xf32> to vector<1x128x128xf32>
    %reduce_max3A_14 = arith.constant dense<0xFF800000> : vector<1xf32>
    %reduce_max3A_15 = vector.multi_reduction <maximumf>, %reduce_max3A, %reduce_max3A_14 [1, 2] : vector<1x128x128xf32> to vector<1xf32>
    %reduce_max3A_16 = vector.shape_cast %reduce_max3A_15 : vector<1xf32> to vector<1x1x1xf32>
    %reduce_max3A_17 = vector.extract %reduce_max3A_16[0, 0, 0] : f32 from vector<1x1x1xf32>
    %reduce_min3A_18 = vector.shape_cast %get3A_4 : vector<128x128xf32> to vector<1x128x128xf32>
    %reduce_min3A_19 = arith.constant dense<0x7F800000> : vector<1xf32>
    %reduce_min3A_20 = vector.multi_reduction <minimumf>, %reduce_min3A_18, %reduce_min3A_19 [1, 2] : vector<1x128x128xf32> to vector<1xf32>
    %reduce_min3A_21 = vector.shape_cast %reduce_min3A_20 : vector<1xf32> to vector<1x1x1xf32>
    %reduce_min3A_22 = vector.extract %reduce_min3A_21[0, 0, 0] : f32 from vector<1x1x1xf32>
    %reduce_max3A_23 = vector.shape_cast %get3A_4 : vector<128x128xf32> to vector<1x128x128xf32>
    %reduce_max3A_24 = arith.constant dense<0xFF800000> : vector<1xf32>
    %reduce_max3A_25 = vector.multi_reduction <maximumf>, %reduce_max3A_23, %reduce_max3A_24 [1, 2] : vector<1x128x128xf32> to vector<1xf32>
    %reduce_max3A_26 = vector.shape_cast %reduce_max3A_25 : vector<1xf32> to vector<1x1x1xf32>
    %reduce_max3A_27 = vector.extract %reduce_max3A_26[0, 0, 0] : f32 from vector<1x1x1xf32>
    %sub3A = vector.broadcast %reduce_min3A_13 : f32 to vector<128x128xf32>
    %sub3A_28 = arith.subf %get3A_1, %sub3A : vector<128x128xf32>
    %sub3A_29 = arith.subf %reduce_max3A_17, %reduce_min3A_13 : f32
    %add3A = arith.constant 9.99999993E-9 : f32
    %add3A_30 = arith.addf %sub3A_29, %add3A : f32
    %div3A = vector.broadcast %add3A_30 : f32 to vector<128x128xf32>
    %div3A_31 = arith.divf %sub3A_28, %div3A : vector<128x128xf32>
    %sub3A_32 = vector.broadcast %reduce_min3A_22 : f32 to vector<128x128xf32>
    %sub3A_33 = arith.subf %get3A_4, %sub3A_32 : vector<128x128xf32>
    %sub3A_34 = arith.subf %reduce_max3A_27, %reduce_min3A_22 : f32
    %add3A_35 = arith.constant 9.99999993E-9 : f32
    %add3A_36 = arith.addf %sub3A_34, %add3A_35 : f32
    %div3A_37 = vector.broadcast %add3A_36 : f32 to vector<128x128xf32>
    %div3A_38 = arith.divf %sub3A_33, %div3A_37 : vector<128x128xf32>
    %mul3A = vector.broadcast %get3A_6 : f32 to vector<128x128xf32>
    %mul3A_39 = arith.mulf %div3A_31, %mul3A : vector<128x128xf32>
    %convert_element_type3A_40 = arith.fptosi %mul3A_39 : vector<128x128xf32> to vector<128x128xi32>
    %mul3A_41 = vector.broadcast %get3A_8 : f32 to vector<128x128xf32>
    %mul3A_42 = arith.mulf %div3A_38, %mul3A_41 : vector<128x128xf32>
    %convert_element_type3A_43 = arith.fptosi %mul3A_42 : vector<128x128xf32> to vector<128x128xi32>
    %ge3A = arith.constant 0 : i32
    %ge3A_44 = vector.broadcast %ge3A : i32 to vector<128x128xi32>
    %ge3A_45 = arith.cmpi sge, %convert_element_type3A_40, %ge3A_44 : vector<128x128xi32>
    %lt3A = vector.broadcast %convert_element_type3A : i32 to vector<128x128xi32>
    %lt3A_46 = arith.cmpi slt, %convert_element_type3A_40, %lt3A : vector<128x128xi32>
    %and3A = arith.andi %ge3A_45, %lt3A_46 : vector<128x128xi1>
    %ge3A_47 = arith.constant 0 : i32
    %ge3A_48 = vector.broadcast %ge3A_47 : i32 to vector<128x128xi32>
    %ge3A_49 = arith.cmpi sge, %convert_element_type3A_43, %ge3A_48 : vector<128x128xi32>
    %and3A_50 = arith.andi %and3A, %ge3A_49 : vector<128x128xi1>
    %lt3A_51 = vector.broadcast %convert_element_type3A_9 : i32 to vector<128x128xi32>
    %lt3A_52 = arith.cmpi slt, %convert_element_type3A_43, %lt3A_51 : vector<128x128xi32>
    %and3A_53 = arith.andi %and3A_50, %lt3A_52 : vector<128x128xi1>
    %sub3A_54 = arith.constant 1 : i32
    %sub3A_55 = arith.subi %convert_element_type3A, %sub3A_54 : i32
    %jit3A = arith.constant 0 : i32
    %max3A = vector.broadcast %jit3A : i32 to vector<128x128xi32>
    %max3A_56 = arith.maxsi %max3A, %convert_element_type3A_40 : vector<128x128xi32>
    %min3A = vector.broadcast %sub3A_55 : i32 to vector<128x128xi32>
    %min3A_57 = arith.minsi %min3A, %max3A_56 : vector<128x128xi32>
    %sub3A_58 = arith.constant 1 : i32
    %sub3A_59 = arith.subi %convert_element_type3A_9, %sub3A_58 : i32
    %jit3A_60 = arith.constant 0 : i32
    %max3A_61 = vector.broadcast %jit3A_60 : i32 to vector<128x128xi32>
    %max3A_62 = arith.maxsi %max3A_61, %convert_element_type3A_43 : vector<128x128xi32>
    %min3A_63 = vector.broadcast %sub3A_59 : i32 to vector<128x128xi32>
    %min3A_64 = arith.minsi %min3A_63, %max3A_62 : vector<128x128xi32>
    %mul3A_65 = arith.constant 384 : i32
    %mul3A_66 = vector.broadcast %mul3A_65 : i32 to vector<128x128xi32>
    %mul3A_67 = arith.muli %min3A_64, %mul3A_66 : vector<128x128xi32>
    %add3A_68 = arith.addi %mul3A_67, %min3A_57 : vector<128x128xi32>
    %jit3A_69 = arith.constant 1048576 : i32
    %broadcast_in_dim3A = vector.broadcast %jit3A_69 : i32 to vector<128x128xi32>
    %select_n3A = arith.select %and3A_53, %add3A_68, %broadcast_in_dim3A : vector<128x128xi1>, vector<128x128xi32>
    %swap3A = arith.constant 0 : index
    %swap3A_70 = arith.constant 0 : index
    %swap3A_71 = vector.load %arg6[%swap3A, %swap3A_70] : memref<128x128xi32, #tpu.memory_space<vmem>>, vector<128x128xi32>
    tpu.vector_store %arg6[%swap3A, %swap3A_70], %select_n3A {strides = array<i32>} : memref<128x128xi32, #tpu.memory_space<vmem>>, vector<128x128xi32>,
    %get3A_72 = arith.constant 0 : index
    %get3A_73 = arith.constant 0 : index
    %get3A_74 = vector.load %arg3[%get3A_72, %get3A_73] : memref<128x128xf32, #tpu.memory_space<vmem>>, vector<128x128xf32>
    %add3A_75 = arith.constant 5.000000e-01 : f32
    %add3A_76 = vector.broadcast %add3A_75 : f32 to vector<128x128xf32>
    %add3A_77 = arith.addf %get3A_74, %add3A_76 : vector<128x128xf32>
    %jit3A_78 = arith.constant 0.000000e+00 : f32
    %jit3A_79 = arith.constant 1.000000e+00 : f32
    %max3A_80 = vector.broadcast %jit3A_78 : f32 to vector<128x128xf32>
    %max3A_81 = arith.maximumf %max3A_80, %add3A_77 : vector<128x128xf32>
    %min3A_82 = vector.broadcast %jit3A_79 : f32 to vector<128x128xf32>
    %min3A_83 = arith.minimumf %min3A_82, %max3A_81 : vector<128x128xf32>
    %swap3A_84 = arith.constant 0 : index
    %swap3A_85 = arith.constant 0 : index
    %swap3A_86 = vector.load %arg7[%swap3A_84, %swap3A_85] : memref<128x128xf32, #tpu.memory_space<vmem>>, vector<128x128xf32>
    tpu.vector_store %arg7[%swap3A_84, %swap3A_85], %min3A_83 {strides = array<i32>} : memref<128x128xf32, #tpu.memory_space<vmem>>, vector<128x128xf32>,
    %get3A_87 = arith.constant 0 : index
    %get3A_88 = arith.constant 0 : index
    %get3A_89 = vector.load %arg4[%get3A_87, %get3A_88] : memref<128x128xf32, #tpu.memory_space<vmem>>, vector<128x128xf32>
    %add3A_90 = arith.constant 5.000000e-01 : f32
    %add3A_91 = vector.broadcast %add3A_90 : f32 to vector<128x128xf32>
    %add3A_92 = arith.addf %get3A_89, %add3A_91 : vector<128x128xf32>
    %jit3A_93 = arith.constant 0.000000e+00 : f32
    %jit3A_94 = arith.constant 1.000000e+00 : f32
    %max3A_95 = vector.broadcast %jit3A_93 : f32 to vector<128x128xf32>
    %max3A_96 = arith.maximumf %max3A_95, %add3A_92 : vector<128x128xf32>
    %min3A_97 = vector.broadcast %jit3A_94 : f32 to vector<128x128xf32>
    %min3A_98 = arith.minimumf %min3A_97, %max3A_96 : vector<128x128xf32>
    %swap3A_99 = arith.constant 0 : index
    %swap3A_100 = arith.constant 0 : index
    %swap3A_101 = vector.load %arg8[%swap3A_99, %swap3A_100] : memref<128x128xf32, #tpu.memory_space<vmem>>, vector<128x128xf32>
    tpu.vector_store %arg8[%swap3A_99, %swap3A_100], %min3A_98 {strides = array<i32>} : memref<128x128xf32, #tpu.memory_space<vmem>>, vector<128x128xf32>,
    %get3A_102 = arith.constant 0 : index
    %get3A_103 = arith.constant 0 : index
    %get3A_104 = vector.load %arg5[%get3A_102, %get3A_103] : memref<128x128xf32, #tpu.memory_space<vmem>>, vector<128x128xf32>
    %add3A_105 = arith.constant 5.000000e-01 : f32
    %add3A_106 = vector.broadcast %add3A_105 : f32 to vector<128x128xf32>
    %add3A_107 = arith.addf %get3A_104, %add3A_106 : vector<128x128xf32>
    %jit3A_108 = arith.constant 0.000000e+00 : f32
    %jit3A_109 = arith.constant 1.000000e+00 : f32
    %max3A_110 = vector.broadcast %jit3A_108 : f32 to vector<128x128xf32>
    %max3A_111 = arith.maximumf %max3A_110, %add3A_107 : vector<128x128xf32>
    %min3A_112 = vector.broadcast %jit3A_109 : f32 to vector<128x128xf32>
    %min3A_113 = arith.minimumf %min3A_112, %max3A_111 : vector<128x128xf32>
    %swap3A_114 = arith.constant 0 : index
    %swap3A_115 = arith.constant 0 : index
    %swap3A_116 = vector.load %arg9[%swap3A_114, %swap3A_115] : memref<128x128xf32, #tpu.memory_space<vmem>>, vector<128x128xf32>
    tpu.vector_store %arg9[%swap3A_114, %swap3A_115], %min3A_113 {strides = array<i32>} : memref<128x128xf32, #tpu.memory_space<vmem>>, vector<128x128xf32>,
    return
  }
}

</mosaic_0001>

<sc_bundles>
// kernel: kernel.4.cloned.1.call-start
scs
__scs_entry_jumppad:
0x0: {  	(pc) =	sbr.rel $0x88, $3  }
0x1: {  	(tag) =	ssettag $0x0;
	lr =	simm.s32 $0x1  }
0x2: {  	[smem:$0x3F9B] =	sst lr;
	_ =	strace $0xD0000000  }
0x3: {  	_ = 	snop  }
0x4: {  	_ = 	snop  }
0x5: {  	_ = 	snop  }
0x6: {  	_ = 	snop  }
0x7: {  	_ = 	snop  }
__scs_overlays_trampoline_lowered:
0x8: {  	[smem:$0x3FAA] =	sst s0  }
0x9: {  	[smem:$0x3FAB] =	sst s1  }
0xa: {  	[smem:$0x3FAC] =	sst s2  }
0xb: {  	[smem:$0x3FAD] =	sst s3  }
0xc: {  	[smem:$0x3FAE] =	sst s4  }
0xd: {  	[smem:$0x3FAF] =	sst s5  }
0xe: {  	[smem:$0x3FB0] =	sst s6  }
0xf: {  	[smem:$0x3FB1] =	sst s7  }
0x10: {  	[smem:$0x3FB2] =	sst s8  }
0x11: {  	[smem:$0x3FB3] =	sst s9;
	s0 =	simm.s32 @!p0 $0x0  }
0x12: {  	s1 =	sld [smem:$0x3F99];
	s0 =	simm.s32 @p0 $0x1  }
0x13: {  	[smem:$0x3FB4] =	sst s0;
	s0 =	simm.s32 @!p1 $0x0  }
0x14: {  	s2 =	sld [smem:$0x3F98];
	s0 =	simm.s32 @p1 $0x1  }
0x15: {  	[smem:$0x3FB5] =	sst s0;
	s0 =	simm.s32 @!p2 $0x0  }
0x16: {  	s3 =	sld [smem:$0x3FDB];
	s0 =	simm.s32 @p2 $0x1  }
0x17: {  	s4 =	simm.s32 $0x1BF5;
	[smem:$0x3FB7] =	sst s0  }
0x18: {  	s0 =	sld [smem:$0x3F9A];
	_ =	swait.ge [sflag:s4], $0x0  }
0x19: {  	s7 =	sld [smem:$0x3F9B]  }
0x1a: {  	s8 =	sadd.s32 $0xFFFFE003, lr  }
0x1b: {  	s9 =	sadd.s32 $0xFFFFFEF7, lr;
	s5 =	simm.s32 $0xFFFFFFFF;
	p2 =	slt.u32 s8, $0xFFFFF086  }
0x1c: {  	p1 =	slt.u32 s9, $0xF7A;
	s5 =	simm.s32 @!p2 $0x0  }
0x1d: {  	s5 =	simm.s32 @p1 $0x1;
	p0 =	seq.s32 s7, s2  }
0x1e: {  	s7 =	smul.u32 @!p0 $0xF7A, s2;
	p2 =	seq.s32 @!p0 s5, $0x0  }
0x1f: {  	s9 =	smul.u32 $0xF7A, s1;
	s8 =	simm.s32 @!p0 $0x1BF5;
	p2 =	por !p2, p0  }
0x20: {  	[sflag:s8] =	ssyncset.s32 @!p0 $0xFFFFF086;
	s6 =	sadd.s32 @!p0 s3, s7;
	s7 =	simm.s32 @!p0 $0x108  }
0x21: {  	s3 =	sadd.s32 s3, s9;
	s6 =	sadd.s32 @!p0 $0x88, s6;
	s7 =	simm.s32 @p2 $0x1082  }
0x22: {  	[simem:s7], [sflag:s8] =	dma.local @!p0 [hbm:s6], $0xF7A  }
0x23: {  	s9 =	sor.u32 $0xD0000000, s2;
	s6 =	simm.s32 $0x108;
	_ =	swait.ge @!p0 [sflag:s8], $0x0  }
0x24: {  	s3 =	sadd.s32 $0x88, s3;
	s6 =	simm.s32 @!p1 $0x1082;
	[sflag:s4] =	ssyncset.s32 $0xFFFFF086  }
0x25: {  	[simem:s6], [sflag:s4] =	dma.local [hbm:s3], $0xF7A  }
0x26: {  	[smem:$0x3F9B] =	sst s1;
	(tag) =	ssettag s2;
	_ =	strace s9  }
0x27: {  	s1 =	sld [smem:$0x3FAB]  }
0x28: {  	s2 =	sld [smem:$0x3FAC]  }
0x29: {  	s4 =	sld [smem:$0x3FAE]  }
0x2a: {  	p0 =	seq.s32 s5, $0x0;
	s5 =	sld [smem:$0x3FAF]  }
0x2b: {  	s6 =	sld [smem:$0x3FB0]  }
0x2c: {  	s7 =	sld [smem:$0x3FB1]  }
0x2d: {  	s3 =	simm.s32 $0x108;
	s8 =	sld [smem:$0x3FB2]  }
0x2e: {  	s3 =	simm.s32 @!p0 $0x1082;
	s9 =	sld [smem:$0x3FB3]  }
0x2f: {  	lr =	sadd.s32 s0, s3;
	s0 =	sld [smem:$0x3FAA]  }
0x30: {  	s3 =	sld [smem:$0x3FAD]  }
0x31: {  	[smem:$0x3FB6] =	sst s10  }
0x32: {  	s10 =	sld [smem:$0x3FB4];
	_ =	sdelay $0x3  }
0x33: {  	p0 =	seq.s32 s10, $0x1;
	s10 =	sld [smem:$0x3FB6];
	_ =	sdelay $0x3  }
0x34: {  	[smem:$0x3FB6] =	sst s10  }
0x35: {  	s10 =	sld [smem:$0x3FB5];
	_ =	sdelay $0x3  }
0x36: {  	p1 =	seq.s32 s10, $0x1;
	s10 =	sld [smem:$0x3FB6];
	_ =	sdelay $0x3  }
0x37: {  	[smem:$0x3FB6] =	sst s10  }
0x38: {  	s10 =	sld [smem:$0x3FB7]  }
0x39: {  	_ = 	snop;
	(pc) =	sbr.ind lr, $3  }
0x3a: {  	_ = 	snop  }
0x3b: {  	_ = 	snop  }
0x3c: {  	p2 =	seq.s32 s10, $0x1;
	s10 =	sld [smem:$0x3FB6]  }
0x3d: {  	_ =	shalt  }
0x3e: {  	_ =	shalt  }
0x3f: {  	_ =	shalt  }
0x40: {  	_ =	shalt  }
0x41: {  	_ =	shalt  }
0x42: {  	_ =	shalt  }
0x43: {  	_ =	shalt  }
0x44: {  	_ =	shalt  }
0x45: {  	_ =	shalt  }
0x46: {  	_ =	shalt  }
0x47: {  	_ =	shalt  }
0x48: {  	_ =	shalt  }
0x49: {  	_ =	shalt  }
0x4a: {  	_ =	shalt  }
0x4b: {  	_ =	shalt  }
0x4c: {  	_ =	shalt  }
0x4d: {  	_ =	shalt  }
0x4e: {  	_ =	shalt  }
0x4f: {  	_ =	shalt  }
0x50: {  	_ =	shalt  }
0x51: {  	_ =	shalt  }
0x52: {  	_ =	shalt  }
0x53: {  	_ =	shalt  }
0x54: {  	_ =	shalt  }
0x55: {  	_ =	shalt  }
0x56: {  	_ =	shalt  }
0x57: {  	_ =	shalt  }
0x58: {  	_ =	shalt  }
0x59: {  	_ =	shalt  }
0x5a: {  	_ =	shalt  }
0x5b: {  	_ =	shalt  }
0x5c: {  	_ =	shalt  }
0x5d: {  	_ =	shalt  }
0x5e: {  	_ =	shalt  }
0x5f: {  	_ =	shalt  }
0x60: {  	_ =	shalt  }
0x61: {  	_ =	shalt  }
0x62: {  	_ =	shalt  }
0x63: {  	_ =	shalt  }
0x64: {  	_ =	shalt  }
0x65: {  	_ =	shalt  }
0x66: {  	_ =	shalt  }
0x67: {  	_ =	shalt  }
0x68: {  	_ =	shalt  }
0x69: {  	_ =	shalt  }
0x6a: {  	_ =	shalt  }
0x6b: {  	_ =	shalt  }
0x6c: {  	_ =	shalt  }
0x6d: {  	_ =	shalt  }
0x6e: {  	_ =	shalt  }
0x6f: {  	_ =	shalt  }
0x70: {  	_ =	shalt  }
0x71: {  	_ =	shalt  }
0x72: {  	_ =	shalt  }
0x73: {  	_ =	shalt  }
0x74: {  	_ =	shalt  }
0x75: {  	_ =	shalt  }
0x76: {  	_ =	shalt  }
0x77: {  	_ =	shalt  }
0x78: {  	_ =	shalt  }
0x79: {  	_ =	shalt  }
0x7a: {  	_ =	shalt  }
0x7b: {  	_ =	shalt  }
0x7c: {  	_ =	shalt  }
0x7d: {  	_ =	shalt  }
0x7e: {  	_ =	shalt  }
0x7f: {  	_ =	shalt  }
0x80: {  	_ =	shalt  }
0x81: {  	_ =	shalt  }
0x82: {  	_ =	shalt  }
0x83: {  	_ =	shalt  }
0x84: {  	_ =	shalt  }
0x85: {  	_ =	shalt  }
0x86: {  	_ =	shalt  }
0x87: {  	_ =	shalt  }
.Lfunc_end0:
.L_simem_size_0:
called_computation_lowered:
.L_overlay_start_0:
0x88: {  	s2 =	sld [smem:$0x3FD9]  }
0x89: {  	s3 =	sld [smem:$0x3FFE];
	_ =	sdelay $0x1  }
0x8a: {  	s1 =	srdreg.scid  }
0x8b: {  	s0 =	sand.u32 $0x1, s1  }
0x8c: {  	s14 =	sshll.u32 s0, $0xA;
	s2 =	sadd.s32 s3, s2  }
0x8d: {  	s2 =	sadd.s32 s2, s14  }
0x8e: {  	[smem:$0x3FC2] =	sst s2  }
0x8f: {  	_ = 	snop  }
0x90: {  	s2 =	sld [smem:$0x3FD0];
	_ =	sdelay $0x2  }
0x91: {  	s4 =	simm.s32 $0xA;
	s5 =	simm.s32 $0x10;
	s15 =	sld [smem:$0x3FC7]  }
0x92: {  	[smem:s5], [sflag:s4] =	dma.local [hbm:s2], $0x1  }
0x93: {  	_ =	swait.eq [sflag:s4], $0x1  }
0x94: {  	s16 =	sld [smem:$0x10];
	[sflag:s4] =	ssyncset.done $0x0  }
0x95: {  	s17 =	sld [smem:$0x11];
	[sflag:s4] =	ssyncadd.s32 $0xFFFFFFFF  }
0x96: {  	s18 =	sld [smem:$0x12];
	(tm) =	ssettm $0x1  }
0x97: {  	s6 =	sld [smem:$0x3FFB];
	_ =	sdelay $0x3  }
0x98: {  	_ =	strace s6  }
0x99: {  	s6 =	sld [smem:$0x3FFC];
	_ =	sdelay $0x3  }
0x9a: {  	_ =	strace s6  }
0x9b: {  	s6 =	sld [smem:$0x3FFD];
	_ =	sdelay $0x3  }
0x9c: {  	_ =	strace s6  }
0x9d: {  	_ =	strace $0x8FFFFFFF  }
0x9e: {  	s19 =	sld [smem:$0x3FDB];
	_ =	sdelay $0x1  }
0x9f: {  	s7 =	simm.s32 $_scs_section_size  }
0xa0: {  	s8 =	simm.s32 $_size__tile_overlayer_lowered;
	s9 =	simm.s32 $_tile_overlayer_lowered  }
0xa1: {  	s22 =	simm.s32 $0x1BFF;
	s21 =	sshll.u32 s9, $0x1;
	s6 =	sadd.s32 s7, s19  }
0xa2: {  	s10 =	simm.s32 $0x0;
	s20 =	sshll.u32 s8, $0x1;
	s8 =	sadd.s32 s21, s6  }
0xa3: {  	[timem:s10], [sflag:s22] =	dma.local [hbm:s8], s20  }
0xa4: {  	_ =	swait.ge [sflag:s22], s20  }
0xa5: {  	s7 =	ssub.s32 $0x0, s20;
	[sflag:s22] =	ssyncset.done $0x0  }
0xa6: {  	[sflag:s22] =	ssyncadd.s32 s7;
	_ =	sdelay $0x1  }
0xa7: {  	s23 =	simm.s32 $0x1B8B  }
0xa8: {  	_ =	swait.ge [sflag:s23], $0x1  }
0xa9: {  	[sflag:s23] =	ssyncset.done $0x0  }
0xaa: {  	s25 =	simm.s32 $0x1B8E;
	s24 =	sld [smem:$0x3FFE];
	[sflag:s23] =	ssyncadd.s32 $0xFFFFFFFF  }
0xab: {  	s26 =	simm.s32 $execute0_lowered;
	[smem:$0x3FD2] =	sst s25  }
0xac: {  	s8 =	sshll.u32 s26, $0x1;
	_ =	strace $0x80000046;
	[dreg:$0x1] =	wrdreg $0xFFFFFFFF  }
0xad: {  	s28 =	simm.s32 $_size_execute0_lowered;
	s6 =	sadd.s32 s6, s8;
	[dreg:$0x0] =	wrdreg $0x0  }
0xae: {  	s8 =	sshll.u32 s28, $0x1;
	[dreg:$0x2] =	wrdreg s6  }
0xaf: {  	[dreg:$0x3] =	wrdreg s8  }
0xb0: {  	[dreg:$0x4] =	wrdreg $0xC0  }
0xb1: {  	_ =	task [dreg:s10], $0x5FFFF  }
0xb2: {  	[dreg:$0x1] =	wrdreg $0xFFFFFFFF  }
0xb3: {  	[dreg:$0x0] =	wrdreg $0x60  }
0xb4: {  	[dreg:$0x2] =	wrdreg s24  }
0xb5: {  	[dreg:$0x3] =	wrdreg s15  }
0xb6: {  	[dreg:$0x4] =	wrdreg s16  }
0xb7: {  	[dreg:$0x5] =	wrdreg s18  }
0xb8: {  	[dreg:$0x6] =	wrdreg s17  }
0xb9: {  	[dreg:$0x7] =	wrdreg $0x9  }
0xba: {  	_ =	task.clear_ibuf [dreg:s10], $0x8FFFF;
	_ =	strace $0x90000046  }
0xbb: {  	s29 =	simm.s32 $0x9;
	_ =	strace $0x80000048  }
0xbc: {  	_ =	swait.ge [sflag:s29], $0x1  }
0xbd: {  	[sflag:s29] =	ssyncadd.s32 $0xFFFFFFFF  }
0xbe: {  	_ =	strace $0x90000048  }
0xbf: {  	_ =	sfence  }
0xc0: {  	s30 =	sld [smem:$0x0];
	_ =	sdelay $0x2  }
0xc1: {  	s31 =	sshll.u32 s1, $0xD;
	s1 =	sshrl.u32 s1, $0x2  }
0xc2: {  	s3 =	sand.u32 $0x4000, s31;
	s1 =	sadd.s32 s1, s30  }
0xc3: {  	s0 =	sor.u32 s3, s0;
	s1 =	sshll.u32 s1, $0x11  }
0xc4: {  	s0 =	sor.u32 s1, s0  }
0xc5: {  	s0 =	sadd.s32 $0x8F2B, s0  }
0xc6: {  	[sflag:s0] =	ssyncadd.remote.s32 $0x1  }
0xc7: {  	_ =	sfence.sel $0xFFFF  }
0xc8: {  	[dreg:$0x0] =	wrdreg $0xFFFFFFFF;
	(pc) =	sbr.abs _section_cstart, $3  }
0xc9: {  	[dreg:$0x1] =	wrdreg $0xFFFFFFFF  }
0xca: {  	_ =	task.clear_ibuf [dreg:s10], $0x2FFFF;
	_ =	strace $0x9FFFFFFF  }
0xcb: {  	(tm) =	ssettm $0x7FFFFFFF  }
tec
execute0_lowered:
.L_overlay_start_1:
0x0: {  	(tag) =	ssettag $0x1  }
0x1: {  	s0 =	rddreg [dreg:$0x0]  }
0x2: {  	s8 =	rddreg [dreg:$0x1]  }
0x3: {  	s9 =	rddreg [dreg:$0x2]  }
0x4: {  	s1 =	rddreg [dreg:$0x3]  }
0x5: {  	s2 =	rddreg [dreg:$0x4];
	s4 =	simm.s32 $0x0  }
0x6: {  	[smem:$0x7FF] =	sst s4;
	s6 =	sadd.s32 $0x1C00, s0  }
0x7: {  	s24 =	sadd.s32 $0x2400, s0;
	_ =	strace $0x80000047;
	[dreg:$0x6] =	wrdreg s6  }
0x8: {  	s25 =	sadd.s32 $0x2C00, s0;
	[dreg:$0x7] =	wrdreg s24  }
0x9: {  	s26 =	sadd.s32 $0x3400, s0;
	[dreg:$0x8] =	wrdreg s25  }
0xa: {  	s28 =	sadd.s32 $0x1A00, s0;
	[dreg:$0x9] =	wrdreg s26  }
0xb: {  	s31 =	sadd.s32 $0x1E00, s0;
	[dreg:$0xa] =	wrdreg s28  }
0xc: {  	s10 =	sadd.s32 $0x2600, s0;
	[dreg:$0xb] =	wrdreg s31  }
0xd: {  	s11 =	sadd.s32 $0x2E00, s0;
	[dreg:$0xc] =	wrdreg s10  }
0xe: {  	s12 =	sadd.s32 $0x3600, s0;
	[dreg:$0xd] =	wrdreg s11  }
0xf: {  	s13 =	sadd.s32 $0x2000, s0;
	[dreg:$0xe] =	wrdreg s12  }
0x10: {  	s14 =	sadd.s32 $0x2800, s0;
	[dreg:$0xf] =	wrdreg s13  }
0x11: {  	s15 =	sadd.s32 $0x3000, s0;
	[dreg:$0x10] =	wrdreg s14  }
0x12: {  	s3 =	srdreg.scid;
	s16 =	sadd.s32 $0x3800, s0;
	[dreg:$0x11] =	wrdreg s15  }
0x13: {  	s5 =	stileid.u32;
	s17 =	sadd.s32 $0x2200, s0;
	[dreg:$0x12] =	wrdreg s16  }
0x14: {  	s3 =	sand.u32 $0x1, s3;
	s19 =	sadd.s32 $0x2A00, s0;
	[dreg:$0x13] =	wrdreg s17  }
0x15: {  	s5 =	sshll.u32 s5, $0x1;
	s20 =	sadd.s32 $0x3200, s0;
	[dreg:$0x16] =	wrdreg s19  }
0x16: {  	s5 =	sor.u32 s3, s5;
	s3 =	ssub.s32 $0x2, s3;
	[dreg:$0x17] =	wrdreg s20  }
0x17: {  	s26 =	sadd.s32 $0x200, s8;
	s28 =	sadd.s32 $0x200, s9;
	s31 =	sadd.s32 $0x600, s8  }
0x18: {  	s6 =	simm.s32 $0x3000;
	s10 =	simm.s32 $0x7000;
	s11 =	simm.s32 $0x8000  }
0x19: {  	s12 =	simm.s32 $0x9000;
	s13 =	simm.s32 $0xA000;
	s14 =	simm.s32 $0xB000  }
0x1a: {  	s15 =	simm.s32 $0x1;
	s16 =	simm.s32 $0x2;
	s17 =	simm.s32 $0xE180  }
0x1b: {  	s19 =	simm.s32 $0x10580;
	s20 =	simm.s32 $0x11780;
	[dreg:$0x1d] =	wrdreg s26  }
0x1c: {  	s24 =	smul.u32 $0x1200, s5;
	s30 =	sshrl.u32 s3, $0x1;
	[dreg:$0x1e] =	wrdreg s28  }
0x1d: {  	[smem:$0x7FD] =	sst s31;
	s5 =	simm.s32 $0x2000;
	s26 =	simm.s32 $0x0  }
0x1e: {  	s3 =	ssub.s32 s3, s30;
	s30 =	sadd.s32 $0x400, s9;
	s29 =	sshrl.u32 s24, $0x3  }
0x1f: {  	s25 =	smax.u32 s3, $0x1;
	[smem:$0x7FC] =	sst s30;
	v0 =	vmov s24;
	s24 =	simm.s32 $0x4  }
0x20: {  	s7 =	sadd.s32 s29, s0;
	s1 =	sadd.s32 s1, s29;
	[dreg:$0x1c] =	wrdreg s25  }
0x21: {  	s18 =	sadd.s32 s2, s29;
	s0 =	sadd.s32 $0x3A00, s0;
	[dreg:$0x14] =	wrdreg s1  }
0x22: {  	s29 =	sadd.s32 $0x400, s8;
	s2 =	simm.s32 $0x1000;
	[dreg:$0x15] =	wrdreg s18  }
0x23: {  	s8 =	simm.s32 $0x5000;
	s25 =	simm.s32 $0x5;
	[dreg:$0x18] =	wrdreg s0  }
.Ltmp0:
0x24: {  	s21 =	sadd.s32 $0x3C00, s7;
	[dreg:$0x1f] =	wrdreg s29;
	(pc) =	sbr.rel .LBB2_1-.Ltmp0, $4  }
0x25: {  	s22 =	sadd.s32 $0x8400, s7;
	s23 =	sadd.s32 $0xCC00, s7;
	[dreg:$0x19] =	wrdreg s21  }
0x26: {  	s1 =	sadd.s32 $0x600, s9;
	s7 =	simm.s32 $0x4000;
	[dreg:$0x1a] =	wrdreg s22  }
0x27: {  	s9 =	simm.s32 $0x6;
	s18 =	simm.s32 $0xF380;
	[dreg:$0x1b] =	wrdreg s23  }
0x28: {  	v1 =	vimm.f32 $0.0e+00;
	v2 =	vlaneseq.u32;
	s21 =	simm.s32 $0x12980;
	s22 =	simm.s32 $0x13B80;
	s23 =	simm.s32 $0x3  }
.LBB2_47:
0x29: {  	s0 =	rddreg [dreg:$0x19]  }
0x2a: {  	[hbm4b:s0+s4] =	stream.linear.scatter [tilespmem:s18], [sflag:$0x5], $0x1200, $0x38;
	[tilespmem:$0x14D80] =	vst v63  }
0x2b: {  	s3 =	rddreg [dreg:$0x1a]  }
0x2c: {  	[hbm4b:s3+s4] =	stream.linear.scatter [tilespmem:s19], [sflag:$0x5], $0x1200, $0x38;
	[tilespmem:$0x14D80] =	vst v63  }
0x2d: {  	s28 =	rddreg [dreg:$0x1b]  }
0x2e: {  	[hbm4b:s28+s4] =	stream.linear.scatter [tilespmem:s20], [sflag:$0x5], $0x1200, $0x38;
	[tilespmem:$0x14D80] =	vst v63  }
0x2f: {  	s29 =	rddreg [dreg:$0x14]  }
0x30: {  	[hbm4b:s29+s4] =	stream.linear.scatter [tilespmem:s21], [sflag:$0x5], $0x1200, $0x38;
	[tilespmem:$0x14D80] =	vst v63  }
0x31: {  	s30 =	rddreg [dreg:$0x15]  }
0x32: {  	[hbm4b:s30+s4] =	stream.linear.scatter [tilespmem:s22], [sflag:$0x5], $0x1200, $0x38;
	[tilespmem:$0x14D80] =	vst v63  }
0x33: {  	_ =	swait.ge [sflag:s25], $0x1200  }
0x34: {  	[sflag:s25] =	ssyncset.done $0x0  }
0x35: {  	[sflag:s25] =	ssyncadd.s32 $0xFFFFEE00  }
0x36: {  	_ =	swait.ge [sflag:s25], $0x1200  }
0x37: {  	[sflag:s25] =	ssyncset.done $0x0  }
0x38: {  	[sflag:s25] =	ssyncadd.s32 $0xFFFFEE00  }
0x39: {  	_ =	swait.ge [sflag:s25], $0x1200  }
0x3a: {  	[sflag:s25] =	ssyncset.done $0x0  }
0x3b: {  	[sflag:s25] =	ssyncadd.s32 $0xFFFFEE00  }
0x3c: {  	_ =	swait.ge [sflag:s25], $0x1200  }
0x3d: {  	[sflag:s25] =	ssyncset.done $0x0  }
0x3e: {  	[sflag:s25] =	ssyncadd.s32 $0xFFFFEE00  }
0x3f: {  	_ =	swait.ge [sflag:s25], $0x1200  }
0x40: {  	s26 =	sadd.s32 $0x1, s26;
	s31 =	rddreg [dreg:$0x1c]  }
0x41: {  	p0 =	sne.s32 s26, s31  }
.Ltmp1:
0x42: {  	_ = 	snop;
	(pc) =	sbr.rel @!p0 .LBB2_48-.Ltmp1, $3  }
0x43: {  	_ =	sdelay $0x1  }
0x44: {  	[sflag:s25] =	ssyncset.done $0x0  }
0x45: {  	[sflag:s25] =	ssyncadd.s32 $0xFFFFEE00  }
.LBB2_1:
0x46: {  	s0 =	rddreg [dreg:$0x6]  }
0x47: {  	[tilespmem:s4], [sflag:$0x1] =	stream.linear.gather [hbm4b:s0+s4], $0x1000, $0x38;
	[tilespmem:$0x14D80] =	vst v63  }
0x48: {  	s3 =	rddreg [dreg:$0x7]  }
0x49: {  	[tilespmem:s2], [sflag:$0x2] =	stream.linear.gather [hbm4b:s3+s4], $0x1000, $0x38;
	[tilespmem:$0x14D80] =	vst v63  }
0x4a: {  	s3 =	rddreg [dreg:$0x8]  }
0x4b: {  	[tilespmem:s5], [sflag:$0x2] =	stream.linear.gather [hbm4b:s3+s4], $0x1000, $0x38;
	[tilespmem:$0x14D80] =	vst v63  }
0x4c: {  	s3 =	rddreg [dreg:$0x9]  }
0x4d: {  	[tilespmem:s6], [sflag:$0x2] =	stream.linear.gather [hbm4b:s3+s4], $0x1000, $0x38;
	[tilespmem:$0x14D80] =	vst v63  }
0x4e: {  	s3 =	rddreg [dreg:$0x1]  }
0x4f: {  	[tilespmem:s7], [sflag:$0x2] =	stream.linear.gather [hbm4b:s3+s4], $0x1000, $0x38;
	[tilespmem:$0x14D80] =	vst v63  }
0x50: {  	s3 =	rddreg [dreg:$0x2]  }
0x51: {  	[tilespmem:s8], [sflag:$0x2] =	stream.linear.gather [hbm4b:s3+s4], $0x1000, $0x38;
	[tilespmem:$0x14D80] =	vst v63  }
0x52: {  	s0 =	rddreg [dreg:$0xa];
	s3 =	simm.s32 $0xC000  }
0x53: {  	[tilespmem:s3], [sflag:$0x6] =	stream.linear.gather [hbm4b:s0+s4], $0x80, $0x38;
	[tilespmem:$0x14D80] =	vst v63  }
0x54: {  	_ =	swait.ge [sflag:s9], $0x80  }
0x55: {  	[sflag:s9] =	ssyncset.done $0x0  }
0x56: {  	[sflag:s9] =	ssyncadd.s32 $0xFFFFFF80  }
0x57: {  	v5 =	vld [tilespmem:$0xC000];
	_ =	sdelay $0x4  }
0x58: {  	v3 =	vbroadcast v5, $0x0  }
0x59: {  	s0 =	simm.s32 $0xF3A0;
	v4 =	vbroadcast v5, $0x1  }
0x5a: {  	s3 =	simm.s32 $0x105A0;
	v5 =	vbroadcast v5, $0x2;
	[tilespmem:s0+$0xFFFFFFE0] =	vst v3  }
0x5b: {  	s31 =	simm.s32 $0x117A0;
	[tilespmem:s3+$0xFFFFFFE0] =	vst v4  }
0x5c: {  	s28 =	simm.s32 $0x129A0;
	[tilespmem:s31+$0xFFFFFFE0] =	vst v5  }
0x5d: {  	s29 =	simm.s32 $0x13BA0;
	[tilespmem:s28+$0xFFFFFFE0] =	vst v1  }
0x5e: {  	[tilespmem:s29+$0xFFFFFFE0] =	vst v1  }
0x5f: {  	[tilespmem:s0+$0xFFFFFFF0] =	vst v3  }
0x60: {  	[tilespmem:s3+$0xFFFFFFF0] =	vst v4  }
0x61: {  	[tilespmem:s31+$0xFFFFFFF0] =	vst v5  }
0x62: {  	[tilespmem:s28+$0xFFFFFFF0] =	vst v1  }
0x63: {  	[tilespmem:s29+$0xFFFFFFF0] =	vst v1  }
0x64: {  	[tilespmem:s0+$0x0] =	vst v3  }
0x65: {  	[tilespmem:s3+$0x0] =	vst v4  }
0x66: {  	[tilespmem:s31+$0x0] =	vst v5  }
0x67: {  	[tilespmem:s28+$0x0] =	vst v1  }
0x68: {  	[tilespmem:s29+$0x0] =	vst v1  }
0x69: {  	[tilespmem:s0+$0x10] =	vst v3  }
0x6a: {  	[tilespmem:s3+$0x10] =	vst v4  }
0x6b: {  	s30 =	simm.s32 $0x0;
	[tilespmem:s31+$0x10] =	vst v5  }
0x6c: {  	s0 =	simm.s32 $0x105E0;
	s3 =	simm.s32 $0xF3E0;
	s31 =	simm.s32 $0x117E0;
	[tilespmem:s28+$0x10] =	vst v1  }
.LBB2_2:
0x6d: {  	s30 =	sadd.s32 $0x4, s30;
	[tilespmem:s29+$0x10] =	vst v1;
	s29 =	sadd.s32 $0x40, s29;
	s28 =	sadd.s32 $0x40, s28  }
0x6e: {  	[tilespmem:s3+$0xFFFFFFE0] =	vst v3;
	p0 =	slt.u32 s30, $0x11C  }
0x6f: {  	[tilespmem:s0+$0xFFFFFFE0] =	vst v4  }
0x70: {  	[tilespmem:s31+$0xFFFFFFE0] =	vst v5  }
0x71: {  	[tilespmem:s28+$0xFFFFFFE0] =	vst v1  }
0x72: {  	[tilespmem:s29+$0xFFFFFFE0] =	vst v1  }
0x73: {  	[tilespmem:s3+$0xFFFFFFF0] =	vst v3  }
0x74: {  	[tilespmem:s0+$0xFFFFFFF0] =	vst v4  }
0x75: {  	[tilespmem:s31+$0xFFFFFFF0] =	vst v5  }
0x76: {  	[tilespmem:s28+$0xFFFFFFF0] =	vst v1  }
0x77: {  	[tilespmem:s29+$0xFFFFFFF0] =	vst v1  }
0x78: {  	[tilespmem:s3+$0x0] =	vst v3  }
0x79: {  	[tilespmem:s0+$0x0] =	vst v4  }
0x7a: {  	[tilespmem:s31+$0x0] =	vst v5  }
0x7b: {  	[tilespmem:s28+$0x0] =	vst v1  }
.Ltmp2:
0x7c: {  	[tilespmem:s29+$0x0] =	vst v1;
	(pc) =	sbr.rel @p0 .LBB2_2-.Ltmp2, $4  }
0x7d: {  	[tilespmem:s3+$0x10] =	vst v3  }
0x7e: {  	[tilespmem:s0+$0x10] =	vst v4  }
0x7f: {  	[tilespmem:s31+$0x10] =	vst v5  }
0x80: {  	s3 =	sadd.s32 $0x40, s3;
	s0 =	sadd.s32 $0x40, s0;
	s31 =	sadd.s32 $0x40, s31;
	[tilespmem:s28+$0x10] =	vst v1  }
0x81: {  	[tilespmem:s29+$0x10] =	vst v1;
	s0 =	simm.s32 $0x0;
	s3 =	rddreg [dreg:$0xb];
	s28 =	simm.s32 $0x6000  }
0x82: {  	[tilespmem:s28], [sflag:$0x3] =	stream.linear.gather [hbm4b:s3+s0], $0x1000, $0x38;
	[tilespmem:$0x14D80] =	vst v63  }
0x83: {  	s31 =	rddreg [dreg:$0xc]  }
0x84: {  	[tilespmem:s10], [sflag:$0x4] =	stream.linear.gather [hbm4b:s31+s0], $0x1000, $0x38;
	[tilespmem:$0x14D80] =	vst v63  }
0x85: {  	s31 =	rddreg [dreg:$0xd]  }
0x86: {  	[tilespmem:s11], [sflag:$0x4] =	stream.linear.gather [hbm4b:s31+s0], $0x1000, $0x38;
	[tilespmem:$0x14D80] =	vst v63  }
0x87: {  	s31 =	rddreg [dreg:$0xe]  }
0x88: {  	[tilespmem:s12], [sflag:$0x4] =	stream.linear.gather [hbm4b:s31+s0], $0x1000, $0x38;
	[tilespmem:$0x14D80] =	vst v63  }
0x89: {  	s31 =	rddreg [dreg:$0x1d]  }
0x8a: {  	[tilespmem:s13], [sflag:$0x4] =	stream.linear.gather [hbm4b:s31+s0], $0x1000, $0x38;
	[tilespmem:$0x14D80] =	vst v63  }
0x8b: {  	s31 =	rddreg [dreg:$0x1e]  }
0x8c: {  	[tilespmem:s14], [sflag:$0x4] =	stream.linear.gather [hbm4b:s31+s0], $0x1000, $0x38;
	[tilespmem:$0x14D80] =	vst v63  }
0x8d: {  	_ =	swait.ge [sflag:s15], $0x1000  }
0x8e: {  	[sflag:s15] =	ssyncset.done $0x0  }
0x8f: {  	s28 =	simm.s32 $0x40;
	[sflag:s15] =	ssyncadd.s32 $0xFFFFF000  }
0x90: {  	v3 =	vld [tilespmem:s28+$0xFFFFFFC0];
	_ =	sdelay $0x4  }
0x91: {  	v3 =	vsub.s32 v3, v0  }
0x92: {  	s31 =	simm.s32 $0x0;
	vm0 =	vlt.u32 v3, $0x1200  }
0x93: {  	[tilespmem:s0+$0xC080] =	vst.msk vm0, v3;
	v3 =	vor.u32 s31, v2;
	v4 =	vmpcnt.ones.xlane vm0  }
0x94: {  	[tilespmem:s0+$0xD100] =	vst.msk vm0, v3  }
0x95: {  	v3 =	vld [tilespmem:s28+$0xFFFFFFD0];
	(v2sf) =	vpush v4, $0x0;
	_ =	sdelay $0x4  }
0x96: {  	v3 =	vsub.s32 v3, v0  }
0x97: {  	vm9 =	vlt.u32 v3, $0x1200  }
0x98: {  	v4 =	vmpcnt.ones.xlane vm9;
	_ =	sdelay $0x1  }
0x99: {  	(v2sf) =	vpush v4, $0x0;
	_ =	sdelay $0x5  }
0x9a: {  	s3 =	spop (v2sf)  }
0x9b: {  	s31 =	simm.s32 $0x10;
	s0 =	sadd.s32 $0x0, s3  }
0x9c: {  	[tilespmem:s0+$0xC080] =	vst.msk vm9, v3;
	v3 =	vor.u32 s31, v2  }
0x9d: {  	[tilespmem:s0+$0xD100] =	vst.msk vm9, v3  }
0x9e: {  	v3 =	vld [tilespmem:s28+$0xFFFFFFE0];
	_ =	sdelay $0x4  }
0x9f: {  	v3 =	vsub.s32 v3, v0;
	s31 =	spop (v2sf)  }
0xa0: {  	s0 =	sadd.s32 s0, s31;
	s31 =	simm.s32 $0x20;
	vm10 =	vlt.u32 v3, $0x1200  }
0xa1: {  	[tilespmem:s0+$0xC080] =	vst.msk vm10, v3;
	v3 =	vor.u32 s31, v2;
	v4 =	vmpcnt.ones.xlane vm10  }
0xa2: {  	[tilespmem:s0+$0xD100] =	vst.msk vm10, v3  }
0xa3: {  	v3 =	vld [tilespmem:s28+$0xFFFFFFF0];
	(v2sf) =	vpush v4, $0x0;
	_ =	sdelay $0x4  }
0xa4: {  	v3 =	vsub.s32 v3, v0  }
0xa5: {  	vm11 =	vlt.u32 v3, $0x1200  }
0xa6: {  	v4 =	vmpcnt.ones.xlane vm11;
	_ =	sdelay $0x1  }
0xa7: {  	(v2sf) =	vpush v4, $0x0;
	_ =	sdelay $0x5  }
0xa8: {  	s31 =	spop (v2sf)  }
0xa9: {  	s0 =	sadd.s32 s0, s31;
	s31 =	simm.s32 $0x30  }
0xaa: {  	[tilespmem:s0+$0xC080] =	vst.msk vm11, v3;
	v3 =	vor.u32 s31, v2  }
0xab: {  	[tilespmem:s0+$0xD100] =	vst.msk vm11, v3  }
0xac: {  	v3 =	vld [tilespmem:s28+$0x0];
	_ =	sdelay $0x4  }
0xad: {  	v3 =	vsub.s32 v3, v0;
	s31 =	spop (v2sf)  }
0xae: {  	s0 =	sadd.s32 s0, s31;
	s31 =	simm.s32 $0x40;
	vm12 =	vlt.u32 v3, $0x1200  }
0xaf: {  	[tilespmem:s0+$0xC080] =	vst.msk vm12, v3;
	v3 =	vor.u32 s31, v2;
	v4 =	vmpcnt.ones.xlane vm12  }
0xb0: {  	[tilespmem:s0+$0xD100] =	vst.msk vm12, v3  }
0xb1: {  	v3 =	vld [tilespmem:s28+$0x10];
	(v2sf) =	vpush v4, $0x0;
	_ =	sdelay $0x4  }
0xb2: {  	v3 =	vsub.s32 v3, v0  }
0xb3: {  	vm13 =	vlt.u32 v3, $0x1200  }
0xb4: {  	v4 =	vmpcnt.ones.xlane vm13;
	_ =	sdelay $0x1  }
0xb5: {  	(v2sf) =	vpush v4, $0x0;
	_ =	sdelay $0x5  }
0xb6: {  	s31 =	spop (v2sf)  }
0xb7: {  	s0 =	sadd.s32 s0, s31;
	s31 =	simm.s32 $0x50  }
0xb8: {  	[tilespmem:s0+$0xC080] =	vst.msk vm13, v3;
	v3 =	vor.u32 s31, v2  }
0xb9: {  	[tilespmem:s0+$0xD100] =	vst.msk vm13, v3  }
0xba: {  	v3 =	vld [tilespmem:s28+$0x20];
	_ =	sdelay $0x4  }
0xbb: {  	v3 =	vsub.s32 v3, v0;
	s31 =	spop (v2sf)  }
0xbc: {  	s0 =	sadd.s32 s0, s31;
	s31 =	simm.s32 $0x60;
	vm14 =	vlt.u32 v3, $0x1200  }
0xbd: {  	[tilespmem:s0+$0xC080] =	vst.msk vm14, v3;
	v3 =	vor.u32 s31, v2;
	v4 =	vmpcnt.ones.xlane vm14  }
0xbe: {  	[tilespmem:s0+$0xD100] =	vst.msk vm14, v3  }
0xbf: {  	v3 =	vld [tilespmem:s28+$0x30];
	(v2sf) =	vpush v4, $0x0;
	_ =	sdelay $0x4  }
0xc0: {  	v3 =	vsub.s32 v3, v0  }
0xc1: {  	vm15 =	vlt.u32 v3, $0x1200  }
0xc2: {  	v4 =	vmpcnt.ones.xlane vm15;
	_ =	sdelay $0x1  }
0xc3: {  	(v2sf) =	vpush v4, $0x0;
	_ =	sdelay $0x5  }
0xc4: {  	s31 =	spop (v2sf)  }
0xc5: {  	s28 =	simm.s32 $0x70;
	s0 =	sadd.s32 s0, s31  }
0xc6: {  	[tilespmem:s0+$0xC080] =	vst.msk vm15, v3;
	v3 =	vor.u32 s28, v2  }
0xc7: {  	s29 =	simm.s32 $0xC0;
	[tilespmem:s0+$0xD100] =	vst.msk vm15, v3  }
0xc8: {  	v3 =	vld [tilespmem:s29+$0xFFFFFFC0];
	_ =	sdelay $0x4  }
0xc9: {  	s30 =	simm.s32 $0x8;
	s28 =	simm.s32 $0xF0;
	v3 =	vsub.s32 v3, v0;
	s3 =	spop (v2sf)  }
.LBB2_4:
0xca: {  	s30 =	sadd.s32 $0x8, s30;
	s31 =	sadd.s32 $0xFFFFFF90, s28;
	vm0 =	vlt.u32 v3, $0x1200;
	s0 =	sadd.s32 s0, s3  }
0xcb: {  	p0 =	slt.u32 s30, $0xF8;
	[tilespmem:s0+$0xC080] =	vst.msk vm0, v3;
	v3 =	vor.u32 s31, v2;
	v4 =	vmpcnt.ones.xlane vm0  }
0xcc: {  	[tilespmem:s0+$0xD100] =	vst.msk vm0, v3  }
0xcd: {  	v3 =	vld [tilespmem:s29+$0xFFFFFFD0];
	(v2sf) =	vpush v4, $0x0;
	_ =	sdelay $0x4  }
0xce: {  	v3 =	vsub.s32 v3, v0  }
0xcf: {  	vm0 =	vlt.u32 v3, $0x1200  }
0xd0: {  	v4 =	vmpcnt.ones.xlane vm0;
	_ =	sdelay $0x1  }
0xd1: {  	(v2sf) =	vpush v4, $0x0;
	_ =	sdelay $0x5  }
0xd2: {  	s3 =	spop (v2sf)  }
0xd3: {  	s0 =	sadd.s32 s0, s3;
	s3 =	sadd.s32 $0xFFFFFFA0, s28  }
0xd4: {  	[tilespmem:s0+$0xC080] =	vst.msk vm0, v3;
	v3 =	vor.u32 s3, v2  }
0xd5: {  	[tilespmem:s0+$0xD100] =	vst.msk vm0, v3  }
0xd6: {  	v3 =	vld [tilespmem:s29+$0xFFFFFFE0];
	_ =	sdelay $0x4  }
0xd7: {  	v3 =	vsub.s32 v3, v0;
	s3 =	spop (v2sf)  }
0xd8: {  	s0 =	sadd.s32 s0, s3;
	s3 =	sadd.s32 $0xFFFFFFB0, s28;
	vm0 =	vlt.u32 v3, $0x1200  }
0xd9: {  	[tilespmem:s0+$0xC080] =	vst.msk vm0, v3;
	v3 =	vor.u32 s3, v2;
	v4 =	vmpcnt.ones.xlane vm0  }
0xda: {  	[tilespmem:s0+$0xD100] =	vst.msk vm0, v3  }
0xdb: {  	v3 =	vld [tilespmem:s29+$0xFFFFFFF0];
	(v2sf) =	vpush v4, $0x0;
	_ =	sdelay $0x4  }
0xdc: {  	v3 =	vsub.s32 v3, v0  }
0xdd: {  	vm0 =	vlt.u32 v3, $0x1200  }
0xde: {  	v4 =	vmpcnt.ones.xlane vm0;
	_ =	sdelay $0x1  }
0xdf: {  	(v2sf) =	vpush v4, $0x0;
	_ =	sdelay $0x5  }
0xe0: {  	s3 =	spop (v2sf)  }
0xe1: {  	s0 =	sadd.s32 s0, s3;
	s3 =	sadd.s32 $0xFFFFFFC0, s28  }
0xe2: {  	[tilespmem:s0+$0xC080] =	vst.msk vm0, v3;
	v3 =	vor.u32 s3, v2  }
0xe3: {  	[tilespmem:s0+$0xD100] =	vst.msk vm0, v3  }
0xe4: {  	v3 =	vld [tilespmem:s29+$0x0];
	_ =	sdelay $0x4  }
0xe5: {  	v3 =	vsub.s32 v3, v0;
	s3 =	spop (v2sf)  }
0xe6: {  	s0 =	sadd.s32 s0, s3;
	s3 =	sadd.s32 $0xFFFFFFD0, s28;
	vm0 =	vlt.u32 v3, $0x1200  }
0xe7: {  	[tilespmem:s0+$0xC080] =	vst.msk vm0, v3;
	v3 =	vor.u32 s3, v2;
	v4 =	vmpcnt.ones.xlane vm0  }
0xe8: {  	[tilespmem:s0+$0xD100] =	vst.msk vm0, v3  }
0xe9: {  	v3 =	vld [tilespmem:s29+$0x10];
	(v2sf) =	vpush v4, $0x0;
	_ =	sdelay $0x4  }
0xea: {  	v3 =	vsub.s32 v3, v0  }
0xeb: {  	vm0 =	vlt.u32 v3, $0x1200  }
0xec: {  	v4 =	vmpcnt.ones.xlane vm0;
	_ =	sdelay $0x1  }
0xed: {  	(v2sf) =	vpush v4, $0x0;
	_ =	sdelay $0x5  }
0xee: {  	s3 =	spop (v2sf)  }
0xef: {  	s0 =	sadd.s32 s0, s3;
	s3 =	sadd.s32 $0xFFFFFFE0, s28  }
0xf0: {  	[tilespmem:s0+$0xC080] =	vst.msk vm0, v3;
	v3 =	vor.u32 s3, v2  }
0xf1: {  	[tilespmem:s0+$0xD100] =	vst.msk vm0, v3  }
0xf2: {  	v3 =	vld [tilespmem:s29+$0x20];
	_ =	sdelay $0x4  }
0xf3: {  	v3 =	vsub.s32 v3, v0;
	s3 =	spop (v2sf)  }
0xf4: {  	s0 =	sadd.s32 s0, s3;
	s3 =	sadd.s32 $0xFFFFFFF0, s28;
	vm0 =	vlt.u32 v3, $0x1200  }
0xf5: {  	[tilespmem:s0+$0xC080] =	vst.msk vm0, v3;
	v3 =	vor.u32 s3, v2;
	v4 =	vmpcnt.ones.xlane vm0  }
0xf6: {  	[tilespmem:s0+$0xD100] =	vst.msk vm0, v3  }
0xf7: {  	v3 =	vld [tilespmem:s29+$0x30];
	(v2sf) =	vpush v4, $0x0;
	_ =	sdelay $0x4  }
0xf8: {  	v3 =	vsub.s32 v3, v0  }
0xf9: {  	vm0 =	vlt.u32 v3, $0x1200  }
0xfa: {  	v4 =	vmpcnt.ones.xlane vm0;
	_ =	sdelay $0x1  }
0xfb: {  	(v2sf) =	vpush v4, $0x0;
	_ =	sdelay $0x5  }
0xfc: {  	s3 =	spop (v2sf)  }
0xfd: {  	s0 =	sadd.s32 s0, s3  }
0xfe: {  	[tilespmem:s0+$0xC080] =	vst.msk vm0, v3;
	v3 =	vor.u32 s28, v2  }
0xff: {  	s29 =	sadd.s32 $0x80, s29;
	[tilespmem:s0+$0xD100] =	vst.msk vm0, v3  }
0x100: {  	v3 =	vld [tilespmem:s29+$0xFFFFFFC0]  }
.Ltmp3:
0x101: {  	(pc) =	sbr.rel @p0 .LBB2_4-.Ltmp3, $2  }
0x102: {  	_ =	sdelay $0x2  }
0x103: {  	s28 =	sadd.s32 $0x80, s28;
	v3 =	vsub.s32 v3, v0;
	s3 =	spop (v2sf)  }
0x104: {  	s30 =	sadd.s32 $0xFFFFFF90, s28;
	vm0 =	vlt.u32 v3, $0x1200;
	s0 =	sadd.s32 s0, s3  }
0x105: {  	[tilespmem:s0+$0xC080] =	vst.msk vm0, v3;
	v3 =	vor.u32 s30, v2;
	v4 =	vmpcnt.ones.xlane vm0  }
0x106: {  	[tilespmem:s0+$0xD100] =	vst.msk vm0, v3  }
0x107: {  	v3 =	vld [tilespmem:s29+$0xFFFFFFD0];
	(v2sf) =	vpush v4, $0x0;
	_ =	sdelay $0x4  }
0x108: {  	v3 =	vsub.s32 v3, v0  }
0x109: {  	vm9 =	vlt.u32 v3, $0x1200  }
0x10a: {  	v57 =	vmpcnt.ones.xlane vm9;
	_ =	sdelay $0x1  }
0x10b: {  	(v2sf) =	vpush v57, $0x0;
	_ =	sdelay $0x5  }
0x10c: {  	s30 =	spop (v2sf)  }
0x10d: {  	s31 =	sadd.s32 $0xFFFFFFA0, s28;
	s0 =	sadd.s32 s0, s30  }
0x10e: {  	[tilespmem:s0+$0xC080] =	vst.msk vm9, v3;
	v3 =	vor.u32 s31, v2  }
0x10f: {  	[tilespmem:s0+$0xD100] =	vst.msk vm9, v3  }
0x110: {  	v3 =	vld [tilespmem:s29+$0xFFFFFFE0];
	_ =	sdelay $0x4  }
0x111: {  	v3 =	vsub.s32 v3, v0;
	s30 =	spop (v2sf)  }
0x112: {  	s31 =	sadd.s32 $0xFFFFFFB0, s28;
	s0 =	sadd.s32 s0, s30;
	vm10 =	vlt.u32 v3, $0x1200  }
0x113: {  	[tilespmem:s0+$0xC080] =	vst.msk vm10, v3;
	v3 =	vor.u32 s31, v2;
	v58 =	vmpcnt.ones.xlane vm10  }
0x114: {  	[tilespmem:s0+$0xD100] =	vst.msk vm10, v3  }
0x115: {  	v3 =	vld [tilespmem:s29+$0xFFFFFFF0];
	(v2sf) =	vpush v58, $0x0;
	_ =	sdelay $0x4  }
0x116: {  	v3 =	vsub.s32 v3, v0  }
0x117: {  	vm11 =	vlt.u32 v3, $0x1200  }
0x118: {  	v59 =	vmpcnt.ones.xlane vm11;
	_ =	sdelay $0x1  }
0x119: {  	(v2sf) =	vpush v59, $0x0;
	_ =	sdelay $0x5  }
0x11a: {  	s30 =	spop (v2sf)  }
0x11b: {  	s31 =	sadd.s32 $0xFFFFFFC0, s28;
	s0 =	sadd.s32 s0, s30  }
0x11c: {  	[tilespmem:s0+$0xC080] =	vst.msk vm11, v3;
	v3 =	vor.u32 s31, v2  }
0x11d: {  	[tilespmem:s0+$0xD100] =	vst.msk vm11, v3  }
0x11e: {  	v3 =	vld [tilespmem:s29+$0x0];
	_ =	sdelay $0x4  }
0x11f: {  	v3 =	vsub.s32 v3, v0;
	s30 =	spop (v2sf)  }
0x120: {  	s31 =	sadd.s32 $0xFFFFFFD0, s28;
	s0 =	sadd.s32 s0, s30;
	vm12 =	vlt.u32 v3, $0x1200  }
0x121: {  	[tilespmem:s0+$0xC080] =	vst.msk vm12, v3;
	v3 =	vor.u32 s31, v2;
	v60 =	vmpcnt.ones.xlane vm12  }
0x122: {  	[tilespmem:s0+$0xD100] =	vst.msk vm12, v3  }
0x123: {  	v3 =	vld [tilespmem:s29+$0x10];
	(v2sf) =	vpush v60, $0x0;
	_ =	sdelay $0x4  }
0x124: {  	v3 =	vsub.s32 v3, v0  }
0x125: {  	vm13 =	vlt.u32 v3, $0x1200  }
0x126: {  	v61 =	vmpcnt.ones.xlane vm13;
	_ =	sdelay $0x1  }
0x127: {  	(v2sf) =	vpush v61, $0x0;
	_ =	sdelay $0x5  }
0x128: {  	s30 =	spop (v2sf)  }
0x129: {  	s31 =	sadd.s32 $0xFFFFFFE0, s28;
	s0 =	sadd.s32 s0, s30  }
0x12a: {  	[tilespmem:s0+$0xC080] =	vst.msk vm13, v3;
	v3 =	vor.u32 s31, v2  }
0x12b: {  	[tilespmem:s0+$0xD100] =	vst.msk vm13, v3  }
0x12c: {  	v3 =	vld [tilespmem:s29+$0x20];
	_ =	sdelay $0x4  }
0x12d: {  	v3 =	vsub.s32 v3, v0;
	s30 =	spop (v2sf)  }
0x12e: {  	s31 =	sadd.s32 $0xFFFFFFF0, s28;
	s0 =	sadd.s32 s0, s30;
	vm14 =	vlt.u32 v3, $0x1200  }
0x12f: {  	[tilespmem:s0+$0xC080] =	vst.msk vm14, v3;
	v3 =	vor.u32 s31, v2  }
0x130: {  	[tilespmem:s0+$0xD100] =	vst.msk vm14, v3  }
0x131: {  	v3 =	vld [tilespmem:s29+$0x30];
	_ =	sdelay $0x3  }
0x132: {  	v62 =	vmpcnt.ones.xlane vm14  }
0x133: {  	v3 =	vsub.s32 v3, v0  }
0x134: {  	(v2sf) =	vpush v62, $0x0;
	vm15 =	vlt.u32 v3, $0x1200  }
0x135: {  	v63 =	vmpcnt.ones.xlane vm15;
	_ =	sdelay $0x1  }
0x136: {  	(v2sf) =	vpush v63, $0x0;
	_ =	sdelay $0xb  }
0x137: {  	s29 =	spop (v2sf)  }
0x138: {  	s0 =	sadd.s32 s0, s29  }
0x139: {  	[tilespmem:s0+$0xC080] =	vst.msk vm15, v3;
	v3 =	vor.u32 s28, v2  }
0x13a: {  	[tilespmem:s0+$0xD100] =	vst.msk vm15, v3;
	s30 =	spop (v2sf)  }
0x13b: {  	_ =	swait.ge [sflag:s16], $0x1000;
	s0 =	sadd.s32 s0, s30  }
0x13c: {  	[sflag:s16] =	ssyncset.done $0x0;
	s3 =	sadd.s32 $0xF, s0  }
0x13d: {  	[sflag:s16] =	ssyncadd.s32 $0xFFFFF000;
	s28 =	sand.u32 $0xF, s3  }
0x13e: {  	s31 =	sshra.s32 s3, $0x1F;
	p0 =	slt.s32 s3, $0x1;
	_ =	swait.ge [sflag:s16], $0x1000  }
0x13f: {  	p1 =	sne.s32 s28, $0x0;
	s28 =	sshrl.u32 s31, $0x1C;
	[sflag:s16] =	ssyncset.done $0x0  }
0x140: {  	p0 =	por !p0, !p1;
	s3 =	sadd.s32 s28, s3;
	[sflag:s16] =	ssyncadd.s32 $0xFFFFF000  }
0x141: {  	s28 =	simm.s32 $0x1;
	p0 =	por !p0, !p0;
	_ =	swait.ge [sflag:s16], $0x1000  }
0x142: {  	s3 =	sshra.s32 s3, $0x4;
	s28 =	simm.s32 @!p0 $0x0;
	[sflag:s16] =	ssyncset.done $0x0  }
0x143: {  	s28 =	ssub.s32 s3, s28;
	[sflag:s16] =	ssyncadd.s32 $0xFFFFF000  }
0x144: {  	p0 =	slt.s32 s28, $0x1;
	_ =	swait.ge [sflag:s16], $0x1000  }
.Ltmp4:
0x145: {  	[sflag:s16] =	ssyncset.done $0x0;
	(pc) =	sbr.rel @p0 .LBB2_14-.Ltmp4, $4  }
0x146: {  	[sflag:s16] =	ssyncadd.s32 $0xFFFFF000  }
0x147: {  	_ =	swait.ge [sflag:s16], $0x1000  }
0x148: {  	[sflag:s16] =	ssyncset.done $0x0  }
0x149: {  	[sflag:s16] =	ssyncadd.s32 $0xFFFFF000  }
.Ltmp5:
0x14a: {  	(pc) =	sbr.rel .LBB2_7-.Ltmp5, $2  }
0x14b: {  	_ =	sdelay $0x2  }
0x14c: {  	v3 =	vmov s0;
	s29 =	simm.s32 $0x0  }
.LBB2_8:
0x14d: {  	_ =	sdelay $0x4  }
0x14e: {  	v11 =	vld.idx.msk [tilespmem:v4+s18+$0x0], vm0;
	_ =	sdelay $0x4  }
0x14f: {  	v8 =	vmul.f32 v6, v8;
	v11 =	vmul.f32 v11, v7;
	_ =	sdelay $0x1  }
0x150: {  	v8 =	vadd.f32 v11, v8;
	_ =	sdelay $0x1  }
0x151: {  	[tilespmem:v4+s18+$0x0] =	vst.idx.msk vm0, v8  }
0x152: {  	v8 =	vld.idx.msk [tilespmem:v4+s19+$0x0], vm0;
	_ =	sdelay $0x4  }
0x153: {  	v9 =	vmul.f32 v6, v9;
	v8 =	vmul.f32 v8, v7;
	_ =	sdelay $0x1  }
0x154: {  	v8 =	vadd.f32 v8, v9;
	_ =	sdelay $0x1  }
0x155: {  	[tilespmem:v4+s19+$0x0] =	vst.idx.msk vm0, v8  }
0x156: {  	v8 =	vld.idx.msk [tilespmem:v4+s20+$0x0], vm0;
	_ =	sdelay $0x4  }
0x157: {  	v61 =	vmul.f32 v6, v10;
	v8 =	vmul.f32 v8, v7;
	_ =	sdelay $0x1  }
0x158: {  	v8 =	vadd.f32 v8, v61;
	_ =	sdelay $0x1  }
0x159: {  	[tilespmem:v4+s20+$0x0] =	vst.idx.msk vm0, v8  }
0x15a: {  	v8 =	vld.idx.msk [tilespmem:v4+s21+$0x0], vm0;
	_ =	sdelay $0x4  }
0x15b: {  	v62 =	vmul.f32 v8, v7;
	_ =	sdelay $0x1  }
0x15c: {  	v63 =	vadd.f32 v62, v6;
	_ =	sdelay $0x1  }
0x15d: {  	[tilespmem:v4+s21+$0x0] =	vst.idx.msk vm0, v63  }
0x15e: {  	[tilespmem:v4+s22+$0x0] =	vst.idx.msk vm0, v5  }
.LBB2_13:
0x15f: {  	s29 =	sadd.s32 $0x1, s29  }
0x160: {  	p0 =	sne.s32 s29, s28  }
.Ltmp6:
0x161: {  	_ = 	snop;
	(pc) =	sbr.rel @!p0 .LBB2_14-.Ltmp6, $1  }
0x162: {  	_ =	sdelay $0x3  }
.LBB2_7:
0x163: {  	s0 =	sshll.u32 s29, $0x4  }
0x164: {  	v4 =	vld [tilespmem:s0+$0xD100];
	_ =	sdelay $0x3  }
0x165: {  	v6 =	vld [tilespmem:s0+$0xC080]  }
0x166: {  	v5 =	vor.u32 s0, v2;
	vm1 =	vgt.s32 v4, $0x0  }
0x167: {  	vm0 =	vlt.s32 v5, v3;
	v4 =	vnsel vm1, $0x0, v4  }
0x168: {  	v5 =	vmin.u32 v4, $0xFFF;
	_ =	sdelay $0x1  }
0x169: {  	vm1 =	vgt.s32 v6, $0x0  }
0x16a: {  	v4 =	vnsel vm1, $0x0, v6  }
0x16b: {  	v4 =	vmin.u32 v4, $0x11FF  }
0x16c: {  	v8 =	vld.idx.msk [tilespmem:v5+s2+$0x0], vm0  }
0x16d: {  	v9 =	vld.idx.msk [tilespmem:v5+s5+$0x0], vm0  }
0x16e: {  	v10 =	vld.idx.msk [tilespmem:v5+s6+$0x0], vm0  }
0x16f: {  	v6 =	vld.idx.msk [tilespmem:v5+s7+$0x0], vm0  }
0x170: {  	v5 =	vld.idx.msk [tilespmem:v5+s8+$0x0], vm0;
	[tilespmem:v4+s17+$0x0] =	vst.idx.msk vm0, v2  }
0x171: {  	v7 =	vld.idx.msk [tilespmem:v4+s17+$0x0], vm0;
	_ =	sdelay $0x4  }
0x172: {  	vm1 =	vne.s32 v7, v2  }
0x173: {  	vm1 =	vmand vm0, vm1  }
0x174: {  	v7 =	vmpcnt.ones.xlane vm1;
	_ =	sdelay $0x1  }
0x175: {  	(v2sf) =	vpush v7, $0x0;
	_ =	sdelay $0xe  }
0x176: {  	s0 =	spop (v2sf)  }
0x177: {  	p0 =	sne.s32 s0, $0x0  }
.Ltmp7:
0x178: {  	_ = 	snop;
	(pc) =	sbr.rel @!p0 .LBB2_8-.Ltmp7, $2  }
0x179: {  	_ =	sdelay $0x2  }
0x17a: {  	v7 =	vsub.f32 $1.000000000e+00, v6  }
0x17b: {  	p0 =	slt.s32 s0, $0x1  }
.Ltmp8:
0x17c: {  	_ = 	snop;
	(pc) =	sbr.rel @p0 .LBB2_13-.Ltmp8, $1  }
0x17d: {  	_ =	sdelay $0x3  }
0x17e: {  	s0 =	simm.s32 $0x0  }
0x17f: {  	v11 =	vmov s0  }
0x180: {  	vm1 =	veq.s32 v11, v2  }
0x181: {  	vm1 =	vmand vm0, vm1  }
0x182: {  	v11 =	vmpcnt.ones.xlane vm1;
	_ =	sdelay $0x1  }
0x183: {  	(v2sf) =	vpush v11, $0x0;
	_ =	sdelay $0xe  }
0x184: {  	s3 =	spop (v2sf)  }
0x185: {  	p0 =	slt.s32 s3, $0x1  }
0x186: {  	s0 =	simm.s32 @!p0 $0xF380  }
0x187: {  	v11 =	vld.idx.msk @!p0 [tilespmem:v4+s0+$0x0], vm1;
	_ =	sdelay $0x2  }
0x188: {  	vm1 =	vmmov vm1  }
0x189: {  	p0 =	por p0, p0  }
0x18a: {  	v8 =	vmul.f32 v6, v8;
	v11 =	vmul.f32 @!p0 v11, v7;
	_ =	sdelay $0x1  }
0x18b: {  	v11 =	vadd.f32 @!p0 v11, v8;
	_ =	sdelay $0x1  }
0x18c: {  	[tilespmem:v4+s0+$0x0] =	vst.idx.msk @!p0 vm1, v11;
	s0 =	simm.s32 @!p0 $0x10580  }
0x18d: {  	v11 =	vld.idx.msk @!p0 [tilespmem:v4+s0+$0x0], vm1;
	_ =	sdelay $0x4  }
0x18e: {  	v9 =	vmul.f32 v6, v9;
	v11 =	vmul.f32 @!p0 v11, v7;
	_ =	sdelay $0x1  }
0x18f: {  	s3 =	simm.s32 $0x1;
	v11 =	vadd.f32 @!p0 v11, v9  }
0x190: {  	v12 =	vmov s3  }
0x191: {  	vm2 =	veq.s32 v12, v2;
	[tilespmem:v4+s0+$0x0] =	vst.idx.msk @!p0 vm1, v11;
	s0 =	simm.s32 @!p0 $0x11780  }
0x192: {  	vm2 =	vmand vm0, vm2;
	v11 =	vld.idx.msk @!p0 [tilespmem:v4+s0+$0x0], vm1  }
0x193: {  	v63 =	vmpcnt.ones.xlane vm2;
	_ =	sdelay $0x1  }
0x194: {  	(v2sf) =	vpush v63, $0x0;
	_ =	sdelay $0x1  }
0x195: {  	v10 =	vmul.f32 v6, v10;
	v11 =	vmul.f32 @!p0 v11, v7;
	_ =	sdelay $0x1  }
0x196: {  	v11 =	vadd.f32 @!p0 v11, v10;
	_ =	sdelay $0x1  }
0x197: {  	[tilespmem:v4+s0+$0x0] =	vst.idx.msk @!p0 vm1, v11;
	s0 =	simm.s32 @!p0 $0x12980  }
0x198: {  	v11 =	vld.idx.msk @!p0 [tilespmem:v4+s0+$0x0], vm1;
	_ =	sdelay $0x4  }
0x199: {  	v11 =	vmul.f32 @!p0 v11, v7;
	_ =	sdelay $0x1  }
0x19a: {  	v11 =	vadd.f32 @!p0 v11, v6  }
0x19b: {  	s31 =	spop (v2sf)  }
0x19c: {  	s30 =	simm.s32 $0x2;
	p2 =	slt.s32 s31, $0x1;
	[tilespmem:v4+s0+$0x0] =	vst.idx.msk @!p0 vm1, v11;
	s0 =	simm.s32 @!p0 $0x13B80  }
.LBB2_11:
0x19d: {  	s3 =	simm.s32 @!p2 $0xF380;
	[tilespmem:v4+s0+$0x0] =	vst.idx.msk @!p0 vm1, v5;
	vm1 =	vmmov vm2;
	s0 =	smov.u32 s30;
	s30 =	sadd.s32 $0x1, s30  }
0x19e: {  	p0 =	por p2, p2;
	p1 =	sne.s32 s30, $0x10;
	v11 =	vld.idx.msk @!p2 [tilespmem:v4+s3+$0x0], vm2;
	_ =	sdelay $0x5  }
0x19f: {  	v11 =	vmul.f32 @!p0 v11, v7;
	_ =	sdelay $0x1  }
0x1a0: {  	v11 =	vadd.f32 @!p0 v11, v8;
	_ =	sdelay $0x1  }
0x1a1: {  	[tilespmem:v4+s3+$0x0] =	vst.idx.msk @!p0 vm2, v11;
	s3 =	simm.s32 @!p0 $0x10580  }
0x1a2: {  	v11 =	vld.idx.msk @!p0 [tilespmem:v4+s3+$0x0], vm2;
	_ =	sdelay $0x5  }
0x1a3: {  	v11 =	vmul.f32 @!p0 v11, v7;
	_ =	sdelay $0x1  }
0x1a4: {  	v11 =	vadd.f32 @!p0 v11, v9;
	_ =	sdelay $0x1  }
0x1a5: {  	[tilespmem:v4+s3+$0x0] =	vst.idx.msk @!p0 vm2, v11;
	s3 =	simm.s32 @!p0 $0x11780  }
0x1a6: {  	v11 =	vmov s0;
	v12 =	vld.idx.msk @!p0 [tilespmem:v4+s3+$0x0], vm2  }
0x1a7: {  	vm2 =	veq.s32 v11, v2  }
0x1a8: {  	vm2 =	vmand vm0, vm2  }
0x1a9: {  	v11 =	vmpcnt.ones.xlane vm2;
	_ =	sdelay $0x1  }
0x1aa: {  	(v2sf) =	vpush v11, $0x0  }
0x1ab: {  	v11 =	vmul.f32 @!p0 v12, v7;
	_ =	sdelay $0x1  }
0x1ac: {  	v11 =	vadd.f32 @!p0 v11, v10;
	_ =	sdelay $0x1  }
0x1ad: {  	s0 =	simm.s32 @!p0 $0x12980;
	[tilespmem:v4+s3+$0x0] =	vst.idx.msk @!p0 vm1, v11  }
0x1ae: {  	v11 =	vld.idx.msk @!p0 [tilespmem:v4+s0+$0x0], vm1;
	_ =	sdelay $0x5  }
.Ltmp9:
0x1af: {  	v11 =	vmul.f32 @!p0 v11, v7;
	(pc) =	sbr.rel @p1 .LBB2_11-.Ltmp9, $4  }
0x1b0: {  	_ = 	snop  }
0x1b1: {  	v11 =	vadd.f32 @!p0 v11, v6  }
0x1b2: {  	s3 =	spop (v2sf)  }
0x1b3: {  	p2 =	slt.s32 s3, $0x1;
	[tilespmem:v4+s0+$0x0] =	vst.idx.msk @!p0 vm1, v11;
	s0 =	simm.s32 @!p0 $0x13B80  }
0x1b4: {  	_ =	sdelay $0x4  }
0x1b5: {  	s3 =	simm.s32 @!p2 $0xF380;
	[tilespmem:v4+s0+$0x0] =	vst.idx.msk @!p0 vm1, v5  }
0x1b6: {  	v11 =	vld.idx.msk @!p2 [tilespmem:v4+s3+$0x0], vm2;
	_ =	sdelay $0x3  }
0x1b7: {  	p0 =	por p2, p2  }
0x1b8: {  	v11 =	vmul.f32 @!p0 v11, v7;
	_ =	sdelay $0x1  }
0x1b9: {  	v8 =	vadd.f32 @!p0 v11, v8;
	_ =	sdelay $0x1  }
0x1ba: {  	s0 =	simm.s32 @!p0 $0x10580;
	[tilespmem:v4+s3+$0x0] =	vst.idx.msk @!p0 vm2, v8  }
0x1bb: {  	v8 =	vld.idx.msk @!p0 [tilespmem:v4+s0+$0x0], vm2;
	_ =	sdelay $0x4  }
0x1bc: {  	v8 =	vmul.f32 @!p0 v8, v7;
	_ =	sdelay $0x1  }
0x1bd: {  	v8 =	vadd.f32 @!p0 v8, v9;
	_ =	sdelay $0x1  }
0x1be: {  	[tilespmem:v4+s0+$0x0] =	vst.idx.msk @!p0 vm2, v8;
	s0 =	simm.s32 @!p0 $0x11780  }
0x1bf: {  	v8 =	vld.idx.msk @!p0 [tilespmem:v4+s0+$0x0], vm2;
	_ =	sdelay $0x4  }
0x1c0: {  	v8 =	vmul.f32 @!p0 v8, v7;
	_ =	sdelay $0x1  }
0x1c1: {  	v8 =	vadd.f32 @!p0 v8, v10;
	_ =	sdelay $0x1  }
0x1c2: {  	[tilespmem:v4+s0+$0x0] =	vst.idx.msk @!p0 vm2, v8;
	s0 =	simm.s32 @!p0 $0x12980  }
0x1c3: {  	v8 =	vld.idx.msk @!p0 [tilespmem:v4+s0+$0x0], vm2;
	_ =	sdelay $0x4  }
0x1c4: {  	v7 =	vmul.f32 @!p0 v8, v7  }
.Ltmp10:
0x1c5: {  	_ = 	snop;
	(pc) =	sbr.rel .LBB2_13-.Ltmp10, $3  }
0x1c6: {  	v6 =	vadd.f32 @!p0 v7, v6;
	_ =	sdelay $0x1  }
0x1c7: {  	[tilespmem:v4+s0+$0x0] =	vst.idx.msk @!p0 vm2, v6;
	s0 =	simm.s32 @!p0 $0x13B80  }
0x1c8: {  	vm0 =	vmmov vm2;
	[tilespmem:v4+s0+$0x0] =	vst.idx.msk @!p0 vm2, v5  }
.LBB2_14:
0x1c9: {  	s0 =	simm.s32 $0x0;
	s3 =	rddreg [dreg:$0xf]  }
0x1ca: {  	[tilespmem:s0], [sflag:$0x1] =	stream.linear.gather [hbm4b:s3+s0], $0x1000, $0x38;
	[tilespmem:$0x14D80] =	vst v63  }
0x1cb: {  	s31 =	rddreg [dreg:$0x10]  }
0x1cc: {  	[tilespmem:s2], [sflag:$0x2] =	stream.linear.gather [hbm4b:s31+s0], $0x1000, $0x38;
	[tilespmem:$0x14D80] =	vst v63  }
0x1cd: {  	s31 =	rddreg [dreg:$0x11]  }
0x1ce: {  	[tilespmem:s5], [sflag:$0x2] =	stream.linear.gather [hbm4b:s31+s0], $0x1000, $0x38;
	[tilespmem:$0x14D80] =	vst v63  }
0x1cf: {  	s31 =	rddreg [dreg:$0x12]  }
0x1d0: {  	[tilespmem:s6], [sflag:$0x2] =	stream.linear.gather [hbm4b:s31+s0], $0x1000, $0x38;
	[tilespmem:$0x14D80] =	vst v63  }
0x1d1: {  	s31 =	rddreg [dreg:$0x1f]  }
0x1d2: {  	[tilespmem:s7], [sflag:$0x2] =	stream.linear.gather [hbm4b:s31+s0], $0x1000, $0x38;
	[tilespmem:$0x14D80] =	vst v63  }
0x1d3: {  	s31 =	sld [smem:$0x7FC];
	_ =	sdelay $0x2  }
0x1d4: {  	[tilespmem:s8], [sflag:$0x2] =	stream.linear.gather [hbm4b:s31+s0], $0x1000, $0x38;
	[tilespmem:$0x14D80] =	vst v63  }
0x1d5: {  	_ =	swait.ge [sflag:s23], $0x1000  }
0x1d6: {  	[sflag:s23] =	ssyncset.done $0x0  }
0x1d7: {  	s28 =	simm.s32 $0x6040;
	[sflag:s23] =	ssyncadd.s32 $0xFFFFF000  }
0x1d8: {  	v3 =	vld [tilespmem:s28+$0xFFFFFFC0];
	_ =	sdelay $0x4  }
0x1d9: {  	v3 =	vsub.s32 v3, v0  }
0x1da: {  	s31 =	simm.s32 $0x0;
	vm0 =	vlt.u32 v3, $0x1200  }
0x1db: {  	[tilespmem:s0+$0xC080] =	vst.msk vm0, v3;
	v3 =	vor.u32 s31, v2;
	v4 =	vmpcnt.ones.xlane vm0  }
0x1dc: {  	[tilespmem:s0+$0xD100] =	vst.msk vm0, v3  }
0x1dd: {  	v3 =	vld [tilespmem:s28+$0xFFFFFFD0];
	(v2sf) =	vpush v4, $0x0;
	_ =	sdelay $0x4  }
0x1de: {  	v3 =	vsub.s32 v3, v0  }
0x1df: {  	vm9 =	vlt.u32 v3, $0x1200  }
0x1e0: {  	v4 =	vmpcnt.ones.xlane vm9;
	_ =	sdelay $0x1  }
0x1e1: {  	(v2sf) =	vpush v4, $0x0;
	_ =	sdelay $0x5  }
0x1e2: {  	s3 =	spop (v2sf)  }
0x1e3: {  	s31 =	simm.s32 $0x10;
	s0 =	sadd.s32 $0x0, s3  }
0x1e4: {  	[tilespmem:s0+$0xC080] =	vst.msk vm9, v3;
	v3 =	vor.u32 s31, v2  }
0x1e5: {  	[tilespmem:s0+$0xD100] =	vst.msk vm9, v3  }
0x1e6: {  	v3 =	vld [tilespmem:s28+$0xFFFFFFE0];
	_ =	sdelay $0x4  }
0x1e7: {  	v3 =	vsub.s32 v3, v0;
	s31 =	spop (v2sf)  }
0x1e8: {  	s0 =	sadd.s32 s0, s31;
	s31 =	simm.s32 $0x20;
	vm10 =	vlt.u32 v3, $0x1200  }
0x1e9: {  	[tilespmem:s0+$0xC080] =	vst.msk vm10, v3;
	v3 =	vor.u32 s31, v2;
	v4 =	vmpcnt.ones.xlane vm10  }
0x1ea: {  	[tilespmem:s0+$0xD100] =	vst.msk vm10, v3  }
0x1eb: {  	v3 =	vld [tilespmem:s28+$0xFFFFFFF0];
	(v2sf) =	vpush v4, $0x0;
	_ =	sdelay $0x4  }
0x1ec: {  	v3 =	vsub.s32 v3, v0  }
0x1ed: {  	vm11 =	vlt.u32 v3, $0x1200  }
0x1ee: {  	v4 =	vmpcnt.ones.xlane vm11;
	_ =	sdelay $0x1  }
0x1ef: {  	(v2sf) =	vpush v4, $0x0;
	_ =	sdelay $0x5  }
0x1f0: {  	s31 =	spop (v2sf)  }
0x1f1: {  	s0 =	sadd.s32 s0, s31;
	s31 =	simm.s32 $0x30  }
0x1f2: {  	[tilespmem:s0+$0xC080] =	vst.msk vm11, v3;
	v3 =	vor.u32 s31, v2  }
0x1f3: {  	[tilespmem:s0+$0xD100] =	vst.msk vm11, v3  }
0x1f4: {  	v3 =	vld [tilespmem:s28+$0x0];
	_ =	sdelay $0x4  }
0x1f5: {  	v3 =	vsub.s32 v3, v0;
	s31 =	spop (v2sf)  }
0x1f6: {  	s0 =	sadd.s32 s0, s31;
	s31 =	simm.s32 $0x40;
	vm12 =	vlt.u32 v3, $0x1200  }
0x1f7: {  	[tilespmem:s0+$0xC080] =	vst.msk vm12, v3;
	v3 =	vor.u32 s31, v2;
	v4 =	vmpcnt.ones.xlane vm12  }
0x1f8: {  	[tilespmem:s0+$0xD100] =	vst.msk vm12, v3  }
0x1f9: {  	v3 =	vld [tilespmem:s28+$0x10];
	(v2sf) =	vpush v4, $0x0;
	_ =	sdelay $0x4  }
0x1fa: {  	v3 =	vsub.s32 v3, v0  }
0x1fb: {  	vm13 =	vlt.u32 v3, $0x1200  }
0x1fc: {  	v4 =	vmpcnt.ones.xlane vm13;
	_ =	sdelay $0x1  }
0x1fd: {  	(v2sf) =	vpush v4, $0x0;
	_ =	sdelay $0x5  }
0x1fe: {  	s31 =	spop (v2sf)  }
0x1ff: {  	s0 =	sadd.s32 s0, s31;
	s31 =	simm.s32 $0x50  }
0x200: {  	[tilespmem:s0+$0xC080] =	vst.msk vm13, v3;
	v3 =	vor.u32 s31, v2  }
0x201: {  	[tilespmem:s0+$0xD100] =	vst.msk vm13, v3  }
0x202: {  	v3 =	vld [tilespmem:s28+$0x20];
	_ =	sdelay $0x4  }
0x203: {  	v3 =	vsub.s32 v3, v0;
	s31 =	spop (v2sf)  }
0x204: {  	s0 =	sadd.s32 s0, s31;
	s31 =	simm.s32 $0x60;
	vm14 =	vlt.u32 v3, $0x1200  }
0x205: {  	[tilespmem:s0+$0xC080] =	vst.msk vm14, v3;
	v3 =	vor.u32 s31, v2;
	v4 =	vmpcnt.ones.xlane vm14  }
0x206: {  	[tilespmem:s0+$0xD100] =	vst.msk vm14, v3  }
0x207: {  	v3 =	vld [tilespmem:s28+$0x30];
	(v2sf) =	vpush v4, $0x0;
	_ =	sdelay $0x4  }
0x208: {  	v3 =	vsub.s32 v3, v0  }
0x209: {  	vm15 =	vlt.u32 v3, $0x1200  }
0x20a: {  	v4 =	vmpcnt.ones.xlane vm15;
	_ =	sdelay $0x1  }
0x20b: {  	(v2sf) =	vpush v4, $0x0;
	_ =	sdelay $0x5  }
0x20c: {  	s31 =	spop (v2sf)  }
0x20d: {  	s28 =	simm.s32 $0x70;
	s0 =	sadd.s32 s0, s31  }
0x20e: {  	[tilespmem:s0+$0xC080] =	vst.msk vm15, v3;
	v3 =	vor.u32 s28, v2  }
0x20f: {  	s29 =	simm.s32 $0x60C0;
	[tilespmem:s0+$0xD100] =	vst.msk vm15, v3  }
0x210: {  	v3 =	vld [tilespmem:s29+$0xFFFFFFC0];
	_ =	sdelay $0x4  }
0x211: {  	s30 =	simm.s32 $0x8;
	s28 =	simm.s32 $0xF0;
	v3 =	vsub.s32 v3, v0;
	s3 =	spop (v2sf)  }
.LBB2_15:
0x212: {  	s30 =	sadd.s32 $0x8, s30;
	s31 =	sadd.s32 $0xFFFFFF90, s28;
	vm0 =	vlt.u32 v3, $0x1200;
	s0 =	sadd.s32 s0, s3  }
0x213: {  	p0 =	slt.u32 s30, $0xF8;
	[tilespmem:s0+$0xC080] =	vst.msk vm0, v3;
	v3 =	vor.u32 s31, v2;
	v4 =	vmpcnt.ones.xlane vm0  }
0x214: {  	[tilespmem:s0+$0xD100] =	vst.msk vm0, v3  }
0x215: {  	v3 =	vld [tilespmem:s29+$0xFFFFFFD0];
	(v2sf) =	vpush v4, $0x0;
	_ =	sdelay $0x4  }
0x216: {  	v3 =	vsub.s32 v3, v0  }
0x217: {  	vm0 =	vlt.u32 v3, $0x1200  }
0x218: {  	v4 =	vmpcnt.ones.xlane vm0;
	_ =	sdelay $0x1  }
0x219: {  	(v2sf) =	vpush v4, $0x0;
	_ =	sdelay $0x5  }
0x21a: {  	s3 =	spop (v2sf)  }
0x21b: {  	s0 =	sadd.s32 s0, s3;
	s3 =	sadd.s32 $0xFFFFFFA0, s28  }
0x21c: {  	[tilespmem:s0+$0xC080] =	vst.msk vm0, v3;
	v3 =	vor.u32 s3, v2  }
0x21d: {  	[tilespmem:s0+$0xD100] =	vst.msk vm0, v3  }
0x21e: {  	v3 =	vld [tilespmem:s29+$0xFFFFFFE0];
	_ =	sdelay $0x4  }
0x21f: {  	v3 =	vsub.s32 v3, v0;
	s3 =	spop (v2sf)  }
0x220: {  	s0 =	sadd.s32 s0, s3;
	s3 =	sadd.s32 $0xFFFFFFB0, s28;
	vm0 =	vlt.u32 v3, $0x1200  }
0x221: {  	[tilespmem:s0+$0xC080] =	vst.msk vm0, v3;
	v3 =	vor.u32 s3, v2;
	v4 =	vmpcnt.ones.xlane vm0  }
0x222: {  	[tilespmem:s0+$0xD100] =	vst.msk vm0, v3  }
0x223: {  	v3 =	vld [tilespmem:s29+$0xFFFFFFF0];
	(v2sf) =	vpush v4, $0x0;
	_ =	sdelay $0x4  }
0x224: {  	v3 =	vsub.s32 v3, v0  }
0x225: {  	vm0 =	vlt.u32 v3, $0x1200  }
0x226: {  	v4 =	vmpcnt.ones.xlane vm0;
	_ =	sdelay $0x1  }
0x227: {  	(v2sf) =	vpush v4, $0x0;
	_ =	sdelay $0x5  }
0x228: {  	s3 =	spop (v2sf)  }
0x229: {  	s0 =	sadd.s32 s0, s3;
	s3 =	sadd.s32 $0xFFFFFFC0, s28  }
0x22a: {  	[tilespmem:s0+$0xC080] =	vst.msk vm0, v3;
	v3 =	vor.u32 s3, v2  }
0x22b: {  	[tilespmem:s0+$0xD100] =	vst.msk vm0, v3  }
0x22c: {  	v3 =	vld [tilespmem:s29+$0x0];
	_ =	sdelay $0x4  }
0x22d: {  	v3 =	vsub.s32 v3, v0;
	s3 =	spop (v2sf)  }
0x22e: {  	s0 =	sadd.s32 s0, s3;
	s3 =	sadd.s32 $0xFFFFFFD0, s28;
	vm0 =	vlt.u32 v3, $0x1200  }
0x22f: {  	[tilespmem:s0+$0xC080] =	vst.msk vm0, v3;
	v3 =	vor.u32 s3, v2;
	v4 =	vmpcnt.ones.xlane vm0  }
0x230: {  	[tilespmem:s0+$0xD100] =	vst.msk vm0, v3  }
0x231: {  	v3 =	vld [tilespmem:s29+$0x10];
	(v2sf) =	vpush v4, $0x0;
	_ =	sdelay $0x4  }
0x232: {  	v3 =	vsub.s32 v3, v0  }
0x233: {  	vm0 =	vlt.u32 v3, $0x1200  }
0x234: {  	v4 =	vmpcnt.ones.xlane vm0;
	_ =	sdelay $0x1  }
0x235: {  	(v2sf) =	vpush v4, $0x0;
	_ =	sdelay $0x5  }
0x236: {  	s3 =	spop (v2sf)  }
0x237: {  	s0 =	sadd.s32 s0, s3;
	s3 =	sadd.s32 $0xFFFFFFE0, s28  }
0x238: {  	[tilespmem:s0+$0xC080] =	vst.msk vm0, v3;
	v3 =	vor.u32 s3, v2  }
0x239: {  	[tilespmem:s0+$0xD100] =	vst.msk vm0, v3  }
0x23a: {  	v3 =	vld [tilespmem:s29+$0x20];
	_ =	sdelay $0x4  }
0x23b: {  	v3 =	vsub.s32 v3, v0;
	s3 =	spop (v2sf)  }
0x23c: {  	s0 =	sadd.s32 s0, s3;
	s3 =	sadd.s32 $0xFFFFFFF0, s28;
	vm0 =	vlt.u32 v3, $0x1200  }
0x23d: {  	[tilespmem:s0+$0xC080] =	vst.msk vm0, v3;
	v3 =	vor.u32 s3, v2;
	v4 =	vmpcnt.ones.xlane vm0  }
0x23e: {  	[tilespmem:s0+$0xD100] =	vst.msk vm0, v3  }
0x23f: {  	v3 =	vld [tilespmem:s29+$0x30];
	(v2sf) =	vpush v4, $0x0;
	_ =	sdelay $0x4  }
0x240: {  	v3 =	vsub.s32 v3, v0  }
0x241: {  	vm0 =	vlt.u32 v3, $0x1200  }
0x242: {  	v4 =	vmpcnt.ones.xlane vm0;
	_ =	sdelay $0x1  }
0x243: {  	(v2sf) =	vpush v4, $0x0;
	_ =	sdelay $0x5  }
0x244: {  	s3 =	spop (v2sf)  }
0x245: {  	s0 =	sadd.s32 s0, s3  }
0x246: {  	[tilespmem:s0+$0xC080] =	vst.msk vm0, v3;
	v3 =	vor.u32 s28, v2  }
0x247: {  	s29 =	sadd.s32 $0x80, s29;
	[tilespmem:s0+$0xD100] =	vst.msk vm0, v3  }
0x248: {  	v3 =	vld [tilespmem:s29+$0xFFFFFFC0]  }
.Ltmp11:
0x249: {  	(pc) =	sbr.rel @p0 .LBB2_15-.Ltmp11, $2  }
0x24a: {  	_ =	sdelay $0x2  }
0x24b: {  	s28 =	sadd.s32 $0x80, s28;
	v3 =	vsub.s32 v3, v0;
	s3 =	spop (v2sf)  }
0x24c: {  	s30 =	sadd.s32 $0xFFFFFF90, s28;
	vm0 =	vlt.u32 v3, $0x1200;
	s0 =	sadd.s32 s0, s3  }
0x24d: {  	[tilespmem:s0+$0xC080] =	vst.msk vm0, v3;
	v3 =	vor.u32 s30, v2;
	v4 =	vmpcnt.ones.xlane vm0  }
0x24e: {  	[tilespmem:s0+$0xD100] =	vst.msk vm0, v3  }
0x24f: {  	v3 =	vld [tilespmem:s29+$0xFFFFFFD0];
	(v2sf) =	vpush v4, $0x0;
	_ =	sdelay $0x4  }
0x250: {  	v3 =	vsub.s32 v3, v0  }
0x251: {  	vm9 =	vlt.u32 v3, $0x1200  }
0x252: {  	v57 =	vmpcnt.ones.xlane vm9;
	_ =	sdelay $0x1  }
0x253: {  	(v2sf) =	vpush v57, $0x0;
	_ =	sdelay $0x5  }
0x254: {  	s30 =	spop (v2sf)  }
0x255: {  	s31 =	sadd.s32 $0xFFFFFFA0, s28;
	s0 =	sadd.s32 s0, s30  }
0x256: {  	[tilespmem:s0+$0xC080] =	vst.msk vm9, v3;
	v3 =	vor.u32 s31, v2  }
0x257: {  	[tilespmem:s0+$0xD100] =	vst.msk vm9, v3  }
0x258: {  	v3 =	vld [tilespmem:s29+$0xFFFFFFE0];
	_ =	sdelay $0x4  }
0x259: {  	v3 =	vsub.s32 v3, v0;
	s30 =	spop (v2sf)  }
0x25a: {  	s31 =	sadd.s32 $0xFFFFFFB0, s28;
	s0 =	sadd.s32 s0, s30;
	vm10 =	vlt.u32 v3, $0x1200  }
0x25b: {  	[tilespmem:s0+$0xC080] =	vst.msk vm10, v3;
	v3 =	vor.u32 s31, v2;
	v58 =	vmpcnt.ones.xlane vm10  }
0x25c: {  	[tilespmem:s0+$0xD100] =	vst.msk vm10, v3  }
0x25d: {  	v3 =	vld [tilespmem:s29+$0xFFFFFFF0];
	(v2sf) =	vpush v58, $0x0;
	_ =	sdelay $0x4  }
0x25e: {  	v3 =	vsub.s32 v3, v0  }
0x25f: {  	vm11 =	vlt.u32 v3, $0x1200  }
0x260: {  	v59 =	vmpcnt.ones.xlane vm11;
	_ =	sdelay $0x1  }
0x261: {  	(v2sf) =	vpush v59, $0x0;
	_ =	sdelay $0x5  }
0x262: {  	s30 =	spop (v2sf)  }
0x263: {  	s31 =	sadd.s32 $0xFFFFFFC0, s28;
	s0 =	sadd.s32 s0, s30  }
0x264: {  	[tilespmem:s0+$0xC080] =	vst.msk vm11, v3;
	v3 =	vor.u32 s31, v2  }
0x265: {  	[tilespmem:s0+$0xD100] =	vst.msk vm11, v3  }
0x266: {  	v3 =	vld [tilespmem:s29+$0x0];
	_ =	sdelay $0x4  }
0x267: {  	v3 =	vsub.s32 v3, v0;
	s30 =	spop (v2sf)  }
0x268: {  	s31 =	sadd.s32 $0xFFFFFFD0, s28;
	s0 =	sadd.s32 s0, s30;
	vm12 =	vlt.u32 v3, $0x1200  }
0x269: {  	[tilespmem:s0+$0xC080] =	vst.msk vm12, v3;
	v3 =	vor.u32 s31, v2;
	v60 =	vmpcnt.ones.xlane vm12  }
0x26a: {  	[tilespmem:s0+$0xD100] =	vst.msk vm12, v3  }
0x26b: {  	v3 =	vld [tilespmem:s29+$0x10];
	(v2sf) =	vpush v60, $0x0;
	_ =	sdelay $0x4  }
0x26c: {  	v3 =	vsub.s32 v3, v0  }
0x26d: {  	vm13 =	vlt.u32 v3, $0x1200  }
0x26e: {  	v61 =	vmpcnt.ones.xlane vm13;
	_ =	sdelay $0x1  }
0x26f: {  	(v2sf) =	vpush v61, $0x0;
	_ =	sdelay $0x5  }
0x270: {  	s30 =	spop (v2sf)  }
0x271: {  	s31 =	sadd.s32 $0xFFFFFFE0, s28;
	s0 =	sadd.s32 s0, s30  }
0x272: {  	[tilespmem:s0+$0xC080] =	vst.msk vm13, v3;
	v3 =	vor.u32 s31, v2  }
0x273: {  	[tilespmem:s0+$0xD100] =	vst.msk vm13, v3  }
0x274: {  	v3 =	vld [tilespmem:s29+$0x20];
	_ =	sdelay $0x4  }
0x275: {  	v3 =	vsub.s32 v3, v0;
	s30 =	spop (v2sf)  }
0x276: {  	s31 =	sadd.s32 $0xFFFFFFF0, s28;
	s0 =	sadd.s32 s0, s30;
	vm14 =	vlt.u32 v3, $0x1200  }
0x277: {  	[tilespmem:s0+$0xC080] =	vst.msk vm14, v3;
	v3 =	vor.u32 s31, v2  }
0x278: {  	[tilespmem:s0+$0xD100] =	vst.msk vm14, v3  }
0x279: {  	v3 =	vld [tilespmem:s29+$0x30];
	_ =	sdelay $0x3  }
0x27a: {  	v62 =	vmpcnt.ones.xlane vm14  }
0x27b: {  	v3 =	vsub.s32 v3, v0  }
0x27c: {  	(v2sf) =	vpush v62, $0x0;
	vm15 =	vlt.u32 v3, $0x1200  }
0x27d: {  	v63 =	vmpcnt.ones.xlane vm15;
	_ =	sdelay $0x1  }
0x27e: {  	(v2sf) =	vpush v63, $0x0;
	_ =	sdelay $0xb  }
0x27f: {  	s29 =	spop (v2sf)  }
0x280: {  	s0 =	sadd.s32 s0, s29  }
0x281: {  	[tilespmem:s0+$0xC080] =	vst.msk vm15, v3;
	v3 =	vor.u32 s28, v2  }
0x282: {  	[tilespmem:s0+$0xD100] =	vst.msk vm15, v3;
	s30 =	spop (v2sf)  }
0x283: {  	_ =	swait.ge [sflag:s24], $0x1000;
	s0 =	sadd.s32 s0, s30  }
0x284: {  	[sflag:s24] =	ssyncset.done $0x0;
	s3 =	sadd.s32 $0xF, s0  }
0x285: {  	[sflag:s24] =	ssyncadd.s32 $0xFFFFF000;
	s28 =	sand.u32 $0xF, s3  }
0x286: {  	s31 =	sshra.s32 s3, $0x1F;
	p0 =	slt.s32 s3, $0x1;
	_ =	swait.ge [sflag:s24], $0x1000  }
0x287: {  	p1 =	sne.s32 s28, $0x0;
	s28 =	sshrl.u32 s31, $0x1C;
	[sflag:s24] =	ssyncset.done $0x0  }
0x288: {  	p0 =	por !p0, !p1;
	s3 =	sadd.s32 s28, s3;
	[sflag:s24] =	ssyncadd.s32 $0xFFFFF000  }
0x289: {  	s28 =	simm.s32 $0x1;
	p0 =	por !p0, !p0;
	_ =	swait.ge [sflag:s24], $0x1000  }
0x28a: {  	s3 =	sshra.s32 s3, $0x4;
	s28 =	simm.s32 @!p0 $0x0;
	[sflag:s24] =	ssyncset.done $0x0  }
0x28b: {  	s28 =	ssub.s32 s3, s28;
	[sflag:s24] =	ssyncadd.s32 $0xFFFFF000  }
0x28c: {  	p0 =	slt.s32 s28, $0x1;
	_ =	swait.ge [sflag:s24], $0x1000  }
.Ltmp12:
0x28d: {  	[sflag:s24] =	ssyncset.done $0x0;
	(pc) =	sbr.rel @p0 .LBB2_25-.Ltmp12, $4  }
0x28e: {  	[sflag:s24] =	ssyncadd.s32 $0xFFFFF000  }
0x28f: {  	_ =	swait.ge [sflag:s24], $0x1000  }
0x290: {  	[sflag:s24] =	ssyncset.done $0x0  }
0x291: {  	[sflag:s24] =	ssyncadd.s32 $0xFFFFF000  }
.Ltmp13:
0x292: {  	(pc) =	sbr.rel .LBB2_18-.Ltmp13, $2  }
0x293: {  	_ =	sdelay $0x2  }
0x294: {  	v3 =	vmov s0;
	s29 =	simm.s32 $0x0  }
.LBB2_19:
0x295: {  	_ =	sdelay $0x4  }
0x296: {  	v11 =	vld.idx.msk [tilespmem:v4+s18+$0x0], vm0;
	_ =	sdelay $0x4  }
0x297: {  	v8 =	vmul.f32 v6, v8;
	v11 =	vmul.f32 v11, v7;
	_ =	sdelay $0x1  }
0x298: {  	v8 =	vadd.f32 v11, v8;
	_ =	sdelay $0x1  }
0x299: {  	[tilespmem:v4+s18+$0x0] =	vst.idx.msk vm0, v8  }
0x29a: {  	v8 =	vld.idx.msk [tilespmem:v4+s19+$0x0], vm0;
	_ =	sdelay $0x4  }
0x29b: {  	v9 =	vmul.f32 v6, v9;
	v8 =	vmul.f32 v8, v7;
	_ =	sdelay $0x1  }
0x29c: {  	v8 =	vadd.f32 v8, v9;
	_ =	sdelay $0x1  }
0x29d: {  	[tilespmem:v4+s19+$0x0] =	vst.idx.msk vm0, v8  }
0x29e: {  	v8 =	vld.idx.msk [tilespmem:v4+s20+$0x0], vm0;
	_ =	sdelay $0x4  }
0x29f: {  	v61 =	vmul.f32 v6, v10;
	v8 =	vmul.f32 v8, v7;
	_ =	sdelay $0x1  }
0x2a0: {  	v8 =	vadd.f32 v8, v61;
	_ =	sdelay $0x1  }
0x2a1: {  	[tilespmem:v4+s20+$0x0] =	vst.idx.msk vm0, v8  }
0x2a2: {  	v8 =	vld.idx.msk [tilespmem:v4+s21+$0x0], vm0;
	_ =	sdelay $0x4  }
0x2a3: {  	v62 =	vmul.f32 v8, v7;
	_ =	sdelay $0x1  }
0x2a4: {  	v63 =	vadd.f32 v62, v6;
	_ =	sdelay $0x1  }
0x2a5: {  	[tilespmem:v4+s21+$0x0] =	vst.idx.msk vm0, v63  }
0x2a6: {  	[tilespmem:v4+s22+$0x0] =	vst.idx.msk vm0, v5  }
.LBB2_24:
0x2a7: {  	s29 =	sadd.s32 $0x1, s29  }
0x2a8: {  	p0 =	sne.s32 s29, s28  }
.Ltmp14:
0x2a9: {  	_ = 	snop;
	(pc) =	sbr.rel @!p0 .LBB2_25-.Ltmp14, $1  }
0x2aa: {  	_ =	sdelay $0x3  }
.LBB2_18:
0x2ab: {  	s0 =	sshll.u32 s29, $0x4  }
0x2ac: {  	v4 =	vld [tilespmem:s0+$0xD100];
	_ =	sdelay $0x3  }
0x2ad: {  	v6 =	vld [tilespmem:s0+$0xC080]  }
0x2ae: {  	v5 =	vor.u32 s0, v2;
	vm1 =	vgt.s32 v4, $0x0  }
0x2af: {  	vm0 =	vlt.s32 v5, v3;
	v4 =	vnsel vm1, $0x0, v4  }
0x2b0: {  	v5 =	vmin.u32 v4, $0xFFF;
	_ =	sdelay $0x1  }
0x2b1: {  	vm1 =	vgt.s32 v6, $0x0  }
0x2b2: {  	v4 =	vnsel vm1, $0x0, v6  }
0x2b3: {  	v4 =	vmin.u32 v4, $0x11FF  }
0x2b4: {  	v8 =	vld.idx.msk [tilespmem:v5+s10+$0x0], vm0  }
0x2b5: {  	v9 =	vld.idx.msk [tilespmem:v5+s11+$0x0], vm0  }
0x2b6: {  	v10 =	vld.idx.msk [tilespmem:v5+s12+$0x0], vm0  }
0x2b7: {  	v6 =	vld.idx.msk [tilespmem:v5+s13+$0x0], vm0  }
0x2b8: {  	v5 =	vld.idx.msk [tilespmem:v5+s14+$0x0], vm0;
	[tilespmem:v4+s17+$0x0] =	vst.idx.msk vm0, v2  }
0x2b9: {  	v7 =	vld.idx.msk [tilespmem:v4+s17+$0x0], vm0;
	_ =	sdelay $0x4  }
0x2ba: {  	vm1 =	vne.s32 v7, v2  }
0x2bb: {  	vm1 =	vmand vm0, vm1  }
0x2bc: {  	v7 =	vmpcnt.ones.xlane vm1;
	_ =	sdelay $0x1  }
0x2bd: {  	(v2sf) =	vpush v7, $0x0;
	_ =	sdelay $0xe  }
0x2be: {  	s0 =	spop (v2sf)  }
0x2bf: {  	p0 =	sne.s32 s0, $0x0  }
.Ltmp15:
0x2c0: {  	_ = 	snop;
	(pc) =	sbr.rel @!p0 .LBB2_19-.Ltmp15, $2  }
0x2c1: {  	_ =	sdelay $0x2  }
0x2c2: {  	v7 =	vsub.f32 $1.000000000e+00, v6  }
0x2c3: {  	p0 =	slt.s32 s0, $0x1  }
.Ltmp16:
0x2c4: {  	_ = 	snop;
	(pc) =	sbr.rel @p0 .LBB2_24-.Ltmp16, $1  }
0x2c5: {  	_ =	sdelay $0x3  }
0x2c6: {  	s0 =	simm.s32 $0x0  }
0x2c7: {  	v11 =	vmov s0  }
0x2c8: {  	vm1 =	veq.s32 v11, v2  }
0x2c9: {  	vm1 =	vmand vm0, vm1  }
0x2ca: {  	v11 =	vmpcnt.ones.xlane vm1;
	_ =	sdelay $0x1  }
0x2cb: {  	(v2sf) =	vpush v11, $0x0;
	_ =	sdelay $0xe  }
0x2cc: {  	s3 =	spop (v2sf)  }
0x2cd: {  	p0 =	slt.s32 s3, $0x1  }
0x2ce: {  	s0 =	simm.s32 @!p0 $0xF380  }
0x2cf: {  	v11 =	vld.idx.msk @!p0 [tilespmem:v4+s0+$0x0], vm1;
	_ =	sdelay $0x2  }
0x2d0: {  	vm1 =	vmmov vm1  }
0x2d1: {  	p0 =	por p0, p0  }
0x2d2: {  	v8 =	vmul.f32 v6, v8;
	v11 =	vmul.f32 @!p0 v11, v7;
	_ =	sdelay $0x1  }
0x2d3: {  	v11 =	vadd.f32 @!p0 v11, v8;
	_ =	sdelay $0x1  }
0x2d4: {  	[tilespmem:v4+s0+$0x0] =	vst.idx.msk @!p0 vm1, v11;
	s0 =	simm.s32 @!p0 $0x10580  }
0x2d5: {  	v11 =	vld.idx.msk @!p0 [tilespmem:v4+s0+$0x0], vm1;
	_ =	sdelay $0x4  }
0x2d6: {  	v9 =	vmul.f32 v6, v9;
	v11 =	vmul.f32 @!p0 v11, v7;
	_ =	sdelay $0x1  }
0x2d7: {  	s3 =	simm.s32 $0x1;
	v11 =	vadd.f32 @!p0 v11, v9  }
0x2d8: {  	v12 =	vmov s3  }
0x2d9: {  	vm2 =	veq.s32 v12, v2;
	[tilespmem:v4+s0+$0x0] =	vst.idx.msk @!p0 vm1, v11;
	s0 =	simm.s32 @!p0 $0x11780  }
0x2da: {  	vm2 =	vmand vm0, vm2;
	v11 =	vld.idx.msk @!p0 [tilespmem:v4+s0+$0x0], vm1  }
0x2db: {  	v63 =	vmpcnt.ones.xlane vm2;
	_ =	sdelay $0x1  }
0x2dc: {  	(v2sf) =	vpush v63, $0x0;
	_ =	sdelay $0x1  }
0x2dd: {  	v10 =	vmul.f32 v6, v10;
	v11 =	vmul.f32 @!p0 v11, v7;
	_ =	sdelay $0x1  }
0x2de: {  	v11 =	vadd.f32 @!p0 v11, v10;
	_ =	sdelay $0x1  }
0x2df: {  	[tilespmem:v4+s0+$0x0] =	vst.idx.msk @!p0 vm1, v11;
	s0 =	simm.s32 @!p0 $0x12980  }
0x2e0: {  	v11 =	vld.idx.msk @!p0 [tilespmem:v4+s0+$0x0], vm1;
	_ =	sdelay $0x4  }
0x2e1: {  	v11 =	vmul.f32 @!p0 v11, v7;
	_ =	sdelay $0x1  }
0x2e2: {  	v11 =	vadd.f32 @!p0 v11, v6  }
0x2e3: {  	s31 =	spop (v2sf)  }
0x2e4: {  	s30 =	simm.s32 $0x2;
	p2 =	slt.s32 s31, $0x1;
	[tilespmem:v4+s0+$0x0] =	vst.idx.msk @!p0 vm1, v11;
	s0 =	simm.s32 @!p0 $0x13B80  }
.LBB2_22:
0x2e5: {  	s3 =	simm.s32 @!p2 $0xF380;
	[tilespmem:v4+s0+$0x0] =	vst.idx.msk @!p0 vm1, v5;
	vm1 =	vmmov vm2;
	s0 =	smov.u32 s30;
	s30 =	sadd.s32 $0x1, s30  }
0x2e6: {  	p0 =	por p2, p2;
	p1 =	sne.s32 s30, $0x10;
	v11 =	vld.idx.msk @!p2 [tilespmem:v4+s3+$0x0], vm2;
	_ =	sdelay $0x5  }
0x2e7: {  	v11 =	vmul.f32 @!p0 v11, v7;
	_ =	sdelay $0x1  }
0x2e8: {  	v11 =	vadd.f32 @!p0 v11, v8;
	_ =	sdelay $0x1  }
0x2e9: {  	[tilespmem:v4+s3+$0x0] =	vst.idx.msk @!p0 vm2, v11;
	s3 =	simm.s32 @!p0 $0x10580  }
0x2ea: {  	v11 =	vld.idx.msk @!p0 [tilespmem:v4+s3+$0x0], vm2;
	_ =	sdelay $0x5  }
0x2eb: {  	v11 =	vmul.f32 @!p0 v11, v7;
	_ =	sdelay $0x1  }
0x2ec: {  	v11 =	vadd.f32 @!p0 v11, v9;
	_ =	sdelay $0x1  }
0x2ed: {  	[tilespmem:v4+s3+$0x0] =	vst.idx.msk @!p0 vm2, v11;
	s3 =	simm.s32 @!p0 $0x11780  }
0x2ee: {  	v11 =	vmov s0;
	v12 =	vld.idx.msk @!p0 [tilespmem:v4+s3+$0x0], vm2  }
0x2ef: {  	vm2 =	veq.s32 v11, v2  }
0x2f0: {  	vm2 =	vmand vm0, vm2  }
0x2f1: {  	v11 =	vmpcnt.ones.xlane vm2;
	_ =	sdelay $0x1  }
0x2f2: {  	(v2sf) =	vpush v11, $0x0  }
0x2f3: {  	v11 =	vmul.f32 @!p0 v12, v7;
	_ =	sdelay $0x1  }
0x2f4: {  	v11 =	vadd.f32 @!p0 v11, v10;
	_ =	sdelay $0x1  }
0x2f5: {  	s0 =	simm.s32 @!p0 $0x12980;
	[tilespmem:v4+s3+$0x0] =	vst.idx.msk @!p0 vm1, v11  }
0x2f6: {  	v11 =	vld.idx.msk @!p0 [tilespmem:v4+s0+$0x0], vm1;
	_ =	sdelay $0x5  }
.Ltmp17:
0x2f7: {  	v11 =	vmul.f32 @!p0 v11, v7;
	(pc) =	sbr.rel @p1 .LBB2_22-.Ltmp17, $4  }
0x2f8: {  	_ = 	snop  }
0x2f9: {  	v11 =	vadd.f32 @!p0 v11, v6  }
0x2fa: {  	s3 =	spop (v2sf)  }
0x2fb: {  	p2 =	slt.s32 s3, $0x1;
	[tilespmem:v4+s0+$0x0] =	vst.idx.msk @!p0 vm1, v11;
	s0 =	simm.s32 @!p0 $0x13B80  }
0x2fc: {  	_ =	sdelay $0x4  }
0x2fd: {  	s3 =	simm.s32 @!p2 $0xF380;
	[tilespmem:v4+s0+$0x0] =	vst.idx.msk @!p0 vm1, v5  }
0x2fe: {  	v11 =	vld.idx.msk @!p2 [tilespmem:v4+s3+$0x0], vm2;
	_ =	sdelay $0x3  }
0x2ff: {  	p0 =	por p2, p2  }
0x300: {  	v11 =	vmul.f32 @!p0 v11, v7;
	_ =	sdelay $0x1  }
0x301: {  	v8 =	vadd.f32 @!p0 v11, v8;
	_ =	sdelay $0x1  }
0x302: {  	s0 =	simm.s32 @!p0 $0x10580;
	[tilespmem:v4+s3+$0x0] =	vst.idx.msk @!p0 vm2, v8  }
0x303: {  	v8 =	vld.idx.msk @!p0 [tilespmem:v4+s0+$0x0], vm2;
	_ =	sdelay $0x4  }
0x304: {  	v8 =	vmul.f32 @!p0 v8, v7;
	_ =	sdelay $0x1  }
0x305: {  	v8 =	vadd.f32 @!p0 v8, v9;
	_ =	sdelay $0x1  }
0x306: {  	[tilespmem:v4+s0+$0x0] =	vst.idx.msk @!p0 vm2, v8;
	s0 =	simm.s32 @!p0 $0x11780  }
0x307: {  	v8 =	vld.idx.msk @!p0 [tilespmem:v4+s0+$0x0], vm2;
	_ =	sdelay $0x4  }
0x308: {  	v8 =	vmul.f32 @!p0 v8, v7;
	_ =	sdelay $0x1  }
0x309: {  	v8 =	vadd.f32 @!p0 v8, v10;
	_ =	sdelay $0x1  }
0x30a: {  	[tilespmem:v4+s0+$0x0] =	vst.idx.msk @!p0 vm2, v8;
	s0 =	simm.s32 @!p0 $0x12980  }
0x30b: {  	v8 =	vld.idx.msk @!p0 [tilespmem:v4+s0+$0x0], vm2;
	_ =	sdelay $0x4  }
0x30c: {  	v7 =	vmul.f32 @!p0 v8, v7  }
.Ltmp18:
0x30d: {  	_ = 	snop;
	(pc) =	sbr.rel .LBB2_24-.Ltmp18, $3  }
0x30e: {  	v6 =	vadd.f32 @!p0 v7, v6;
	_ =	sdelay $0x1  }
0x30f: {  	[tilespmem:v4+s0+$0x0] =	vst.idx.msk @!p0 vm2, v6;
	s0 =	simm.s32 @!p0 $0x13B80  }
0x310: {  	vm0 =	vmmov vm2;
	[tilespmem:v4+s0+$0x0] =	vst.idx.msk @!p0 vm2, v5  }
.LBB2_25:
0x311: {  	s0 =	simm.s32 $0x0;
	s3 =	rddreg [dreg:$0x13];
	s28 =	simm.s32 $0x6000  }
0x312: {  	[tilespmem:s28], [sflag:$0x3] =	stream.linear.gather [hbm4b:s3+s0], $0x1000, $0x38;
	[tilespmem:$0x14D80] =	vst v63  }
0x313: {  	s31 =	rddreg [dreg:$0x16]  }
0x314: {  	[tilespmem:s10], [sflag:$0x4] =	stream.linear.gather [hbm4b:s31+s0], $0x1000, $0x38;
	[tilespmem:$0x14D80] =	vst v63  }
0x315: {  	s31 =	rddreg [dreg:$0x17]  }
0x316: {  	[tilespmem:s11], [sflag:$0x4] =	stream.linear.gather [hbm4b:s31+s0], $0x1000, $0x38;
	[tilespmem:$0x14D80] =	vst v63  }
0x317: {  	s31 =	rddreg [dreg:$0x18]  }
0x318: {  	[tilespmem:s12], [sflag:$0x4] =	stream.linear.gather [hbm4b:s31+s0], $0x1000, $0x38;
	[tilespmem:$0x14D80] =	vst v63  }
0x319: {  	s31 =	sld [smem:$0x7FD];
	_ =	sdelay $0x2  }
0x31a: {  	[tilespmem:s13], [sflag:$0x4] =	stream.linear.gather [hbm4b:s31+s0], $0x1000, $0x38;
	[tilespmem:$0x14D80] =	vst v63  }
0x31b: {  	_ = 	snop  }
0x31c: {  	[tilespmem:s14], [sflag:$0x4] =	stream.linear.gather [hbm4b:s1+s0], $0x1000, $0x38;
	[tilespmem:$0x14D80] =	vst v63  }
0x31d: {  	_ =	swait.ge [sflag:s15], $0x1000  }
0x31e: {  	[sflag:s15] =	ssyncset.done $0x0  }
0x31f: {  	s28 =	simm.s32 $0x40;
	[sflag:s15] =	ssyncadd.s32 $0xFFFFF000  }
0x320: {  	v3 =	vld [tilespmem:s28+$0xFFFFFFC0];
	_ =	sdelay $0x4  }
0x321: {  	v3 =	vsub.s32 v3, v0  }
0x322: {  	s31 =	simm.s32 $0x0;
	vm0 =	vlt.u32 v3, $0x1200  }
0x323: {  	[tilespmem:s0+$0xC080] =	vst.msk vm0, v3;
	v3 =	vor.u32 s31, v2;
	v4 =	vmpcnt.ones.xlane vm0  }
0x324: {  	[tilespmem:s0+$0xD100] =	vst.msk vm0, v3  }
0x325: {  	v3 =	vld [tilespmem:s28+$0xFFFFFFD0];
	(v2sf) =	vpush v4, $0x0;
	_ =	sdelay $0x4  }
0x326: {  	v3 =	vsub.s32 v3, v0  }
0x327: {  	vm9 =	vlt.u32 v3, $0x1200  }
0x328: {  	v4 =	vmpcnt.ones.xlane vm9;
	_ =	sdelay $0x1  }
0x329: {  	(v2sf) =	vpush v4, $0x0;
	_ =	sdelay $0x5  }
0x32a: {  	s3 =	spop (v2sf)  }
0x32b: {  	s31 =	simm.s32 $0x10;
	s0 =	sadd.s32 $0x0, s3  }
0x32c: {  	[tilespmem:s0+$0xC080] =	vst.msk vm9, v3;
	v3 =	vor.u32 s31, v2  }
0x32d: {  	[tilespmem:s0+$0xD100] =	vst.msk vm9, v3  }
0x32e: {  	v3 =	vld [tilespmem:s28+$0xFFFFFFE0];
	_ =	sdelay $0x4  }
0x32f: {  	v3 =	vsub.s32 v3, v0;
	s31 =	spop (v2sf)  }
0x330: {  	s0 =	sadd.s32 s0, s31;
	s31 =	simm.s32 $0x20;
	vm10 =	vlt.u32 v3, $0x1200  }
0x331: {  	[tilespmem:s0+$0xC080] =	vst.msk vm10, v3;
	v3 =	vor.u32 s31, v2;
	v4 =	vmpcnt.ones.xlane vm10  }
0x332: {  	[tilespmem:s0+$0xD100] =	vst.msk vm10, v3  }
0x333: {  	v3 =	vld [tilespmem:s28+$0xFFFFFFF0];
	(v2sf) =	vpush v4, $0x0;
	_ =	sdelay $0x4  }
0x334: {  	v3 =	vsub.s32 v3, v0  }
0x335: {  	vm11 =	vlt.u32 v3, $0x1200  }
0x336: {  	v4 =	vmpcnt.ones.xlane vm11;
	_ =	sdelay $0x1  }
0x337: {  	(v2sf) =	vpush v4, $0x0;
	_ =	sdelay $0x5  }
0x338: {  	s31 =	spop (v2sf)  }
0x339: {  	s0 =	sadd.s32 s0, s31;
	s31 =	simm.s32 $0x30  }
0x33a: {  	[tilespmem:s0+$0xC080] =	vst.msk vm11, v3;
	v3 =	vor.u32 s31, v2  }
0x33b: {  	[tilespmem:s0+$0xD100] =	vst.msk vm11, v3  }
0x33c: {  	v3 =	vld [tilespmem:s28+$0x0];
	_ =	sdelay $0x4  }
0x33d: {  	v3 =	vsub.s32 v3, v0;
	s31 =	spop (v2sf)  }
0x33e: {  	s0 =	sadd.s32 s0, s31;
	s31 =	simm.s32 $0x40;
	vm12 =	vlt.u32 v3, $0x1200  }
0x33f: {  	[tilespmem:s0+$0xC080] =	vst.msk vm12, v3;
	v3 =	vor.u32 s31, v2;
	v4 =	vmpcnt.ones.xlane vm12  }
0x340: {  	[tilespmem:s0+$0xD100] =	vst.msk vm12, v3  }
0x341: {  	v3 =	vld [tilespmem:s28+$0x10];
	(v2sf) =	vpush v4, $0x0;
	_ =	sdelay $0x4  }
0x342: {  	v3 =	vsub.s32 v3, v0  }
0x343: {  	vm13 =	vlt.u32 v3, $0x1200  }
0x344: {  	v4 =	vmpcnt.ones.xlane vm13;
	_ =	sdelay $0x1  }
0x345: {  	(v2sf) =	vpush v4, $0x0;
	_ =	sdelay $0x5  }
0x346: {  	s31 =	spop (v2sf)  }
0x347: {  	s0 =	sadd.s32 s0, s31;
	s31 =	simm.s32 $0x50  }
0x348: {  	[tilespmem:s0+$0xC080] =	vst.msk vm13, v3;
	v3 =	vor.u32 s31, v2  }
0x349: {  	[tilespmem:s0+$0xD100] =	vst.msk vm13, v3  }
0x34a: {  	v3 =	vld [tilespmem:s28+$0x20];
	_ =	sdelay $0x4  }
0x34b: {  	v3 =	vsub.s32 v3, v0;
	s31 =	spop (v2sf)  }
0x34c: {  	s0 =	sadd.s32 s0, s31;
	s31 =	simm.s32 $0x60;
	vm14 =	vlt.u32 v3, $0x1200  }
0x34d: {  	[tilespmem:s0+$0xC080] =	vst.msk vm14, v3;
	v3 =	vor.u32 s31, v2;
	v4 =	vmpcnt.ones.xlane vm14  }
0x34e: {  	[tilespmem:s0+$0xD100] =	vst.msk vm14, v3  }
0x34f: {  	v3 =	vld [tilespmem:s28+$0x30];
	(v2sf) =	vpush v4, $0x0;
	_ =	sdelay $0x4  }
0x350: {  	v3 =	vsub.s32 v3, v0  }
0x351: {  	vm15 =	vlt.u32 v3, $0x1200  }
0x352: {  	v4 =	vmpcnt.ones.xlane vm15;
	_ =	sdelay $0x1  }
0x353: {  	(v2sf) =	vpush v4, $0x0;
	_ =	sdelay $0x5  }
0x354: {  	s31 =	spop (v2sf)  }
0x355: {  	s28 =	simm.s32 $0x70;
	s0 =	sadd.s32 s0, s31  }
0x356: {  	[tilespmem:s0+$0xC080] =	vst.msk vm15, v3;
	v3 =	vor.u32 s28, v2  }
0x357: {  	s29 =	simm.s32 $0xC0;
	[tilespmem:s0+$0xD100] =	vst.msk vm15, v3  }
0x358: {  	v3 =	vld [tilespmem:s29+$0xFFFFFFC0];
	_ =	sdelay $0x4  }
0x359: {  	s30 =	simm.s32 $0x8;
	s28 =	simm.s32 $0xF0;
	v3 =	vsub.s32 v3, v0;
	s3 =	spop (v2sf)  }
.LBB2_26:
0x35a: {  	s30 =	sadd.s32 $0x8, s30;
	s31 =	sadd.s32 $0xFFFFFF90, s28;
	vm0 =	vlt.u32 v3, $0x1200;
	s0 =	sadd.s32 s0, s3  }
0x35b: {  	p0 =	slt.u32 s30, $0xF8;
	[tilespmem:s0+$0xC080] =	vst.msk vm0, v3;
	v3 =	vor.u32 s31, v2;
	v4 =	vmpcnt.ones.xlane vm0  }
0x35c: {  	[tilespmem:s0+$0xD100] =	vst.msk vm0, v3  }
0x35d: {  	v3 =	vld [tilespmem:s29+$0xFFFFFFD0];
	(v2sf) =	vpush v4, $0x0;
	_ =	sdelay $0x4  }
0x35e: {  	v3 =	vsub.s32 v3, v0  }
0x35f: {  	vm0 =	vlt.u32 v3, $0x1200  }
0x360: {  	v4 =	vmpcnt.ones.xlane vm0;
	_ =	sdelay $0x1  }
0x361: {  	(v2sf) =	vpush v4, $0x0;
	_ =	sdelay $0x5  }
0x362: {  	s3 =	spop (v2sf)  }
0x363: {  	s0 =	sadd.s32 s0, s3;
	s3 =	sadd.s32 $0xFFFFFFA0, s28  }
0x364: {  	[tilespmem:s0+$0xC080] =	vst.msk vm0, v3;
	v3 =	vor.u32 s3, v2  }
0x365: {  	[tilespmem:s0+$0xD100] =	vst.msk vm0, v3  }
0x366: {  	v3 =	vld [tilespmem:s29+$0xFFFFFFE0];
	_ =	sdelay $0x4  }
0x367: {  	v3 =	vsub.s32 v3, v0;
	s3 =	spop (v2sf)  }
0x368: {  	s0 =	sadd.s32 s0, s3;
	s3 =	sadd.s32 $0xFFFFFFB0, s28;
	vm0 =	vlt.u32 v3, $0x1200  }
0x369: {  	[tilespmem:s0+$0xC080] =	vst.msk vm0, v3;
	v3 =	vor.u32 s3, v2;
	v4 =	vmpcnt.ones.xlane vm0  }
0x36a: {  	[tilespmem:s0+$0xD100] =	vst.msk vm0, v3  }
0x36b: {  	v3 =	vld [tilespmem:s29+$0xFFFFFFF0];
	(v2sf) =	vpush v4, $0x0;
	_ =	sdelay $0x4  }
0x36c: {  	v3 =	vsub.s32 v3, v0  }
0x36d: {  	vm0 =	vlt.u32 v3, $0x1200  }
0x36e: {  	v4 =	vmpcnt.ones.xlane vm0;
	_ =	sdelay $0x1  }
0x36f: {  	(v2sf) =	vpush v4, $0x0;
	_ =	sdelay $0x5  }
0x370: {  	s3 =	spop (v2sf)  }
0x371: {  	s0 =	sadd.s32 s0, s3;
	s3 =	sadd.s32 $0xFFFFFFC0, s28  }
0x372: {  	[tilespmem:s0+$0xC080] =	vst.msk vm0, v3;
	v3 =	vor.u32 s3, v2  }
0x373: {  	[tilespmem:s0+$0xD100] =	vst.msk vm0, v3  }
0x374: {  	v3 =	vld [tilespmem:s29+$0x0];
	_ =	sdelay $0x4  }
0x375: {  	v3 =	vsub.s32 v3, v0;
	s3 =	spop (v2sf)  }
0x376: {  	s0 =	sadd.s32 s0, s3;
	s3 =	sadd.s32 $0xFFFFFFD0, s28;
	vm0 =	vlt.u32 v3, $0x1200  }
0x377: {  	[tilespmem:s0+$0xC080] =	vst.msk vm0, v3;
	v3 =	vor.u32 s3, v2;
	v4 =	vmpcnt.ones.xlane vm0  }
0x378: {  	[tilespmem:s0+$0xD100] =	vst.msk vm0, v3  }
0x379: {  	v3 =	vld [tilespmem:s29+$0x10];
	(v2sf) =	vpush v4, $0x0;
	_ =	sdelay $0x4  }
0x37a: {  	v3 =	vsub.s32 v3, v0  }
0x37b: {  	vm0 =	vlt.u32 v3, $0x1200  }
0x37c: {  	v4 =	vmpcnt.ones.xlane vm0;
	_ =	sdelay $0x1  }
0x37d: {  	(v2sf) =	vpush v4, $0x0;
	_ =	sdelay $0x5  }
0x37e: {  	s3 =	spop (v2sf)  }
0x37f: {  	s0 =	sadd.s32 s0, s3;
	s3 =	sadd.s32 $0xFFFFFFE0, s28  }
0x380: {  	[tilespmem:s0+$0xC080] =	vst.msk vm0, v3;
	v3 =	vor.u32 s3, v2  }
0x381: {  	[tilespmem:s0+$0xD100] =	vst.msk vm0, v3  }
0x382: {  	v3 =	vld [tilespmem:s29+$0x20];
	_ =	sdelay $0x4  }
0x383: {  	v3 =	vsub.s32 v3, v0;
	s3 =	spop (v2sf)  }
0x384: {  	s0 =	sadd.s32 s0, s3;
	s3 =	sadd.s32 $0xFFFFFFF0, s28;
	vm0 =	vlt.u32 v3, $0x1200  }
0x385: {  	[tilespmem:s0+$0xC080] =	vst.msk vm0, v3;
	v3 =	vor.u32 s3, v2;
	v4 =	vmpcnt.ones.xlane vm0  }
0x386: {  	[tilespmem:s0+$0xD100] =	vst.msk vm0, v3  }
0x387: {  	v3 =	vld [tilespmem:s29+$0x30];
	(v2sf) =	vpush v4, $0x0;
	_ =	sdelay $0x4  }
0x388: {  	v3 =	vsub.s32 v3, v0  }
0x389: {  	vm0 =	vlt.u32 v3, $0x1200  }
0x38a: {  	v4 =	vmpcnt.ones.xlane vm0;
	_ =	sdelay $0x1  }
0x38b: {  	(v2sf) =	vpush v4, $0x0;
	_ =	sdelay $0x5  }
0x38c: {  	s3 =	spop (v2sf)  }
0x38d: {  	s0 =	sadd.s32 s0, s3  }
0x38e: {  	[tilespmem:s0+$0xC080] =	vst.msk vm0, v3;
	v3 =	vor.u32 s28, v2  }
0x38f: {  	s29 =	sadd.s32 $0x80, s29;
	[tilespmem:s0+$0xD100] =	vst.msk vm0, v3  }
0x390: {  	v3 =	vld [tilespmem:s29+$0xFFFFFFC0]  }
.Ltmp19:
0x391: {  	(pc) =	sbr.rel @p0 .LBB2_26-.Ltmp19, $2  }
0x392: {  	_ =	sdelay $0x2  }
0x393: {  	s28 =	sadd.s32 $0x80, s28;
	v3 =	vsub.s32 v3, v0;
	s3 =	spop (v2sf)  }
0x394: {  	s30 =	sadd.s32 $0xFFFFFF90, s28;
	vm0 =	vlt.u32 v3, $0x1200;
	s0 =	sadd.s32 s0, s3  }
0x395: {  	[tilespmem:s0+$0xC080] =	vst.msk vm0, v3;
	v3 =	vor.u32 s30, v2;
	v4 =	vmpcnt.ones.xlane vm0  }
0x396: {  	[tilespmem:s0+$0xD100] =	vst.msk vm0, v3  }
0x397: {  	v3 =	vld [tilespmem:s29+$0xFFFFFFD0];
	(v2sf) =	vpush v4, $0x0;
	_ =	sdelay $0x4  }
0x398: {  	v3 =	vsub.s32 v3, v0  }
0x399: {  	vm9 =	vlt.u32 v3, $0x1200  }
0x39a: {  	v57 =	vmpcnt.ones.xlane vm9;
	_ =	sdelay $0x1  }
0x39b: {  	(v2sf) =	vpush v57, $0x0;
	_ =	sdelay $0x5  }
0x39c: {  	s30 =	spop (v2sf)  }
0x39d: {  	s31 =	sadd.s32 $0xFFFFFFA0, s28;
	s0 =	sadd.s32 s0, s30  }
0x39e: {  	[tilespmem:s0+$0xC080] =	vst.msk vm9, v3;
	v3 =	vor.u32 s31, v2  }
0x39f: {  	[tilespmem:s0+$0xD100] =	vst.msk vm9, v3  }
0x3a0: {  	v3 =	vld [tilespmem:s29+$0xFFFFFFE0];
	_ =	sdelay $0x4  }
0x3a1: {  	v3 =	vsub.s32 v3, v0;
	s30 =	spop (v2sf)  }
0x3a2: {  	s31 =	sadd.s32 $0xFFFFFFB0, s28;
	s0 =	sadd.s32 s0, s30;
	vm10 =	vlt.u32 v3, $0x1200  }
0x3a3: {  	[tilespmem:s0+$0xC080] =	vst.msk vm10, v3;
	v3 =	vor.u32 s31, v2;
	v58 =	vmpcnt.ones.xlane vm10  }
0x3a4: {  	[tilespmem:s0+$0xD100] =	vst.msk vm10, v3  }
0x3a5: {  	v3 =	vld [tilespmem:s29+$0xFFFFFFF0];
	(v2sf) =	vpush v58, $0x0;
	_ =	sdelay $0x4  }
0x3a6: {  	v3 =	vsub.s32 v3, v0  }
0x3a7: {  	vm11 =	vlt.u32 v3, $0x1200  }
0x3a8: {  	v59 =	vmpcnt.ones.xlane vm11;
	_ =	sdelay $0x1  }
0x3a9: {  	(v2sf) =	vpush v59, $0x0;
	_ =	sdelay $0x5  }
0x3aa: {  	s30 =	spop (v2sf)  }
0x3ab: {  	s31 =	sadd.s32 $0xFFFFFFC0, s28;
	s0 =	sadd.s32 s0, s30  }
0x3ac: {  	[tilespmem:s0+$0xC080] =	vst.msk vm11, v3;
	v3 =	vor.u32 s31, v2  }
0x3ad: {  	[tilespmem:s0+$0xD100] =	vst.msk vm11, v3  }
0x3ae: {  	v3 =	vld [tilespmem:s29+$0x0];
	_ =	sdelay $0x4  }
0x3af: {  	v3 =	vsub.s32 v3, v0;
	s30 =	spop (v2sf)  }
0x3b0: {  	s31 =	sadd.s32 $0xFFFFFFD0, s28;
	s0 =	sadd.s32 s0, s30;
	vm12 =	vlt.u32 v3, $0x1200  }
0x3b1: {  	[tilespmem:s0+$0xC080] =	vst.msk vm12, v3;
	v3 =	vor.u32 s31, v2;
	v60 =	vmpcnt.ones.xlane vm12  }
0x3b2: {  	[tilespmem:s0+$0xD100] =	vst.msk vm12, v3  }
0x3b3: {  	v3 =	vld [tilespmem:s29+$0x10];
	(v2sf) =	vpush v60, $0x0;
	_ =	sdelay $0x4  }
0x3b4: {  	v3 =	vsub.s32 v3, v0  }
0x3b5: {  	vm13 =	vlt.u32 v3, $0x1200  }
0x3b6: {  	v61 =	vmpcnt.ones.xlane vm13;
	_ =	sdelay $0x1  }
0x3b7: {  	(v2sf) =	vpush v61, $0x0;
	_ =	sdelay $0x5  }
0x3b8: {  	s30 =	spop (v2sf)  }
0x3b9: {  	s31 =	sadd.s32 $0xFFFFFFE0, s28;
	s0 =	sadd.s32 s0, s30  }
0x3ba: {  	[tilespmem:s0+$0xC080] =	vst.msk vm13, v3;
	v3 =	vor.u32 s31, v2  }
0x3bb: {  	[tilespmem:s0+$0xD100] =	vst.msk vm13, v3  }
0x3bc: {  	v3 =	vld [tilespmem:s29+$0x20];
	_ =	sdelay $0x4  }
0x3bd: {  	v3 =	vsub.s32 v3, v0;
	s30 =	spop (v2sf)  }
0x3be: {  	s31 =	sadd.s32 $0xFFFFFFF0, s28;
	s0 =	sadd.s32 s0, s30;
	vm14 =	vlt.u32 v3, $0x1200  }
0x3bf: {  	[tilespmem:s0+$0xC080] =	vst.msk vm14, v3;
	v3 =	vor.u32 s31, v2  }
0x3c0: {  	[tilespmem:s0+$0xD100] =	vst.msk vm14, v3  }
0x3c1: {  	v3 =	vld [tilespmem:s29+$0x30];
	_ =	sdelay $0x3  }
0x3c2: {  	v62 =	vmpcnt.ones.xlane vm14  }
0x3c3: {  	v3 =	vsub.s32 v3, v0  }
0x3c4: {  	(v2sf) =	vpush v62, $0x0;
	vm15 =	vlt.u32 v3, $0x1200  }
0x3c5: {  	v63 =	vmpcnt.ones.xlane vm15;
	_ =	sdelay $0x1  }
0x3c6: {  	(v2sf) =	vpush v63, $0x0;
	_ =	sdelay $0xb  }
0x3c7: {  	s29 =	spop (v2sf)  }
0x3c8: {  	s0 =	sadd.s32 s0, s29  }
0x3c9: {  	[tilespmem:s0+$0xC080] =	vst.msk vm15, v3;
	v3 =	vor.u32 s28, v2  }
0x3ca: {  	[tilespmem:s0+$0xD100] =	vst.msk vm15, v3;
	s30 =	spop (v2sf)  }
0x3cb: {  	_ =	swait.ge [sflag:s16], $0x1000;
	s0 =	sadd.s32 s0, s30  }
0x3cc: {  	[sflag:s16] =	ssyncset.done $0x0;
	s3 =	sadd.s32 $0xF, s0  }
0x3cd: {  	[sflag:s16] =	ssyncadd.s32 $0xFFFFF000;
	s28 =	sand.u32 $0xF, s3  }
0x3ce: {  	s31 =	sshra.s32 s3, $0x1F;
	p0 =	slt.s32 s3, $0x1;
	_ =	swait.ge [sflag:s16], $0x1000  }
0x3cf: {  	p1 =	sne.s32 s28, $0x0;
	s28 =	sshrl.u32 s31, $0x1C;
	[sflag:s16] =	ssyncset.done $0x0  }
0x3d0: {  	p0 =	por !p0, !p1;
	s3 =	sadd.s32 s28, s3;
	[sflag:s16] =	ssyncadd.s32 $0xFFFFF000  }
0x3d1: {  	s28 =	simm.s32 $0x1;
	p0 =	por !p0, !p0;
	_ =	swait.ge [sflag:s16], $0x1000  }
0x3d2: {  	s3 =	sshra.s32 s3, $0x4;
	s28 =	simm.s32 @!p0 $0x0;
	[sflag:s16] =	ssyncset.done $0x0  }
0x3d3: {  	s28 =	ssub.s32 s3, s28;
	[sflag:s16] =	ssyncadd.s32 $0xFFFFF000  }
0x3d4: {  	p0 =	slt.s32 s28, $0x1;
	_ =	swait.ge [sflag:s16], $0x1000  }
.Ltmp20:
0x3d5: {  	[sflag:s16] =	ssyncset.done $0x0;
	(pc) =	sbr.rel @p0 .LBB2_36-.Ltmp20, $4  }
0x3d6: {  	[sflag:s16] =	ssyncadd.s32 $0xFFFFF000  }
0x3d7: {  	_ =	swait.ge [sflag:s16], $0x1000  }
0x3d8: {  	[sflag:s16] =	ssyncset.done $0x0  }
0x3d9: {  	[sflag:s16] =	ssyncadd.s32 $0xFFFFF000  }
.Ltmp21:
0x3da: {  	(pc) =	sbr.rel .LBB2_29-.Ltmp21, $2  }
0x3db: {  	_ =	sdelay $0x2  }
0x3dc: {  	v3 =	vmov s0;
	s29 =	simm.s32 $0x0  }
.LBB2_30:
0x3dd: {  	_ =	sdelay $0x4  }
0x3de: {  	v11 =	vld.idx.msk [tilespmem:v4+s18+$0x0], vm0;
	_ =	sdelay $0x4  }
0x3df: {  	v8 =	vmul.f32 v6, v8;
	v11 =	vmul.f32 v11, v7;
	_ =	sdelay $0x1  }
0x3e0: {  	v8 =	vadd.f32 v11, v8;
	_ =	sdelay $0x1  }
0x3e1: {  	[tilespmem:v4+s18+$0x0] =	vst.idx.msk vm0, v8  }
0x3e2: {  	v8 =	vld.idx.msk [tilespmem:v4+s19+$0x0], vm0;
	_ =	sdelay $0x4  }
0x3e3: {  	v9 =	vmul.f32 v6, v9;
	v8 =	vmul.f32 v8, v7;
	_ =	sdelay $0x1  }
0x3e4: {  	v8 =	vadd.f32 v8, v9;
	_ =	sdelay $0x1  }
0x3e5: {  	[tilespmem:v4+s19+$0x0] =	vst.idx.msk vm0, v8  }
0x3e6: {  	v8 =	vld.idx.msk [tilespmem:v4+s20+$0x0], vm0;
	_ =	sdelay $0x4  }
0x3e7: {  	v61 =	vmul.f32 v6, v10;
	v8 =	vmul.f32 v8, v7;
	_ =	sdelay $0x1  }
0x3e8: {  	v8 =	vadd.f32 v8, v61;
	_ =	sdelay $0x1  }
0x3e9: {  	[tilespmem:v4+s20+$0x0] =	vst.idx.msk vm0, v8  }
0x3ea: {  	v8 =	vld.idx.msk [tilespmem:v4+s21+$0x0], vm0;
	_ =	sdelay $0x4  }
0x3eb: {  	v62 =	vmul.f32 v8, v7;
	_ =	sdelay $0x1  }
0x3ec: {  	v63 =	vadd.f32 v62, v6;
	_ =	sdelay $0x1  }
0x3ed: {  	[tilespmem:v4+s21+$0x0] =	vst.idx.msk vm0, v63  }
0x3ee: {  	[tilespmem:v4+s22+$0x0] =	vst.idx.msk vm0, v5  }
.LBB2_35:
0x3ef: {  	s29 =	sadd.s32 $0x1, s29  }
0x3f0: {  	p0 =	sne.s32 s29, s28  }
.Ltmp22:
0x3f1: {  	_ = 	snop;
	(pc) =	sbr.rel @!p0 .LBB2_36-.Ltmp22, $1  }
0x3f2: {  	_ =	sdelay $0x3  }
.LBB2_29:
0x3f3: {  	s0 =	sshll.u32 s29, $0x4  }
0x3f4: {  	v4 =	vld [tilespmem:s0+$0xD100];
	_ =	sdelay $0x3  }
0x3f5: {  	v6 =	vld [tilespmem:s0+$0xC080]  }
0x3f6: {  	v5 =	vor.u32 s0, v2;
	vm1 =	vgt.s32 v4, $0x0  }
0x3f7: {  	vm0 =	vlt.s32 v5, v3;
	v4 =	vnsel vm1, $0x0, v4  }
0x3f8: {  	v5 =	vmin.u32 v4, $0xFFF;
	_ =	sdelay $0x1  }
0x3f9: {  	vm1 =	vgt.s32 v6, $0x0  }
0x3fa: {  	v4 =	vnsel vm1, $0x0, v6  }
0x3fb: {  	v4 =	vmin.u32 v4, $0x11FF  }
0x3fc: {  	v8 =	vld.idx.msk [tilespmem:v5+s2+$0x0], vm0  }
0x3fd: {  	v9 =	vld.idx.msk [tilespmem:v5+s5+$0x0], vm0  }
0x3fe: {  	v10 =	vld.idx.msk [tilespmem:v5+s6+$0x0], vm0  }
0x3ff: {  	v6 =	vld.idx.msk [tilespmem:v5+s7+$0x0], vm0  }
0x400: {  	v5 =	vld.idx.msk [tilespmem:v5+s8+$0x0], vm0;
	[tilespmem:v4+s17+$0x0] =	vst.idx.msk vm0, v2  }
0x401: {  	v7 =	vld.idx.msk [tilespmem:v4+s17+$0x0], vm0;
	_ =	sdelay $0x4  }
0x402: {  	vm1 =	vne.s32 v7, v2  }
0x403: {  	vm1 =	vmand vm0, vm1  }
0x404: {  	v7 =	vmpcnt.ones.xlane vm1;
	_ =	sdelay $0x1  }
0x405: {  	(v2sf) =	vpush v7, $0x0;
	_ =	sdelay $0xe  }
0x406: {  	s0 =	spop (v2sf)  }
0x407: {  	p0 =	sne.s32 s0, $0x0  }
.Ltmp23:
0x408: {  	_ = 	snop;
	(pc) =	sbr.rel @!p0 .LBB2_30-.Ltmp23, $2  }
0x409: {  	_ =	sdelay $0x2  }
0x40a: {  	v7 =	vsub.f32 $1.000000000e+00, v6  }
0x40b: {  	p0 =	slt.s32 s0, $0x1  }
.Ltmp24:
0x40c: {  	_ = 	snop;
	(pc) =	sbr.rel @p0 .LBB2_35-.Ltmp24, $1  }
0x40d: {  	_ =	sdelay $0x3  }
0x40e: {  	s0 =	simm.s32 $0x0  }
0x40f: {  	v11 =	vmov s0  }
0x410: {  	vm1 =	veq.s32 v11, v2  }
0x411: {  	vm1 =	vmand vm0, vm1  }
0x412: {  	v11 =	vmpcnt.ones.xlane vm1;
	_ =	sdelay $0x1  }
0x413: {  	(v2sf) =	vpush v11, $0x0;
	_ =	sdelay $0xe  }
0x414: {  	s3 =	spop (v2sf)  }
0x415: {  	p0 =	slt.s32 s3, $0x1  }
0x416: {  	s0 =	simm.s32 @!p0 $0xF380  }
0x417: {  	v11 =	vld.idx.msk @!p0 [tilespmem:v4+s0+$0x0], vm1;
	_ =	sdelay $0x2  }
0x418: {  	vm1 =	vmmov vm1  }
0x419: {  	p0 =	por p0, p0  }
0x41a: {  	v8 =	vmul.f32 v6, v8;
	v11 =	vmul.f32 @!p0 v11, v7;
	_ =	sdelay $0x1  }
0x41b: {  	v11 =	vadd.f32 @!p0 v11, v8;
	_ =	sdelay $0x1  }
0x41c: {  	[tilespmem:v4+s0+$0x0] =	vst.idx.msk @!p0 vm1, v11;
	s0 =	simm.s32 @!p0 $0x10580  }
0x41d: {  	v11 =	vld.idx.msk @!p0 [tilespmem:v4+s0+$0x0], vm1;
	_ =	sdelay $0x4  }
0x41e: {  	v9 =	vmul.f32 v6, v9;
	v11 =	vmul.f32 @!p0 v11, v7;
	_ =	sdelay $0x1  }
0x41f: {  	s3 =	simm.s32 $0x1;
	v11 =	vadd.f32 @!p0 v11, v9  }
0x420: {  	v12 =	vmov s3  }
0x421: {  	vm2 =	veq.s32 v12, v2;
	[tilespmem:v4+s0+$0x0] =	vst.idx.msk @!p0 vm1, v11;
	s0 =	simm.s32 @!p0 $0x11780  }
0x422: {  	vm2 =	vmand vm0, vm2;
	v11 =	vld.idx.msk @!p0 [tilespmem:v4+s0+$0x0], vm1  }
0x423: {  	v63 =	vmpcnt.ones.xlane vm2;
	_ =	sdelay $0x1  }
0x424: {  	(v2sf) =	vpush v63, $0x0;
	_ =	sdelay $0x1  }
0x425: {  	v10 =	vmul.f32 v6, v10;
	v11 =	vmul.f32 @!p0 v11, v7;
	_ =	sdelay $0x1  }
0x426: {  	v11 =	vadd.f32 @!p0 v11, v10;
	_ =	sdelay $0x1  }
0x427: {  	[tilespmem:v4+s0+$0x0] =	vst.idx.msk @!p0 vm1, v11;
	s0 =	simm.s32 @!p0 $0x12980  }
0x428: {  	v11 =	vld.idx.msk @!p0 [tilespmem:v4+s0+$0x0], vm1;
	_ =	sdelay $0x4  }
0x429: {  	v11 =	vmul.f32 @!p0 v11, v7;
	_ =	sdelay $0x1  }
0x42a: {  	v11 =	vadd.f32 @!p0 v11, v6  }
0x42b: {  	s31 =	spop (v2sf)  }
0x42c: {  	s30 =	simm.s32 $0x2;
	p2 =	slt.s32 s31, $0x1;
	[tilespmem:v4+s0+$0x0] =	vst.idx.msk @!p0 vm1, v11;
	s0 =	simm.s32 @!p0 $0x13B80  }
.LBB2_33:
0x42d: {  	s3 =	simm.s32 @!p2 $0xF380;
	[tilespmem:v4+s0+$0x0] =	vst.idx.msk @!p0 vm1, v5;
	vm1 =	vmmov vm2;
	s0 =	smov.u32 s30;
	s30 =	sadd.s32 $0x1, s30  }
0x42e: {  	p0 =	por p2, p2;
	p1 =	sne.s32 s30, $0x10;
	v11 =	vld.idx.msk @!p2 [tilespmem:v4+s3+$0x0], vm2;
	_ =	sdelay $0x5  }
0x42f: {  	v11 =	vmul.f32 @!p0 v11, v7;
	_ =	sdelay $0x1  }
0x430: {  	v11 =	vadd.f32 @!p0 v11, v8;
	_ =	sdelay $0x1  }
0x431: {  	[tilespmem:v4+s3+$0x0] =	vst.idx.msk @!p0 vm2, v11;
	s3 =	simm.s32 @!p0 $0x10580  }
0x432: {  	v11 =	vld.idx.msk @!p0 [tilespmem:v4+s3+$0x0], vm2;
	_ =	sdelay $0x5  }
0x433: {  	v11 =	vmul.f32 @!p0 v11, v7;
	_ =	sdelay $0x1  }
0x434: {  	v11 =	vadd.f32 @!p0 v11, v9;
	_ =	sdelay $0x1  }
0x435: {  	[tilespmem:v4+s3+$0x0] =	vst.idx.msk @!p0 vm2, v11;
	s3 =	simm.s32 @!p0 $0x11780  }
0x436: {  	v11 =	vmov s0;
	v12 =	vld.idx.msk @!p0 [tilespmem:v4+s3+$0x0], vm2  }
0x437: {  	vm2 =	veq.s32 v11, v2  }
0x438: {  	vm2 =	vmand vm0, vm2  }
0x439: {  	v11 =	vmpcnt.ones.xlane vm2;
	_ =	sdelay $0x1  }
0x43a: {  	(v2sf) =	vpush v11, $0x0  }
0x43b: {  	v11 =	vmul.f32 @!p0 v12, v7;
	_ =	sdelay $0x1  }
0x43c: {  	v11 =	vadd.f32 @!p0 v11, v10;
	_ =	sdelay $0x1  }
0x43d: {  	s0 =	simm.s32 @!p0 $0x12980;
	[tilespmem:v4+s3+$0x0] =	vst.idx.msk @!p0 vm1, v11  }
0x43e: {  	v11 =	vld.idx.msk @!p0 [tilespmem:v4+s0+$0x0], vm1;
	_ =	sdelay $0x5  }
.Ltmp25:
0x43f: {  	v11 =	vmul.f32 @!p0 v11, v7;
	(pc) =	sbr.rel @p1 .LBB2_33-.Ltmp25, $4  }
0x440: {  	_ = 	snop  }
0x441: {  	v11 =	vadd.f32 @!p0 v11, v6  }
0x442: {  	s3 =	spop (v2sf)  }
0x443: {  	p2 =	slt.s32 s3, $0x1;
	[tilespmem:v4+s0+$0x0] =	vst.idx.msk @!p0 vm1, v11;
	s0 =	simm.s32 @!p0 $0x13B80  }
0x444: {  	_ =	sdelay $0x4  }
0x445: {  	s3 =	simm.s32 @!p2 $0xF380;
	[tilespmem:v4+s0+$0x0] =	vst.idx.msk @!p0 vm1, v5  }
0x446: {  	v11 =	vld.idx.msk @!p2 [tilespmem:v4+s3+$0x0], vm2;
	_ =	sdelay $0x3  }
0x447: {  	p0 =	por p2, p2  }
0x448: {  	v11 =	vmul.f32 @!p0 v11, v7;
	_ =	sdelay $0x1  }
0x449: {  	v8 =	vadd.f32 @!p0 v11, v8;
	_ =	sdelay $0x1  }
0x44a: {  	s0 =	simm.s32 @!p0 $0x10580;
	[tilespmem:v4+s3+$0x0] =	vst.idx.msk @!p0 vm2, v8  }
0x44b: {  	v8 =	vld.idx.msk @!p0 [tilespmem:v4+s0+$0x0], vm2;
	_ =	sdelay $0x4  }
0x44c: {  	v8 =	vmul.f32 @!p0 v8, v7;
	_ =	sdelay $0x1  }
0x44d: {  	v8 =	vadd.f32 @!p0 v8, v9;
	_ =	sdelay $0x1  }
0x44e: {  	[tilespmem:v4+s0+$0x0] =	vst.idx.msk @!p0 vm2, v8;
	s0 =	simm.s32 @!p0 $0x11780  }
0x44f: {  	v8 =	vld.idx.msk @!p0 [tilespmem:v4+s0+$0x0], vm2;
	_ =	sdelay $0x4  }
0x450: {  	v8 =	vmul.f32 @!p0 v8, v7;
	_ =	sdelay $0x1  }
0x451: {  	v8 =	vadd.f32 @!p0 v8, v10;
	_ =	sdelay $0x1  }
0x452: {  	[tilespmem:v4+s0+$0x0] =	vst.idx.msk @!p0 vm2, v8;
	s0 =	simm.s32 @!p0 $0x12980  }
0x453: {  	v8 =	vld.idx.msk @!p0 [tilespmem:v4+s0+$0x0], vm2;
	_ =	sdelay $0x4  }
0x454: {  	v7 =	vmul.f32 @!p0 v8, v7  }
.Ltmp26:
0x455: {  	_ = 	snop;
	(pc) =	sbr.rel .LBB2_35-.Ltmp26, $3  }
0x456: {  	v6 =	vadd.f32 @!p0 v7, v6;
	_ =	sdelay $0x1  }
0x457: {  	[tilespmem:v4+s0+$0x0] =	vst.idx.msk @!p0 vm2, v6;
	s0 =	simm.s32 @!p0 $0x13B80  }
0x458: {  	vm0 =	vmmov vm2;
	[tilespmem:v4+s0+$0x0] =	vst.idx.msk @!p0 vm2, v5  }
.LBB2_36:
0x459: {  	_ =	swait.ge [sflag:s23], $0x1000  }
0x45a: {  	[sflag:s23] =	ssyncset.done $0x0  }
0x45b: {  	s28 =	simm.s32 $0x6040;
	[sflag:s23] =	ssyncadd.s32 $0xFFFFF000  }
0x45c: {  	v3 =	vld [tilespmem:s28+$0xFFFFFFC0];
	_ =	sdelay $0x4  }
0x45d: {  	v3 =	vsub.s32 v3, v0  }
0x45e: {  	s0 =	simm.s32 $0x0;
	s3 =	simm.s32 $0x0;
	vm0 =	vlt.u32 v3, $0x1200  }
0x45f: {  	[tilespmem:s0+$0xC080] =	vst.msk vm0, v3;
	v3 =	vor.u32 s3, v2;
	v4 =	vmpcnt.ones.xlane vm0  }
0x460: {  	[tilespmem:s0+$0xD100] =	vst.msk vm0, v3  }
0x461: {  	v3 =	vld [tilespmem:s28+$0xFFFFFFD0];
	(v2sf) =	vpush v4, $0x0;
	_ =	sdelay $0x4  }
0x462: {  	v3 =	vsub.s32 v3, v0  }
0x463: {  	vm9 =	vlt.u32 v3, $0x1200  }
0x464: {  	v4 =	vmpcnt.ones.xlane vm9;
	_ =	sdelay $0x1  }
0x465: {  	(v2sf) =	vpush v4, $0x0;
	_ =	sdelay $0x5  }
0x466: {  	s3 =	spop (v2sf)  }
0x467: {  	s31 =	simm.s32 $0x10;
	s0 =	sadd.s32 $0x0, s3  }
0x468: {  	[tilespmem:s0+$0xC080] =	vst.msk vm9, v3;
	v3 =	vor.u32 s31, v2  }
0x469: {  	[tilespmem:s0+$0xD100] =	vst.msk vm9, v3  }
0x46a: {  	v3 =	vld [tilespmem:s28+$0xFFFFFFE0];
	_ =	sdelay $0x4  }
0x46b: {  	v3 =	vsub.s32 v3, v0;
	s31 =	spop (v2sf)  }
0x46c: {  	s0 =	sadd.s32 s0, s31;
	s31 =	simm.s32 $0x20;
	vm10 =	vlt.u32 v3, $0x1200  }
0x46d: {  	[tilespmem:s0+$0xC080] =	vst.msk vm10, v3;
	v3 =	vor.u32 s31, v2;
	v4 =	vmpcnt.ones.xlane vm10  }
0x46e: {  	[tilespmem:s0+$0xD100] =	vst.msk vm10, v3  }
0x46f: {  	v3 =	vld [tilespmem:s28+$0xFFFFFFF0];
	(v2sf) =	vpush v4, $0x0;
	_ =	sdelay $0x4  }
0x470: {  	v3 =	vsub.s32 v3, v0  }
0x471: {  	vm11 =	vlt.u32 v3, $0x1200  }
0x472: {  	v4 =	vmpcnt.ones.xlane vm11;
	_ =	sdelay $0x1  }
0x473: {  	(v2sf) =	vpush v4, $0x0;
	_ =	sdelay $0x5  }
0x474: {  	s31 =	spop (v2sf)  }
0x475: {  	s0 =	sadd.s32 s0, s31;
	s31 =	simm.s32 $0x30  }
0x476: {  	[tilespmem:s0+$0xC080] =	vst.msk vm11, v3;
	v3 =	vor.u32 s31, v2  }
0x477: {  	[tilespmem:s0+$0xD100] =	vst.msk vm11, v3  }
0x478: {  	v3 =	vld [tilespmem:s28+$0x0];
	_ =	sdelay $0x4  }
0x479: {  	v3 =	vsub.s32 v3, v0;
	s31 =	spop (v2sf)  }
0x47a: {  	s0 =	sadd.s32 s0, s31;
	s31 =	simm.s32 $0x40;
	vm12 =	vlt.u32 v3, $0x1200  }
0x47b: {  	[tilespmem:s0+$0xC080] =	vst.msk vm12, v3;
	v3 =	vor.u32 s31, v2;
	v4 =	vmpcnt.ones.xlane vm12  }
0x47c: {  	[tilespmem:s0+$0xD100] =	vst.msk vm12, v3  }
0x47d: {  	v3 =	vld [tilespmem:s28+$0x10];
	(v2sf) =	vpush v4, $0x0;
	_ =	sdelay $0x4  }
0x47e: {  	v3 =	vsub.s32 v3, v0  }
0x47f: {  	vm13 =	vlt.u32 v3, $0x1200  }
0x480: {  	v4 =	vmpcnt.ones.xlane vm13;
	_ =	sdelay $0x1  }
0x481: {  	(v2sf) =	vpush v4, $0x0;
	_ =	sdelay $0x5  }
0x482: {  	s31 =	spop (v2sf)  }
0x483: {  	s0 =	sadd.s32 s0, s31;
	s31 =	simm.s32 $0x50  }
0x484: {  	[tilespmem:s0+$0xC080] =	vst.msk vm13, v3;
	v3 =	vor.u32 s31, v2  }
0x485: {  	[tilespmem:s0+$0xD100] =	vst.msk vm13, v3  }
0x486: {  	v3 =	vld [tilespmem:s28+$0x20];
	_ =	sdelay $0x4  }
0x487: {  	v3 =	vsub.s32 v3, v0;
	s31 =	spop (v2sf)  }
0x488: {  	s0 =	sadd.s32 s0, s31;
	s31 =	simm.s32 $0x60;
	vm14 =	vlt.u32 v3, $0x1200  }
0x489: {  	[tilespmem:s0+$0xC080] =	vst.msk vm14, v3;
	v3 =	vor.u32 s31, v2;
	v4 =	vmpcnt.ones.xlane vm14  }
0x48a: {  	[tilespmem:s0+$0xD100] =	vst.msk vm14, v3  }
0x48b: {  	v3 =	vld [tilespmem:s28+$0x30];
	(v2sf) =	vpush v4, $0x0;
	_ =	sdelay $0x4  }
0x48c: {  	v3 =	vsub.s32 v3, v0  }
0x48d: {  	vm15 =	vlt.u32 v3, $0x1200  }
0x48e: {  	v4 =	vmpcnt.ones.xlane vm15;
	_ =	sdelay $0x1  }
0x48f: {  	(v2sf) =	vpush v4, $0x0;
	_ =	sdelay $0x5  }
0x490: {  	s31 =	spop (v2sf)  }
0x491: {  	s28 =	simm.s32 $0x70;
	s0 =	sadd.s32 s0, s31  }
0x492: {  	[tilespmem:s0+$0xC080] =	vst.msk vm15, v3;
	v3 =	vor.u32 s28, v2  }
0x493: {  	s29 =	simm.s32 $0x60C0;
	[tilespmem:s0+$0xD100] =	vst.msk vm15, v3  }
0x494: {  	v3 =	vld [tilespmem:s29+$0xFFFFFFC0];
	_ =	sdelay $0x4  }
0x495: {  	s30 =	simm.s32 $0x8;
	s28 =	simm.s32 $0xF0;
	v3 =	vsub.s32 v3, v0;
	s3 =	spop (v2sf)  }
.LBB2_37:
0x496: {  	s30 =	sadd.s32 $0x8, s30;
	s31 =	sadd.s32 $0xFFFFFF90, s28;
	vm0 =	vlt.u32 v3, $0x1200;
	s0 =	sadd.s32 s0, s3  }
0x497: {  	p0 =	slt.u32 s30, $0xF8;
	[tilespmem:s0+$0xC080] =	vst.msk vm0, v3;
	v3 =	vor.u32 s31, v2;
	v4 =	vmpcnt.ones.xlane vm0  }
0x498: {  	[tilespmem:s0+$0xD100] =	vst.msk vm0, v3  }
0x499: {  	v3 =	vld [tilespmem:s29+$0xFFFFFFD0];
	(v2sf) =	vpush v4, $0x0;
	_ =	sdelay $0x4  }
0x49a: {  	v3 =	vsub.s32 v3, v0  }
0x49b: {  	vm0 =	vlt.u32 v3, $0x1200  }
0x49c: {  	v4 =	vmpcnt.ones.xlane vm0;
	_ =	sdelay $0x1  }
0x49d: {  	(v2sf) =	vpush v4, $0x0;
	_ =	sdelay $0x5  }
0x49e: {  	s3 =	spop (v2sf)  }
0x49f: {  	s0 =	sadd.s32 s0, s3;
	s3 =	sadd.s32 $0xFFFFFFA0, s28  }
0x4a0: {  	[tilespmem:s0+$0xC080] =	vst.msk vm0, v3;
	v3 =	vor.u32 s3, v2  }
0x4a1: {  	[tilespmem:s0+$0xD100] =	vst.msk vm0, v3  }
0x4a2: {  	v3 =	vld [tilespmem:s29+$0xFFFFFFE0];
	_ =	sdelay $0x4  }
0x4a3: {  	v3 =	vsub.s32 v3, v0;
	s3 =	spop (v2sf)  }
0x4a4: {  	s0 =	sadd.s32 s0, s3;
	s3 =	sadd.s32 $0xFFFFFFB0, s28;
	vm0 =	vlt.u32 v3, $0x1200  }
0x4a5: {  	[tilespmem:s0+$0xC080] =	vst.msk vm0, v3;
	v3 =	vor.u32 s3, v2;
	v4 =	vmpcnt.ones.xlane vm0  }
0x4a6: {  	[tilespmem:s0+$0xD100] =	vst.msk vm0, v3  }
0x4a7: {  	v3 =	vld [tilespmem:s29+$0xFFFFFFF0];
	(v2sf) =	vpush v4, $0x0;
	_ =	sdelay $0x4  }
0x4a8: {  	v3 =	vsub.s32 v3, v0  }
0x4a9: {  	vm0 =	vlt.u32 v3, $0x1200  }
0x4aa: {  	v4 =	vmpcnt.ones.xlane vm0;
	_ =	sdelay $0x1  }
0x4ab: {  	(v2sf) =	vpush v4, $0x0;
	_ =	sdelay $0x5  }
0x4ac: {  	s3 =	spop (v2sf)  }
0x4ad: {  	s0 =	sadd.s32 s0, s3;
	s3 =	sadd.s32 $0xFFFFFFC0, s28  }
0x4ae: {  	[tilespmem:s0+$0xC080] =	vst.msk vm0, v3;
	v3 =	vor.u32 s3, v2  }
0x4af: {  	[tilespmem:s0+$0xD100] =	vst.msk vm0, v3  }
0x4b0: {  	v3 =	vld [tilespmem:s29+$0x0];
	_ =	sdelay $0x4  }
0x4b1: {  	v3 =	vsub.s32 v3, v0;
	s3 =	spop (v2sf)  }
0x4b2: {  	s0 =	sadd.s32 s0, s3;
	s3 =	sadd.s32 $0xFFFFFFD0, s28;
	vm0 =	vlt.u32 v3, $0x1200  }
0x4b3: {  	[tilespmem:s0+$0xC080] =	vst.msk vm0, v3;
	v3 =	vor.u32 s3, v2;
	v4 =	vmpcnt.ones.xlane vm0  }
0x4b4: {  	[tilespmem:s0+$0xD100] =	vst.msk vm0, v3  }
0x4b5: {  	v3 =	vld [tilespmem:s29+$0x10];
	(v2sf) =	vpush v4, $0x0;
	_ =	sdelay $0x4  }
0x4b6: {  	v3 =	vsub.s32 v3, v0  }
0x4b7: {  	vm0 =	vlt.u32 v3, $0x1200  }
0x4b8: {  	v4 =	vmpcnt.ones.xlane vm0;
	_ =	sdelay $0x1  }
0x4b9: {  	(v2sf) =	vpush v4, $0x0;
	_ =	sdelay $0x5  }
0x4ba: {  	s3 =	spop (v2sf)  }
0x4bb: {  	s0 =	sadd.s32 s0, s3;
	s3 =	sadd.s32 $0xFFFFFFE0, s28  }
0x4bc: {  	[tilespmem:s0+$0xC080] =	vst.msk vm0, v3;
	v3 =	vor.u32 s3, v2  }
0x4bd: {  	[tilespmem:s0+$0xD100] =	vst.msk vm0, v3  }
0x4be: {  	v3 =	vld [tilespmem:s29+$0x20];
	_ =	sdelay $0x4  }
0x4bf: {  	v3 =	vsub.s32 v3, v0;
	s3 =	spop (v2sf)  }
0x4c0: {  	s0 =	sadd.s32 s0, s3;
	s3 =	sadd.s32 $0xFFFFFFF0, s28;
	vm0 =	vlt.u32 v3, $0x1200  }
0x4c1: {  	[tilespmem:s0+$0xC080] =	vst.msk vm0, v3;
	v3 =	vor.u32 s3, v2;
	v4 =	vmpcnt.ones.xlane vm0  }
0x4c2: {  	[tilespmem:s0+$0xD100] =	vst.msk vm0, v3  }
0x4c3: {  	v3 =	vld [tilespmem:s29+$0x30];
	(v2sf) =	vpush v4, $0x0;
	_ =	sdelay $0x4  }
0x4c4: {  	v3 =	vsub.s32 v3, v0  }
0x4c5: {  	vm0 =	vlt.u32 v3, $0x1200  }
0x4c6: {  	v4 =	vmpcnt.ones.xlane vm0;
	_ =	sdelay $0x1  }
0x4c7: {  	(v2sf) =	vpush v4, $0x0;
	_ =	sdelay $0x5  }
0x4c8: {  	s3 =	spop (v2sf)  }
0x4c9: {  	s0 =	sadd.s32 s0, s3  }
0x4ca: {  	[tilespmem:s0+$0xC080] =	vst.msk vm0, v3;
	v3 =	vor.u32 s28, v2  }
0x4cb: {  	s29 =	sadd.s32 $0x80, s29;
	[tilespmem:s0+$0xD100] =	vst.msk vm0, v3  }
0x4cc: {  	v3 =	vld [tilespmem:s29+$0xFFFFFFC0]  }
.Ltmp27:
0x4cd: {  	(pc) =	sbr.rel @p0 .LBB2_37-.Ltmp27, $2  }
0x4ce: {  	_ =	sdelay $0x2  }
0x4cf: {  	s28 =	sadd.s32 $0x80, s28;
	v3 =	vsub.s32 v3, v0;
	s3 =	spop (v2sf)  }
0x4d0: {  	s30 =	sadd.s32 $0xFFFFFF90, s28;
	vm0 =	vlt.u32 v3, $0x1200;
	s0 =	sadd.s32 s0, s3  }
0x4d1: {  	[tilespmem:s0+$0xC080] =	vst.msk vm0, v3;
	v3 =	vor.u32 s30, v2;
	v4 =	vmpcnt.ones.xlane vm0  }
0x4d2: {  	[tilespmem:s0+$0xD100] =	vst.msk vm0, v3  }
0x4d3: {  	v3 =	vld [tilespmem:s29+$0xFFFFFFD0];
	(v2sf) =	vpush v4, $0x0;
	_ =	sdelay $0x4  }
0x4d4: {  	v3 =	vsub.s32 v3, v0  }
0x4d5: {  	vm9 =	vlt.u32 v3, $0x1200  }
0x4d6: {  	v57 =	vmpcnt.ones.xlane vm9;
	_ =	sdelay $0x1  }
0x4d7: {  	(v2sf) =	vpush v57, $0x0;
	_ =	sdelay $0x5  }
0x4d8: {  	s30 =	spop (v2sf)  }
0x4d9: {  	s31 =	sadd.s32 $0xFFFFFFA0, s28;
	s0 =	sadd.s32 s0, s30  }
0x4da: {  	[tilespmem:s0+$0xC080] =	vst.msk vm9, v3;
	v3 =	vor.u32 s31, v2  }
0x4db: {  	[tilespmem:s0+$0xD100] =	vst.msk vm9, v3  }
0x4dc: {  	v3 =	vld [tilespmem:s29+$0xFFFFFFE0];
	_ =	sdelay $0x4  }
0x4dd: {  	v3 =	vsub.s32 v3, v0;
	s30 =	spop (v2sf)  }
0x4de: {  	s31 =	sadd.s32 $0xFFFFFFB0, s28;
	s0 =	sadd.s32 s0, s30;
	vm10 =	vlt.u32 v3, $0x1200  }
0x4df: {  	[tilespmem:s0+$0xC080] =	vst.msk vm10, v3;
	v3 =	vor.u32 s31, v2;
	v58 =	vmpcnt.ones.xlane vm10  }
0x4e0: {  	[tilespmem:s0+$0xD100] =	vst.msk vm10, v3  }
0x4e1: {  	v3 =	vld [tilespmem:s29+$0xFFFFFFF0];
	(v2sf) =	vpush v58, $0x0;
	_ =	sdelay $0x4  }
0x4e2: {  	v3 =	vsub.s32 v3, v0  }
0x4e3: {  	vm11 =	vlt.u32 v3, $0x1200  }
0x4e4: {  	v59 =	vmpcnt.ones.xlane vm11;
	_ =	sdelay $0x1  }
0x4e5: {  	(v2sf) =	vpush v59, $0x0;
	_ =	sdelay $0x5  }
0x4e6: {  	s30 =	spop (v2sf)  }
0x4e7: {  	s31 =	sadd.s32 $0xFFFFFFC0, s28;
	s0 =	sadd.s32 s0, s30  }
0x4e8: {  	[tilespmem:s0+$0xC080] =	vst.msk vm11, v3;
	v3 =	vor.u32 s31, v2  }
0x4e9: {  	[tilespmem:s0+$0xD100] =	vst.msk vm11, v3  }
0x4ea: {  	v3 =	vld [tilespmem:s29+$0x0];
	_ =	sdelay $0x4  }
0x4eb: {  	v3 =	vsub.s32 v3, v0;
	s30 =	spop (v2sf)  }
0x4ec: {  	s31 =	sadd.s32 $0xFFFFFFD0, s28;
	s0 =	sadd.s32 s0, s30;
	vm12 =	vlt.u32 v3, $0x1200  }
0x4ed: {  	[tilespmem:s0+$0xC080] =	vst.msk vm12, v3;
	v3 =	vor.u32 s31, v2;
	v60 =	vmpcnt.ones.xlane vm12  }
0x4ee: {  	[tilespmem:s0+$0xD100] =	vst.msk vm12, v3  }
0x4ef: {  	v3 =	vld [tilespmem:s29+$0x10];
	(v2sf) =	vpush v60, $0x0;
	_ =	sdelay $0x4  }
0x4f0: {  	v3 =	vsub.s32 v3, v0  }
0x4f1: {  	vm13 =	vlt.u32 v3, $0x1200  }
0x4f2: {  	v61 =	vmpcnt.ones.xlane vm13;
	_ =	sdelay $0x1  }
0x4f3: {  	(v2sf) =	vpush v61, $0x0;
	_ =	sdelay $0x5  }
0x4f4: {  	s30 =	spop (v2sf)  }
0x4f5: {  	s31 =	sadd.s32 $0xFFFFFFE0, s28;
	s0 =	sadd.s32 s0, s30  }
0x4f6: {  	[tilespmem:s0+$0xC080] =	vst.msk vm13, v3;
	v3 =	vor.u32 s31, v2  }
0x4f7: {  	[tilespmem:s0+$0xD100] =	vst.msk vm13, v3  }
0x4f8: {  	v3 =	vld [tilespmem:s29+$0x20];
	_ =	sdelay $0x4  }
0x4f9: {  	v3 =	vsub.s32 v3, v0;
	s30 =	spop (v2sf)  }
0x4fa: {  	s31 =	sadd.s32 $0xFFFFFFF0, s28;
	s0 =	sadd.s32 s0, s30;
	vm14 =	vlt.u32 v3, $0x1200  }
0x4fb: {  	[tilespmem:s0+$0xC080] =	vst.msk vm14, v3;
	v3 =	vor.u32 s31, v2  }
0x4fc: {  	[tilespmem:s0+$0xD100] =	vst.msk vm14, v3  }
0x4fd: {  	v3 =	vld [tilespmem:s29+$0x30];
	_ =	sdelay $0x3  }
0x4fe: {  	v62 =	vmpcnt.ones.xlane vm14  }
0x4ff: {  	v3 =	vsub.s32 v3, v0  }
0x500: {  	(v2sf) =	vpush v62, $0x0;
	vm15 =	vlt.u32 v3, $0x1200  }
0x501: {  	v63 =	vmpcnt.ones.xlane vm15;
	_ =	sdelay $0x1  }
0x502: {  	(v2sf) =	vpush v63, $0x0;
	_ =	sdelay $0xb  }
0x503: {  	s29 =	spop (v2sf)  }
0x504: {  	s0 =	sadd.s32 s0, s29  }
0x505: {  	[tilespmem:s0+$0xC080] =	vst.msk vm15, v3;
	v3 =	vor.u32 s28, v2  }
0x506: {  	[tilespmem:s0+$0xD100] =	vst.msk vm15, v3;
	s30 =	spop (v2sf)  }
0x507: {  	_ =	swait.ge [sflag:s24], $0x1000;
	s0 =	sadd.s32 s0, s30  }
0x508: {  	[sflag:s24] =	ssyncset.done $0x0;
	s3 =	sadd.s32 $0xF, s0  }
0x509: {  	[sflag:s24] =	ssyncadd.s32 $0xFFFFF000;
	s28 =	sand.u32 $0xF, s3  }
0x50a: {  	s31 =	sshra.s32 s3, $0x1F;
	p0 =	slt.s32 s3, $0x1;
	_ =	swait.ge [sflag:s24], $0x1000  }
0x50b: {  	p1 =	sne.s32 s28, $0x0;
	s28 =	sshrl.u32 s31, $0x1C;
	[sflag:s24] =	ssyncset.done $0x0  }
0x50c: {  	p0 =	por !p0, !p1;
	s3 =	sadd.s32 s28, s3;
	[sflag:s24] =	ssyncadd.s32 $0xFFFFF000  }
0x50d: {  	s28 =	simm.s32 $0x1;
	p0 =	por !p0, !p0;
	_ =	swait.ge [sflag:s24], $0x1000  }
0x50e: {  	s3 =	sshra.s32 s3, $0x4;
	s28 =	simm.s32 @!p0 $0x0;
	[sflag:s24] =	ssyncset.done $0x0  }
0x50f: {  	s28 =	ssub.s32 s3, s28;
	[sflag:s24] =	ssyncadd.s32 $0xFFFFF000  }
0x510: {  	p0 =	slt.s32 s28, $0x1;
	_ =	swait.ge [sflag:s24], $0x1000  }
.Ltmp28:
0x511: {  	[sflag:s24] =	ssyncset.done $0x0;
	(pc) =	sbr.rel @p0 .LBB2_47-.Ltmp28, $4  }
0x512: {  	[sflag:s24] =	ssyncadd.s32 $0xFFFFF000  }
0x513: {  	_ =	swait.ge [sflag:s24], $0x1000  }
0x514: {  	[sflag:s24] =	ssyncset.done $0x0  }
0x515: {  	[sflag:s24] =	ssyncadd.s32 $0xFFFFF000  }
.Ltmp29:
0x516: {  	(pc) =	sbr.rel .LBB2_40-.Ltmp29, $2  }
0x517: {  	_ =	sdelay $0x2  }
0x518: {  	v3 =	vmov s0;
	s29 =	simm.s32 $0x0  }
.LBB2_41:
0x519: {  	_ =	sdelay $0x4  }
0x51a: {  	v11 =	vld.idx.msk [tilespmem:v4+s18+$0x0], vm0;
	_ =	sdelay $0x4  }
0x51b: {  	v8 =	vmul.f32 v6, v8;
	v11 =	vmul.f32 v11, v7;
	_ =	sdelay $0x1  }
0x51c: {  	v8 =	vadd.f32 v11, v8;
	_ =	sdelay $0x1  }
0x51d: {  	[tilespmem:v4+s18+$0x0] =	vst.idx.msk vm0, v8  }
0x51e: {  	v8 =	vld.idx.msk [tilespmem:v4+s19+$0x0], vm0;
	_ =	sdelay $0x4  }
0x51f: {  	v9 =	vmul.f32 v6, v9;
	v8 =	vmul.f32 v8, v7;
	_ =	sdelay $0x1  }
0x520: {  	v8 =	vadd.f32 v8, v9;
	_ =	sdelay $0x1  }
0x521: {  	[tilespmem:v4+s19+$0x0] =	vst.idx.msk vm0, v8  }
0x522: {  	v8 =	vld.idx.msk [tilespmem:v4+s20+$0x0], vm0;
	_ =	sdelay $0x4  }
0x523: {  	v61 =	vmul.f32 v6, v10;
	v8 =	vmul.f32 v8, v7;
	_ =	sdelay $0x1  }
0x524: {  	v8 =	vadd.f32 v8, v61;
	_ =	sdelay $0x1  }
0x525: {  	[tilespmem:v4+s20+$0x0] =	vst.idx.msk vm0, v8  }
0x526: {  	v8 =	vld.idx.msk [tilespmem:v4+s21+$0x0], vm0;
	_ =	sdelay $0x4  }
0x527: {  	v62 =	vmul.f32 v8, v7;
	_ =	sdelay $0x1  }
0x528: {  	v63 =	vadd.f32 v62, v6;
	_ =	sdelay $0x1  }
0x529: {  	[tilespmem:v4+s21+$0x0] =	vst.idx.msk vm0, v63  }
0x52a: {  	[tilespmem:v4+s22+$0x0] =	vst.idx.msk vm0, v5  }
.LBB2_46:
0x52b: {  	s29 =	sadd.s32 $0x1, s29  }
0x52c: {  	p0 =	sne.s32 s29, s28  }
.Ltmp30:
0x52d: {  	_ = 	snop;
	(pc) =	sbr.rel @!p0 .LBB2_47-.Ltmp30, $1  }
0x52e: {  	_ =	sdelay $0x3  }
.LBB2_40:
0x52f: {  	s0 =	sshll.u32 s29, $0x4  }
0x530: {  	v4 =	vld [tilespmem:s0+$0xD100];
	_ =	sdelay $0x3  }
0x531: {  	v6 =	vld [tilespmem:s0+$0xC080]  }
0x532: {  	v5 =	vor.u32 s0, v2;
	vm1 =	vgt.s32 v4, $0x0  }
0x533: {  	vm0 =	vlt.s32 v5, v3;
	v4 =	vnsel vm1, $0x0, v4  }
0x534: {  	v5 =	vmin.u32 v4, $0xFFF;
	_ =	sdelay $0x1  }
0x535: {  	vm1 =	vgt.s32 v6, $0x0  }
0x536: {  	v4 =	vnsel vm1, $0x0, v6  }
0x537: {  	v4 =	vmin.u32 v4, $0x11FF  }
0x538: {  	v8 =	vld.idx.msk [tilespmem:v5+s10+$0x0], vm0  }
0x539: {  	v9 =	vld.idx.msk [tilespmem:v5+s11+$0x0], vm0  }
0x53a: {  	v10 =	vld.idx.msk [tilespmem:v5+s12+$0x0], vm0  }
0x53b: {  	v6 =	vld.idx.msk [tilespmem:v5+s13+$0x0], vm0  }
0x53c: {  	v5 =	vld.idx.msk [tilespmem:v5+s14+$0x0], vm0;
	[tilespmem:v4+s17+$0x0] =	vst.idx.msk vm0, v2  }
0x53d: {  	v7 =	vld.idx.msk [tilespmem:v4+s17+$0x0], vm0;
	_ =	sdelay $0x4  }
0x53e: {  	vm1 =	vne.s32 v7, v2  }
0x53f: {  	vm1 =	vmand vm0, vm1  }
0x540: {  	v7 =	vmpcnt.ones.xlane vm1;
	_ =	sdelay $0x1  }
0x541: {  	(v2sf) =	vpush v7, $0x0;
	_ =	sdelay $0xe  }
0x542: {  	s0 =	spop (v2sf)  }
0x543: {  	p0 =	sne.s32 s0, $0x0  }
.Ltmp31:
0x544: {  	_ = 	snop;
	(pc) =	sbr.rel @!p0 .LBB2_41-.Ltmp31, $2  }
0x545: {  	_ =	sdelay $0x2  }
0x546: {  	v7 =	vsub.f32 $1.000000000e+00, v6  }
0x547: {  	p0 =	slt.s32 s0, $0x1  }
.Ltmp32:
0x548: {  	_ = 	snop;
	(pc) =	sbr.rel @p0 .LBB2_46-.Ltmp32, $1  }
0x549: {  	_ =	sdelay $0x3  }
0x54a: {  	s0 =	simm.s32 $0x0  }
0x54b: {  	v11 =	vmov s0  }
0x54c: {  	vm1 =	veq.s32 v11, v2  }
0x54d: {  	vm1 =	vmand vm0, vm1  }
0x54e: {  	v11 =	vmpcnt.ones.xlane vm1;
	_ =	sdelay $0x1  }
0x54f: {  	(v2sf) =	vpush v11, $0x0;
	_ =	sdelay $0xe  }
0x550: {  	s3 =	spop (v2sf)  }
0x551: {  	p0 =	slt.s32 s3, $0x1  }
0x552: {  	s0 =	simm.s32 @!p0 $0xF380  }
0x553: {  	v11 =	vld.idx.msk @!p0 [tilespmem:v4+s0+$0x0], vm1;
	_ =	sdelay $0x2  }
0x554: {  	vm1 =	vmmov vm1  }
0x555: {  	p0 =	por p0, p0  }
0x556: {  	v8 =	vmul.f32 v6, v8;
	v11 =	vmul.f32 @!p0 v11, v7;
	_ =	sdelay $0x1  }
0x557: {  	v11 =	vadd.f32 @!p0 v11, v8;
	_ =	sdelay $0x1  }
0x558: {  	[tilespmem:v4+s0+$0x0] =	vst.idx.msk @!p0 vm1, v11;
	s0 =	simm.s32 @!p0 $0x10580  }
0x559: {  	v11 =	vld.idx.msk @!p0 [tilespmem:v4+s0+$0x0], vm1;
	_ =	sdelay $0x4  }
0x55a: {  	v9 =	vmul.f32 v6, v9;
	v11 =	vmul.f32 @!p0 v11, v7;
	_ =	sdelay $0x1  }
0x55b: {  	s3 =	simm.s32 $0x1;
	v11 =	vadd.f32 @!p0 v11, v9  }
0x55c: {  	v12 =	vmov s3  }
0x55d: {  	vm2 =	veq.s32 v12, v2;
	[tilespmem:v4+s0+$0x0] =	vst.idx.msk @!p0 vm1, v11;
	s0 =	simm.s32 @!p0 $0x11780  }
0x55e: {  	vm2 =	vmand vm0, vm2;
	v11 =	vld.idx.msk @!p0 [tilespmem:v4+s0+$0x0], vm1  }
0x55f: {  	v63 =	vmpcnt.ones.xlane vm2;
	_ =	sdelay $0x1  }
0x560: {  	(v2sf) =	vpush v63, $0x0;
	_ =	sdelay $0x1  }
0x561: {  	v10 =	vmul.f32 v6, v10;
	v11 =	vmul.f32 @!p0 v11, v7;
	_ =	sdelay $0x1  }
0x562: {  	v11 =	vadd.f32 @!p0 v11, v10;
	_ =	sdelay $0x1  }
0x563: {  	[tilespmem:v4+s0+$0x0] =	vst.idx.msk @!p0 vm1, v11;
	s0 =	simm.s32 @!p0 $0x12980  }
0x564: {  	v11 =	vld.idx.msk @!p0 [tilespmem:v4+s0+$0x0], vm1;
	_ =	sdelay $0x4  }
0x565: {  	v11 =	vmul.f32 @!p0 v11, v7;
	_ =	sdelay $0x1  }
0x566: {  	v11 =	vadd.f32 @!p0 v11, v6  }
0x567: {  	s31 =	spop (v2sf)  }
0x568: {  	s30 =	simm.s32 $0x2;
	p2 =	slt.s32 s31, $0x1;
	[tilespmem:v4+s0+$0x0] =	vst.idx.msk @!p0 vm1, v11;
	s0 =	simm.s32 @!p0 $0x13B80  }
.LBB2_44:
0x569: {  	s3 =	simm.s32 @!p2 $0xF380;
	[tilespmem:v4+s0+$0x0] =	vst.idx.msk @!p0 vm1, v5;
	vm1 =	vmmov vm2;
	s0 =	smov.u32 s30;
	s30 =	sadd.s32 $0x1, s30  }
0x56a: {  	p0 =	por p2, p2;
	p1 =	sne.s32 s30, $0x10;
	v11 =	vld.idx.msk @!p2 [tilespmem:v4+s3+$0x0], vm2;
	_ =	sdelay $0x5  }
0x56b: {  	v11 =	vmul.f32 @!p0 v11, v7;
	_ =	sdelay $0x1  }
0x56c: {  	v11 =	vadd.f32 @!p0 v11, v8;
	_ =	sdelay $0x1  }
0x56d: {  	[tilespmem:v4+s3+$0x0] =	vst.idx.msk @!p0 vm2, v11;
	s3 =	simm.s32 @!p0 $0x10580  }
0x56e: {  	v11 =	vld.idx.msk @!p0 [tilespmem:v4+s3+$0x0], vm2;
	_ =	sdelay $0x5  }
0x56f: {  	v11 =	vmul.f32 @!p0 v11, v7;
	_ =	sdelay $0x1  }
0x570: {  	v11 =	vadd.f32 @!p0 v11, v9;
	_ =	sdelay $0x1  }
0x571: {  	[tilespmem:v4+s3+$0x0] =	vst.idx.msk @!p0 vm2, v11;
	s3 =	simm.s32 @!p0 $0x11780  }
0x572: {  	v11 =	vmov s0;
	v12 =	vld.idx.msk @!p0 [tilespmem:v4+s3+$0x0], vm2  }
0x573: {  	vm2 =	veq.s32 v11, v2  }
0x574: {  	vm2 =	vmand vm0, vm2  }
0x575: {  	v11 =	vmpcnt.ones.xlane vm2;
	_ =	sdelay $0x1  }
0x576: {  	(v2sf) =	vpush v11, $0x0  }
0x577: {  	v11 =	vmul.f32 @!p0 v12, v7;
	_ =	sdelay $0x1  }
0x578: {  	v11 =	vadd.f32 @!p0 v11, v10;
	_ =	sdelay $0x1  }
0x579: {  	s0 =	simm.s32 @!p0 $0x12980;
	[tilespmem:v4+s3+$0x0] =	vst.idx.msk @!p0 vm1, v11  }
0x57a: {  	v11 =	vld.idx.msk @!p0 [tilespmem:v4+s0+$0x0], vm1;
	_ =	sdelay $0x5  }
.Ltmp33:
0x57b: {  	v11 =	vmul.f32 @!p0 v11, v7;
	(pc) =	sbr.rel @p1 .LBB2_44-.Ltmp33, $4  }
0x57c: {  	_ = 	snop  }
0x57d: {  	v11 =	vadd.f32 @!p0 v11, v6  }
0x57e: {  	s3 =	spop (v2sf)  }
0x57f: {  	p2 =	slt.s32 s3, $0x1;
	[tilespmem:v4+s0+$0x0] =	vst.idx.msk @!p0 vm1, v11;
	s0 =	simm.s32 @!p0 $0x13B80  }
0x580: {  	_ =	sdelay $0x4  }
0x581: {  	s3 =	simm.s32 @!p2 $0xF380;
	[tilespmem:v4+s0+$0x0] =	vst.idx.msk @!p0 vm1, v5  }
0x582: {  	v11 =	vld.idx.msk @!p2 [tilespmem:v4+s3+$0x0], vm2;
	_ =	sdelay $0x3  }
0x583: {  	p0 =	por p2, p2  }
0x584: {  	v11 =	vmul.f32 @!p0 v11, v7;
	_ =	sdelay $0x1  }
0x585: {  	v8 =	vadd.f32 @!p0 v11, v8;
	_ =	sdelay $0x1  }
0x586: {  	s0 =	simm.s32 @!p0 $0x10580;
	[tilespmem:v4+s3+$0x0] =	vst.idx.msk @!p0 vm2, v8  }
0x587: {  	v8 =	vld.idx.msk @!p0 [tilespmem:v4+s0+$0x0], vm2;
	_ =	sdelay $0x4  }
0x588: {  	v8 =	vmul.f32 @!p0 v8, v7;
	_ =	sdelay $0x1  }
0x589: {  	v8 =	vadd.f32 @!p0 v8, v9;
	_ =	sdelay $0x1  }
0x58a: {  	[tilespmem:v4+s0+$0x0] =	vst.idx.msk @!p0 vm2, v8;
	s0 =	simm.s32 @!p0 $0x11780  }
0x58b: {  	v8 =	vld.idx.msk @!p0 [tilespmem:v4+s0+$0x0], vm2;
	_ =	sdelay $0x4  }
0x58c: {  	v8 =	vmul.f32 @!p0 v8, v7;
	_ =	sdelay $0x1  }
0x58d: {  	v8 =	vadd.f32 @!p0 v8, v10;
	_ =	sdelay $0x1  }
0x58e: {  	[tilespmem:v4+s0+$0x0] =	vst.idx.msk @!p0 vm2, v8;
	s0 =	simm.s32 @!p0 $0x12980  }
0x58f: {  	v8 =	vld.idx.msk @!p0 [tilespmem:v4+s0+$0x0], vm2;
	_ =	sdelay $0x4  }
0x590: {  	v7 =	vmul.f32 @!p0 v8, v7  }
.Ltmp34:
0x591: {  	_ = 	snop;
	(pc) =	sbr.rel .LBB2_46-.Ltmp34, $3  }
0x592: {  	v6 =	vadd.f32 @!p0 v7, v6;
	_ =	sdelay $0x1  }
0x593: {  	[tilespmem:v4+s0+$0x0] =	vst.idx.msk @!p0 vm2, v6;
	s0 =	simm.s32 @!p0 $0x13B80  }
0x594: {  	vm0 =	vmmov vm2;
	[tilespmem:v4+s0+$0x0] =	vst.idx.msk @!p0 vm2, v5  }
.LBB2_48:
0x595: {  	_ =	sfence.sel $0x180000  }
0x596: {  	[bflag:$0x0] =	sbarrier.arrive $0xFFFF  }
0x597: {  	_ =	strace $0x90000047  }
0x598: {  	s0 =	stileid.u32;
	[bflag:$0x2] =	sbarrier.arrive $0xFFFF  }
0x599: {  	p0 =	sne.s32 s0, $0x0;
	s0 =	rddreg [dreg:$0x5]  }
0x59a: {  	s0 =	sadd.s32 @!p0 $0x100000, s0  }
0x59b: {  	[sflag:s0] =	ssyncadd.tile.s32 @!p0 $0x1;
	_ =	shalt  }
.Lfunc_end2:
_tile_overlayer_lowered:
.L_overlay_start_2:
0x59c: {  	(tag) =	ssettag $0x2  }
0x59d: {  	s0 =	rddreg [dreg:$0x0];
	s2 =	stileid.u32  }
0x59e: {  	s1 =	rddreg [dreg:$0x1];
	p0 =	sne.s32 s2, $0x0  }
0x59f: {  	s3 =	rddreg [dreg:$0x2];
	[bflag:$0x3] =	sbarrier.arrive $0xFFFF;
	s2 =	simm.s32 @!p0 $0x1C06  }
0x5a0: {  	[timem:s3], [sflag:s2] =	dma.local @!p0 [hbm:s0], s1  }
0x5a1: {  	s0 =	simm.s32 @!p0 $0x6  }
0x5a2: {  	_ =	swait.ge @!p0 [sflag:s0], s1  }
0x5a3: {  	s1 =	ssub.s32 @!p0 $0x0, s1;
	[sflag:s0] =	ssyncset.done @!p0 $0x0  }
0x5a4: {  	[sflag:s0] =	ssyncadd.s32 @!p0 s1  }
0x5a5: {  	[bflag:$0x3] =	sbarrier.arrive $0xFFFF  }
0x5a6: {  	_ =	shalt  }

</sc_bundles>
